<compile_context>
chip_gen: v7x
topology: tpu7x:2x2x1
jax: 0.10.2.dev20260603
libtpu: 0.0.44.dev20260713+nightly
codegen_flags: <defaults>
</compile_context>

<pallas_src>
import jax
import jax.numpy as jnp
from jax import lax
from jax.experimental import pallas as pl
from jax.experimental.pallas import tpu as pltpu
from jax.experimental.pallas import tpu_sc as plsc

TOPK = 8
B, L, C = 256, 256, 32
N = 8192
CDB = C + 1
QBLK = 32
GRID = B // QBLK


def _gelu_exact(v):
    return v * 0.5 * (1.0 + lax.erf(v * 0.7071067811865476))


_OFFS = (-4, -2, -1, 0, 1, 2, 4)


def _encoder_topk_body(x_ref, woff_ref, bias_ref, wf_ref, ax_ref,
                       scores_ref, idx_ref):
    xv = x_ref[...]

    def sh(a, o):
        if o > 0:
            return jnp.concatenate(
                [a[:, o:, :], jnp.zeros((QBLK, o, 64), jnp.float32)], axis=1)
        if o < 0:
            return jnp.concatenate(
                [jnp.zeros((QBLK, -o, 64), jnp.float32), a[:, :o, :]], axis=1)
        return a

    tall = jnp.dot(xv, woff_ref[...], preferred_element_type=jnp.float32)
    tall = tall.reshape(QBLK, L, 7 * 128)
    feat = jnp.zeros((QBLK, L, 64), jnp.float32)
    for i, o in enumerate(_OFFS):
        feat = feat + sh(tall[:, :, i * 128:i * 128 + 64], o)
    feat = feat + bias_ref[...][None, :, :]
    fv = jnp.sum(_gelu_exact(feat), axis=1) * (1.0 / L)

    out = jnp.dot(fv, wf_ref[...].T, preferred_element_type=jnp.float32)
    mean = jnp.mean(out, axis=1, keepdims=True)
    var = jnp.mean((out - mean) ** 2, axis=1, keepdims=True)
    out = (out - mean) * lax.rsqrt(var + 1e-5)
    nrm = jnp.sqrt(jnp.sum(out * out, axis=1, keepdims=True))
    bx = out / jnp.maximum(nrm, 1e-12)

    s = jax.lax.dot_general(bx, ax_ref[...], (((1,), (1,)), ((), ())),
                            preferred_element_type=jnp.float32)
    iota = lax.broadcasted_iota(jnp.int32, (QBLK, N), 1)
    svals, sidxs = [], []
    for _ in range(TOPK):
        m = jnp.max(s, axis=1, keepdims=True)
        hit = s == m
        idx = jnp.min(jnp.where(hit, iota, jnp.int32(N)), axis=1,
                      keepdims=True)
        svals.append(m)
        sidxs.append(idx)
        s = jnp.where(iota == idx, -jnp.inf, s)
    scores_ref[...] = jnp.concatenate(svals, axis=1)
    idx_ref[...] = jnp.concatenate(sidxs, axis=1)


def _encode_and_topk(x2d, woff, bias, wf, ax):
    return pl.pallas_call(
        _encoder_topk_body,
        grid=(GRID,),
        in_specs=[
            pl.BlockSpec((QBLK * L, C), lambda i: (i, 0)),
            pl.BlockSpec((C, 7 * 128), lambda i: (0, 0)),
            pl.BlockSpec((1, 64), lambda i: (0, 0)),
            pl.BlockSpec((64, 64), lambda i: (0, 0)),
            pl.BlockSpec((N, 64), lambda i: (0, 0)),
        ],
        out_specs=[
            pl.BlockSpec((QBLK, TOPK), lambda i: (i, 0)),
            pl.BlockSpec((QBLK, TOPK), lambda i: (i, 0)),
        ],
        out_shape=[
            jax.ShapeDtypeStruct((B, TOPK), jnp.float32),
            jax.ShapeDtypeStruct((B, TOPK), jnp.int32),
        ],
    )(x2d, woff, bias, wf, ax)


NSEL = B * TOPK
NWORK = 32
WPW = NSEL // NWORK
NWIN = 4
NCHUNK = WPW // NWIN
QPW = B // NWORK


def _sc_gather_body(wc_hbm, idx_hbm, out_hbm, idx_v,
                    inb0, inb1, inb2, g0, g1, g2, o0, o1, o2):
    wid = lax.axis_index("s") * 2 + lax.axis_index("c")
    qbase = wid * QPW
    pltpu.sync_copy(idx_hbm.at[wid], idx_v)
    lane = lax.iota(jnp.int32, 16)
    inbs = (inb0, inb1, inb2)
    gsems = (g0, g1, g2)
    osems = (o0, o1, o2)

    def fetch(ch, b):
        for w in range(NWIN):
            j = ch * NWIN + w
            v = idx_v[pl.ds((j // 16) * 16, 16)]
            sel = jnp.where(lane == (j % 16), v, 0)
            s = lax.reduce_max(sel, (0,))
            pltpu.async_copy(wc_hbm.at[:, pl.ds(s, 1), :],
                             inbs[b].at[:, pl.ds(w, 1), :], gsems[b])

    def gwait(b):
        pltpu.make_async_copy(wc_hbm.at[:, pl.ds(0, NWIN), :],
                              inbs[b], gsems[b]).wait()

    def flush(ch, b):
        q, k0 = ch // 2, (ch % 2) * NWIN
        pltpu.async_copy(inbs[b],
                         out_hbm.at[qbase + q, :, pl.ds(k0, NWIN), :],
                         osems[b])

    def owait(b):
        pltpu.make_async_copy(inbs[b],
                              out_hbm.at[qbase, :, pl.ds(0, NWIN), :],
                              osems[b]).wait()

    fetch(0, 0)
    fetch(1, 1)
    for ch in range(NCHUNK):
        b = ch % 3
        gwait(b)
        flush(ch, b)
        nx = ch + 2
        if nx < NCHUNK:
            nb = nx % 3
            if ch >= 1:
                owait(nb)
            fetch(nx, nb)
    owait((NCHUNK - 2) % 3)
    owait((NCHUNK - 1) % 3)


def _sc_gather(wc_t, idx):
    mesh = plsc.VectorSubcoreMesh(core_axis_name="c", subcore_axis_name="s",
                                  num_cores=2, num_subcores=16)
    return pl.kernel(
        _sc_gather_body,
        out_type=jax.ShapeDtypeStruct((B, CDB, TOPK, L), jnp.float32),
        mesh=mesh,
        scratch_types=[
            pltpu.VMEM((WPW,), jnp.int32),
            pltpu.VMEM((CDB, NWIN, L), jnp.float32),
            pltpu.VMEM((CDB, NWIN, L), jnp.float32),
            pltpu.VMEM((CDB, NWIN, L), jnp.float32),
            pltpu.SemaphoreType.DMA,
            pltpu.SemaphoreType.DMA,
            pltpu.SemaphoreType.DMA,
            pltpu.SemaphoreType.DMA,
            pltpu.SemaphoreType.DMA,
            pltpu.SemaphoreType.DMA,
        ],
        compiler_params=pltpu.CompilerParams(needs_layout_passes=False),
    )(wc_t, idx.reshape(NWORK, WPW))


def _gather_windows(windows_flat, idx_flat):
    wc_t = jnp.transpose(windows_flat, (1, 0, 2))
    return jnp.transpose(_sc_gather(wc_t, idx_flat), (0, 2, 3, 1))


def kernel(x, w1, b1, w2, b2, w3, b3, w4, b4, wf, ax_cache, windows_cache):
    z = jnp.zeros((32, 16), jnp.float32)
    w2t = [w2[:, :, k].T for k in range(3)]
    w3t = [w3[:, :, k].T for k in range(3)]
    w4t = [w4[:, :, k].T for k in range(3)]
    pad = jnp.zeros((32, 64), jnp.float32)
    cat = lambda a, b, c, d: jnp.concatenate([a, b, c, d, pad], axis=1)
    woff = jnp.concatenate([
        cat(z, z, z, w4t[0]),
        cat(z, z, w3t[0], z),
        cat(z, w2t[0], z, z),
        cat(w1[:, :, 0].T, w2t[1], w3t[1], w4t[1]),
        cat(z, w2t[2], z, z),
        cat(z, z, w3t[2], z),
        cat(z, z, z, w4t[2]),
    ], axis=1)
    bias = jnp.concatenate([b1, b2, b3, b4], axis=0).reshape(1, 64)

    topk_scores, topk_idx = _encode_and_topk(
        x.reshape(B * L, C), woff, bias, wf, ax_cache)

    idx_flat = topk_idx.reshape(B * TOPK)
    windows_raw = _gather_windows(windows_cache, idx_flat)
    return (topk_scores, windows_raw)

# --- scband reference (transcript-rebuilt; emitter-appended) ---
"""Pipeline reference for scband-retriever-47648367182098 (READ-ONLY COPY).

The authoritative reference and input builder live on the scoring server;
editing this copy changes nothing except your own understanding.
"""

import jax, jax.numpy as jnp
import numpy as np

TOP_K = 8

def _conv1d(x, w, b, dilation):
    pad = dilation * (w.shape[-1] - 1) // 2
    out = jax.lax.conv_general_dilated(
        x, w, window_strides=(1,), padding=[(pad, pad)],
        rhs_dilation=(dilation,), dimension_numbers=('NCH', 'OIH', 'NCH'))
    return out + b[None, :, None]

def _encoder(x, w1, b1, w2, b2, w3, b3, w4, b4, wf):
    # x: [B, L, C] -> permute to [B, C, L]
    xc = jnp.transpose(x, (0, 2, 1))
    br1 = _conv1d(xc, w1, b1, 1)
    br2 = _conv1d(xc, w2, b2, 1)
    br3 = _conv1d(xc, w3, b3, 2)
    br4 = _conv1d(xc, w4, b4, 4)
    feat = jnp.concatenate([br1, br2, br3, br4], axis=1)
    feat = jax.nn.gelu(feat, approximate=False)
    feat_vec = jnp.mean(feat, axis=2)  # AdaptiveAvgPool1d(1) + flatten
    out = feat_vec @ wf.T              # Linear(64, 64, bias=False)
    mean = jnp.mean(out, axis=-1, keepdims=True)
    var = jnp.var(out, axis=-1, keepdims=True)
    return (out - mean) / jnp.sqrt(var + 1e-5)  # LayerNorm, no affine

def setup_inputs(seed: int = 0):
    key = jax.random.key(seed)
    ks = jax.random.split(key, 8)
    B, L, C = 256, 256, 32
    N = 8192
    x = jax.random.normal(ks[0], (B, L, C), dtype=jnp.float32)
    w1 = jax.random.normal(ks[1], (16, C, 1), dtype=jnp.float32) * 0.1
    b1 = jnp.zeros((16,), dtype=jnp.float32)
    w2 = jax.random.normal(ks[2], (16, C, 3), dtype=jnp.float32) * 0.1
    b2 = jnp.zeros((16,), dtype=jnp.float32)
    w3 = jax.random.normal(ks[3], (16, C, 3), dtype=jnp.float32) * 0.1
    b3 = jnp.zeros((16,), dtype=jnp.float32)
    w4 = jax.random.normal(ks[4], (16, C, 3), dtype=jnp.float32) * 0.1
    b4 = jnp.zeros((16,), dtype=jnp.float32)
    wf = jax.random.normal(ks[5], (64, 64), dtype=jnp.float32) * 0.1
    ax = jax.random.normal(ks[6], (N, 64), dtype=jnp.float32)
    ax = ax / jnp.maximum(jnp.linalg.norm(ax, axis=1, keepdims=True), 1e-12)  # cosine index is pre-normalized
    windows_cache = jax.random.normal(ks[7], (N, C + 1, L), dtype=jnp.float32)  # [N, c_db, seq_len]
    return {"x": x, "w1": w1, "b1": b1, "w2": w2, "b2": b2, "w3": w3, "b3": b3,
            "w4": w4, "b4": b4, "wf": wf, "ax_cache": ax, "windows_cache": windows_cache}

def reference(x, w1, b1, w2, b2, w3, b3, w4, b4, wf, ax_cache, windows_cache):
    # eval-mode forward path of Retriever (training branch disabled):
    bx = _encoder(x, w1, b1, w2, b2, w3, b3, w4, b4, wf)
    bx = bx / jnp.maximum(jnp.linalg.norm(bx, axis=1, keepdims=True), 1e-12)  # F.normalize
    score_matrix = bx @ ax_cache.T
    k_sel = min(TOP_K, ax_cache.shape[0])
    topk_scores, topk_indices = jax.lax.top_k(score_matrix, k_sel)
    retrieved = jnp.take(windows_cache, topk_indices, axis=0)   # [B, k, c_db, L]
    windows_raw = jnp.transpose(retrieved, (0, 1, 3, 2))        # [B, k, L, c_db]
    # torch returns (None, None, scores_raw, windows_raw); Nones dropped here
    return (topk_scores, windows_raw)

if __name__ == "__main__":
    import jax
    _d = setup_inputs()
    print(jax.jit(kernel)(*tuple(_d.values())))

</pallas_src>

<mosaic_0001>
#map = affine_map<(d0, d1) -> (0, 0, 0)>
#map1 = affine_map<(d0, d1) -> (0, 0)>
#map2 = affine_map<(d0, d1) -> (0, 0, 0, 0)>
module attributes {stable_mosaic.version = 14 : i64} {
  func.func @_sc_gather_body(%arg0: i32, %arg1: i32, %arg2: memref<33x8192x256xf32, #tpu.memory_space<hbm>>, %arg3: memref<32x64xi32, #tpu.memory_space<hbm>>, %arg4: memref<256x33x8x256xf32, #tpu.memory_space<hbm>>, %arg5: memref<64xi32, #tpu.memory_space<vmem>>, %arg6: memref<33x4x256xf32, #tpu.memory_space<vmem>>, %arg7: memref<33x4x256xf32, #tpu.memory_space<vmem>>, %arg8: memref<33x4x256xf32, #tpu.memory_space<vmem>>, %arg9: memref<!tpu.dma_semaphore, #tpu.memory_space<semaphore_mem>>, %arg10: memref<!tpu.dma_semaphore, #tpu.memory_space<semaphore_mem>>, %arg11: memref<!tpu.dma_semaphore, #tpu.memory_space<semaphore_mem>>, %arg12: memref<!tpu.dma_semaphore, #tpu.memory_space<semaphore_mem>>, %arg13: memref<!tpu.dma_semaphore, #tpu.memory_space<semaphore_mem>>, %arg14: memref<!tpu.dma_semaphore, #tpu.memory_space<semaphore_mem>>) attributes {dimension_semantics = [#tpu.dimension_semantics<core_parallel>, #tpu.dimension_semantics<subcore_parallel>], iteration_bounds = array<i64: 2, 16>, scalar_prefetch = 0 : i64, scratch_operands = 10 : i64, tpu.core_type = #tpu.core_type<sc_vector_subcore>, window_params = [{transform_indices = #map}, {transform_indices = #map1}, {transform_indices = #map2}]} {
    %mul3A = arith.constant 2 : i32
    %mul3A_0 = arith.muli %arg1, %mul3A : i32
    %add3A = arith.addi %mul3A_0, %arg0 : i32
    %mul3A_1 = arith.constant 8 : i32
    %mul3A_2 = arith.muli %add3A, %mul3A_1 : i32
    "tpu.region"() ({
      %run_scoped3A = tpu.sem_alloc : memref<!tpu.dma_semaphore, #tpu.memory_space<semaphore_mem>>
      %dma_start3A_2385 = arith.constant 0 : i32
      %dma_start3A_2386 = tpu.memref_slice %arg3[%add3A, %dma_start3A_2385] : memref<32x64xi32, #tpu.memory_space<hbm>> -> memref<1x64xi32, #tpu.memory_space<hbm>>
      %dma_start3A_2387 = tpu.memref_squeeze %dma_start3A_2386 : memref<1x64xi32, #tpu.memory_space<hbm>> -> memref<64xi32, #tpu.memory_space<hbm>>
      %dma_start3A_2388 = arith.constant 0 : i32
      %dma_start3A_2389 = tpu.memref_slice %arg3[%add3A, %dma_start3A_2388] : memref<32x64xi32, #tpu.memory_space<hbm>> -> memref<1x64xi32, #tpu.memory_space<hbm>>
      %dma_start3A_2390 = tpu.memref_squeeze %dma_start3A_2389 : memref<1x64xi32, #tpu.memory_space<hbm>> -> memref<64xi32, #tpu.memory_space<hbm>>
      tpu.enqueue_dma source(%dma_start3A_2390 : memref<64xi32, #tpu.memory_space<hbm>>) target(%arg5 : memref<64xi32, #tpu.memory_space<vmem>>) target_semaphore(%run_scoped3A : memref<!tpu.dma_semaphore, #tpu.memory_space<semaphore_mem>>)
      %dma_wait3A_2391 = arith.constant 0 : i32
      %dma_wait3A_2392 = tpu.memref_slice %arg3[%add3A, %dma_wait3A_2391] : memref<32x64xi32, #tpu.memory_space<hbm>> -> memref<1x64xi32, #tpu.memory_space<hbm>>
      %dma_wait3A_2393 = tpu.memref_squeeze %dma_wait3A_2392 : memref<1x64xi32, #tpu.memory_space<hbm>> -> memref<64xi32, #tpu.memory_space<hbm>>
      %dma_wait3A_2394 = arith.constant 0 : i32
      %dma_wait3A_2395 = tpu.memref_slice %arg3[%add3A, %dma_wait3A_2394] : memref<32x64xi32, #tpu.memory_space<hbm>> -> memref<1x64xi32, #tpu.memory_space<hbm>>
      %dma_wait3A_2396 = tpu.memref_squeeze %dma_wait3A_2395 : memref<1x64xi32, #tpu.memory_space<hbm>> -> memref<64xi32, #tpu.memory_space<hbm>>
      tpu.wait_dma2 semaphore(%run_scoped3A : memref<!tpu.dma_semaphore, #tpu.memory_space<semaphore_mem>>) src(%dma_wait3A_2396 : memref<64xi32, #tpu.memory_space<hbm>>) dst(%arg5 : memref<64xi32, #tpu.memory_space<vmem>>)
      tpu.yield
    }) : () -> ()
    %iota3A = tpu.iota {dimensions = array<i32: 0>} : vector<16xi32>
    %get3A = arith.constant 0 : index
    %get3A_3 = tpu.vector_load %arg5[%get3A] {strides = array<i32>} : memref<64xi32, #tpu.memory_space<vmem>>, vector<16xi32>,
    %eq3A = arith.constant 0 : i32
    %eq3A_4 = vector.broadcast %eq3A : i32 to vector<16xi32>
    %eq3A_5 = arith.cmpi eq, %iota3A, %eq3A_4 : vector<16xi32>
    %jit3A = arith.constant 0 : i32
    %broadcast_in_dim3A = vector.broadcast %jit3A : i32 to vector<16xi32>
    %select_n3A = arith.select %eq3A_5, %get3A_3, %broadcast_in_dim3A : vector<16xi1>, vector<16xi32>
    %reduce_max3A = arith.constant true
    %reduce_max3A_6 = vector.broadcast %reduce_max3A : i1 to vector<16xi1>
    %reduce_max3A_7 = arith.constant -2147483648 : i32
    %reduce_max3A_8 = vector.broadcast %reduce_max3A_7 : i32 to vector<16xi32>
    %reduce_max3A_9 = arith.xori %select_n3A, %reduce_max3A_8 : vector<16xi32>
    %reduce_max3A_10 = tpu.scan <max>, %reduce_max3A_9 masked %reduce_max3A_6 : vector<16xi32>, vector<16xi1> -> vector<16xi32>
    %reduce_max3A_11 = arith.xori %reduce_max3A_10, %reduce_max3A_8 : vector<16xi32>
    %reduce_max3A_12 = vector.extract %reduce_max3A_11[15] : i32 from vector<16xi32>
    %dma_start3A = arith.constant 0 : i32
    %dma_start3A_13 = arith.constant 0 : i32
    %dma_start3A_14 = arith.constant 0 : i32
    %dma_start3A_15 = tpu.memref_slice %arg6[%dma_start3A, %dma_start3A_13, %dma_start3A_14] : memref<33x4x256xf32, #tpu.memory_space<vmem>> -> memref<33x1x256xf32, #tpu.memory_space<vmem>>
    %dma_start3A_16 = arith.constant 0 : i32
    %dma_start3A_17 = arith.constant 0 : i32
    %dma_start3A_18 = tpu.memref_slice %arg2[%dma_start3A_16, %reduce_max3A_12, %dma_start3A_17] : memref<33x8192x256xf32, #tpu.memory_space<hbm>> -> memref<33x1x256xf32, #tpu.memory_space<hbm>>
    %dma_start3A_19 = arith.constant 0 : i32
    %dma_start3A_20 = arith.constant 0 : i32
    %dma_start3A_21 = arith.constant 0 : i32
    %dma_start3A_22 = tpu.memref_slice %arg6[%dma_start3A_19, %dma_start3A_20, %dma_start3A_21] : memref<33x4x256xf32, #tpu.memory_space<vmem>> -> memref<33x1x256xf32, #tpu.memory_space<vmem>>
    %dma_start3A_23 = arith.constant 0 : i32
    %dma_start3A_24 = arith.constant 0 : i32
    %dma_start3A_25 = tpu.memref_slice %arg2[%dma_start3A_23, %reduce_max3A_12, %dma_start3A_24] : memref<33x8192x256xf32, #tpu.memory_space<hbm>> -> memref<33x1x256xf32, #tpu.memory_space<hbm>>
    tpu.enqueue_dma source(%dma_start3A_25 : memref<33x1x256xf32, #tpu.memory_space<hbm>>) target(%dma_start3A_22 : memref<33x1x256xf32, #tpu.memory_space<vmem>>) target_semaphore(%arg9 : memref<!tpu.dma_semaphore, #tpu.memory_space<semaphore_mem>>)
    %get3A_26 = arith.constant 0 : index
    %get3A_27 = tpu.vector_load %arg5[%get3A_26] {strides = array<i32>} : memref<64xi32, #tpu.memory_space<vmem>>, vector<16xi32>,
    %eq3A_28 = arith.constant 1 : i32
    %eq3A_29 = vector.broadcast %eq3A_28 : i32 to vector<16xi32>
    %eq3A_30 = arith.cmpi eq, %iota3A, %eq3A_29 : vector<16xi32>
    %jit3A_31 = arith.constant 0 : i32
    %broadcast_in_dim3A_32 = vector.broadcast %jit3A_31 : i32 to vector<16xi32>
    %select_n3A_33 = arith.select %eq3A_30, %get3A_27, %broadcast_in_dim3A_32 : vector<16xi1>, vector<16xi32>
    %reduce_max3A_34 = arith.constant true
    %reduce_max3A_35 = vector.broadcast %reduce_max3A_34 : i1 to vector<16xi1>
    %reduce_max3A_36 = arith.constant -2147483648 : i32
    %reduce_max3A_37 = vector.broadcast %reduce_max3A_36 : i32 to vector<16xi32>
    %reduce_max3A_38 = arith.xori %select_n3A_33, %reduce_max3A_37 : vector<16xi32>
    %reduce_max3A_39 = tpu.scan <max>, %reduce_max3A_38 masked %reduce_max3A_35 : vector<16xi32>, vector<16xi1> -> vector<16xi32>
    %reduce_max3A_40 = arith.xori %reduce_max3A_39, %reduce_max3A_37 : vector<16xi32>
    %reduce_max3A_41 = vector.extract %reduce_max3A_40[15] : i32 from vector<16xi32>
    %dma_start3A_42 = arith.constant 0 : i32
    %dma_start3A_43 = arith.constant 1 : i32
    %dma_start3A_44 = arith.constant 0 : i32
    %dma_start3A_45 = tpu.memref_slice %arg6[%dma_start3A_42, %dma_start3A_43, %dma_start3A_44] : memref<33x4x256xf32, #tpu.memory_space<vmem>> -> memref<33x1x256xf32, #tpu.memory_space<vmem>>
    %dma_start3A_46 = arith.constant 0 : i32
    %dma_start3A_47 = arith.constant 0 : i32
    %dma_start3A_48 = tpu.memref_slice %arg2[%dma_start3A_46, %reduce_max3A_41, %dma_start3A_47] : memref<33x8192x256xf32, #tpu.memory_space<hbm>> -> memref<33x1x256xf32, #tpu.memory_space<hbm>>
    %dma_start3A_49 = arith.constant 0 : i32
    %dma_start3A_50 = arith.constant 1 : i32
    %dma_start3A_51 = arith.constant 0 : i32
    %dma_start3A_52 = tpu.memref_slice %arg6[%dma_start3A_49, %dma_start3A_50, %dma_start3A_51] : memref<33x4x256xf32, #tpu.memory_space<vmem>> -> memref<33x1x256xf32, #tpu.memory_space<vmem>>
    %dma_start3A_53 = arith.constant 0 : i32
    %dma_start3A_54 = arith.constant 0 : i32
    %dma_start3A_55 = tpu.memref_slice %arg2[%dma_start3A_53, %reduce_max3A_41, %dma_start3A_54] : memref<33x8192x256xf32, #tpu.memory_space<hbm>> -> memref<33x1x256xf32, #tpu.memory_space<hbm>>
    tpu.enqueue_dma source(%dma_start3A_55 : memref<33x1x256xf32, #tpu.memory_space<hbm>>) target(%dma_start3A_52 : memref<33x1x256xf32, #tpu.memory_space<vmem>>) target_semaphore(%arg9 : memref<!tpu.dma_semaphore, #tpu.memory_space<semaphore_mem>>)
    %get3A_56 = arith.constant 0 : index
    %get3A_57 = tpu.vector_load %arg5[%get3A_56] {strides = array<i32>} : memref<64xi32, #tpu.memory_space<vmem>>, vector<16xi32>,
    %eq3A_58 = arith.constant 2 : i32
    %eq3A_59 = vector.broadcast %eq3A_58 : i32 to vector<16xi32>
    %eq3A_60 = arith.cmpi eq, %iota3A, %eq3A_59 : vector<16xi32>
    %jit3A_61 = arith.constant 0 : i32
    %broadcast_in_dim3A_62 = vector.broadcast %jit3A_61 : i32 to vector<16xi32>
    %select_n3A_63 = arith.select %eq3A_60, %get3A_57, %broadcast_in_dim3A_62 : vector<16xi1>, vector<16xi32>
    %reduce_max3A_64 = arith.constant true
    %reduce_max3A_65 = vector.broadcast %reduce_max3A_64 : i1 to vector<16xi1>
    %reduce_max3A_66 = arith.constant -2147483648 : i32
    %reduce_max3A_67 = vector.broadcast %reduce_max3A_66 : i32 to vector<16xi32>
    %reduce_max3A_68 = arith.xori %select_n3A_63, %reduce_max3A_67 : vector<16xi32>
    %reduce_max3A_69 = tpu.scan <max>, %reduce_max3A_68 masked %reduce_max3A_65 : vector<16xi32>, vector<16xi1> -> vector<16xi32>
    %reduce_max3A_70 = arith.xori %reduce_max3A_69, %reduce_max3A_67 : vector<16xi32>
    %reduce_max3A_71 = vector.extract %reduce_max3A_70[15] : i32 from vector<16xi32>
    %dma_start3A_72 = arith.constant 0 : i32
    %dma_start3A_73 = arith.constant 2 : i32
    %dma_start3A_74 = arith.constant 0 : i32
    %dma_start3A_75 = tpu.memref_slice %arg6[%dma_start3A_72, %dma_start3A_73, %dma_start3A_74] : memref<33x4x256xf32, #tpu.memory_space<vmem>> -> memref<33x1x256xf32, #tpu.memory_space<vmem>>
    %dma_start3A_76 = arith.constant 0 : i32
    %dma_start3A_77 = arith.constant 0 : i32
    %dma_start3A_78 = tpu.memref_slice %arg2[%dma_start3A_76, %reduce_max3A_71, %dma_start3A_77] : memref<33x8192x256xf32, #tpu.memory_space<hbm>> -> memref<33x1x256xf32, #tpu.memory_space<hbm>>
    %dma_start3A_79 = arith.constant 0 : i32
    %dma_start3A_80 = arith.constant 2 : i32
    %dma_start3A_81 = arith.constant 0 : i32
    %dma_start3A_82 = tpu.memref_slice %arg6[%dma_start3A_79, %dma_start3A_80, %dma_start3A_81] : memref<33x4x256xf32, #tpu.memory_space<vmem>> -> memref<33x1x256xf32, #tpu.memory_space<vmem>>
    %dma_start3A_83 = arith.constant 0 : i32
    %dma_start3A_84 = arith.constant 0 : i32
    %dma_start3A_85 = tpu.memref_slice %arg2[%dma_start3A_83, %reduce_max3A_71, %dma_start3A_84] : memref<33x8192x256xf32, #tpu.memory_space<hbm>> -> memref<33x1x256xf32, #tpu.memory_space<hbm>>
    tpu.enqueue_dma source(%dma_start3A_85 : memref<33x1x256xf32, #tpu.memory_space<hbm>>) target(%dma_start3A_82 : memref<33x1x256xf32, #tpu.memory_space<vmem>>) target_semaphore(%arg9 : memref<!tpu.dma_semaphore, #tpu.memory_space<semaphore_mem>>)
    %get3A_86 = arith.constant 0 : index
    %get3A_87 = tpu.vector_load %arg5[%get3A_86] {strides = array<i32>} : memref<64xi32, #tpu.memory_space<vmem>>, vector<16xi32>,
    %eq3A_88 = arith.constant 3 : i32
    %eq3A_89 = vector.broadcast %eq3A_88 : i32 to vector<16xi32>
    %eq3A_90 = arith.cmpi eq, %iota3A, %eq3A_89 : vector<16xi32>
    %jit3A_91 = arith.constant 0 : i32
    %broadcast_in_dim3A_92 = vector.broadcast %jit3A_91 : i32 to vector<16xi32>
    %select_n3A_93 = arith.select %eq3A_90, %get3A_87, %broadcast_in_dim3A_92 : vector<16xi1>, vector<16xi32>
    %reduce_max3A_94 = arith.constant true
    %reduce_max3A_95 = vector.broadcast %reduce_max3A_94 : i1 to vector<16xi1>
    %reduce_max3A_96 = arith.constant -2147483648 : i32
    %reduce_max3A_97 = vector.broadcast %reduce_max3A_96 : i32 to vector<16xi32>
    %reduce_max3A_98 = arith.xori %select_n3A_93, %reduce_max3A_97 : vector<16xi32>
    %reduce_max3A_99 = tpu.scan <max>, %reduce_max3A_98 masked %reduce_max3A_95 : vector<16xi32>, vector<16xi1> -> vector<16xi32>
    %reduce_max3A_100 = arith.xori %reduce_max3A_99, %reduce_max3A_97 : vector<16xi32>
    %reduce_max3A_101 = vector.extract %reduce_max3A_100[15] : i32 from vector<16xi32>
    %dma_start3A_102 = arith.constant 0 : i32
    %dma_start3A_103 = arith.constant 3 : i32
    %dma_start3A_104 = arith.constant 0 : i32
    %dma_start3A_105 = tpu.memref_slice %arg6[%dma_start3A_102, %dma_start3A_103, %dma_start3A_104] : memref<33x4x256xf32, #tpu.memory_space<vmem>> -> memref<33x1x256xf32, #tpu.memory_space<vmem>>
    %dma_start3A_106 = arith.constant 0 : i32
    %dma_start3A_107 = arith.constant 0 : i32
    %dma_start3A_108 = tpu.memref_slice %arg2[%dma_start3A_106, %reduce_max3A_101, %dma_start3A_107] : memref<33x8192x256xf32, #tpu.memory_space<hbm>> -> memref<33x1x256xf32, #tpu.memory_space<hbm>>
    %dma_start3A_109 = arith.constant 0 : i32
    %dma_start3A_110 = arith.constant 3 : i32
    %dma_start3A_111 = arith.constant 0 : i32
    %dma_start3A_112 = tpu.memref_slice %arg6[%dma_start3A_109, %dma_start3A_110, %dma_start3A_111] : memref<33x4x256xf32, #tpu.memory_space<vmem>> -> memref<33x1x256xf32, #tpu.memory_space<vmem>>
    %dma_start3A_113 = arith.constant 0 : i32
    %dma_start3A_114 = arith.constant 0 : i32
    %dma_start3A_115 = tpu.memref_slice %arg2[%dma_start3A_113, %reduce_max3A_101, %dma_start3A_114] : memref<33x8192x256xf32, #tpu.memory_space<hbm>> -> memref<33x1x256xf32, #tpu.memory_space<hbm>>
    tpu.enqueue_dma source(%dma_start3A_115 : memref<33x1x256xf32, #tpu.memory_space<hbm>>) target(%dma_start3A_112 : memref<33x1x256xf32, #tpu.memory_space<vmem>>) target_semaphore(%arg9 : memref<!tpu.dma_semaphore, #tpu.memory_space<semaphore_mem>>)
    %get3A_116 = arith.constant 0 : index
    %get3A_117 = tpu.vector_load %arg5[%get3A_116] {strides = array<i32>} : memref<64xi32, #tpu.memory_space<vmem>>, vector<16xi32>,
    %eq3A_118 = arith.constant 4 : i32
    %eq3A_119 = vector.broadcast %eq3A_118 : i32 to vector<16xi32>
    %eq3A_120 = arith.cmpi eq, %iota3A, %eq3A_119 : vector<16xi32>
    %jit3A_121 = arith.constant 0 : i32
    %broadcast_in_dim3A_122 = vector.broadcast %jit3A_121 : i32 to vector<16xi32>
    %select_n3A_123 = arith.select %eq3A_120, %get3A_117, %broadcast_in_dim3A_122 : vector<16xi1>, vector<16xi32>
    %reduce_max3A_124 = arith.constant true
    %reduce_max3A_125 = vector.broadcast %reduce_max3A_124 : i1 to vector<16xi1>
    %reduce_max3A_126 = arith.constant -2147483648 : i32
    %reduce_max3A_127 = vector.broadcast %reduce_max3A_126 : i32 to vector<16xi32>
    %reduce_max3A_128 = arith.xori %select_n3A_123, %reduce_max3A_127 : vector<16xi32>
    %reduce_max3A_129 = tpu.scan <max>, %reduce_max3A_128 masked %reduce_max3A_125 : vector<16xi32>, vector<16xi1> -> vector<16xi32>
    %reduce_max3A_130 = arith.xori %reduce_max3A_129, %reduce_max3A_127 : vector<16xi32>
    %reduce_max3A_131 = vector.extract %reduce_max3A_130[15] : i32 from vector<16xi32>
    %dma_start3A_132 = arith.constant 0 : i32
    %dma_start3A_133 = arith.constant 0 : i32
    %dma_start3A_134 = arith.constant 0 : i32
    %dma_start3A_135 = tpu.memref_slice %arg7[%dma_start3A_132, %dma_start3A_133, %dma_start3A_134] : memref<33x4x256xf32, #tpu.memory_space<vmem>> -> memref<33x1x256xf32, #tpu.memory_space<vmem>>
    %dma_start3A_136 = arith.constant 0 : i32
    %dma_start3A_137 = arith.constant 0 : i32
    %dma_start3A_138 = tpu.memref_slice %arg2[%dma_start3A_136, %reduce_max3A_131, %dma_start3A_137] : memref<33x8192x256xf32, #tpu.memory_space<hbm>> -> memref<33x1x256xf32, #tpu.memory_space<hbm>>
    %dma_start3A_139 = arith.constant 0 : i32
    %dma_start3A_140 = arith.constant 0 : i32
    %dma_start3A_141 = arith.constant 0 : i32
    %dma_start3A_142 = tpu.memref_slice %arg7[%dma_start3A_139, %dma_start3A_140, %dma_start3A_141] : memref<33x4x256xf32, #tpu.memory_space<vmem>> -> memref<33x1x256xf32, #tpu.memory_space<vmem>>
    %dma_start3A_143 = arith.constant 0 : i32
    %dma_start3A_144 = arith.constant 0 : i32
    %dma_start3A_145 = tpu.memref_slice %arg2[%dma_start3A_143, %reduce_max3A_131, %dma_start3A_144] : memref<33x8192x256xf32, #tpu.memory_space<hbm>> -> memref<33x1x256xf32, #tpu.memory_space<hbm>>
    tpu.enqueue_dma source(%dma_start3A_145 : memref<33x1x256xf32, #tpu.memory_space<hbm>>) target(%dma_start3A_142 : memref<33x1x256xf32, #tpu.memory_space<vmem>>) target_semaphore(%arg10 : memref<!tpu.dma_semaphore, #tpu.memory_space<semaphore_mem>>)
    %get3A_146 = arith.constant 0 : index
    %get3A_147 = tpu.vector_load %arg5[%get3A_146] {strides = array<i32>} : memref<64xi32, #tpu.memory_space<vmem>>, vector<16xi32>,
    %eq3A_148 = arith.constant 5 : i32
    %eq3A_149 = vector.broadcast %eq3A_148 : i32 to vector<16xi32>
    %eq3A_150 = arith.cmpi eq, %iota3A, %eq3A_149 : vector<16xi32>
    %jit3A_151 = arith.constant 0 : i32
    %broadcast_in_dim3A_152 = vector.broadcast %jit3A_151 : i32 to vector<16xi32>
    %select_n3A_153 = arith.select %eq3A_150, %get3A_147, %broadcast_in_dim3A_152 : vector<16xi1>, vector<16xi32>
    %reduce_max3A_154 = arith.constant true
    %reduce_max3A_155 = vector.broadcast %reduce_max3A_154 : i1 to vector<16xi1>
    %reduce_max3A_156 = arith.constant -2147483648 : i32
    %reduce_max3A_157 = vector.broadcast %reduce_max3A_156 : i32 to vector<16xi32>
    %reduce_max3A_158 = arith.xori %select_n3A_153, %reduce_max3A_157 : vector<16xi32>
    %reduce_max3A_159 = tpu.scan <max>, %reduce_max3A_158 masked %reduce_max3A_155 : vector<16xi32>, vector<16xi1> -> vector<16xi32>
    %reduce_max3A_160 = arith.xori %reduce_max3A_159, %reduce_max3A_157 : vector<16xi32>
    %reduce_max3A_161 = vector.extract %reduce_max3A_160[15] : i32 from vector<16xi32>
    %dma_start3A_162 = arith.constant 0 : i32
    %dma_start3A_163 = arith.constant 1 : i32
    %dma_start3A_164 = arith.constant 0 : i32
    %dma_start3A_165 = tpu.memref_slice %arg7[%dma_start3A_162, %dma_start3A_163, %dma_start3A_164] : memref<33x4x256xf32, #tpu.memory_space<vmem>> -> memref<33x1x256xf32, #tpu.memory_space<vmem>>
    %dma_start3A_166 = arith.constant 0 : i32
    %dma_start3A_167 = arith.constant 0 : i32
    %dma_start3A_168 = tpu.memref_slice %arg2[%dma_start3A_166, %reduce_max3A_161, %dma_start3A_167] : memref<33x8192x256xf32, #tpu.memory_space<hbm>> -> memref<33x1x256xf32, #tpu.memory_space<hbm>>
    %dma_start3A_169 = arith.constant 0 : i32
    %dma_start3A_170 = arith.constant 1 : i32
    %dma_start3A_171 = arith.constant 0 : i32
    %dma_start3A_172 = tpu.memref_slice %arg7[%dma_start3A_169, %dma_start3A_170, %dma_start3A_171] : memref<33x4x256xf32, #tpu.memory_space<vmem>> -> memref<33x1x256xf32, #tpu.memory_space<vmem>>
    %dma_start3A_173 = arith.constant 0 : i32
    %dma_start3A_174 = arith.constant 0 : i32
    %dma_start3A_175 = tpu.memref_slice %arg2[%dma_start3A_173, %reduce_max3A_161, %dma_start3A_174] : memref<33x8192x256xf32, #tpu.memory_space<hbm>> -> memref<33x1x256xf32, #tpu.memory_space<hbm>>
    tpu.enqueue_dma source(%dma_start3A_175 : memref<33x1x256xf32, #tpu.memory_space<hbm>>) target(%dma_start3A_172 : memref<33x1x256xf32, #tpu.memory_space<vmem>>) target_semaphore(%arg10 : memref<!tpu.dma_semaphore, #tpu.memory_space<semaphore_mem>>)
    %get3A_176 = arith.constant 0 : index
    %get3A_177 = tpu.vector_load %arg5[%get3A_176] {strides = array<i32>} : memref<64xi32, #tpu.memory_space<vmem>>, vector<16xi32>,
    %eq3A_178 = arith.constant 6 : i32
    %eq3A_179 = vector.broadcast %eq3A_178 : i32 to vector<16xi32>
    %eq3A_180 = arith.cmpi eq, %iota3A, %eq3A_179 : vector<16xi32>
    %jit3A_181 = arith.constant 0 : i32
    %broadcast_in_dim3A_182 = vector.broadcast %jit3A_181 : i32 to vector<16xi32>
    %select_n3A_183 = arith.select %eq3A_180, %get3A_177, %broadcast_in_dim3A_182 : vector<16xi1>, vector<16xi32>
    %reduce_max3A_184 = arith.constant true
    %reduce_max3A_185 = vector.broadcast %reduce_max3A_184 : i1 to vector<16xi1>
    %reduce_max3A_186 = arith.constant -2147483648 : i32
    %reduce_max3A_187 = vector.broadcast %reduce_max3A_186 : i32 to vector<16xi32>
    %reduce_max3A_188 = arith.xori %select_n3A_183, %reduce_max3A_187 : vector<16xi32>
    %reduce_max3A_189 = tpu.scan <max>, %reduce_max3A_188 masked %reduce_max3A_185 : vector<16xi32>, vector<16xi1> -> vector<16xi32>
    %reduce_max3A_190 = arith.xori %reduce_max3A_189, %reduce_max3A_187 : vector<16xi32>
    %reduce_max3A_191 = vector.extract %reduce_max3A_190[15] : i32 from vector<16xi32>
    %dma_start3A_192 = arith.constant 0 : i32
    %dma_start3A_193 = arith.constant 2 : i32
    %dma_start3A_194 = arith.constant 0 : i32
    %dma_start3A_195 = tpu.memref_slice %arg7[%dma_start3A_192, %dma_start3A_193, %dma_start3A_194] : memref<33x4x256xf32, #tpu.memory_space<vmem>> -> memref<33x1x256xf32, #tpu.memory_space<vmem>>
    %dma_start3A_196 = arith.constant 0 : i32
    %dma_start3A_197 = arith.constant 0 : i32
    %dma_start3A_198 = tpu.memref_slice %arg2[%dma_start3A_196, %reduce_max3A_191, %dma_start3A_197] : memref<33x8192x256xf32, #tpu.memory_space<hbm>> -> memref<33x1x256xf32, #tpu.memory_space<hbm>>
    %dma_start3A_199 = arith.constant 0 : i32
    %dma_start3A_200 = arith.constant 2 : i32
    %dma_start3A_201 = arith.constant 0 : i32
    %dma_start3A_202 = tpu.memref_slice %arg7[%dma_start3A_199, %dma_start3A_200, %dma_start3A_201] : memref<33x4x256xf32, #tpu.memory_space<vmem>> -> memref<33x1x256xf32, #tpu.memory_space<vmem>>
    %dma_start3A_203 = arith.constant 0 : i32
    %dma_start3A_204 = arith.constant 0 : i32
    %dma_start3A_205 = tpu.memref_slice %arg2[%dma_start3A_203, %reduce_max3A_191, %dma_start3A_204] : memref<33x8192x256xf32, #tpu.memory_space<hbm>> -> memref<33x1x256xf32, #tpu.memory_space<hbm>>
    tpu.enqueue_dma source(%dma_start3A_205 : memref<33x1x256xf32, #tpu.memory_space<hbm>>) target(%dma_start3A_202 : memref<33x1x256xf32, #tpu.memory_space<vmem>>) target_semaphore(%arg10 : memref<!tpu.dma_semaphore, #tpu.memory_space<semaphore_mem>>)
    %get3A_206 = arith.constant 0 : index
    %get3A_207 = tpu.vector_load %arg5[%get3A_206] {strides = array<i32>} : memref<64xi32, #tpu.memory_space<vmem>>, vector<16xi32>,
    %eq3A_208 = arith.constant 7 : i32
    %eq3A_209 = vector.broadcast %eq3A_208 : i32 to vector<16xi32>
    %eq3A_210 = arith.cmpi eq, %iota3A, %eq3A_209 : vector<16xi32>
    %jit3A_211 = arith.constant 0 : i32
    %broadcast_in_dim3A_212 = vector.broadcast %jit3A_211 : i32 to vector<16xi32>
    %select_n3A_213 = arith.select %eq3A_210, %get3A_207, %broadcast_in_dim3A_212 : vector<16xi1>, vector<16xi32>
    %reduce_max3A_214 = arith.constant true
    %reduce_max3A_215 = vector.broadcast %reduce_max3A_214 : i1 to vector<16xi1>
    %reduce_max3A_216 = arith.constant -2147483648 : i32
    %reduce_max3A_217 = vector.broadcast %reduce_max3A_216 : i32 to vector<16xi32>
    %reduce_max3A_218 = arith.xori %select_n3A_213, %reduce_max3A_217 : vector<16xi32>
    %reduce_max3A_219 = tpu.scan <max>, %reduce_max3A_218 masked %reduce_max3A_215 : vector<16xi32>, vector<16xi1> -> vector<16xi32>
    %reduce_max3A_220 = arith.xori %reduce_max3A_219, %reduce_max3A_217 : vector<16xi32>
    %reduce_max3A_221 = vector.extract %reduce_max3A_220[15] : i32 from vector<16xi32>
    %dma_start3A_222 = arith.constant 0 : i32
    %dma_start3A_223 = arith.constant 3 : i32
    %dma_start3A_224 = arith.constant 0 : i32
    %dma_start3A_225 = tpu.memref_slice %arg7[%dma_start3A_222, %dma_start3A_223, %dma_start3A_224] : memref<33x4x256xf32, #tpu.memory_space<vmem>> -> memref<33x1x256xf32, #tpu.memory_space<vmem>>
    %dma_start3A_226 = arith.constant 0 : i32
    %dma_start3A_227 = arith.constant 0 : i32
    %dma_start3A_228 = tpu.memref_slice %arg2[%dma_start3A_226, %reduce_max3A_221, %dma_start3A_227] : memref<33x8192x256xf32, #tpu.memory_space<hbm>> -> memref<33x1x256xf32, #tpu.memory_space<hbm>>
    %dma_start3A_229 = arith.constant 0 : i32
    %dma_start3A_230 = arith.constant 3 : i32
    %dma_start3A_231 = arith.constant 0 : i32
    %dma_start3A_232 = tpu.memref_slice %arg7[%dma_start3A_229, %dma_start3A_230, %dma_start3A_231] : memref<33x4x256xf32, #tpu.memory_space<vmem>> -> memref<33x1x256xf32, #tpu.memory_space<vmem>>
    %dma_start3A_233 = arith.constant 0 : i32
    %dma_start3A_234 = arith.constant 0 : i32
    %dma_start3A_235 = tpu.memref_slice %arg2[%dma_start3A_233, %reduce_max3A_221, %dma_start3A_234] : memref<33x8192x256xf32, #tpu.memory_space<hbm>> -> memref<33x1x256xf32, #tpu.memory_space<hbm>>
    tpu.enqueue_dma source(%dma_start3A_235 : memref<33x1x256xf32, #tpu.memory_space<hbm>>) target(%dma_start3A_232 : memref<33x1x256xf32, #tpu.memory_space<vmem>>) target_semaphore(%arg10 : memref<!tpu.dma_semaphore, #tpu.memory_space<semaphore_mem>>)
    %dma_wait3A = arith.constant 0 : i32
    %dma_wait3A_236 = arith.constant 0 : i32
    %dma_wait3A_237 = arith.constant 0 : i32
    %dma_wait3A_238 = tpu.memref_slice %arg2[%dma_wait3A, %dma_wait3A_236, %dma_wait3A_237] : memref<33x8192x256xf32, #tpu.memory_space<hbm>> -> memref<33x4x256xf32, #tpu.memory_space<hbm>>
    %dma_wait3A_239 = arith.constant 0 : i32
    %dma_wait3A_240 = arith.constant 0 : i32
    %dma_wait3A_241 = arith.constant 0 : i32
    %dma_wait3A_242 = tpu.memref_slice %arg2[%dma_wait3A_239, %dma_wait3A_240, %dma_wait3A_241] : memref<33x8192x256xf32, #tpu.memory_space<hbm>> -> memref<33x4x256xf32, #tpu.memory_space<hbm>>
    tpu.wait_dma2 semaphore(%arg9 : memref<!tpu.dma_semaphore, #tpu.memory_space<semaphore_mem>>) src(%dma_wait3A_242 : memref<33x4x256xf32, #tpu.memory_space<hbm>>) dst(%arg6 : memref<33x4x256xf32, #tpu.memory_space<vmem>>)
    %add3A_243 = arith.constant 0 : i32
    %add3A_244 = arith.addi %mul3A_2, %add3A_243 : i32
    %dma_start3A_245 = arith.constant 0 : i32
    %dma_start3A_246 = arith.constant 0 : i32
    %dma_start3A_247 = arith.constant 0 : i32
    %dma_start3A_248 = tpu.memref_slice %arg4[%add3A_244, %dma_start3A_245, %dma_start3A_246, %dma_start3A_247] : memref<256x33x8x256xf32, #tpu.memory_space<hbm>> -> memref<1x33x4x256xf32, #tpu.memory_space<hbm>>
    %dma_start3A_249 = tpu.memref_squeeze %dma_start3A_248 : memref<1x33x4x256xf32, #tpu.memory_space<hbm>> -> memref<33x4x256xf32, #tpu.memory_space<hbm>>
    %dma_start3A_250 = arith.constant 0 : i32
    %dma_start3A_251 = arith.constant 0 : i32
    %dma_start3A_252 = arith.constant 0 : i32
    %dma_start3A_253 = tpu.memref_slice %arg4[%add3A_244, %dma_start3A_250, %dma_start3A_251, %dma_start3A_252] : memref<256x33x8x256xf32, #tpu.memory_space<hbm>> -> memref<1x33x4x256xf32, #tpu.memory_space<hbm>>
    %dma_start3A_254 = tpu.memref_squeeze %dma_start3A_253 : memref<1x33x4x256xf32, #tpu.memory_space<hbm>> -> memref<33x4x256xf32, #tpu.memory_space<hbm>>
    tpu.enqueue_dma source(%arg6 : memref<33x4x256xf32, #tpu.memory_space<vmem>>) target(%dma_start3A_254 : memref<33x4x256xf32, #tpu.memory_space<hbm>>) target_semaphore(%arg12 : memref<!tpu.dma_semaphore, #tpu.memory_space<semaphore_mem>>)
    %get3A_255 = arith.constant 0 : index
    %get3A_256 = tpu.vector_load %arg5[%get3A_255] {strides = array<i32>} : memref<64xi32, #tpu.memory_space<vmem>>, vector<16xi32>,
    %eq3A_257 = arith.constant 8 : i32
    %eq3A_258 = vector.broadcast %eq3A_257 : i32 to vector<16xi32>
    %eq3A_259 = arith.cmpi eq, %iota3A, %eq3A_258 : vector<16xi32>
    %jit3A_260 = arith.constant 0 : i32
    %broadcast_in_dim3A_261 = vector.broadcast %jit3A_260 : i32 to vector<16xi32>
    %select_n3A_262 = arith.select %eq3A_259, %get3A_256, %broadcast_in_dim3A_261 : vector<16xi1>, vector<16xi32>
    %reduce_max3A_263 = arith.constant true
    %reduce_max3A_264 = vector.broadcast %reduce_max3A_263 : i1 to vector<16xi1>
    %reduce_max3A_265 = arith.constant -2147483648 : i32
    %reduce_max3A_266 = vector.broadcast %reduce_max3A_265 : i32 to vector<16xi32>
    %reduce_max3A_267 = arith.xori %select_n3A_262, %reduce_max3A_266 : vector<16xi32>
    %reduce_max3A_268 = tpu.scan <max>, %reduce_max3A_267 masked %reduce_max3A_264 : vector<16xi32>, vector<16xi1> -> vector<16xi32>
    %reduce_max3A_269 = arith.xori %reduce_max3A_268, %reduce_max3A_266 : vector<16xi32>
    %reduce_max3A_270 = vector.extract %reduce_max3A_269[15] : i32 from vector<16xi32>
    %dma_start3A_271 = arith.constant 0 : i32
    %dma_start3A_272 = arith.constant 0 : i32
    %dma_start3A_273 = arith.constant 0 : i32
    %dma_start3A_274 = tpu.memref_slice %arg8[%dma_start3A_271, %dma_start3A_272, %dma_start3A_273] : memref<33x4x256xf32, #tpu.memory_space<vmem>> -> memref<33x1x256xf32, #tpu.memory_space<vmem>>
    %dma_start3A_275 = arith.constant 0 : i32
    %dma_start3A_276 = arith.constant 0 : i32
    %dma_start3A_277 = tpu.memref_slice %arg2[%dma_start3A_275, %reduce_max3A_270, %dma_start3A_276] : memref<33x8192x256xf32, #tpu.memory_space<hbm>> -> memref<33x1x256xf32, #tpu.memory_space<hbm>>
    %dma_start3A_278 = arith.constant 0 : i32
    %dma_start3A_279 = arith.constant 0 : i32
    %dma_start3A_280 = arith.constant 0 : i32
    %dma_start3A_281 = tpu.memref_slice %arg8[%dma_start3A_278, %dma_start3A_279, %dma_start3A_280] : memref<33x4x256xf32, #tpu.memory_space<vmem>> -> memref<33x1x256xf32, #tpu.memory_space<vmem>>
    %dma_start3A_282 = arith.constant 0 : i32
    %dma_start3A_283 = arith.constant 0 : i32
    %dma_start3A_284 = tpu.memref_slice %arg2[%dma_start3A_282, %reduce_max3A_270, %dma_start3A_283] : memref<33x8192x256xf32, #tpu.memory_space<hbm>> -> memref<33x1x256xf32, #tpu.memory_space<hbm>>
    tpu.enqueue_dma source(%dma_start3A_284 : memref<33x1x256xf32, #tpu.memory_space<hbm>>) target(%dma_start3A_281 : memref<33x1x256xf32, #tpu.memory_space<vmem>>) target_semaphore(%arg11 : memref<!tpu.dma_semaphore, #tpu.memory_space<semaphore_mem>>)
    %get3A_285 = arith.constant 0 : index
    %get3A_286 = tpu.vector_load %arg5[%get3A_285] {strides = array<i32>} : memref<64xi32, #tpu.memory_space<vmem>>, vector<16xi32>,
    %eq3A_287 = arith.constant 9 : i32
    %eq3A_288 = vector.broadcast %eq3A_287 : i32 to vector<16xi32>
    %eq3A_289 = arith.cmpi eq, %iota3A, %eq3A_288 : vector<16xi32>
    %jit3A_290 = arith.constant 0 : i32
    %broadcast_in_dim3A_291 = vector.broadcast %jit3A_290 : i32 to vector<16xi32>
    %select_n3A_292 = arith.select %eq3A_289, %get3A_286, %broadcast_in_dim3A_291 : vector<16xi1>, vector<16xi32>
    %reduce_max3A_293 = arith.constant true
    %reduce_max3A_294 = vector.broadcast %reduce_max3A_293 : i1 to vector<16xi1>
    %reduce_max3A_295 = arith.constant -2147483648 : i32
    %reduce_max3A_296 = vector.broadcast %reduce_max3A_295 : i32 to vector<16xi32>
    %reduce_max3A_297 = arith.xori %select_n3A_292, %reduce_max3A_296 : vector<16xi32>
    %reduce_max3A_298 = tpu.scan <max>, %reduce_max3A_297 masked %reduce_max3A_294 : vector<16xi32>, vector<16xi1> -> vector<16xi32>
    %reduce_max3A_299 = arith.xori %reduce_max3A_298, %reduce_max3A_296 : vector<16xi32>
    %reduce_max3A_300 = vector.extract %reduce_max3A_299[15] : i32 from vector<16xi32>
    %dma_start3A_301 = arith.constant 0 : i32
    %dma_start3A_302 = arith.constant 1 : i32
    %dma_start3A_303 = arith.constant 0 : i32
    %dma_start3A_304 = tpu.memref_slice %arg8[%dma_start3A_301, %dma_start3A_302, %dma_start3A_303] : memref<33x4x256xf32, #tpu.memory_space<vmem>> -> memref<33x1x256xf32, #tpu.memory_space<vmem>>
    %dma_start3A_305 = arith.constant 0 : i32
    %dma_start3A_306 = arith.constant 0 : i32
    %dma_start3A_307 = tpu.memref_slice %arg2[%dma_start3A_305, %reduce_max3A_300, %dma_start3A_306] : memref<33x8192x256xf32, #tpu.memory_space<hbm>> -> memref<33x1x256xf32, #tpu.memory_space<hbm>>
    %dma_start3A_308 = arith.constant 0 : i32
    %dma_start3A_309 = arith.constant 1 : i32
    %dma_start3A_310 = arith.constant 0 : i32
    %dma_start3A_311 = tpu.memref_slice %arg8[%dma_start3A_308, %dma_start3A_309, %dma_start3A_310] : memref<33x4x256xf32, #tpu.memory_space<vmem>> -> memref<33x1x256xf32, #tpu.memory_space<vmem>>
    %dma_start3A_312 = arith.constant 0 : i32
    %dma_start3A_313 = arith.constant 0 : i32
    %dma_start3A_314 = tpu.memref_slice %arg2[%dma_start3A_312, %reduce_max3A_300, %dma_start3A_313] : memref<33x8192x256xf32, #tpu.memory_space<hbm>> -> memref<33x1x256xf32, #tpu.memory_space<hbm>>
    tpu.enqueue_dma source(%dma_start3A_314 : memref<33x1x256xf32, #tpu.memory_space<hbm>>) target(%dma_start3A_311 : memref<33x1x256xf32, #tpu.memory_space<vmem>>) target_semaphore(%arg11 : memref<!tpu.dma_semaphore, #tpu.memory_space<semaphore_mem>>)
    %get3A_315 = arith.constant 0 : index
    %get3A_316 = tpu.vector_load %arg5[%get3A_315] {strides = array<i32>} : memref<64xi32, #tpu.memory_space<vmem>>, vector<16xi32>,
    %eq3A_317 = arith.constant 10 : i32
    %eq3A_318 = vector.broadcast %eq3A_317 : i32 to vector<16xi32>
    %eq3A_319 = arith.cmpi eq, %iota3A, %eq3A_318 : vector<16xi32>
    %jit3A_320 = arith.constant 0 : i32
    %broadcast_in_dim3A_321 = vector.broadcast %jit3A_320 : i32 to vector<16xi32>
    %select_n3A_322 = arith.select %eq3A_319, %get3A_316, %broadcast_in_dim3A_321 : vector<16xi1>, vector<16xi32>
    %reduce_max3A_323 = arith.constant true
    %reduce_max3A_324 = vector.broadcast %reduce_max3A_323 : i1 to vector<16xi1>
    %reduce_max3A_325 = arith.constant -2147483648 : i32
    %reduce_max3A_326 = vector.broadcast %reduce_max3A_325 : i32 to vector<16xi32>
    %reduce_max3A_327 = arith.xori %select_n3A_322, %reduce_max3A_326 : vector<16xi32>
    %reduce_max3A_328 = tpu.scan <max>, %reduce_max3A_327 masked %reduce_max3A_324 : vector<16xi32>, vector<16xi1> -> vector<16xi32>
    %reduce_max3A_329 = arith.xori %reduce_max3A_328, %reduce_max3A_326 : vector<16xi32>
    %reduce_max3A_330 = vector.extract %reduce_max3A_329[15] : i32 from vector<16xi32>
    %dma_start3A_331 = arith.constant 0 : i32
    %dma_start3A_332 = arith.constant 2 : i32
    %dma_start3A_333 = arith.constant 0 : i32
    %dma_start3A_334 = tpu.memref_slice %arg8[%dma_start3A_331, %dma_start3A_332, %dma_start3A_333] : memref<33x4x256xf32, #tpu.memory_space<vmem>> -> memref<33x1x256xf32, #tpu.memory_space<vmem>>
    %dma_start3A_335 = arith.constant 0 : i32
    %dma_start3A_336 = arith.constant 0 : i32
    %dma_start3A_337 = tpu.memref_slice %arg2[%dma_start3A_335, %reduce_max3A_330, %dma_start3A_336] : memref<33x8192x256xf32, #tpu.memory_space<hbm>> -> memref<33x1x256xf32, #tpu.memory_space<hbm>>
    %dma_start3A_338 = arith.constant 0 : i32
    %dma_start3A_339 = arith.constant 2 : i32
    %dma_start3A_340 = arith.constant 0 : i32
    %dma_start3A_341 = tpu.memref_slice %arg8[%dma_start3A_338, %dma_start3A_339, %dma_start3A_340] : memref<33x4x256xf32, #tpu.memory_space<vmem>> -> memref<33x1x256xf32, #tpu.memory_space<vmem>>
    %dma_start3A_342 = arith.constant 0 : i32
    %dma_start3A_343 = arith.constant 0 : i32
    %dma_start3A_344 = tpu.memref_slice %arg2[%dma_start3A_342, %reduce_max3A_330, %dma_start3A_343] : memref<33x8192x256xf32, #tpu.memory_space<hbm>> -> memref<33x1x256xf32, #tpu.memory_space<hbm>>
    tpu.enqueue_dma source(%dma_start3A_344 : memref<33x1x256xf32, #tpu.memory_space<hbm>>) target(%dma_start3A_341 : memref<33x1x256xf32, #tpu.memory_space<vmem>>) target_semaphore(%arg11 : memref<!tpu.dma_semaphore, #tpu.memory_space<semaphore_mem>>)
    %get3A_345 = arith.constant 0 : index
    %get3A_346 = tpu.vector_load %arg5[%get3A_345] {strides = array<i32>} : memref<64xi32, #tpu.memory_space<vmem>>, vector<16xi32>,
    %eq3A_347 = arith.constant 11 : i32
    %eq3A_348 = vector.broadcast %eq3A_347 : i32 to vector<16xi32>
    %eq3A_349 = arith.cmpi eq, %iota3A, %eq3A_348 : vector<16xi32>
    %jit3A_350 = arith.constant 0 : i32
    %broadcast_in_dim3A_351 = vector.broadcast %jit3A_350 : i32 to vector<16xi32>
    %select_n3A_352 = arith.select %eq3A_349, %get3A_346, %broadcast_in_dim3A_351 : vector<16xi1>, vector<16xi32>
    %reduce_max3A_353 = arith.constant true
    %reduce_max3A_354 = vector.broadcast %reduce_max3A_353 : i1 to vector<16xi1>
    %reduce_max3A_355 = arith.constant -2147483648 : i32
    %reduce_max3A_356 = vector.broadcast %reduce_max3A_355 : i32 to vector<16xi32>
    %reduce_max3A_357 = arith.xori %select_n3A_352, %reduce_max3A_356 : vector<16xi32>
    %reduce_max3A_358 = tpu.scan <max>, %reduce_max3A_357 masked %reduce_max3A_354 : vector<16xi32>, vector<16xi1> -> vector<16xi32>
    %reduce_max3A_359 = arith.xori %reduce_max3A_358, %reduce_max3A_356 : vector<16xi32>
    %reduce_max3A_360 = vector.extract %reduce_max3A_359[15] : i32 from vector<16xi32>
    %dma_start3A_361 = arith.constant 0 : i32
    %dma_start3A_362 = arith.constant 3 : i32
    %dma_start3A_363 = arith.constant 0 : i32
    %dma_start3A_364 = tpu.memref_slice %arg8[%dma_start3A_361, %dma_start3A_362, %dma_start3A_363] : memref<33x4x256xf32, #tpu.memory_space<vmem>> -> memref<33x1x256xf32, #tpu.memory_space<vmem>>
    %dma_start3A_365 = arith.constant 0 : i32
    %dma_start3A_366 = arith.constant 0 : i32
    %dma_start3A_367 = tpu.memref_slice %arg2[%dma_start3A_365, %reduce_max3A_360, %dma_start3A_366] : memref<33x8192x256xf32, #tpu.memory_space<hbm>> -> memref<33x1x256xf32, #tpu.memory_space<hbm>>
    %dma_start3A_368 = arith.constant 0 : i32
    %dma_start3A_369 = arith.constant 3 : i32
    %dma_start3A_370 = arith.constant 0 : i32
    %dma_start3A_371 = tpu.memref_slice %arg8[%dma_start3A_368, %dma_start3A_369, %dma_start3A_370] : memref<33x4x256xf32, #tpu.memory_space<vmem>> -> memref<33x1x256xf32, #tpu.memory_space<vmem>>
    %dma_start3A_372 = arith.constant 0 : i32
    %dma_start3A_373 = arith.constant 0 : i32
    %dma_start3A_374 = tpu.memref_slice %arg2[%dma_start3A_372, %reduce_max3A_360, %dma_start3A_373] : memref<33x8192x256xf32, #tpu.memory_space<hbm>> -> memref<33x1x256xf32, #tpu.memory_space<hbm>>
    tpu.enqueue_dma source(%dma_start3A_374 : memref<33x1x256xf32, #tpu.memory_space<hbm>>) target(%dma_start3A_371 : memref<33x1x256xf32, #tpu.memory_space<vmem>>) target_semaphore(%arg11 : memref<!tpu.dma_semaphore, #tpu.memory_space<semaphore_mem>>)
    %dma_wait3A_375 = arith.constant 0 : i32
    %dma_wait3A_376 = arith.constant 0 : i32
    %dma_wait3A_377 = arith.constant 0 : i32
    %dma_wait3A_378 = tpu.memref_slice %arg2[%dma_wait3A_375, %dma_wait3A_376, %dma_wait3A_377] : memref<33x8192x256xf32, #tpu.memory_space<hbm>> -> memref<33x4x256xf32, #tpu.memory_space<hbm>>
    %dma_wait3A_379 = arith.constant 0 : i32
    %dma_wait3A_380 = arith.constant 0 : i32
    %dma_wait3A_381 = arith.constant 0 : i32
    %dma_wait3A_382 = tpu.memref_slice %arg2[%dma_wait3A_379, %dma_wait3A_380, %dma_wait3A_381] : memref<33x8192x256xf32, #tpu.memory_space<hbm>> -> memref<33x4x256xf32, #tpu.memory_space<hbm>>
    tpu.wait_dma2 semaphore(%arg10 : memref<!tpu.dma_semaphore, #tpu.memory_space<semaphore_mem>>) src(%dma_wait3A_382 : memref<33x4x256xf32, #tpu.memory_space<hbm>>) dst(%arg7 : memref<33x4x256xf32, #tpu.memory_space<vmem>>)
    %add3A_383 = arith.constant 0 : i32
    %add3A_384 = arith.addi %mul3A_2, %add3A_383 : i32
    %dma_start3A_385 = arith.constant 0 : i32
    %dma_start3A_386 = arith.constant 4 : i32
    %dma_start3A_387 = arith.constant 0 : i32
    %dma_start3A_388 = tpu.memref_slice %arg4[%add3A_384, %dma_start3A_385, %dma_start3A_386, %dma_start3A_387] : memref<256x33x8x256xf32, #tpu.memory_space<hbm>> -> memref<1x33x4x256xf32, #tpu.memory_space<hbm>>
    %dma_start3A_389 = tpu.memref_squeeze %dma_start3A_388 : memref<1x33x4x256xf32, #tpu.memory_space<hbm>> -> memref<33x4x256xf32, #tpu.memory_space<hbm>>
    %dma_start3A_390 = arith.constant 0 : i32
    %dma_start3A_391 = arith.constant 4 : i32
    %dma_start3A_392 = arith.constant 0 : i32
    %dma_start3A_393 = tpu.memref_slice %arg4[%add3A_384, %dma_start3A_390, %dma_start3A_391, %dma_start3A_392] : memref<256x33x8x256xf32, #tpu.memory_space<hbm>> -> memref<1x33x4x256xf32, #tpu.memory_space<hbm>>
    %dma_start3A_394 = tpu.memref_squeeze %dma_start3A_393 : memref<1x33x4x256xf32, #tpu.memory_space<hbm>> -> memref<33x4x256xf32, #tpu.memory_space<hbm>>
    tpu.enqueue_dma source(%arg7 : memref<33x4x256xf32, #tpu.memory_space<vmem>>) target(%dma_start3A_394 : memref<33x4x256xf32, #tpu.memory_space<hbm>>) target_semaphore(%arg13 : memref<!tpu.dma_semaphore, #tpu.memory_space<semaphore_mem>>)
    %dma_wait3A_395 = arith.constant 0 : i32
    %dma_wait3A_396 = arith.constant 0 : i32
    %dma_wait3A_397 = arith.constant 0 : i32
    %dma_wait3A_398 = tpu.memref_slice %arg4[%mul3A_2, %dma_wait3A_395, %dma_wait3A_396, %dma_wait3A_397] : memref<256x33x8x256xf32, #tpu.memory_space<hbm>> -> memref<1x33x4x256xf32, #tpu.memory_space<hbm>>
    %dma_wait3A_399 = tpu.memref_squeeze %dma_wait3A_398 : memref<1x33x4x256xf32, #tpu.memory_space<hbm>> -> memref<33x4x256xf32, #tpu.memory_space<hbm>>
    %dma_wait3A_400 = arith.constant 0 : i32
    %dma_wait3A_401 = arith.constant 0 : i32
    %dma_wait3A_402 = arith.constant 0 : i32
    %dma_wait3A_403 = tpu.memref_slice %arg4[%mul3A_2, %dma_wait3A_400, %dma_wait3A_401, %dma_wait3A_402] : memref<256x33x8x256xf32, #tpu.memory_space<hbm>> -> memref<1x33x4x256xf32, #tpu.memory_space<hbm>>
    %dma_wait3A_404 = tpu.memref_squeeze %dma_wait3A_403 : memref<1x33x4x256xf32, #tpu.memory_space<hbm>> -> memref<33x4x256xf32, #tpu.memory_space<hbm>>
    tpu.wait_dma2 semaphore(%arg12 : memref<!tpu.dma_semaphore, #tpu.memory_space<semaphore_mem>>) src(%arg6 : memref<33x4x256xf32, #tpu.memory_space<vmem>>) dst(%dma_wait3A_404 : memref<33x4x256xf32, #tpu.memory_space<hbm>>)
    %get3A_405 = arith.constant 0 : index
    %get3A_406 = tpu.vector_load %arg5[%get3A_405] {strides = array<i32>} : memref<64xi32, #tpu.memory_space<vmem>>, vector<16xi32>,
    %eq3A_407 = arith.constant 12 : i32
    %eq3A_408 = vector.broadcast %eq3A_407 : i32 to vector<16xi32>
    %eq3A_409 = arith.cmpi eq, %iota3A, %eq3A_408 : vector<16xi32>
    %jit3A_410 = arith.constant 0 : i32
    %broadcast_in_dim3A_411 = vector.broadcast %jit3A_410 : i32 to vector<16xi32>
    %select_n3A_412 = arith.select %eq3A_409, %get3A_406, %broadcast_in_dim3A_411 : vector<16xi1>, vector<16xi32>
    %reduce_max3A_413 = arith.constant true
    %reduce_max3A_414 = vector.broadcast %reduce_max3A_413 : i1 to vector<16xi1>
    %reduce_max3A_415 = arith.constant -2147483648 : i32
    %reduce_max3A_416 = vector.broadcast %reduce_max3A_415 : i32 to vector<16xi32>
    %reduce_max3A_417 = arith.xori %select_n3A_412, %reduce_max3A_416 : vector<16xi32>
    %reduce_max3A_418 = tpu.scan <max>, %reduce_max3A_417 masked %reduce_max3A_414 : vector<16xi32>, vector<16xi1> -> vector<16xi32>
    %reduce_max3A_419 = arith.xori %reduce_max3A_418, %reduce_max3A_416 : vector<16xi32>
    %reduce_max3A_420 = vector.extract %reduce_max3A_419[15] : i32 from vector<16xi32>
    %dma_start3A_421 = arith.constant 0 : i32
    %dma_start3A_422 = arith.constant 0 : i32
    %dma_start3A_423 = arith.constant 0 : i32
    %dma_start3A_424 = tpu.memref_slice %arg6[%dma_start3A_421, %dma_start3A_422, %dma_start3A_423] : memref<33x4x256xf32, #tpu.memory_space<vmem>> -> memref<33x1x256xf32, #tpu.memory_space<vmem>>
    %dma_start3A_425 = arith.constant 0 : i32
    %dma_start3A_426 = arith.constant 0 : i32
    %dma_start3A_427 = tpu.memref_slice %arg2[%dma_start3A_425, %reduce_max3A_420, %dma_start3A_426] : memref<33x8192x256xf32, #tpu.memory_space<hbm>> -> memref<33x1x256xf32, #tpu.memory_space<hbm>>
    %dma_start3A_428 = arith.constant 0 : i32
    %dma_start3A_429 = arith.constant 0 : i32
    %dma_start3A_430 = arith.constant 0 : i32
    %dma_start3A_431 = tpu.memref_slice %arg6[%dma_start3A_428, %dma_start3A_429, %dma_start3A_430] : memref<33x4x256xf32, #tpu.memory_space<vmem>> -> memref<33x1x256xf32, #tpu.memory_space<vmem>>
    %dma_start3A_432 = arith.constant 0 : i32
    %dma_start3A_433 = arith.constant 0 : i32
    %dma_start3A_434 = tpu.memref_slice %arg2[%dma_start3A_432, %reduce_max3A_420, %dma_start3A_433] : memref<33x8192x256xf32, #tpu.memory_space<hbm>> -> memref<33x1x256xf32, #tpu.memory_space<hbm>>
    tpu.enqueue_dma source(%dma_start3A_434 : memref<33x1x256xf32, #tpu.memory_space<hbm>>) target(%dma_start3A_431 : memref<33x1x256xf32, #tpu.memory_space<vmem>>) target_semaphore(%arg9 : memref<!tpu.dma_semaphore, #tpu.memory_space<semaphore_mem>>)
    %get3A_435 = arith.constant 0 : index
    %get3A_436 = tpu.vector_load %arg5[%get3A_435] {strides = array<i32>} : memref<64xi32, #tpu.memory_space<vmem>>, vector<16xi32>,
    %eq3A_437 = arith.constant 13 : i32
    %eq3A_438 = vector.broadcast %eq3A_437 : i32 to vector<16xi32>
    %eq3A_439 = arith.cmpi eq, %iota3A, %eq3A_438 : vector<16xi32>
    %jit3A_440 = arith.constant 0 : i32
    %broadcast_in_dim3A_441 = vector.broadcast %jit3A_440 : i32 to vector<16xi32>
    %select_n3A_442 = arith.select %eq3A_439, %get3A_436, %broadcast_in_dim3A_441 : vector<16xi1>, vector<16xi32>
    %reduce_max3A_443 = arith.constant true
    %reduce_max3A_444 = vector.broadcast %reduce_max3A_443 : i1 to vector<16xi1>
    %reduce_max3A_445 = arith.constant -2147483648 : i32
    %reduce_max3A_446 = vector.broadcast %reduce_max3A_445 : i32 to vector<16xi32>
    %reduce_max3A_447 = arith.xori %select_n3A_442, %reduce_max3A_446 : vector<16xi32>
    %reduce_max3A_448 = tpu.scan <max>, %reduce_max3A_447 masked %reduce_max3A_444 : vector<16xi32>, vector<16xi1> -> vector<16xi32>
    %reduce_max3A_449 = arith.xori %reduce_max3A_448, %reduce_max3A_446 : vector<16xi32>
    %reduce_max3A_450 = vector.extract %reduce_max3A_449[15] : i32 from vector<16xi32>
    %dma_start3A_451 = arith.constant 0 : i32
    %dma_start3A_452 = arith.constant 1 : i32
    %dma_start3A_453 = arith.constant 0 : i32
    %dma_start3A_454 = tpu.memref_slice %arg6[%dma_start3A_451, %dma_start3A_452, %dma_start3A_453] : memref<33x4x256xf32, #tpu.memory_space<vmem>> -> memref<33x1x256xf32, #tpu.memory_space<vmem>>
    %dma_start3A_455 = arith.constant 0 : i32
    %dma_start3A_456 = arith.constant 0 : i32
    %dma_start3A_457 = tpu.memref_slice %arg2[%dma_start3A_455, %reduce_max3A_450, %dma_start3A_456] : memref<33x8192x256xf32, #tpu.memory_space<hbm>> -> memref<33x1x256xf32, #tpu.memory_space<hbm>>
    %dma_start3A_458 = arith.constant 0 : i32
    %dma_start3A_459 = arith.constant 1 : i32
    %dma_start3A_460 = arith.constant 0 : i32
    %dma_start3A_461 = tpu.memref_slice %arg6[%dma_start3A_458, %dma_start3A_459, %dma_start3A_460] : memref<33x4x256xf32, #tpu.memory_space<vmem>> -> memref<33x1x256xf32, #tpu.memory_space<vmem>>
    %dma_start3A_462 = arith.constant 0 : i32
    %dma_start3A_463 = arith.constant 0 : i32
    %dma_start3A_464 = tpu.memref_slice %arg2[%dma_start3A_462, %reduce_max3A_450, %dma_start3A_463] : memref<33x8192x256xf32, #tpu.memory_space<hbm>> -> memref<33x1x256xf32, #tpu.memory_space<hbm>>
    tpu.enqueue_dma source(%dma_start3A_464 : memref<33x1x256xf32, #tpu.memory_space<hbm>>) target(%dma_start3A_461 : memref<33x1x256xf32, #tpu.memory_space<vmem>>) target_semaphore(%arg9 : memref<!tpu.dma_semaphore, #tpu.memory_space<semaphore_mem>>)
    %get3A_465 = arith.constant 0 : index
    %get3A_466 = tpu.vector_load %arg5[%get3A_465] {strides = array<i32>} : memref<64xi32, #tpu.memory_space<vmem>>, vector<16xi32>,
    %eq3A_467 = arith.constant 14 : i32
    %eq3A_468 = vector.broadcast %eq3A_467 : i32 to vector<16xi32>
    %eq3A_469 = arith.cmpi eq, %iota3A, %eq3A_468 : vector<16xi32>
    %jit3A_470 = arith.constant 0 : i32
    %broadcast_in_dim3A_471 = vector.broadcast %jit3A_470 : i32 to vector<16xi32>
    %select_n3A_472 = arith.select %eq3A_469, %get3A_466, %broadcast_in_dim3A_471 : vector<16xi1>, vector<16xi32>
    %reduce_max3A_473 = arith.constant true
    %reduce_max3A_474 = vector.broadcast %reduce_max3A_473 : i1 to vector<16xi1>
    %reduce_max3A_475 = arith.constant -2147483648 : i32
    %reduce_max3A_476 = vector.broadcast %reduce_max3A_475 : i32 to vector<16xi32>
    %reduce_max3A_477 = arith.xori %select_n3A_472, %reduce_max3A_476 : vector<16xi32>
    %reduce_max3A_478 = tpu.scan <max>, %reduce_max3A_477 masked %reduce_max3A_474 : vector<16xi32>, vector<16xi1> -> vector<16xi32>
    %reduce_max3A_479 = arith.xori %reduce_max3A_478, %reduce_max3A_476 : vector<16xi32>
    %reduce_max3A_480 = vector.extract %reduce_max3A_479[15] : i32 from vector<16xi32>
    %dma_start3A_481 = arith.constant 0 : i32
    %dma_start3A_482 = arith.constant 2 : i32
    %dma_start3A_483 = arith.constant 0 : i32
    %dma_start3A_484 = tpu.memref_slice %arg6[%dma_start3A_481, %dma_start3A_482, %dma_start3A_483] : memref<33x4x256xf32, #tpu.memory_space<vmem>> -> memref<33x1x256xf32, #tpu.memory_space<vmem>>
    %dma_start3A_485 = arith.constant 0 : i32
    %dma_start3A_486 = arith.constant 0 : i32
    %dma_start3A_487 = tpu.memref_slice %arg2[%dma_start3A_485, %reduce_max3A_480, %dma_start3A_486] : memref<33x8192x256xf32, #tpu.memory_space<hbm>> -> memref<33x1x256xf32, #tpu.memory_space<hbm>>
    %dma_start3A_488 = arith.constant 0 : i32
    %dma_start3A_489 = arith.constant 2 : i32
    %dma_start3A_490 = arith.constant 0 : i32
    %dma_start3A_491 = tpu.memref_slice %arg6[%dma_start3A_488, %dma_start3A_489, %dma_start3A_490] : memref<33x4x256xf32, #tpu.memory_space<vmem>> -> memref<33x1x256xf32, #tpu.memory_space<vmem>>
    %dma_start3A_492 = arith.constant 0 : i32
    %dma_start3A_493 = arith.constant 0 : i32
    %dma_start3A_494 = tpu.memref_slice %arg2[%dma_start3A_492, %reduce_max3A_480, %dma_start3A_493] : memref<33x8192x256xf32, #tpu.memory_space<hbm>> -> memref<33x1x256xf32, #tpu.memory_space<hbm>>
    tpu.enqueue_dma source(%dma_start3A_494 : memref<33x1x256xf32, #tpu.memory_space<hbm>>) target(%dma_start3A_491 : memref<33x1x256xf32, #tpu.memory_space<vmem>>) target_semaphore(%arg9 : memref<!tpu.dma_semaphore, #tpu.memory_space<semaphore_mem>>)
    %get3A_495 = arith.constant 0 : index
    %get3A_496 = tpu.vector_load %arg5[%get3A_495] {strides = array<i32>} : memref<64xi32, #tpu.memory_space<vmem>>, vector<16xi32>,
    %eq3A_497 = arith.constant 15 : i32
    %eq3A_498 = vector.broadcast %eq3A_497 : i32 to vector<16xi32>
    %eq3A_499 = arith.cmpi eq, %iota3A, %eq3A_498 : vector<16xi32>
    %jit3A_500 = arith.constant 0 : i32
    %broadcast_in_dim3A_501 = vector.broadcast %jit3A_500 : i32 to vector<16xi32>
    %select_n3A_502 = arith.select %eq3A_499, %get3A_496, %broadcast_in_dim3A_501 : vector<16xi1>, vector<16xi32>
    %reduce_max3A_503 = arith.constant true
    %reduce_max3A_504 = vector.broadcast %reduce_max3A_503 : i1 to vector<16xi1>
    %reduce_max3A_505 = arith.constant -2147483648 : i32
    %reduce_max3A_506 = vector.broadcast %reduce_max3A_505 : i32 to vector<16xi32>
    %reduce_max3A_507 = arith.xori %select_n3A_502, %reduce_max3A_506 : vector<16xi32>
    %reduce_max3A_508 = tpu.scan <max>, %reduce_max3A_507 masked %reduce_max3A_504 : vector<16xi32>, vector<16xi1> -> vector<16xi32>
    %reduce_max3A_509 = arith.xori %reduce_max3A_508, %reduce_max3A_506 : vector<16xi32>
    %reduce_max3A_510 = vector.extract %reduce_max3A_509[15] : i32 from vector<16xi32>
    %dma_start3A_511 = arith.constant 0 : i32
    %dma_start3A_512 = arith.constant 3 : i32
    %dma_start3A_513 = arith.constant 0 : i32
    %dma_start3A_514 = tpu.memref_slice %arg6[%dma_start3A_511, %dma_start3A_512, %dma_start3A_513] : memref<33x4x256xf32, #tpu.memory_space<vmem>> -> memref<33x1x256xf32, #tpu.memory_space<vmem>>
    %dma_start3A_515 = arith.constant 0 : i32
    %dma_start3A_516 = arith.constant 0 : i32
    %dma_start3A_517 = tpu.memref_slice %arg2[%dma_start3A_515, %reduce_max3A_510, %dma_start3A_516] : memref<33x8192x256xf32, #tpu.memory_space<hbm>> -> memref<33x1x256xf32, #tpu.memory_space<hbm>>
    %dma_start3A_518 = arith.constant 0 : i32
    %dma_start3A_519 = arith.constant 3 : i32
    %dma_start3A_520 = arith.constant 0 : i32
    %dma_start3A_521 = tpu.memref_slice %arg6[%dma_start3A_518, %dma_start3A_519, %dma_start3A_520] : memref<33x4x256xf32, #tpu.memory_space<vmem>> -> memref<33x1x256xf32, #tpu.memory_space<vmem>>
    %dma_start3A_522 = arith.constant 0 : i32
    %dma_start3A_523 = arith.constant 0 : i32
    %dma_start3A_524 = tpu.memref_slice %arg2[%dma_start3A_522, %reduce_max3A_510, %dma_start3A_523] : memref<33x8192x256xf32, #tpu.memory_space<hbm>> -> memref<33x1x256xf32, #tpu.memory_space<hbm>>
    tpu.enqueue_dma source(%dma_start3A_524 : memref<33x1x256xf32, #tpu.memory_space<hbm>>) target(%dma_start3A_521 : memref<33x1x256xf32, #tpu.memory_space<vmem>>) target_semaphore(%arg9 : memref<!tpu.dma_semaphore, #tpu.memory_space<semaphore_mem>>)
    %dma_wait3A_525 = arith.constant 0 : i32
    %dma_wait3A_526 = arith.constant 0 : i32
    %dma_wait3A_527 = arith.constant 0 : i32
    %dma_wait3A_528 = tpu.memref_slice %arg2[%dma_wait3A_525, %dma_wait3A_526, %dma_wait3A_527] : memref<33x8192x256xf32, #tpu.memory_space<hbm>> -> memref<33x4x256xf32, #tpu.memory_space<hbm>>
    %dma_wait3A_529 = arith.constant 0 : i32
    %dma_wait3A_530 = arith.constant 0 : i32
    %dma_wait3A_531 = arith.constant 0 : i32
    %dma_wait3A_532 = tpu.memref_slice %arg2[%dma_wait3A_529, %dma_wait3A_530, %dma_wait3A_531] : memref<33x8192x256xf32, #tpu.memory_space<hbm>> -> memref<33x4x256xf32, #tpu.memory_space<hbm>>
    tpu.wait_dma2 semaphore(%arg11 : memref<!tpu.dma_semaphore, #tpu.memory_space<semaphore_mem>>) src(%dma_wait3A_532 : memref<33x4x256xf32, #tpu.memory_space<hbm>>) dst(%arg8 : memref<33x4x256xf32, #tpu.memory_space<vmem>>)
    %add3A_533 = arith.constant 1 : i32
    %add3A_534 = arith.addi %mul3A_2, %add3A_533 : i32
    %dma_start3A_535 = arith.constant 0 : i32
    %dma_start3A_536 = arith.constant 0 : i32
    %dma_start3A_537 = arith.constant 0 : i32
    %dma_start3A_538 = tpu.memref_slice %arg4[%add3A_534, %dma_start3A_535, %dma_start3A_536, %dma_start3A_537] : memref<256x33x8x256xf32, #tpu.memory_space<hbm>> -> memref<1x33x4x256xf32, #tpu.memory_space<hbm>>
    %dma_start3A_539 = tpu.memref_squeeze %dma_start3A_538 : memref<1x33x4x256xf32, #tpu.memory_space<hbm>> -> memref<33x4x256xf32, #tpu.memory_space<hbm>>
    %dma_start3A_540 = arith.constant 0 : i32
    %dma_start3A_541 = arith.constant 0 : i32
    %dma_start3A_542 = arith.constant 0 : i32
    %dma_start3A_543 = tpu.memref_slice %arg4[%add3A_534, %dma_start3A_540, %dma_start3A_541, %dma_start3A_542] : memref<256x33x8x256xf32, #tpu.memory_space<hbm>> -> memref<1x33x4x256xf32, #tpu.memory_space<hbm>>
    %dma_start3A_544 = tpu.memref_squeeze %dma_start3A_543 : memref<1x33x4x256xf32, #tpu.memory_space<hbm>> -> memref<33x4x256xf32, #tpu.memory_space<hbm>>
    tpu.enqueue_dma source(%arg8 : memref<33x4x256xf32, #tpu.memory_space<vmem>>) target(%dma_start3A_544 : memref<33x4x256xf32, #tpu.memory_space<hbm>>) target_semaphore(%arg14 : memref<!tpu.dma_semaphore, #tpu.memory_space<semaphore_mem>>)
    %dma_wait3A_545 = arith.constant 0 : i32
    %dma_wait3A_546 = arith.constant 0 : i32
    %dma_wait3A_547 = arith.constant 0 : i32
    %dma_wait3A_548 = tpu.memref_slice %arg4[%mul3A_2, %dma_wait3A_545, %dma_wait3A_546, %dma_wait3A_547] : memref<256x33x8x256xf32, #tpu.memory_space<hbm>> -> memref<1x33x4x256xf32, #tpu.memory_space<hbm>>
    %dma_wait3A_549 = tpu.memref_squeeze %dma_wait3A_548 : memref<1x33x4x256xf32, #tpu.memory_space<hbm>> -> memref<33x4x256xf32, #tpu.memory_space<hbm>>
    %dma_wait3A_550 = arith.constant 0 : i32
    %dma_wait3A_551 = arith.constant 0 : i32
    %dma_wait3A_552 = arith.constant 0 : i32
    %dma_wait3A_553 = tpu.memref_slice %arg4[%mul3A_2, %dma_wait3A_550, %dma_wait3A_551, %dma_wait3A_552] : memref<256x33x8x256xf32, #tpu.memory_space<hbm>> -> memref<1x33x4x256xf32, #tpu.memory_space<hbm>>
    %dma_wait3A_554 = tpu.memref_squeeze %dma_wait3A_553 : memref<1x33x4x256xf32, #tpu.memory_space<hbm>> -> memref<33x4x256xf32, #tpu.memory_space<hbm>>
    tpu.wait_dma2 semaphore(%arg13 : memref<!tpu.dma_semaphore, #tpu.memory_space<semaphore_mem>>) src(%arg7 : memref<33x4x256xf32, #tpu.memory_space<vmem>>) dst(%dma_wait3A_554 : memref<33x4x256xf32, #tpu.memory_space<hbm>>)
    %get3A_555 = arith.constant 16 : index
    %get3A_556 = tpu.vector_load %arg5[%get3A_555] {strides = array<i32>} : memref<64xi32, #tpu.memory_space<vmem>>, vector<16xi32>,
    %eq3A_557 = arith.constant 0 : i32
    %eq3A_558 = vector.broadcast %eq3A_557 : i32 to vector<16xi32>
    %eq3A_559 = arith.cmpi eq, %iota3A, %eq3A_558 : vector<16xi32>
    %jit3A_560 = arith.constant 0 : i32
    %broadcast_in_dim3A_561 = vector.broadcast %jit3A_560 : i32 to vector<16xi32>
    %select_n3A_562 = arith.select %eq3A_559, %get3A_556, %broadcast_in_dim3A_561 : vector<16xi1>, vector<16xi32>
    %reduce_max3A_563 = arith.constant true
    %reduce_max3A_564 = vector.broadcast %reduce_max3A_563 : i1 to vector<16xi1>
    %reduce_max3A_565 = arith.constant -2147483648 : i32
    %reduce_max3A_566 = vector.broadcast %reduce_max3A_565 : i32 to vector<16xi32>
    %reduce_max3A_567 = arith.xori %select_n3A_562, %reduce_max3A_566 : vector<16xi32>
    %reduce_max3A_568 = tpu.scan <max>, %reduce_max3A_567 masked %reduce_max3A_564 : vector<16xi32>, vector<16xi1> -> vector<16xi32>
    %reduce_max3A_569 = arith.xori %reduce_max3A_568, %reduce_max3A_566 : vector<16xi32>
    %reduce_max3A_570 = vector.extract %reduce_max3A_569[15] : i32 from vector<16xi32>
    %dma_start3A_571 = arith.constant 0 : i32
    %dma_start3A_572 = arith.constant 0 : i32
    %dma_start3A_573 = arith.constant 0 : i32
    %dma_start3A_574 = tpu.memref_slice %arg7[%dma_start3A_571, %dma_start3A_572, %dma_start3A_573] : memref<33x4x256xf32, #tpu.memory_space<vmem>> -> memref<33x1x256xf32, #tpu.memory_space<vmem>>
    %dma_start3A_575 = arith.constant 0 : i32
    %dma_start3A_576 = arith.constant 0 : i32
    %dma_start3A_577 = tpu.memref_slice %arg2[%dma_start3A_575, %reduce_max3A_570, %dma_start3A_576] : memref<33x8192x256xf32, #tpu.memory_space<hbm>> -> memref<33x1x256xf32, #tpu.memory_space<hbm>>
    %dma_start3A_578 = arith.constant 0 : i32
    %dma_start3A_579 = arith.constant 0 : i32
    %dma_start3A_580 = arith.constant 0 : i32
    %dma_start3A_581 = tpu.memref_slice %arg7[%dma_start3A_578, %dma_start3A_579, %dma_start3A_580] : memref<33x4x256xf32, #tpu.memory_space<vmem>> -> memref<33x1x256xf32, #tpu.memory_space<vmem>>
    %dma_start3A_582 = arith.constant 0 : i32
    %dma_start3A_583 = arith.constant 0 : i32
    %dma_start3A_584 = tpu.memref_slice %arg2[%dma_start3A_582, %reduce_max3A_570, %dma_start3A_583] : memref<33x8192x256xf32, #tpu.memory_space<hbm>> -> memref<33x1x256xf32, #tpu.memory_space<hbm>>
    tpu.enqueue_dma source(%dma_start3A_584 : memref<33x1x256xf32, #tpu.memory_space<hbm>>) target(%dma_start3A_581 : memref<33x1x256xf32, #tpu.memory_space<vmem>>) target_semaphore(%arg10 : memref<!tpu.dma_semaphore, #tpu.memory_space<semaphore_mem>>)
    %get3A_585 = arith.constant 16 : index
    %get3A_586 = tpu.vector_load %arg5[%get3A_585] {strides = array<i32>} : memref<64xi32, #tpu.memory_space<vmem>>, vector<16xi32>,
    %eq3A_587 = arith.constant 1 : i32
    %eq3A_588 = vector.broadcast %eq3A_587 : i32 to vector<16xi32>
    %eq3A_589 = arith.cmpi eq, %iota3A, %eq3A_588 : vector<16xi32>
    %jit3A_590 = arith.constant 0 : i32
    %broadcast_in_dim3A_591 = vector.broadcast %jit3A_590 : i32 to vector<16xi32>
    %select_n3A_592 = arith.select %eq3A_589, %get3A_586, %broadcast_in_dim3A_591 : vector<16xi1>, vector<16xi32>
    %reduce_max3A_593 = arith.constant true
    %reduce_max3A_594 = vector.broadcast %reduce_max3A_593 : i1 to vector<16xi1>
    %reduce_max3A_595 = arith.constant -2147483648 : i32
    %reduce_max3A_596 = vector.broadcast %reduce_max3A_595 : i32 to vector<16xi32>
    %reduce_max3A_597 = arith.xori %select_n3A_592, %reduce_max3A_596 : vector<16xi32>
    %reduce_max3A_598 = tpu.scan <max>, %reduce_max3A_597 masked %reduce_max3A_594 : vector<16xi32>, vector<16xi1> -> vector<16xi32>
    %reduce_max3A_599 = arith.xori %reduce_max3A_598, %reduce_max3A_596 : vector<16xi32>
    %reduce_max3A_600 = vector.extract %reduce_max3A_599[15] : i32 from vector<16xi32>
    %dma_start3A_601 = arith.constant 0 : i32
    %dma_start3A_602 = arith.constant 1 : i32
    %dma_start3A_603 = arith.constant 0 : i32
    %dma_start3A_604 = tpu.memref_slice %arg7[%dma_start3A_601, %dma_start3A_602, %dma_start3A_603] : memref<33x4x256xf32, #tpu.memory_space<vmem>> -> memref<33x1x256xf32, #tpu.memory_space<vmem>>
    %dma_start3A_605 = arith.constant 0 : i32
    %dma_start3A_606 = arith.constant 0 : i32
    %dma_start3A_607 = tpu.memref_slice %arg2[%dma_start3A_605, %reduce_max3A_600, %dma_start3A_606] : memref<33x8192x256xf32, #tpu.memory_space<hbm>> -> memref<33x1x256xf32, #tpu.memory_space<hbm>>
    %dma_start3A_608 = arith.constant 0 : i32
    %dma_start3A_609 = arith.constant 1 : i32
    %dma_start3A_610 = arith.constant 0 : i32
    %dma_start3A_611 = tpu.memref_slice %arg7[%dma_start3A_608, %dma_start3A_609, %dma_start3A_610] : memref<33x4x256xf32, #tpu.memory_space<vmem>> -> memref<33x1x256xf32, #tpu.memory_space<vmem>>
    %dma_start3A_612 = arith.constant 0 : i32
    %dma_start3A_613 = arith.constant 0 : i32
    %dma_start3A_614 = tpu.memref_slice %arg2[%dma_start3A_612, %reduce_max3A_600, %dma_start3A_613] : memref<33x8192x256xf32, #tpu.memory_space<hbm>> -> memref<33x1x256xf32, #tpu.memory_space<hbm>>
    tpu.enqueue_dma source(%dma_start3A_614 : memref<33x1x256xf32, #tpu.memory_space<hbm>>) target(%dma_start3A_611 : memref<33x1x256xf32, #tpu.memory_space<vmem>>) target_semaphore(%arg10 : memref<!tpu.dma_semaphore, #tpu.memory_space<semaphore_mem>>)
    %get3A_615 = arith.constant 16 : index
    %get3A_616 = tpu.vector_load %arg5[%get3A_615] {strides = array<i32>} : memref<64xi32, #tpu.memory_space<vmem>>, vector<16xi32>,
    %eq3A_617 = arith.constant 2 : i32
    %eq3A_618 = vector.broadcast %eq3A_617 : i32 to vector<16xi32>
    %eq3A_619 = arith.cmpi eq, %iota3A, %eq3A_618 : vector<16xi32>
    %jit3A_620 = arith.constant 0 : i32
    %broadcast_in_dim3A_621 = vector.broadcast %jit3A_620 : i32 to vector<16xi32>
    %select_n3A_622 = arith.select %eq3A_619, %get3A_616, %broadcast_in_dim3A_621 : vector<16xi1>, vector<16xi32>
    %reduce_max3A_623 = arith.constant true
    %reduce_max3A_624 = vector.broadcast %reduce_max3A_623 : i1 to vector<16xi1>
    %reduce_max3A_625 = arith.constant -2147483648 : i32
    %reduce_max3A_626 = vector.broadcast %reduce_max3A_625 : i32 to vector<16xi32>
    %reduce_max3A_627 = arith.xori %select_n3A_622, %reduce_max3A_626 : vector<16xi32>
    %reduce_max3A_628 = tpu.scan <max>, %reduce_max3A_627 masked %reduce_max3A_624 : vector<16xi32>, vector<16xi1> -> vector<16xi32>
    %reduce_max3A_629 = arith.xori %reduce_max3A_628, %reduce_max3A_626 : vector<16xi32>
    %reduce_max3A_630 = vector.extract %reduce_max3A_629[15] : i32 from vector<16xi32>
    %dma_start3A_631 = arith.constant 0 : i32
    %dma_start3A_632 = arith.constant 2 : i32
    %dma_start3A_633 = arith.constant 0 : i32
    %dma_start3A_634 = tpu.memref_slice %arg7[%dma_start3A_631, %dma_start3A_632, %dma_start3A_633] : memref<33x4x256xf32, #tpu.memory_space<vmem>> -> memref<33x1x256xf32, #tpu.memory_space<vmem>>
    %dma_start3A_635 = arith.constant 0 : i32
    %dma_start3A_636 = arith.constant 0 : i32
    %dma_start3A_637 = tpu.memref_slice %arg2[%dma_start3A_635, %reduce_max3A_630, %dma_start3A_636] : memref<33x8192x256xf32, #tpu.memory_space<hbm>> -> memref<33x1x256xf32, #tpu.memory_space<hbm>>
    %dma_start3A_638 = arith.constant 0 : i32
    %dma_start3A_639 = arith.constant 2 : i32
    %dma_start3A_640 = arith.constant 0 : i32
    %dma_start3A_641 = tpu.memref_slice %arg7[%dma_start3A_638, %dma_start3A_639, %dma_start3A_640] : memref<33x4x256xf32, #tpu.memory_space<vmem>> -> memref<33x1x256xf32, #tpu.memory_space<vmem>>
    %dma_start3A_642 = arith.constant 0 : i32
    %dma_start3A_643 = arith.constant 0 : i32
    %dma_start3A_644 = tpu.memref_slice %arg2[%dma_start3A_642, %reduce_max3A_630, %dma_start3A_643] : memref<33x8192x256xf32, #tpu.memory_space<hbm>> -> memref<33x1x256xf32, #tpu.memory_space<hbm>>
    tpu.enqueue_dma source(%dma_start3A_644 : memref<33x1x256xf32, #tpu.memory_space<hbm>>) target(%dma_start3A_641 : memref<33x1x256xf32, #tpu.memory_space<vmem>>) target_semaphore(%arg10 : memref<!tpu.dma_semaphore, #tpu.memory_space<semaphore_mem>>)
    %get3A_645 = arith.constant 16 : index
    %get3A_646 = tpu.vector_load %arg5[%get3A_645] {strides = array<i32>} : memref<64xi32, #tpu.memory_space<vmem>>, vector<16xi32>,
    %eq3A_647 = arith.constant 3 : i32
    %eq3A_648 = vector.broadcast %eq3A_647 : i32 to vector<16xi32>
    %eq3A_649 = arith.cmpi eq, %iota3A, %eq3A_648 : vector<16xi32>
    %jit3A_650 = arith.constant 0 : i32
    %broadcast_in_dim3A_651 = vector.broadcast %jit3A_650 : i32 to vector<16xi32>
    %select_n3A_652 = arith.select %eq3A_649, %get3A_646, %broadcast_in_dim3A_651 : vector<16xi1>, vector<16xi32>
    %reduce_max3A_653 = arith.constant true
    %reduce_max3A_654 = vector.broadcast %reduce_max3A_653 : i1 to vector<16xi1>
    %reduce_max3A_655 = arith.constant -2147483648 : i32
    %reduce_max3A_656 = vector.broadcast %reduce_max3A_655 : i32 to vector<16xi32>
    %reduce_max3A_657 = arith.xori %select_n3A_652, %reduce_max3A_656 : vector<16xi32>
    %reduce_max3A_658 = tpu.scan <max>, %reduce_max3A_657 masked %reduce_max3A_654 : vector<16xi32>, vector<16xi1> -> vector<16xi32>
    %reduce_max3A_659 = arith.xori %reduce_max3A_658, %reduce_max3A_656 : vector<16xi32>
    %reduce_max3A_660 = vector.extract %reduce_max3A_659[15] : i32 from vector<16xi32>
    %dma_start3A_661 = arith.constant 0 : i32
    %dma_start3A_662 = arith.constant 3 : i32
    %dma_start3A_663 = arith.constant 0 : i32
    %dma_start3A_664 = tpu.memref_slice %arg7[%dma_start3A_661, %dma_start3A_662, %dma_start3A_663] : memref<33x4x256xf32, #tpu.memory_space<vmem>> -> memref<33x1x256xf32, #tpu.memory_space<vmem>>
    %dma_start3A_665 = arith.constant 0 : i32
    %dma_start3A_666 = arith.constant 0 : i32
    %dma_start3A_667 = tpu.memref_slice %arg2[%dma_start3A_665, %reduce_max3A_660, %dma_start3A_666] : memref<33x8192x256xf32, #tpu.memory_space<hbm>> -> memref<33x1x256xf32, #tpu.memory_space<hbm>>
    %dma_start3A_668 = arith.constant 0 : i32
    %dma_start3A_669 = arith.constant 3 : i32
    %dma_start3A_670 = arith.constant 0 : i32
    %dma_start3A_671 = tpu.memref_slice %arg7[%dma_start3A_668, %dma_start3A_669, %dma_start3A_670] : memref<33x4x256xf32, #tpu.memory_space<vmem>> -> memref<33x1x256xf32, #tpu.memory_space<vmem>>
    %dma_start3A_672 = arith.constant 0 : i32
    %dma_start3A_673 = arith.constant 0 : i32
    %dma_start3A_674 = tpu.memref_slice %arg2[%dma_start3A_672, %reduce_max3A_660, %dma_start3A_673] : memref<33x8192x256xf32, #tpu.memory_space<hbm>> -> memref<33x1x256xf32, #tpu.memory_space<hbm>>
    tpu.enqueue_dma source(%dma_start3A_674 : memref<33x1x256xf32, #tpu.memory_space<hbm>>) target(%dma_start3A_671 : memref<33x1x256xf32, #tpu.memory_space<vmem>>) target_semaphore(%arg10 : memref<!tpu.dma_semaphore, #tpu.memory_space<semaphore_mem>>)
    %dma_wait3A_675 = arith.constant 0 : i32
    %dma_wait3A_676 = arith.constant 0 : i32
    %dma_wait3A_677 = arith.constant 0 : i32
    %dma_wait3A_678 = tpu.memref_slice %arg2[%dma_wait3A_675, %dma_wait3A_676, %dma_wait3A_677] : memref<33x8192x256xf32, #tpu.memory_space<hbm>> -> memref<33x4x256xf32, #tpu.memory_space<hbm>>
    %dma_wait3A_679 = arith.constant 0 : i32
    %dma_wait3A_680 = arith.constant 0 : i32
    %dma_wait3A_681 = arith.constant 0 : i32
    %dma_wait3A_682 = tpu.memref_slice %arg2[%dma_wait3A_679, %dma_wait3A_680, %dma_wait3A_681] : memref<33x8192x256xf32, #tpu.memory_space<hbm>> -> memref<33x4x256xf32, #tpu.memory_space<hbm>>
    tpu.wait_dma2 semaphore(%arg9 : memref<!tpu.dma_semaphore, #tpu.memory_space<semaphore_mem>>) src(%dma_wait3A_682 : memref<33x4x256xf32, #tpu.memory_space<hbm>>) dst(%arg6 : memref<33x4x256xf32, #tpu.memory_space<vmem>>)
    %add3A_683 = arith.constant 1 : i32
    %add3A_684 = arith.addi %mul3A_2, %add3A_683 : i32
    %dma_start3A_685 = arith.constant 0 : i32
    %dma_start3A_686 = arith.constant 4 : i32
    %dma_start3A_687 = arith.constant 0 : i32
    %dma_start3A_688 = tpu.memref_slice %arg4[%add3A_684, %dma_start3A_685, %dma_start3A_686, %dma_start3A_687] : memref<256x33x8x256xf32, #tpu.memory_space<hbm>> -> memref<1x33x4x256xf32, #tpu.memory_space<hbm>>
    %dma_start3A_689 = tpu.memref_squeeze %dma_start3A_688 : memref<1x33x4x256xf32, #tpu.memory_space<hbm>> -> memref<33x4x256xf32, #tpu.memory_space<hbm>>
    %dma_start3A_690 = arith.constant 0 : i32
    %dma_start3A_691 = arith.constant 4 : i32
    %dma_start3A_692 = arith.constant 0 : i32
    %dma_start3A_693 = tpu.memref_slice %arg4[%add3A_684, %dma_start3A_690, %dma_start3A_691, %dma_start3A_692] : memref<256x33x8x256xf32, #tpu.memory_space<hbm>> -> memref<1x33x4x256xf32, #tpu.memory_space<hbm>>
    %dma_start3A_694 = tpu.memref_squeeze %dma_start3A_693 : memref<1x33x4x256xf32, #tpu.memory_space<hbm>> -> memref<33x4x256xf32, #tpu.memory_space<hbm>>
    tpu.enqueue_dma source(%arg6 : memref<33x4x256xf32, #tpu.memory_space<vmem>>) target(%dma_start3A_694 : memref<33x4x256xf32, #tpu.memory_space<hbm>>) target_semaphore(%arg12 : memref<!tpu.dma_semaphore, #tpu.memory_space<semaphore_mem>>)
    %dma_wait3A_695 = arith.constant 0 : i32
    %dma_wait3A_696 = arith.constant 0 : i32
    %dma_wait3A_697 = arith.constant 0 : i32
    %dma_wait3A_698 = tpu.memref_slice %arg4[%mul3A_2, %dma_wait3A_695, %dma_wait3A_696, %dma_wait3A_697] : memref<256x33x8x256xf32, #tpu.memory_space<hbm>> -> memref<1x33x4x256xf32, #tpu.memory_space<hbm>>
    %dma_wait3A_699 = tpu.memref_squeeze %dma_wait3A_698 : memref<1x33x4x256xf32, #tpu.memory_space<hbm>> -> memref<33x4x256xf32, #tpu.memory_space<hbm>>
    %dma_wait3A_700 = arith.constant 0 : i32
    %dma_wait3A_701 = arith.constant 0 : i32
    %dma_wait3A_702 = arith.constant 0 : i32
    %dma_wait3A_703 = tpu.memref_slice %arg4[%mul3A_2, %dma_wait3A_700, %dma_wait3A_701, %dma_wait3A_702] : memref<256x33x8x256xf32, #tpu.memory_space<hbm>> -> memref<1x33x4x256xf32, #tpu.memory_space<hbm>>
    %dma_wait3A_704 = tpu.memref_squeeze %dma_wait3A_703 : memref<1x33x4x256xf32, #tpu.memory_space<hbm>> -> memref<33x4x256xf32, #tpu.memory_space<hbm>>
    tpu.wait_dma2 semaphore(%arg14 : memref<!tpu.dma_semaphore, #tpu.memory_space<semaphore_mem>>) src(%arg8 : memref<33x4x256xf32, #tpu.memory_space<vmem>>) dst(%dma_wait3A_704 : memref<33x4x256xf32, #tpu.memory_space<hbm>>)
    %get3A_705 = arith.constant 16 : index
    %get3A_706 = tpu.vector_load %arg5[%get3A_705] {strides = array<i32>} : memref<64xi32, #tpu.memory_space<vmem>>, vector<16xi32>,
    %eq3A_707 = arith.constant 4 : i32
    %eq3A_708 = vector.broadcast %eq3A_707 : i32 to vector<16xi32>
    %eq3A_709 = arith.cmpi eq, %iota3A, %eq3A_708 : vector<16xi32>
    %jit3A_710 = arith.constant 0 : i32
    %broadcast_in_dim3A_711 = vector.broadcast %jit3A_710 : i32 to vector<16xi32>
    %select_n3A_712 = arith.select %eq3A_709, %get3A_706, %broadcast_in_dim3A_711 : vector<16xi1>, vector<16xi32>
    %reduce_max3A_713 = arith.constant true
    %reduce_max3A_714 = vector.broadcast %reduce_max3A_713 : i1 to vector<16xi1>
    %reduce_max3A_715 = arith.constant -2147483648 : i32
    %reduce_max3A_716 = vector.broadcast %reduce_max3A_715 : i32 to vector<16xi32>
    %reduce_max3A_717 = arith.xori %select_n3A_712, %reduce_max3A_716 : vector<16xi32>
    %reduce_max3A_718 = tpu.scan <max>, %reduce_max3A_717 masked %reduce_max3A_714 : vector<16xi32>, vector<16xi1> -> vector<16xi32>
    %reduce_max3A_719 = arith.xori %reduce_max3A_718, %reduce_max3A_716 : vector<16xi32>
    %reduce_max3A_720 = vector.extract %reduce_max3A_719[15] : i32 from vector<16xi32>
    %dma_start3A_721 = arith.constant 0 : i32
    %dma_start3A_722 = arith.constant 0 : i32
    %dma_start3A_723 = arith.constant 0 : i32
    %dma_start3A_724 = tpu.memref_slice %arg8[%dma_start3A_721, %dma_start3A_722, %dma_start3A_723] : memref<33x4x256xf32, #tpu.memory_space<vmem>> -> memref<33x1x256xf32, #tpu.memory_space<vmem>>
    %dma_start3A_725 = arith.constant 0 : i32
    %dma_start3A_726 = arith.constant 0 : i32
    %dma_start3A_727 = tpu.memref_slice %arg2[%dma_start3A_725, %reduce_max3A_720, %dma_start3A_726] : memref<33x8192x256xf32, #tpu.memory_space<hbm>> -> memref<33x1x256xf32, #tpu.memory_space<hbm>>
    %dma_start3A_728 = arith.constant 0 : i32
    %dma_start3A_729 = arith.constant 0 : i32
    %dma_start3A_730 = arith.constant 0 : i32
    %dma_start3A_731 = tpu.memref_slice %arg8[%dma_start3A_728, %dma_start3A_729, %dma_start3A_730] : memref<33x4x256xf32, #tpu.memory_space<vmem>> -> memref<33x1x256xf32, #tpu.memory_space<vmem>>
    %dma_start3A_732 = arith.constant 0 : i32
    %dma_start3A_733 = arith.constant 0 : i32
    %dma_start3A_734 = tpu.memref_slice %arg2[%dma_start3A_732, %reduce_max3A_720, %dma_start3A_733] : memref<33x8192x256xf32, #tpu.memory_space<hbm>> -> memref<33x1x256xf32, #tpu.memory_space<hbm>>
    tpu.enqueue_dma source(%dma_start3A_734 : memref<33x1x256xf32, #tpu.memory_space<hbm>>) target(%dma_start3A_731 : memref<33x1x256xf32, #tpu.memory_space<vmem>>) target_semaphore(%arg11 : memref<!tpu.dma_semaphore, #tpu.memory_space<semaphore_mem>>)
    %get3A_735 = arith.constant 16 : index
    %get3A_736 = tpu.vector_load %arg5[%get3A_735] {strides = array<i32>} : memref<64xi32, #tpu.memory_space<vmem>>, vector<16xi32>,
    %eq3A_737 = arith.constant 5 : i32
    %eq3A_738 = vector.broadcast %eq3A_737 : i32 to vector<16xi32>
    %eq3A_739 = arith.cmpi eq, %iota3A, %eq3A_738 : vector<16xi32>
    %jit3A_740 = arith.constant 0 : i32
    %broadcast_in_dim3A_741 = vector.broadcast %jit3A_740 : i32 to vector<16xi32>
    %select_n3A_742 = arith.select %eq3A_739, %get3A_736, %broadcast_in_dim3A_741 : vector<16xi1>, vector<16xi32>
    %reduce_max3A_743 = arith.constant true
    %reduce_max3A_744 = vector.broadcast %reduce_max3A_743 : i1 to vector<16xi1>
    %reduce_max3A_745 = arith.constant -2147483648 : i32
    %reduce_max3A_746 = vector.broadcast %reduce_max3A_745 : i32 to vector<16xi32>
    %reduce_max3A_747 = arith.xori %select_n3A_742, %reduce_max3A_746 : vector<16xi32>
    %reduce_max3A_748 = tpu.scan <max>, %reduce_max3A_747 masked %reduce_max3A_744 : vector<16xi32>, vector<16xi1> -> vector<16xi32>
    %reduce_max3A_749 = arith.xori %reduce_max3A_748, %reduce_max3A_746 : vector<16xi32>
    %reduce_max3A_750 = vector.extract %reduce_max3A_749[15] : i32 from vector<16xi32>
    %dma_start3A_751 = arith.constant 0 : i32
    %dma_start3A_752 = arith.constant 1 : i32
    %dma_start3A_753 = arith.constant 0 : i32
    %dma_start3A_754 = tpu.memref_slice %arg8[%dma_start3A_751, %dma_start3A_752, %dma_start3A_753] : memref<33x4x256xf32, #tpu.memory_space<vmem>> -> memref<33x1x256xf32, #tpu.memory_space<vmem>>
    %dma_start3A_755 = arith.constant 0 : i32
    %dma_start3A_756 = arith.constant 0 : i32
    %dma_start3A_757 = tpu.memref_slice %arg2[%dma_start3A_755, %reduce_max3A_750, %dma_start3A_756] : memref<33x8192x256xf32, #tpu.memory_space<hbm>> -> memref<33x1x256xf32, #tpu.memory_space<hbm>>
    %dma_start3A_758 = arith.constant 0 : i32
    %dma_start3A_759 = arith.constant 1 : i32
    %dma_start3A_760 = arith.constant 0 : i32
    %dma_start3A_761 = tpu.memref_slice %arg8[%dma_start3A_758, %dma_start3A_759, %dma_start3A_760] : memref<33x4x256xf32, #tpu.memory_space<vmem>> -> memref<33x1x256xf32, #tpu.memory_space<vmem>>
    %dma_start3A_762 = arith.constant 0 : i32
    %dma_start3A_763 = arith.constant 0 : i32
    %dma_start3A_764 = tpu.memref_slice %arg2[%dma_start3A_762, %reduce_max3A_750, %dma_start3A_763] : memref<33x8192x256xf32, #tpu.memory_space<hbm>> -> memref<33x1x256xf32, #tpu.memory_space<hbm>>
    tpu.enqueue_dma source(%dma_start3A_764 : memref<33x1x256xf32, #tpu.memory_space<hbm>>) target(%dma_start3A_761 : memref<33x1x256xf32, #tpu.memory_space<vmem>>) target_semaphore(%arg11 : memref<!tpu.dma_semaphore, #tpu.memory_space<semaphore_mem>>)
    %get3A_765 = arith.constant 16 : index
    %get3A_766 = tpu.vector_load %arg5[%get3A_765] {strides = array<i32>} : memref<64xi32, #tpu.memory_space<vmem>>, vector<16xi32>,
    %eq3A_767 = arith.constant 6 : i32
    %eq3A_768 = vector.broadcast %eq3A_767 : i32 to vector<16xi32>
    %eq3A_769 = arith.cmpi eq, %iota3A, %eq3A_768 : vector<16xi32>
    %jit3A_770 = arith.constant 0 : i32
    %broadcast_in_dim3A_771 = vector.broadcast %jit3A_770 : i32 to vector<16xi32>
    %select_n3A_772 = arith.select %eq3A_769, %get3A_766, %broadcast_in_dim3A_771 : vector<16xi1>, vector<16xi32>
    %reduce_max3A_773 = arith.constant true
    %reduce_max3A_774 = vector.broadcast %reduce_max3A_773 : i1 to vector<16xi1>
    %reduce_max3A_775 = arith.constant -2147483648 : i32
    %reduce_max3A_776 = vector.broadcast %reduce_max3A_775 : i32 to vector<16xi32>
    %reduce_max3A_777 = arith.xori %select_n3A_772, %reduce_max3A_776 : vector<16xi32>
    %reduce_max3A_778 = tpu.scan <max>, %reduce_max3A_777 masked %reduce_max3A_774 : vector<16xi32>, vector<16xi1> -> vector<16xi32>
    %reduce_max3A_779 = arith.xori %reduce_max3A_778, %reduce_max3A_776 : vector<16xi32>
    %reduce_max3A_780 = vector.extract %reduce_max3A_779[15] : i32 from vector<16xi32>
    %dma_start3A_781 = arith.constant 0 : i32
    %dma_start3A_782 = arith.constant 2 : i32
    %dma_start3A_783 = arith.constant 0 : i32
    %dma_start3A_784 = tpu.memref_slice %arg8[%dma_start3A_781, %dma_start3A_782, %dma_start3A_783] : memref<33x4x256xf32, #tpu.memory_space<vmem>> -> memref<33x1x256xf32, #tpu.memory_space<vmem>>
    %dma_start3A_785 = arith.constant 0 : i32
    %dma_start3A_786 = arith.constant 0 : i32
    %dma_start3A_787 = tpu.memref_slice %arg2[%dma_start3A_785, %reduce_max3A_780, %dma_start3A_786] : memref<33x8192x256xf32, #tpu.memory_space<hbm>> -> memref<33x1x256xf32, #tpu.memory_space<hbm>>
    %dma_start3A_788 = arith.constant 0 : i32
    %dma_start3A_789 = arith.constant 2 : i32
    %dma_start3A_790 = arith.constant 0 : i32
    %dma_start3A_791 = tpu.memref_slice %arg8[%dma_start3A_788, %dma_start3A_789, %dma_start3A_790] : memref<33x4x256xf32, #tpu.memory_space<vmem>> -> memref<33x1x256xf32, #tpu.memory_space<vmem>>
    %dma_start3A_792 = arith.constant 0 : i32
    %dma_start3A_793 = arith.constant 0 : i32
    %dma_start3A_794 = tpu.memref_slice %arg2[%dma_start3A_792, %reduce_max3A_780, %dma_start3A_793] : memref<33x8192x256xf32, #tpu.memory_space<hbm>> -> memref<33x1x256xf32, #tpu.memory_space<hbm>>
    tpu.enqueue_dma source(%dma_start3A_794 : memref<33x1x256xf32, #tpu.memory_space<hbm>>) target(%dma_start3A_791 : memref<33x1x256xf32, #tpu.memory_space<vmem>>) target_semaphore(%arg11 : memref<!tpu.dma_semaphore, #tpu.memory_space<semaphore_mem>>)
    %get3A_795 = arith.constant 16 : index
    %get3A_796 = tpu.vector_load %arg5[%get3A_795] {strides = array<i32>} : memref<64xi32, #tpu.memory_space<vmem>>, vector<16xi32>,
    %eq3A_797 = arith.constant 7 : i32
    %eq3A_798 = vector.broadcast %eq3A_797 : i32 to vector<16xi32>
    %eq3A_799 = arith.cmpi eq, %iota3A, %eq3A_798 : vector<16xi32>
    %jit3A_800 = arith.constant 0 : i32
    %broadcast_in_dim3A_801 = vector.broadcast %jit3A_800 : i32 to vector<16xi32>
    %select_n3A_802 = arith.select %eq3A_799, %get3A_796, %broadcast_in_dim3A_801 : vector<16xi1>, vector<16xi32>
    %reduce_max3A_803 = arith.constant true
    %reduce_max3A_804 = vector.broadcast %reduce_max3A_803 : i1 to vector<16xi1>
    %reduce_max3A_805 = arith.constant -2147483648 : i32
    %reduce_max3A_806 = vector.broadcast %reduce_max3A_805 : i32 to vector<16xi32>
    %reduce_max3A_807 = arith.xori %select_n3A_802, %reduce_max3A_806 : vector<16xi32>
    %reduce_max3A_808 = tpu.scan <max>, %reduce_max3A_807 masked %reduce_max3A_804 : vector<16xi32>, vector<16xi1> -> vector<16xi32>
    %reduce_max3A_809 = arith.xori %reduce_max3A_808, %reduce_max3A_806 : vector<16xi32>
    %reduce_max3A_810 = vector.extract %reduce_max3A_809[15] : i32 from vector<16xi32>
    %dma_start3A_811 = arith.constant 0 : i32
    %dma_start3A_812 = arith.constant 3 : i32
    %dma_start3A_813 = arith.constant 0 : i32
    %dma_start3A_814 = tpu.memref_slice %arg8[%dma_start3A_811, %dma_start3A_812, %dma_start3A_813] : memref<33x4x256xf32, #tpu.memory_space<vmem>> -> memref<33x1x256xf32, #tpu.memory_space<vmem>>
    %dma_start3A_815 = arith.constant 0 : i32
    %dma_start3A_816 = arith.constant 0 : i32
    %dma_start3A_817 = tpu.memref_slice %arg2[%dma_start3A_815, %reduce_max3A_810, %dma_start3A_816] : memref<33x8192x256xf32, #tpu.memory_space<hbm>> -> memref<33x1x256xf32, #tpu.memory_space<hbm>>
    %dma_start3A_818 = arith.constant 0 : i32
    %dma_start3A_819 = arith.constant 3 : i32
    %dma_start3A_820 = arith.constant 0 : i32
    %dma_start3A_821 = tpu.memref_slice %arg8[%dma_start3A_818, %dma_start3A_819, %dma_start3A_820] : memref<33x4x256xf32, #tpu.memory_space<vmem>> -> memref<33x1x256xf32, #tpu.memory_space<vmem>>
    %dma_start3A_822 = arith.constant 0 : i32
    %dma_start3A_823 = arith.constant 0 : i32
    %dma_start3A_824 = tpu.memref_slice %arg2[%dma_start3A_822, %reduce_max3A_810, %dma_start3A_823] : memref<33x8192x256xf32, #tpu.memory_space<hbm>> -> memref<33x1x256xf32, #tpu.memory_space<hbm>>
    tpu.enqueue_dma source(%dma_start3A_824 : memref<33x1x256xf32, #tpu.memory_space<hbm>>) target(%dma_start3A_821 : memref<33x1x256xf32, #tpu.memory_space<vmem>>) target_semaphore(%arg11 : memref<!tpu.dma_semaphore, #tpu.memory_space<semaphore_mem>>)
    %dma_wait3A_825 = arith.constant 0 : i32
    %dma_wait3A_826 = arith.constant 0 : i32
    %dma_wait3A_827 = arith.constant 0 : i32
    %dma_wait3A_828 = tpu.memref_slice %arg2[%dma_wait3A_825, %dma_wait3A_826, %dma_wait3A_827] : memref<33x8192x256xf32, #tpu.memory_space<hbm>> -> memref<33x4x256xf32, #tpu.memory_space<hbm>>
    %dma_wait3A_829 = arith.constant 0 : i32
    %dma_wait3A_830 = arith.constant 0 : i32
    %dma_wait3A_831 = arith.constant 0 : i32
    %dma_wait3A_832 = tpu.memref_slice %arg2[%dma_wait3A_829, %dma_wait3A_830, %dma_wait3A_831] : memref<33x8192x256xf32, #tpu.memory_space<hbm>> -> memref<33x4x256xf32, #tpu.memory_space<hbm>>
    tpu.wait_dma2 semaphore(%arg10 : memref<!tpu.dma_semaphore, #tpu.memory_space<semaphore_mem>>) src(%dma_wait3A_832 : memref<33x4x256xf32, #tpu.memory_space<hbm>>) dst(%arg7 : memref<33x4x256xf32, #tpu.memory_space<vmem>>)
    %add3A_833 = arith.constant 2 : i32
    %add3A_834 = arith.addi %mul3A_2, %add3A_833 : i32
    %dma_start3A_835 = arith.constant 0 : i32
    %dma_start3A_836 = arith.constant 0 : i32
    %dma_start3A_837 = arith.constant 0 : i32
    %dma_start3A_838 = tpu.memref_slice %arg4[%add3A_834, %dma_start3A_835, %dma_start3A_836, %dma_start3A_837] : memref<256x33x8x256xf32, #tpu.memory_space<hbm>> -> memref<1x33x4x256xf32, #tpu.memory_space<hbm>>
    %dma_start3A_839 = tpu.memref_squeeze %dma_start3A_838 : memref<1x33x4x256xf32, #tpu.memory_space<hbm>> -> memref<33x4x256xf32, #tpu.memory_space<hbm>>
    %dma_start3A_840 = arith.constant 0 : i32
    %dma_start3A_841 = arith.constant 0 : i32
    %dma_start3A_842 = arith.constant 0 : i32
    %dma_start3A_843 = tpu.memref_slice %arg4[%add3A_834, %dma_start3A_840, %dma_start3A_841, %dma_start3A_842] : memref<256x33x8x256xf32, #tpu.memory_space<hbm>> -> memref<1x33x4x256xf32, #tpu.memory_space<hbm>>
    %dma_start3A_844 = tpu.memref_squeeze %dma_start3A_843 : memref<1x33x4x256xf32, #tpu.memory_space<hbm>> -> memref<33x4x256xf32, #tpu.memory_space<hbm>>
    tpu.enqueue_dma source(%arg7 : memref<33x4x256xf32, #tpu.memory_space<vmem>>) target(%dma_start3A_844 : memref<33x4x256xf32, #tpu.memory_space<hbm>>) target_semaphore(%arg13 : memref<!tpu.dma_semaphore, #tpu.memory_space<semaphore_mem>>)
    %dma_wait3A_845 = arith.constant 0 : i32
    %dma_wait3A_846 = arith.constant 0 : i32
    %dma_wait3A_847 = arith.constant 0 : i32
    %dma_wait3A_848 = tpu.memref_slice %arg4[%mul3A_2, %dma_wait3A_845, %dma_wait3A_846, %dma_wait3A_847] : memref<256x33x8x256xf32, #tpu.memory_space<hbm>> -> memref<1x33x4x256xf32, #tpu.memory_space<hbm>>
    %dma_wait3A_849 = tpu.memref_squeeze %dma_wait3A_848 : memref<1x33x4x256xf32, #tpu.memory_space<hbm>> -> memref<33x4x256xf32, #tpu.memory_space<hbm>>
    %dma_wait3A_850 = arith.constant 0 : i32
    %dma_wait3A_851 = arith.constant 0 : i32
    %dma_wait3A_852 = arith.constant 0 : i32
    %dma_wait3A_853 = tpu.memref_slice %arg4[%mul3A_2, %dma_wait3A_850, %dma_wait3A_851, %dma_wait3A_852] : memref<256x33x8x256xf32, #tpu.memory_space<hbm>> -> memref<1x33x4x256xf32, #tpu.memory_space<hbm>>
    %dma_wait3A_854 = tpu.memref_squeeze %dma_wait3A_853 : memref<1x33x4x256xf32, #tpu.memory_space<hbm>> -> memref<33x4x256xf32, #tpu.memory_space<hbm>>
    tpu.wait_dma2 semaphore(%arg12 : memref<!tpu.dma_semaphore, #tpu.memory_space<semaphore_mem>>) src(%arg6 : memref<33x4x256xf32, #tpu.memory_space<vmem>>) dst(%dma_wait3A_854 : memref<33x4x256xf32, #tpu.memory_space<hbm>>)
    %get3A_855 = arith.constant 16 : index
    %get3A_856 = tpu.vector_load %arg5[%get3A_855] {strides = array<i32>} : memref<64xi32, #tpu.memory_space<vmem>>, vector<16xi32>,
    %eq3A_857 = arith.constant 8 : i32
    %eq3A_858 = vector.broadcast %eq3A_857 : i32 to vector<16xi32>
    %eq3A_859 = arith.cmpi eq, %iota3A, %eq3A_858 : vector<16xi32>
    %jit3A_860 = arith.constant 0 : i32
    %broadcast_in_dim3A_861 = vector.broadcast %jit3A_860 : i32 to vector<16xi32>
    %select_n3A_862 = arith.select %eq3A_859, %get3A_856, %broadcast_in_dim3A_861 : vector<16xi1>, vector<16xi32>
    %reduce_max3A_863 = arith.constant true
    %reduce_max3A_864 = vector.broadcast %reduce_max3A_863 : i1 to vector<16xi1>
    %reduce_max3A_865 = arith.constant -2147483648 : i32
    %reduce_max3A_866 = vector.broadcast %reduce_max3A_865 : i32 to vector<16xi32>
    %reduce_max3A_867 = arith.xori %select_n3A_862, %reduce_max3A_866 : vector<16xi32>
    %reduce_max3A_868 = tpu.scan <max>, %reduce_max3A_867 masked %reduce_max3A_864 : vector<16xi32>, vector<16xi1> -> vector<16xi32>
    %reduce_max3A_869 = arith.xori %reduce_max3A_868, %reduce_max3A_866 : vector<16xi32>
    %reduce_max3A_870 = vector.extract %reduce_max3A_869[15] : i32 from vector<16xi32>
    %dma_start3A_871 = arith.constant 0 : i32
    %dma_start3A_872 = arith.constant 0 : i32
    %dma_start3A_873 = arith.constant 0 : i32
    %dma_start3A_874 = tpu.memref_slice %arg6[%dma_start3A_871, %dma_start3A_872, %dma_start3A_873] : memref<33x4x256xf32, #tpu.memory_space<vmem>> -> memref<33x1x256xf32, #tpu.memory_space<vmem>>
    %dma_start3A_875 = arith.constant 0 : i32
    %dma_start3A_876 = arith.constant 0 : i32
    %dma_start3A_877 = tpu.memref_slice %arg2[%dma_start3A_875, %reduce_max3A_870, %dma_start3A_876] : memref<33x8192x256xf32, #tpu.memory_space<hbm>> -> memref<33x1x256xf32, #tpu.memory_space<hbm>>
    %dma_start3A_878 = arith.constant 0 : i32
    %dma_start3A_879 = arith.constant 0 : i32
    %dma_start3A_880 = arith.constant 0 : i32
    %dma_start3A_881 = tpu.memref_slice %arg6[%dma_start3A_878, %dma_start3A_879, %dma_start3A_880] : memref<33x4x256xf32, #tpu.memory_space<vmem>> -> memref<33x1x256xf32, #tpu.memory_space<vmem>>
    %dma_start3A_882 = arith.constant 0 : i32
    %dma_start3A_883 = arith.constant 0 : i32
    %dma_start3A_884 = tpu.memref_slice %arg2[%dma_start3A_882, %reduce_max3A_870, %dma_start3A_883] : memref<33x8192x256xf32, #tpu.memory_space<hbm>> -> memref<33x1x256xf32, #tpu.memory_space<hbm>>
    tpu.enqueue_dma source(%dma_start3A_884 : memref<33x1x256xf32, #tpu.memory_space<hbm>>) target(%dma_start3A_881 : memref<33x1x256xf32, #tpu.memory_space<vmem>>) target_semaphore(%arg9 : memref<!tpu.dma_semaphore, #tpu.memory_space<semaphore_mem>>)
    %get3A_885 = arith.constant 16 : index
    %get3A_886 = tpu.vector_load %arg5[%get3A_885] {strides = array<i32>} : memref<64xi32, #tpu.memory_space<vmem>>, vector<16xi32>,
    %eq3A_887 = arith.constant 9 : i32
    %eq3A_888 = vector.broadcast %eq3A_887 : i32 to vector<16xi32>
    %eq3A_889 = arith.cmpi eq, %iota3A, %eq3A_888 : vector<16xi32>
    %jit3A_890 = arith.constant 0 : i32
    %broadcast_in_dim3A_891 = vector.broadcast %jit3A_890 : i32 to vector<16xi32>
    %select_n3A_892 = arith.select %eq3A_889, %get3A_886, %broadcast_in_dim3A_891 : vector<16xi1>, vector<16xi32>
    %reduce_max3A_893 = arith.constant true
    %reduce_max3A_894 = vector.broadcast %reduce_max3A_893 : i1 to vector<16xi1>
    %reduce_max3A_895 = arith.constant -2147483648 : i32
    %reduce_max3A_896 = vector.broadcast %reduce_max3A_895 : i32 to vector<16xi32>
    %reduce_max3A_897 = arith.xori %select_n3A_892, %reduce_max3A_896 : vector<16xi32>
    %reduce_max3A_898 = tpu.scan <max>, %reduce_max3A_897 masked %reduce_max3A_894 : vector<16xi32>, vector<16xi1> -> vector<16xi32>
    %reduce_max3A_899 = arith.xori %reduce_max3A_898, %reduce_max3A_896 : vector<16xi32>
    %reduce_max3A_900 = vector.extract %reduce_max3A_899[15] : i32 from vector<16xi32>
    %dma_start3A_901 = arith.constant 0 : i32
    %dma_start3A_902 = arith.constant 1 : i32
    %dma_start3A_903 = arith.constant 0 : i32
    %dma_start3A_904 = tpu.memref_slice %arg6[%dma_start3A_901, %dma_start3A_902, %dma_start3A_903] : memref<33x4x256xf32, #tpu.memory_space<vmem>> -> memref<33x1x256xf32, #tpu.memory_space<vmem>>
    %dma_start3A_905 = arith.constant 0 : i32
    %dma_start3A_906 = arith.constant 0 : i32
    %dma_start3A_907 = tpu.memref_slice %arg2[%dma_start3A_905, %reduce_max3A_900, %dma_start3A_906] : memref<33x8192x256xf32, #tpu.memory_space<hbm>> -> memref<33x1x256xf32, #tpu.memory_space<hbm>>
    %dma_start3A_908 = arith.constant 0 : i32
    %dma_start3A_909 = arith.constant 1 : i32
    %dma_start3A_910 = arith.constant 0 : i32
    %dma_start3A_911 = tpu.memref_slice %arg6[%dma_start3A_908, %dma_start3A_909, %dma_start3A_910] : memref<33x4x256xf32, #tpu.memory_space<vmem>> -> memref<33x1x256xf32, #tpu.memory_space<vmem>>
    %dma_start3A_912 = arith.constant 0 : i32
    %dma_start3A_913 = arith.constant 0 : i32
    %dma_start3A_914 = tpu.memref_slice %arg2[%dma_start3A_912, %reduce_max3A_900, %dma_start3A_913] : memref<33x8192x256xf32, #tpu.memory_space<hbm>> -> memref<33x1x256xf32, #tpu.memory_space<hbm>>
    tpu.enqueue_dma source(%dma_start3A_914 : memref<33x1x256xf32, #tpu.memory_space<hbm>>) target(%dma_start3A_911 : memref<33x1x256xf32, #tpu.memory_space<vmem>>) target_semaphore(%arg9 : memref<!tpu.dma_semaphore, #tpu.memory_space<semaphore_mem>>)
    %get3A_915 = arith.constant 16 : index
    %get3A_916 = tpu.vector_load %arg5[%get3A_915] {strides = array<i32>} : memref<64xi32, #tpu.memory_space<vmem>>, vector<16xi32>,
    %eq3A_917 = arith.constant 10 : i32
    %eq3A_918 = vector.broadcast %eq3A_917 : i32 to vector<16xi32>
    %eq3A_919 = arith.cmpi eq, %iota3A, %eq3A_918 : vector<16xi32>
    %jit3A_920 = arith.constant 0 : i32
    %broadcast_in_dim3A_921 = vector.broadcast %jit3A_920 : i32 to vector<16xi32>
    %select_n3A_922 = arith.select %eq3A_919, %get3A_916, %broadcast_in_dim3A_921 : vector<16xi1>, vector<16xi32>
    %reduce_max3A_923 = arith.constant true
    %reduce_max3A_924 = vector.broadcast %reduce_max3A_923 : i1 to vector<16xi1>
    %reduce_max3A_925 = arith.constant -2147483648 : i32
    %reduce_max3A_926 = vector.broadcast %reduce_max3A_925 : i32 to vector<16xi32>
    %reduce_max3A_927 = arith.xori %select_n3A_922, %reduce_max3A_926 : vector<16xi32>
    %reduce_max3A_928 = tpu.scan <max>, %reduce_max3A_927 masked %reduce_max3A_924 : vector<16xi32>, vector<16xi1> -> vector<16xi32>
    %reduce_max3A_929 = arith.xori %reduce_max3A_928, %reduce_max3A_926 : vector<16xi32>
    %reduce_max3A_930 = vector.extract %reduce_max3A_929[15] : i32 from vector<16xi32>
    %dma_start3A_931 = arith.constant 0 : i32
    %dma_start3A_932 = arith.constant 2 : i32
    %dma_start3A_933 = arith.constant 0 : i32
    %dma_start3A_934 = tpu.memref_slice %arg6[%dma_start3A_931, %dma_start3A_932, %dma_start3A_933] : memref<33x4x256xf32, #tpu.memory_space<vmem>> -> memref<33x1x256xf32, #tpu.memory_space<vmem>>
    %dma_start3A_935 = arith.constant 0 : i32
    %dma_start3A_936 = arith.constant 0 : i32
    %dma_start3A_937 = tpu.memref_slice %arg2[%dma_start3A_935, %reduce_max3A_930, %dma_start3A_936] : memref<33x8192x256xf32, #tpu.memory_space<hbm>> -> memref<33x1x256xf32, #tpu.memory_space<hbm>>
    %dma_start3A_938 = arith.constant 0 : i32
    %dma_start3A_939 = arith.constant 2 : i32
    %dma_start3A_940 = arith.constant 0 : i32
    %dma_start3A_941 = tpu.memref_slice %arg6[%dma_start3A_938, %dma_start3A_939, %dma_start3A_940] : memref<33x4x256xf32, #tpu.memory_space<vmem>> -> memref<33x1x256xf32, #tpu.memory_space<vmem>>
    %dma_start3A_942 = arith.constant 0 : i32
    %dma_start3A_943 = arith.constant 0 : i32
    %dma_start3A_944 = tpu.memref_slice %arg2[%dma_start3A_942, %reduce_max3A_930, %dma_start3A_943] : memref<33x8192x256xf32, #tpu.memory_space<hbm>> -> memref<33x1x256xf32, #tpu.memory_space<hbm>>
    tpu.enqueue_dma source(%dma_start3A_944 : memref<33x1x256xf32, #tpu.memory_space<hbm>>) target(%dma_start3A_941 : memref<33x1x256xf32, #tpu.memory_space<vmem>>) target_semaphore(%arg9 : memref<!tpu.dma_semaphore, #tpu.memory_space<semaphore_mem>>)
    %get3A_945 = arith.constant 16 : index
    %get3A_946 = tpu.vector_load %arg5[%get3A_945] {strides = array<i32>} : memref<64xi32, #tpu.memory_space<vmem>>, vector<16xi32>,
    %eq3A_947 = arith.constant 11 : i32
    %eq3A_948 = vector.broadcast %eq3A_947 : i32 to vector<16xi32>
    %eq3A_949 = arith.cmpi eq, %iota3A, %eq3A_948 : vector<16xi32>
    %jit3A_950 = arith.constant 0 : i32
    %broadcast_in_dim3A_951 = vector.broadcast %jit3A_950 : i32 to vector<16xi32>
    %select_n3A_952 = arith.select %eq3A_949, %get3A_946, %broadcast_in_dim3A_951 : vector<16xi1>, vector<16xi32>
    %reduce_max3A_953 = arith.constant true
    %reduce_max3A_954 = vector.broadcast %reduce_max3A_953 : i1 to vector<16xi1>
    %reduce_max3A_955 = arith.constant -2147483648 : i32
    %reduce_max3A_956 = vector.broadcast %reduce_max3A_955 : i32 to vector<16xi32>
    %reduce_max3A_957 = arith.xori %select_n3A_952, %reduce_max3A_956 : vector<16xi32>
    %reduce_max3A_958 = tpu.scan <max>, %reduce_max3A_957 masked %reduce_max3A_954 : vector<16xi32>, vector<16xi1> -> vector<16xi32>
    %reduce_max3A_959 = arith.xori %reduce_max3A_958, %reduce_max3A_956 : vector<16xi32>
    %reduce_max3A_960 = vector.extract %reduce_max3A_959[15] : i32 from vector<16xi32>
    %dma_start3A_961 = arith.constant 0 : i32
    %dma_start3A_962 = arith.constant 3 : i32
    %dma_start3A_963 = arith.constant 0 : i32
    %dma_start3A_964 = tpu.memref_slice %arg6[%dma_start3A_961, %dma_start3A_962, %dma_start3A_963] : memref<33x4x256xf32, #tpu.memory_space<vmem>> -> memref<33x1x256xf32, #tpu.memory_space<vmem>>
    %dma_start3A_965 = arith.constant 0 : i32
    %dma_start3A_966 = arith.constant 0 : i32
    %dma_start3A_967 = tpu.memref_slice %arg2[%dma_start3A_965, %reduce_max3A_960, %dma_start3A_966] : memref<33x8192x256xf32, #tpu.memory_space<hbm>> -> memref<33x1x256xf32, #tpu.memory_space<hbm>>
    %dma_start3A_968 = arith.constant 0 : i32
    %dma_start3A_969 = arith.constant 3 : i32
    %dma_start3A_970 = arith.constant 0 : i32
    %dma_start3A_971 = tpu.memref_slice %arg6[%dma_start3A_968, %dma_start3A_969, %dma_start3A_970] : memref<33x4x256xf32, #tpu.memory_space<vmem>> -> memref<33x1x256xf32, #tpu.memory_space<vmem>>
    %dma_start3A_972 = arith.constant 0 : i32
    %dma_start3A_973 = arith.constant 0 : i32
    %dma_start3A_974 = tpu.memref_slice %arg2[%dma_start3A_972, %reduce_max3A_960, %dma_start3A_973] : memref<33x8192x256xf32, #tpu.memory_space<hbm>> -> memref<33x1x256xf32, #tpu.memory_space<hbm>>
    tpu.enqueue_dma source(%dma_start3A_974 : memref<33x1x256xf32, #tpu.memory_space<hbm>>) target(%dma_start3A_971 : memref<33x1x256xf32, #tpu.memory_space<vmem>>) target_semaphore(%arg9 : memref<!tpu.dma_semaphore, #tpu.memory_space<semaphore_mem>>)
    %dma_wait3A_975 = arith.constant 0 : i32
    %dma_wait3A_976 = arith.constant 0 : i32
    %dma_wait3A_977 = arith.constant 0 : i32
    %dma_wait3A_978 = tpu.memref_slice %arg2[%dma_wait3A_975, %dma_wait3A_976, %dma_wait3A_977] : memref<33x8192x256xf32, #tpu.memory_space<hbm>> -> memref<33x4x256xf32, #tpu.memory_space<hbm>>
    %dma_wait3A_979 = arith.constant 0 : i32
    %dma_wait3A_980 = arith.constant 0 : i32
    %dma_wait3A_981 = arith.constant 0 : i32
    %dma_wait3A_982 = tpu.memref_slice %arg2[%dma_wait3A_979, %dma_wait3A_980, %dma_wait3A_981] : memref<33x8192x256xf32, #tpu.memory_space<hbm>> -> memref<33x4x256xf32, #tpu.memory_space<hbm>>
    tpu.wait_dma2 semaphore(%arg11 : memref<!tpu.dma_semaphore, #tpu.memory_space<semaphore_mem>>) src(%dma_wait3A_982 : memref<33x4x256xf32, #tpu.memory_space<hbm>>) dst(%arg8 : memref<33x4x256xf32, #tpu.memory_space<vmem>>)
    %add3A_983 = arith.constant 2 : i32
    %add3A_984 = arith.addi %mul3A_2, %add3A_983 : i32
    %dma_start3A_985 = arith.constant 0 : i32
    %dma_start3A_986 = arith.constant 4 : i32
    %dma_start3A_987 = arith.constant 0 : i32
    %dma_start3A_988 = tpu.memref_slice %arg4[%add3A_984, %dma_start3A_985, %dma_start3A_986, %dma_start3A_987] : memref<256x33x8x256xf32, #tpu.memory_space<hbm>> -> memref<1x33x4x256xf32, #tpu.memory_space<hbm>>
    %dma_start3A_989 = tpu.memref_squeeze %dma_start3A_988 : memref<1x33x4x256xf32, #tpu.memory_space<hbm>> -> memref<33x4x256xf32, #tpu.memory_space<hbm>>
    %dma_start3A_990 = arith.constant 0 : i32
    %dma_start3A_991 = arith.constant 4 : i32
    %dma_start3A_992 = arith.constant 0 : i32
    %dma_start3A_993 = tpu.memref_slice %arg4[%add3A_984, %dma_start3A_990, %dma_start3A_991, %dma_start3A_992] : memref<256x33x8x256xf32, #tpu.memory_space<hbm>> -> memref<1x33x4x256xf32, #tpu.memory_space<hbm>>
    %dma_start3A_994 = tpu.memref_squeeze %dma_start3A_993 : memref<1x33x4x256xf32, #tpu.memory_space<hbm>> -> memref<33x4x256xf32, #tpu.memory_space<hbm>>
    tpu.enqueue_dma source(%arg8 : memref<33x4x256xf32, #tpu.memory_space<vmem>>) target(%dma_start3A_994 : memref<33x4x256xf32, #tpu.memory_space<hbm>>) target_semaphore(%arg14 : memref<!tpu.dma_semaphore, #tpu.memory_space<semaphore_mem>>)
    %dma_wait3A_995 = arith.constant 0 : i32
    %dma_wait3A_996 = arith.constant 0 : i32
    %dma_wait3A_997 = arith.constant 0 : i32
    %dma_wait3A_998 = tpu.memref_slice %arg4[%mul3A_2, %dma_wait3A_995, %dma_wait3A_996, %dma_wait3A_997] : memref<256x33x8x256xf32, #tpu.memory_space<hbm>> -> memref<1x33x4x256xf32, #tpu.memory_space<hbm>>
    %dma_wait3A_999 = tpu.memref_squeeze %dma_wait3A_998 : memref<1x33x4x256xf32, #tpu.memory_space<hbm>> -> memref<33x4x256xf32, #tpu.memory_space<hbm>>
    %dma_wait3A_1000 = arith.constant 0 : i32
    %dma_wait3A_1001 = arith.constant 0 : i32
    %dma_wait3A_1002 = arith.constant 0 : i32
    %dma_wait3A_1003 = tpu.memref_slice %arg4[%mul3A_2, %dma_wait3A_1000, %dma_wait3A_1001, %dma_wait3A_1002] : memref<256x33x8x256xf32, #tpu.memory_space<hbm>> -> memref<1x33x4x256xf32, #tpu.memory_space<hbm>>
    %dma_wait3A_1004 = tpu.memref_squeeze %dma_wait3A_1003 : memref<1x33x4x256xf32, #tpu.memory_space<hbm>> -> memref<33x4x256xf32, #tpu.memory_space<hbm>>
    tpu.wait_dma2 semaphore(%arg13 : memref<!tpu.dma_semaphore, #tpu.memory_space<semaphore_mem>>) src(%arg7 : memref<33x4x256xf32, #tpu.memory_space<vmem>>) dst(%dma_wait3A_1004 : memref<33x4x256xf32, #tpu.memory_space<hbm>>)
    %get3A_1005 = arith.constant 16 : index
    %get3A_1006 = tpu.vector_load %arg5[%get3A_1005] {strides = array<i32>} : memref<64xi32, #tpu.memory_space<vmem>>, vector<16xi32>,
    %eq3A_1007 = arith.constant 12 : i32
    %eq3A_1008 = vector.broadcast %eq3A_1007 : i32 to vector<16xi32>
    %eq3A_1009 = arith.cmpi eq, %iota3A, %eq3A_1008 : vector<16xi32>
    %jit3A_1010 = arith.constant 0 : i32
    %broadcast_in_dim3A_1011 = vector.broadcast %jit3A_1010 : i32 to vector<16xi32>
    %select_n3A_1012 = arith.select %eq3A_1009, %get3A_1006, %broadcast_in_dim3A_1011 : vector<16xi1>, vector<16xi32>
    %reduce_max3A_1013 = arith.constant true
    %reduce_max3A_1014 = vector.broadcast %reduce_max3A_1013 : i1 to vector<16xi1>
    %reduce_max3A_1015 = arith.constant -2147483648 : i32
    %reduce_max3A_1016 = vector.broadcast %reduce_max3A_1015 : i32 to vector<16xi32>
    %reduce_max3A_1017 = arith.xori %select_n3A_1012, %reduce_max3A_1016 : vector<16xi32>
    %reduce_max3A_1018 = tpu.scan <max>, %reduce_max3A_1017 masked %reduce_max3A_1014 : vector<16xi32>, vector<16xi1> -> vector<16xi32>
    %reduce_max3A_1019 = arith.xori %reduce_max3A_1018, %reduce_max3A_1016 : vector<16xi32>
    %reduce_max3A_1020 = vector.extract %reduce_max3A_1019[15] : i32 from vector<16xi32>
    %dma_start3A_1021 = arith.constant 0 : i32
    %dma_start3A_1022 = arith.constant 0 : i32
    %dma_start3A_1023 = arith.constant 0 : i32
    %dma_start3A_1024 = tpu.memref_slice %arg7[%dma_start3A_1021, %dma_start3A_1022, %dma_start3A_1023] : memref<33x4x256xf32, #tpu.memory_space<vmem>> -> memref<33x1x256xf32, #tpu.memory_space<vmem>>
    %dma_start3A_1025 = arith.constant 0 : i32
    %dma_start3A_1026 = arith.constant 0 : i32
    %dma_start3A_1027 = tpu.memref_slice %arg2[%dma_start3A_1025, %reduce_max3A_1020, %dma_start3A_1026] : memref<33x8192x256xf32, #tpu.memory_space<hbm>> -> memref<33x1x256xf32, #tpu.memory_space<hbm>>
    %dma_start3A_1028 = arith.constant 0 : i32
    %dma_start3A_1029 = arith.constant 0 : i32
    %dma_start3A_1030 = arith.constant 0 : i32
    %dma_start3A_1031 = tpu.memref_slice %arg7[%dma_start3A_1028, %dma_start3A_1029, %dma_start3A_1030] : memref<33x4x256xf32, #tpu.memory_space<vmem>> -> memref<33x1x256xf32, #tpu.memory_space<vmem>>
    %dma_start3A_1032 = arith.constant 0 : i32
    %dma_start3A_1033 = arith.constant 0 : i32
    %dma_start3A_1034 = tpu.memref_slice %arg2[%dma_start3A_1032, %reduce_max3A_1020, %dma_start3A_1033] : memref<33x8192x256xf32, #tpu.memory_space<hbm>> -> memref<33x1x256xf32, #tpu.memory_space<hbm>>
    tpu.enqueue_dma source(%dma_start3A_1034 : memref<33x1x256xf32, #tpu.memory_space<hbm>>) target(%dma_start3A_1031 : memref<33x1x256xf32, #tpu.memory_space<vmem>>) target_semaphore(%arg10 : memref<!tpu.dma_semaphore, #tpu.memory_space<semaphore_mem>>)
    %get3A_1035 = arith.constant 16 : index
    %get3A_1036 = tpu.vector_load %arg5[%get3A_1035] {strides = array<i32>} : memref<64xi32, #tpu.memory_space<vmem>>, vector<16xi32>,
    %eq3A_1037 = arith.constant 13 : i32
    %eq3A_1038 = vector.broadcast %eq3A_1037 : i32 to vector<16xi32>
    %eq3A_1039 = arith.cmpi eq, %iota3A, %eq3A_1038 : vector<16xi32>
    %jit3A_1040 = arith.constant 0 : i32
    %broadcast_in_dim3A_1041 = vector.broadcast %jit3A_1040 : i32 to vector<16xi32>
    %select_n3A_1042 = arith.select %eq3A_1039, %get3A_1036, %broadcast_in_dim3A_1041 : vector<16xi1>, vector<16xi32>
    %reduce_max3A_1043 = arith.constant true
    %reduce_max3A_1044 = vector.broadcast %reduce_max3A_1043 : i1 to vector<16xi1>
    %reduce_max3A_1045 = arith.constant -2147483648 : i32
    %reduce_max3A_1046 = vector.broadcast %reduce_max3A_1045 : i32 to vector<16xi32>
    %reduce_max3A_1047 = arith.xori %select_n3A_1042, %reduce_max3A_1046 : vector<16xi32>
    %reduce_max3A_1048 = tpu.scan <max>, %reduce_max3A_1047 masked %reduce_max3A_1044 : vector<16xi32>, vector<16xi1> -> vector<16xi32>
    %reduce_max3A_1049 = arith.xori %reduce_max3A_1048, %reduce_max3A_1046 : vector<16xi32>
    %reduce_max3A_1050 = vector.extract %reduce_max3A_1049[15] : i32 from vector<16xi32>
    %dma_start3A_1051 = arith.constant 0 : i32
    %dma_start3A_1052 = arith.constant 1 : i32
    %dma_start3A_1053 = arith.constant 0 : i32
    %dma_start3A_1054 = tpu.memref_slice %arg7[%dma_start3A_1051, %dma_start3A_1052, %dma_start3A_1053] : memref<33x4x256xf32, #tpu.memory_space<vmem>> -> memref<33x1x256xf32, #tpu.memory_space<vmem>>
    %dma_start3A_1055 = arith.constant 0 : i32
    %dma_start3A_1056 = arith.constant 0 : i32
    %dma_start3A_1057 = tpu.memref_slice %arg2[%dma_start3A_1055, %reduce_max3A_1050, %dma_start3A_1056] : memref<33x8192x256xf32, #tpu.memory_space<hbm>> -> memref<33x1x256xf32, #tpu.memory_space<hbm>>
    %dma_start3A_1058 = arith.constant 0 : i32
    %dma_start3A_1059 = arith.constant 1 : i32
    %dma_start3A_1060 = arith.constant 0 : i32
    %dma_start3A_1061 = tpu.memref_slice %arg7[%dma_start3A_1058, %dma_start3A_1059, %dma_start3A_1060] : memref<33x4x256xf32, #tpu.memory_space<vmem>> -> memref<33x1x256xf32, #tpu.memory_space<vmem>>
    %dma_start3A_1062 = arith.constant 0 : i32
    %dma_start3A_1063 = arith.constant 0 : i32
    %dma_start3A_1064 = tpu.memref_slice %arg2[%dma_start3A_1062, %reduce_max3A_1050, %dma_start3A_1063] : memref<33x8192x256xf32, #tpu.memory_space<hbm>> -> memref<33x1x256xf32, #tpu.memory_space<hbm>>
    tpu.enqueue_dma source(%dma_start3A_1064 : memref<33x1x256xf32, #tpu.memory_space<hbm>>) target(%dma_start3A_1061 : memref<33x1x256xf32, #tpu.memory_space<vmem>>) target_semaphore(%arg10 : memref<!tpu.dma_semaphore, #tpu.memory_space<semaphore_mem>>)
    %get3A_1065 = arith.constant 16 : index
    %get3A_1066 = tpu.vector_load %arg5[%get3A_1065] {strides = array<i32>} : memref<64xi32, #tpu.memory_space<vmem>>, vector<16xi32>,
    %eq3A_1067 = arith.constant 14 : i32
    %eq3A_1068 = vector.broadcast %eq3A_1067 : i32 to vector<16xi32>
    %eq3A_1069 = arith.cmpi eq, %iota3A, %eq3A_1068 : vector<16xi32>
    %jit3A_1070 = arith.constant 0 : i32
    %broadcast_in_dim3A_1071 = vector.broadcast %jit3A_1070 : i32 to vector<16xi32>
    %select_n3A_1072 = arith.select %eq3A_1069, %get3A_1066, %broadcast_in_dim3A_1071 : vector<16xi1>, vector<16xi32>
    %reduce_max3A_1073 = arith.constant true
    %reduce_max3A_1074 = vector.broadcast %reduce_max3A_1073 : i1 to vector<16xi1>
    %reduce_max3A_1075 = arith.constant -2147483648 : i32
    %reduce_max3A_1076 = vector.broadcast %reduce_max3A_1075 : i32 to vector<16xi32>
    %reduce_max3A_1077 = arith.xori %select_n3A_1072, %reduce_max3A_1076 : vector<16xi32>
    %reduce_max3A_1078 = tpu.scan <max>, %reduce_max3A_1077 masked %reduce_max3A_1074 : vector<16xi32>, vector<16xi1> -> vector<16xi32>
    %reduce_max3A_1079 = arith.xori %reduce_max3A_1078, %reduce_max3A_1076 : vector<16xi32>
    %reduce_max3A_1080 = vector.extract %reduce_max3A_1079[15] : i32 from vector<16xi32>
    %dma_start3A_1081 = arith.constant 0 : i32
    %dma_start3A_1082 = arith.constant 2 : i32
    %dma_start3A_1083 = arith.constant 0 : i32
    %dma_start3A_1084 = tpu.memref_slice %arg7[%dma_start3A_1081, %dma_start3A_1082, %dma_start3A_1083] : memref<33x4x256xf32, #tpu.memory_space<vmem>> -> memref<33x1x256xf32, #tpu.memory_space<vmem>>
    %dma_start3A_1085 = arith.constant 0 : i32
    %dma_start3A_1086 = arith.constant 0 : i32
    %dma_start3A_1087 = tpu.memref_slice %arg2[%dma_start3A_1085, %reduce_max3A_1080, %dma_start3A_1086] : memref<33x8192x256xf32, #tpu.memory_space<hbm>> -> memref<33x1x256xf32, #tpu.memory_space<hbm>>
    %dma_start3A_1088 = arith.constant 0 : i32
    %dma_start3A_1089 = arith.constant 2 : i32
    %dma_start3A_1090 = arith.constant 0 : i32
    %dma_start3A_1091 = tpu.memref_slice %arg7[%dma_start3A_1088, %dma_start3A_1089, %dma_start3A_1090] : memref<33x4x256xf32, #tpu.memory_space<vmem>> -> memref<33x1x256xf32, #tpu.memory_space<vmem>>
    %dma_start3A_1092 = arith.constant 0 : i32
    %dma_start3A_1093 = arith.constant 0 : i32
    %dma_start3A_1094 = tpu.memref_slice %arg2[%dma_start3A_1092, %reduce_max3A_1080, %dma_start3A_1093] : memref<33x8192x256xf32, #tpu.memory_space<hbm>> -> memref<33x1x256xf32, #tpu.memory_space<hbm>>
    tpu.enqueue_dma source(%dma_start3A_1094 : memref<33x1x256xf32, #tpu.memory_space<hbm>>) target(%dma_start3A_1091 : memref<33x1x256xf32, #tpu.memory_space<vmem>>) target_semaphore(%arg10 : memref<!tpu.dma_semaphore, #tpu.memory_space<semaphore_mem>>)
    %get3A_1095 = arith.constant 16 : index
    %get3A_1096 = tpu.vector_load %arg5[%get3A_1095] {strides = array<i32>} : memref<64xi32, #tpu.memory_space<vmem>>, vector<16xi32>,
    %eq3A_1097 = arith.constant 15 : i32
    %eq3A_1098 = vector.broadcast %eq3A_1097 : i32 to vector<16xi32>
    %eq3A_1099 = arith.cmpi eq, %iota3A, %eq3A_1098 : vector<16xi32>
    %jit3A_1100 = arith.constant 0 : i32
    %broadcast_in_dim3A_1101 = vector.broadcast %jit3A_1100 : i32 to vector<16xi32>
    %select_n3A_1102 = arith.select %eq3A_1099, %get3A_1096, %broadcast_in_dim3A_1101 : vector<16xi1>, vector<16xi32>
    %reduce_max3A_1103 = arith.constant true
    %reduce_max3A_1104 = vector.broadcast %reduce_max3A_1103 : i1 to vector<16xi1>
    %reduce_max3A_1105 = arith.constant -2147483648 : i32
    %reduce_max3A_1106 = vector.broadcast %reduce_max3A_1105 : i32 to vector<16xi32>
    %reduce_max3A_1107 = arith.xori %select_n3A_1102, %reduce_max3A_1106 : vector<16xi32>
    %reduce_max3A_1108 = tpu.scan <max>, %reduce_max3A_1107 masked %reduce_max3A_1104 : vector<16xi32>, vector<16xi1> -> vector<16xi32>
    %reduce_max3A_1109 = arith.xori %reduce_max3A_1108, %reduce_max3A_1106 : vector<16xi32>
    %reduce_max3A_1110 = vector.extract %reduce_max3A_1109[15] : i32 from vector<16xi32>
    %dma_start3A_1111 = arith.constant 0 : i32
    %dma_start3A_1112 = arith.constant 3 : i32
    %dma_start3A_1113 = arith.constant 0 : i32
    %dma_start3A_1114 = tpu.memref_slice %arg7[%dma_start3A_1111, %dma_start3A_1112, %dma_start3A_1113] : memref<33x4x256xf32, #tpu.memory_space<vmem>> -> memref<33x1x256xf32, #tpu.memory_space<vmem>>
    %dma_start3A_1115 = arith.constant 0 : i32
    %dma_start3A_1116 = arith.constant 0 : i32
    %dma_start3A_1117 = tpu.memref_slice %arg2[%dma_start3A_1115, %reduce_max3A_1110, %dma_start3A_1116] : memref<33x8192x256xf32, #tpu.memory_space<hbm>> -> memref<33x1x256xf32, #tpu.memory_space<hbm>>
    %dma_start3A_1118 = arith.constant 0 : i32
    %dma_start3A_1119 = arith.constant 3 : i32
    %dma_start3A_1120 = arith.constant 0 : i32
    %dma_start3A_1121 = tpu.memref_slice %arg7[%dma_start3A_1118, %dma_start3A_1119, %dma_start3A_1120] : memref<33x4x256xf32, #tpu.memory_space<vmem>> -> memref<33x1x256xf32, #tpu.memory_space<vmem>>
    %dma_start3A_1122 = arith.constant 0 : i32
    %dma_start3A_1123 = arith.constant 0 : i32
    %dma_start3A_1124 = tpu.memref_slice %arg2[%dma_start3A_1122, %reduce_max3A_1110, %dma_start3A_1123] : memref<33x8192x256xf32, #tpu.memory_space<hbm>> -> memref<33x1x256xf32, #tpu.memory_space<hbm>>
    tpu.enqueue_dma source(%dma_start3A_1124 : memref<33x1x256xf32, #tpu.memory_space<hbm>>) target(%dma_start3A_1121 : memref<33x1x256xf32, #tpu.memory_space<vmem>>) target_semaphore(%arg10 : memref<!tpu.dma_semaphore, #tpu.memory_space<semaphore_mem>>)
    %dma_wait3A_1125 = arith.constant 0 : i32
    %dma_wait3A_1126 = arith.constant 0 : i32
    %dma_wait3A_1127 = arith.constant 0 : i32
    %dma_wait3A_1128 = tpu.memref_slice %arg2[%dma_wait3A_1125, %dma_wait3A_1126, %dma_wait3A_1127] : memref<33x8192x256xf32, #tpu.memory_space<hbm>> -> memref<33x4x256xf32, #tpu.memory_space<hbm>>
    %dma_wait3A_1129 = arith.constant 0 : i32
    %dma_wait3A_1130 = arith.constant 0 : i32
    %dma_wait3A_1131 = arith.constant 0 : i32
    %dma_wait3A_1132 = tpu.memref_slice %arg2[%dma_wait3A_1129, %dma_wait3A_1130, %dma_wait3A_1131] : memref<33x8192x256xf32, #tpu.memory_space<hbm>> -> memref<33x4x256xf32, #tpu.memory_space<hbm>>
    tpu.wait_dma2 semaphore(%arg9 : memref<!tpu.dma_semaphore, #tpu.memory_space<semaphore_mem>>) src(%dma_wait3A_1132 : memref<33x4x256xf32, #tpu.memory_space<hbm>>) dst(%arg6 : memref<33x4x256xf32, #tpu.memory_space<vmem>>)
    %add3A_1133 = arith.constant 3 : i32
    %add3A_1134 = arith.addi %mul3A_2, %add3A_1133 : i32
    %dma_start3A_1135 = arith.constant 0 : i32
    %dma_start3A_1136 = arith.constant 0 : i32
    %dma_start3A_1137 = arith.constant 0 : i32
    %dma_start3A_1138 = tpu.memref_slice %arg4[%add3A_1134, %dma_start3A_1135, %dma_start3A_1136, %dma_start3A_1137] : memref<256x33x8x256xf32, #tpu.memory_space<hbm>> -> memref<1x33x4x256xf32, #tpu.memory_space<hbm>>
    %dma_start3A_1139 = tpu.memref_squeeze %dma_start3A_1138 : memref<1x33x4x256xf32, #tpu.memory_space<hbm>> -> memref<33x4x256xf32, #tpu.memory_space<hbm>>
    %dma_start3A_1140 = arith.constant 0 : i32
    %dma_start3A_1141 = arith.constant 0 : i32
    %dma_start3A_1142 = arith.constant 0 : i32
    %dma_start3A_1143 = tpu.memref_slice %arg4[%add3A_1134, %dma_start3A_1140, %dma_start3A_1141, %dma_start3A_1142] : memref<256x33x8x256xf32, #tpu.memory_space<hbm>> -> memref<1x33x4x256xf32, #tpu.memory_space<hbm>>
    %dma_start3A_1144 = tpu.memref_squeeze %dma_start3A_1143 : memref<1x33x4x256xf32, #tpu.memory_space<hbm>> -> memref<33x4x256xf32, #tpu.memory_space<hbm>>
    tpu.enqueue_dma source(%arg6 : memref<33x4x256xf32, #tpu.memory_space<vmem>>) target(%dma_start3A_1144 : memref<33x4x256xf32, #tpu.memory_space<hbm>>) target_semaphore(%arg12 : memref<!tpu.dma_semaphore, #tpu.memory_space<semaphore_mem>>)
    %dma_wait3A_1145 = arith.constant 0 : i32
    %dma_wait3A_1146 = arith.constant 0 : i32
    %dma_wait3A_1147 = arith.constant 0 : i32
    %dma_wait3A_1148 = tpu.memref_slice %arg4[%mul3A_2, %dma_wait3A_1145, %dma_wait3A_1146, %dma_wait3A_1147] : memref<256x33x8x256xf32, #tpu.memory_space<hbm>> -> memref<1x33x4x256xf32, #tpu.memory_space<hbm>>
    %dma_wait3A_1149 = tpu.memref_squeeze %dma_wait3A_1148 : memref<1x33x4x256xf32, #tpu.memory_space<hbm>> -> memref<33x4x256xf32, #tpu.memory_space<hbm>>
    %dma_wait3A_1150 = arith.constant 0 : i32
    %dma_wait3A_1151 = arith.constant 0 : i32
    %dma_wait3A_1152 = arith.constant 0 : i32
    %dma_wait3A_1153 = tpu.memref_slice %arg4[%mul3A_2, %dma_wait3A_1150, %dma_wait3A_1151, %dma_wait3A_1152] : memref<256x33x8x256xf32, #tpu.memory_space<hbm>> -> memref<1x33x4x256xf32, #tpu.memory_space<hbm>>
    %dma_wait3A_1154 = tpu.memref_squeeze %dma_wait3A_1153 : memref<1x33x4x256xf32, #tpu.memory_space<hbm>> -> memref<33x4x256xf32, #tpu.memory_space<hbm>>
    tpu.wait_dma2 semaphore(%arg14 : memref<!tpu.dma_semaphore, #tpu.memory_space<semaphore_mem>>) src(%arg8 : memref<33x4x256xf32, #tpu.memory_space<vmem>>) dst(%dma_wait3A_1154 : memref<33x4x256xf32, #tpu.memory_space<hbm>>)
    %get3A_1155 = arith.constant 32 : index
    %get3A_1156 = tpu.vector_load %arg5[%get3A_1155] {strides = array<i32>} : memref<64xi32, #tpu.memory_space<vmem>>, vector<16xi32>,
    %eq3A_1157 = arith.constant 0 : i32
    %eq3A_1158 = vector.broadcast %eq3A_1157 : i32 to vector<16xi32>
    %eq3A_1159 = arith.cmpi eq, %iota3A, %eq3A_1158 : vector<16xi32>
    %jit3A_1160 = arith.constant 0 : i32
    %broadcast_in_dim3A_1161 = vector.broadcast %jit3A_1160 : i32 to vector<16xi32>
    %select_n3A_1162 = arith.select %eq3A_1159, %get3A_1156, %broadcast_in_dim3A_1161 : vector<16xi1>, vector<16xi32>
    %reduce_max3A_1163 = arith.constant true
    %reduce_max3A_1164 = vector.broadcast %reduce_max3A_1163 : i1 to vector<16xi1>
    %reduce_max3A_1165 = arith.constant -2147483648 : i32
    %reduce_max3A_1166 = vector.broadcast %reduce_max3A_1165 : i32 to vector<16xi32>
    %reduce_max3A_1167 = arith.xori %select_n3A_1162, %reduce_max3A_1166 : vector<16xi32>
    %reduce_max3A_1168 = tpu.scan <max>, %reduce_max3A_1167 masked %reduce_max3A_1164 : vector<16xi32>, vector<16xi1> -> vector<16xi32>
    %reduce_max3A_1169 = arith.xori %reduce_max3A_1168, %reduce_max3A_1166 : vector<16xi32>
    %reduce_max3A_1170 = vector.extract %reduce_max3A_1169[15] : i32 from vector<16xi32>
    %dma_start3A_1171 = arith.constant 0 : i32
    %dma_start3A_1172 = arith.constant 0 : i32
    %dma_start3A_1173 = arith.constant 0 : i32
    %dma_start3A_1174 = tpu.memref_slice %arg8[%dma_start3A_1171, %dma_start3A_1172, %dma_start3A_1173] : memref<33x4x256xf32, #tpu.memory_space<vmem>> -> memref<33x1x256xf32, #tpu.memory_space<vmem>>
    %dma_start3A_1175 = arith.constant 0 : i32
    %dma_start3A_1176 = arith.constant 0 : i32
    %dma_start3A_1177 = tpu.memref_slice %arg2[%dma_start3A_1175, %reduce_max3A_1170, %dma_start3A_1176] : memref<33x8192x256xf32, #tpu.memory_space<hbm>> -> memref<33x1x256xf32, #tpu.memory_space<hbm>>
    %dma_start3A_1178 = arith.constant 0 : i32
    %dma_start3A_1179 = arith.constant 0 : i32
    %dma_start3A_1180 = arith.constant 0 : i32
    %dma_start3A_1181 = tpu.memref_slice %arg8[%dma_start3A_1178, %dma_start3A_1179, %dma_start3A_1180] : memref<33x4x256xf32, #tpu.memory_space<vmem>> -> memref<33x1x256xf32, #tpu.memory_space<vmem>>
    %dma_start3A_1182 = arith.constant 0 : i32
    %dma_start3A_1183 = arith.constant 0 : i32
    %dma_start3A_1184 = tpu.memref_slice %arg2[%dma_start3A_1182, %reduce_max3A_1170, %dma_start3A_1183] : memref<33x8192x256xf32, #tpu.memory_space<hbm>> -> memref<33x1x256xf32, #tpu.memory_space<hbm>>
    tpu.enqueue_dma source(%dma_start3A_1184 : memref<33x1x256xf32, #tpu.memory_space<hbm>>) target(%dma_start3A_1181 : memref<33x1x256xf32, #tpu.memory_space<vmem>>) target_semaphore(%arg11 : memref<!tpu.dma_semaphore, #tpu.memory_space<semaphore_mem>>)
    %get3A_1185 = arith.constant 32 : index
    %get3A_1186 = tpu.vector_load %arg5[%get3A_1185] {strides = array<i32>} : memref<64xi32, #tpu.memory_space<vmem>>, vector<16xi32>,
    %eq3A_1187 = arith.constant 1 : i32
    %eq3A_1188 = vector.broadcast %eq3A_1187 : i32 to vector<16xi32>
    %eq3A_1189 = arith.cmpi eq, %iota3A, %eq3A_1188 : vector<16xi32>
    %jit3A_1190 = arith.constant 0 : i32
    %broadcast_in_dim3A_1191 = vector.broadcast %jit3A_1190 : i32 to vector<16xi32>
    %select_n3A_1192 = arith.select %eq3A_1189, %get3A_1186, %broadcast_in_dim3A_1191 : vector<16xi1>, vector<16xi32>
    %reduce_max3A_1193 = arith.constant true
    %reduce_max3A_1194 = vector.broadcast %reduce_max3A_1193 : i1 to vector<16xi1>
    %reduce_max3A_1195 = arith.constant -2147483648 : i32
    %reduce_max3A_1196 = vector.broadcast %reduce_max3A_1195 : i32 to vector<16xi32>
    %reduce_max3A_1197 = arith.xori %select_n3A_1192, %reduce_max3A_1196 : vector<16xi32>
    %reduce_max3A_1198 = tpu.scan <max>, %reduce_max3A_1197 masked %reduce_max3A_1194 : vector<16xi32>, vector<16xi1> -> vector<16xi32>
    %reduce_max3A_1199 = arith.xori %reduce_max3A_1198, %reduce_max3A_1196 : vector<16xi32>
    %reduce_max3A_1200 = vector.extract %reduce_max3A_1199[15] : i32 from vector<16xi32>
    %dma_start3A_1201 = arith.constant 0 : i32
    %dma_start3A_1202 = arith.constant 1 : i32
    %dma_start3A_1203 = arith.constant 0 : i32
    %dma_start3A_1204 = tpu.memref_slice %arg8[%dma_start3A_1201, %dma_start3A_1202, %dma_start3A_1203] : memref<33x4x256xf32, #tpu.memory_space<vmem>> -> memref<33x1x256xf32, #tpu.memory_space<vmem>>
    %dma_start3A_1205 = arith.constant 0 : i32
    %dma_start3A_1206 = arith.constant 0 : i32
    %dma_start3A_1207 = tpu.memref_slice %arg2[%dma_start3A_1205, %reduce_max3A_1200, %dma_start3A_1206] : memref<33x8192x256xf32, #tpu.memory_space<hbm>> -> memref<33x1x256xf32, #tpu.memory_space<hbm>>
    %dma_start3A_1208 = arith.constant 0 : i32
    %dma_start3A_1209 = arith.constant 1 : i32
    %dma_start3A_1210 = arith.constant 0 : i32
    %dma_start3A_1211 = tpu.memref_slice %arg8[%dma_start3A_1208, %dma_start3A_1209, %dma_start3A_1210] : memref<33x4x256xf32, #tpu.memory_space<vmem>> -> memref<33x1x256xf32, #tpu.memory_space<vmem>>
    %dma_start3A_1212 = arith.constant 0 : i32
    %dma_start3A_1213 = arith.constant 0 : i32
    %dma_start3A_1214 = tpu.memref_slice %arg2[%dma_start3A_1212, %reduce_max3A_1200, %dma_start3A_1213] : memref<33x8192x256xf32, #tpu.memory_space<hbm>> -> memref<33x1x256xf32, #tpu.memory_space<hbm>>
    tpu.enqueue_dma source(%dma_start3A_1214 : memref<33x1x256xf32, #tpu.memory_space<hbm>>) target(%dma_start3A_1211 : memref<33x1x256xf32, #tpu.memory_space<vmem>>) target_semaphore(%arg11 : memref<!tpu.dma_semaphore, #tpu.memory_space<semaphore_mem>>)
    %get3A_1215 = arith.constant 32 : index
    %get3A_1216 = tpu.vector_load %arg5[%get3A_1215] {strides = array<i32>} : memref<64xi32, #tpu.memory_space<vmem>>, vector<16xi32>,
    %eq3A_1217 = arith.constant 2 : i32
    %eq3A_1218 = vector.broadcast %eq3A_1217 : i32 to vector<16xi32>
    %eq3A_1219 = arith.cmpi eq, %iota3A, %eq3A_1218 : vector<16xi32>
    %jit3A_1220 = arith.constant 0 : i32
    %broadcast_in_dim3A_1221 = vector.broadcast %jit3A_1220 : i32 to vector<16xi32>
    %select_n3A_1222 = arith.select %eq3A_1219, %get3A_1216, %broadcast_in_dim3A_1221 : vector<16xi1>, vector<16xi32>
    %reduce_max3A_1223 = arith.constant true
    %reduce_max3A_1224 = vector.broadcast %reduce_max3A_1223 : i1 to vector<16xi1>
    %reduce_max3A_1225 = arith.constant -2147483648 : i32
    %reduce_max3A_1226 = vector.broadcast %reduce_max3A_1225 : i32 to vector<16xi32>
    %reduce_max3A_1227 = arith.xori %select_n3A_1222, %reduce_max3A_1226 : vector<16xi32>
    %reduce_max3A_1228 = tpu.scan <max>, %reduce_max3A_1227 masked %reduce_max3A_1224 : vector<16xi32>, vector<16xi1> -> vector<16xi32>
    %reduce_max3A_1229 = arith.xori %reduce_max3A_1228, %reduce_max3A_1226 : vector<16xi32>
    %reduce_max3A_1230 = vector.extract %reduce_max3A_1229[15] : i32 from vector<16xi32>
    %dma_start3A_1231 = arith.constant 0 : i32
    %dma_start3A_1232 = arith.constant 2 : i32
    %dma_start3A_1233 = arith.constant 0 : i32
    %dma_start3A_1234 = tpu.memref_slice %arg8[%dma_start3A_1231, %dma_start3A_1232, %dma_start3A_1233] : memref<33x4x256xf32, #tpu.memory_space<vmem>> -> memref<33x1x256xf32, #tpu.memory_space<vmem>>
    %dma_start3A_1235 = arith.constant 0 : i32
    %dma_start3A_1236 = arith.constant 0 : i32
    %dma_start3A_1237 = tpu.memref_slice %arg2[%dma_start3A_1235, %reduce_max3A_1230, %dma_start3A_1236] : memref<33x8192x256xf32, #tpu.memory_space<hbm>> -> memref<33x1x256xf32, #tpu.memory_space<hbm>>
    %dma_start3A_1238 = arith.constant 0 : i32
    %dma_start3A_1239 = arith.constant 2 : i32
    %dma_start3A_1240 = arith.constant 0 : i32
    %dma_start3A_1241 = tpu.memref_slice %arg8[%dma_start3A_1238, %dma_start3A_1239, %dma_start3A_1240] : memref<33x4x256xf32, #tpu.memory_space<vmem>> -> memref<33x1x256xf32, #tpu.memory_space<vmem>>
    %dma_start3A_1242 = arith.constant 0 : i32
    %dma_start3A_1243 = arith.constant 0 : i32
    %dma_start3A_1244 = tpu.memref_slice %arg2[%dma_start3A_1242, %reduce_max3A_1230, %dma_start3A_1243] : memref<33x8192x256xf32, #tpu.memory_space<hbm>> -> memref<33x1x256xf32, #tpu.memory_space<hbm>>
    tpu.enqueue_dma source(%dma_start3A_1244 : memref<33x1x256xf32, #tpu.memory_space<hbm>>) target(%dma_start3A_1241 : memref<33x1x256xf32, #tpu.memory_space<vmem>>) target_semaphore(%arg11 : memref<!tpu.dma_semaphore, #tpu.memory_space<semaphore_mem>>)
    %get3A_1245 = arith.constant 32 : index
    %get3A_1246 = tpu.vector_load %arg5[%get3A_1245] {strides = array<i32>} : memref<64xi32, #tpu.memory_space<vmem>>, vector<16xi32>,
    %eq3A_1247 = arith.constant 3 : i32
    %eq3A_1248 = vector.broadcast %eq3A_1247 : i32 to vector<16xi32>
    %eq3A_1249 = arith.cmpi eq, %iota3A, %eq3A_1248 : vector<16xi32>
    %jit3A_1250 = arith.constant 0 : i32
    %broadcast_in_dim3A_1251 = vector.broadcast %jit3A_1250 : i32 to vector<16xi32>
    %select_n3A_1252 = arith.select %eq3A_1249, %get3A_1246, %broadcast_in_dim3A_1251 : vector<16xi1>, vector<16xi32>
    %reduce_max3A_1253 = arith.constant true
    %reduce_max3A_1254 = vector.broadcast %reduce_max3A_1253 : i1 to vector<16xi1>
    %reduce_max3A_1255 = arith.constant -2147483648 : i32
    %reduce_max3A_1256 = vector.broadcast %reduce_max3A_1255 : i32 to vector<16xi32>
    %reduce_max3A_1257 = arith.xori %select_n3A_1252, %reduce_max3A_1256 : vector<16xi32>
    %reduce_max3A_1258 = tpu.scan <max>, %reduce_max3A_1257 masked %reduce_max3A_1254 : vector<16xi32>, vector<16xi1> -> vector<16xi32>
    %reduce_max3A_1259 = arith.xori %reduce_max3A_1258, %reduce_max3A_1256 : vector<16xi32>
    %reduce_max3A_1260 = vector.extract %reduce_max3A_1259[15] : i32 from vector<16xi32>
    %dma_start3A_1261 = arith.constant 0 : i32
    %dma_start3A_1262 = arith.constant 3 : i32
    %dma_start3A_1263 = arith.constant 0 : i32
    %dma_start3A_1264 = tpu.memref_slice %arg8[%dma_start3A_1261, %dma_start3A_1262, %dma_start3A_1263] : memref<33x4x256xf32, #tpu.memory_space<vmem>> -> memref<33x1x256xf32, #tpu.memory_space<vmem>>
    %dma_start3A_1265 = arith.constant 0 : i32
    %dma_start3A_1266 = arith.constant 0 : i32
    %dma_start3A_1267 = tpu.memref_slice %arg2[%dma_start3A_1265, %reduce_max3A_1260, %dma_start3A_1266] : memref<33x8192x256xf32, #tpu.memory_space<hbm>> -> memref<33x1x256xf32, #tpu.memory_space<hbm>>
    %dma_start3A_1268 = arith.constant 0 : i32
    %dma_start3A_1269 = arith.constant 3 : i32
    %dma_start3A_1270 = arith.constant 0 : i32
    %dma_start3A_1271 = tpu.memref_slice %arg8[%dma_start3A_1268, %dma_start3A_1269, %dma_start3A_1270] : memref<33x4x256xf32, #tpu.memory_space<vmem>> -> memref<33x1x256xf32, #tpu.memory_space<vmem>>
    %dma_start3A_1272 = arith.constant 0 : i32
    %dma_start3A_1273 = arith.constant 0 : i32
    %dma_start3A_1274 = tpu.memref_slice %arg2[%dma_start3A_1272, %reduce_max3A_1260, %dma_start3A_1273] : memref<33x8192x256xf32, #tpu.memory_space<hbm>> -> memref<33x1x256xf32, #tpu.memory_space<hbm>>
    tpu.enqueue_dma source(%dma_start3A_1274 : memref<33x1x256xf32, #tpu.memory_space<hbm>>) target(%dma_start3A_1271 : memref<33x1x256xf32, #tpu.memory_space<vmem>>) target_semaphore(%arg11 : memref<!tpu.dma_semaphore, #tpu.memory_space<semaphore_mem>>)
    %dma_wait3A_1275 = arith.constant 0 : i32
    %dma_wait3A_1276 = arith.constant 0 : i32
    %dma_wait3A_1277 = arith.constant 0 : i32
    %dma_wait3A_1278 = tpu.memref_slice %arg2[%dma_wait3A_1275, %dma_wait3A_1276, %dma_wait3A_1277] : memref<33x8192x256xf32, #tpu.memory_space<hbm>> -> memref<33x4x256xf32, #tpu.memory_space<hbm>>
    %dma_wait3A_1279 = arith.constant 0 : i32
    %dma_wait3A_1280 = arith.constant 0 : i32
    %dma_wait3A_1281 = arith.constant 0 : i32
    %dma_wait3A_1282 = tpu.memref_slice %arg2[%dma_wait3A_1279, %dma_wait3A_1280, %dma_wait3A_1281] : memref<33x8192x256xf32, #tpu.memory_space<hbm>> -> memref<33x4x256xf32, #tpu.memory_space<hbm>>
    tpu.wait_dma2 semaphore(%arg10 : memref<!tpu.dma_semaphore, #tpu.memory_space<semaphore_mem>>) src(%dma_wait3A_1282 : memref<33x4x256xf32, #tpu.memory_space<hbm>>) dst(%arg7 : memref<33x4x256xf32, #tpu.memory_space<vmem>>)
    %add3A_1283 = arith.constant 3 : i32
    %add3A_1284 = arith.addi %mul3A_2, %add3A_1283 : i32
    %dma_start3A_1285 = arith.constant 0 : i32
    %dma_start3A_1286 = arith.constant 4 : i32
    %dma_start3A_1287 = arith.constant 0 : i32
    %dma_start3A_1288 = tpu.memref_slice %arg4[%add3A_1284, %dma_start3A_1285, %dma_start3A_1286, %dma_start3A_1287] : memref<256x33x8x256xf32, #tpu.memory_space<hbm>> -> memref<1x33x4x256xf32, #tpu.memory_space<hbm>>
    %dma_start3A_1289 = tpu.memref_squeeze %dma_start3A_1288 : memref<1x33x4x256xf32, #tpu.memory_space<hbm>> -> memref<33x4x256xf32, #tpu.memory_space<hbm>>
    %dma_start3A_1290 = arith.constant 0 : i32
    %dma_start3A_1291 = arith.constant 4 : i32
    %dma_start3A_1292 = arith.constant 0 : i32
    %dma_start3A_1293 = tpu.memref_slice %arg4[%add3A_1284, %dma_start3A_1290, %dma_start3A_1291, %dma_start3A_1292] : memref<256x33x8x256xf32, #tpu.memory_space<hbm>> -> memref<1x33x4x256xf32, #tpu.memory_space<hbm>>
    %dma_start3A_1294 = tpu.memref_squeeze %dma_start3A_1293 : memref<1x33x4x256xf32, #tpu.memory_space<hbm>> -> memref<33x4x256xf32, #tpu.memory_space<hbm>>
    tpu.enqueue_dma source(%arg7 : memref<33x4x256xf32, #tpu.memory_space<vmem>>) target(%dma_start3A_1294 : memref<33x4x256xf32, #tpu.memory_space<hbm>>) target_semaphore(%arg13 : memref<!tpu.dma_semaphore, #tpu.memory_space<semaphore_mem>>)
    %dma_wait3A_1295 = arith.constant 0 : i32
    %dma_wait3A_1296 = arith.constant 0 : i32
    %dma_wait3A_1297 = arith.constant 0 : i32
    %dma_wait3A_1298 = tpu.memref_slice %arg4[%mul3A_2, %dma_wait3A_1295, %dma_wait3A_1296, %dma_wait3A_1297] : memref<256x33x8x256xf32, #tpu.memory_space<hbm>> -> memref<1x33x4x256xf32, #tpu.memory_space<hbm>>
    %dma_wait3A_1299 = tpu.memref_squeeze %dma_wait3A_1298 : memref<1x33x4x256xf32, #tpu.memory_space<hbm>> -> memref<33x4x256xf32, #tpu.memory_space<hbm>>
    %dma_wait3A_1300 = arith.constant 0 : i32
    %dma_wait3A_1301 = arith.constant 0 : i32
    %dma_wait3A_1302 = arith.constant 0 : i32
    %dma_wait3A_1303 = tpu.memref_slice %arg4[%mul3A_2, %dma_wait3A_1300, %dma_wait3A_1301, %dma_wait3A_1302] : memref<256x33x8x256xf32, #tpu.memory_space<hbm>> -> memref<1x33x4x256xf32, #tpu.memory_space<hbm>>
    %dma_wait3A_1304 = tpu.memref_squeeze %dma_wait3A_1303 : memref<1x33x4x256xf32, #tpu.memory_space<hbm>> -> memref<33x4x256xf32, #tpu.memory_space<hbm>>
    tpu.wait_dma2 semaphore(%arg12 : memref<!tpu.dma_semaphore, #tpu.memory_space<semaphore_mem>>) src(%arg6 : memref<33x4x256xf32, #tpu.memory_space<vmem>>) dst(%dma_wait3A_1304 : memref<33x4x256xf32, #tpu.memory_space<hbm>>)
    %get3A_1305 = arith.constant 32 : index
    %get3A_1306 = tpu.vector_load %arg5[%get3A_1305] {strides = array<i32>} : memref<64xi32, #tpu.memory_space<vmem>>, vector<16xi32>,
    %eq3A_1307 = arith.constant 4 : i32
    %eq3A_1308 = vector.broadcast %eq3A_1307 : i32 to vector<16xi32>
    %eq3A_1309 = arith.cmpi eq, %iota3A, %eq3A_1308 : vector<16xi32>
    %jit3A_1310 = arith.constant 0 : i32
    %broadcast_in_dim3A_1311 = vector.broadcast %jit3A_1310 : i32 to vector<16xi32>
    %select_n3A_1312 = arith.select %eq3A_1309, %get3A_1306, %broadcast_in_dim3A_1311 : vector<16xi1>, vector<16xi32>
    %reduce_max3A_1313 = arith.constant true
    %reduce_max3A_1314 = vector.broadcast %reduce_max3A_1313 : i1 to vector<16xi1>
    %reduce_max3A_1315 = arith.constant -2147483648 : i32
    %reduce_max3A_1316 = vector.broadcast %reduce_max3A_1315 : i32 to vector<16xi32>
    %reduce_max3A_1317 = arith.xori %select_n3A_1312, %reduce_max3A_1316 : vector<16xi32>
    %reduce_max3A_1318 = tpu.scan <max>, %reduce_max3A_1317 masked %reduce_max3A_1314 : vector<16xi32>, vector<16xi1> -> vector<16xi32>
    %reduce_max3A_1319 = arith.xori %reduce_max3A_1318, %reduce_max3A_1316 : vector<16xi32>
    %reduce_max3A_1320 = vector.extract %reduce_max3A_1319[15] : i32 from vector<16xi32>
    %dma_start3A_1321 = arith.constant 0 : i32
    %dma_start3A_1322 = arith.constant 0 : i32
    %dma_start3A_1323 = arith.constant 0 : i32
    %dma_start3A_1324 = tpu.memref_slice %arg6[%dma_start3A_1321, %dma_start3A_1322, %dma_start3A_1323] : memref<33x4x256xf32, #tpu.memory_space<vmem>> -> memref<33x1x256xf32, #tpu.memory_space<vmem>>
    %dma_start3A_1325 = arith.constant 0 : i32
    %dma_start3A_1326 = arith.constant 0 : i32
    %dma_start3A_1327 = tpu.memref_slice %arg2[%dma_start3A_1325, %reduce_max3A_1320, %dma_start3A_1326] : memref<33x8192x256xf32, #tpu.memory_space<hbm>> -> memref<33x1x256xf32, #tpu.memory_space<hbm>>
    %dma_start3A_1328 = arith.constant 0 : i32
    %dma_start3A_1329 = arith.constant 0 : i32
    %dma_start3A_1330 = arith.constant 0 : i32
    %dma_start3A_1331 = tpu.memref_slice %arg6[%dma_start3A_1328, %dma_start3A_1329, %dma_start3A_1330] : memref<33x4x256xf32, #tpu.memory_space<vmem>> -> memref<33x1x256xf32, #tpu.memory_space<vmem>>
    %dma_start3A_1332 = arith.constant 0 : i32
    %dma_start3A_1333 = arith.constant 0 : i32
    %dma_start3A_1334 = tpu.memref_slice %arg2[%dma_start3A_1332, %reduce_max3A_1320, %dma_start3A_1333] : memref<33x8192x256xf32, #tpu.memory_space<hbm>> -> memref<33x1x256xf32, #tpu.memory_space<hbm>>
    tpu.enqueue_dma source(%dma_start3A_1334 : memref<33x1x256xf32, #tpu.memory_space<hbm>>) target(%dma_start3A_1331 : memref<33x1x256xf32, #tpu.memory_space<vmem>>) target_semaphore(%arg9 : memref<!tpu.dma_semaphore, #tpu.memory_space<semaphore_mem>>)
    %get3A_1335 = arith.constant 32 : index
    %get3A_1336 = tpu.vector_load %arg5[%get3A_1335] {strides = array<i32>} : memref<64xi32, #tpu.memory_space<vmem>>, vector<16xi32>,
    %eq3A_1337 = arith.constant 5 : i32
    %eq3A_1338 = vector.broadcast %eq3A_1337 : i32 to vector<16xi32>
    %eq3A_1339 = arith.cmpi eq, %iota3A, %eq3A_1338 : vector<16xi32>
    %jit3A_1340 = arith.constant 0 : i32
    %broadcast_in_dim3A_1341 = vector.broadcast %jit3A_1340 : i32 to vector<16xi32>
    %select_n3A_1342 = arith.select %eq3A_1339, %get3A_1336, %broadcast_in_dim3A_1341 : vector<16xi1>, vector<16xi32>
    %reduce_max3A_1343 = arith.constant true
    %reduce_max3A_1344 = vector.broadcast %reduce_max3A_1343 : i1 to vector<16xi1>
    %reduce_max3A_1345 = arith.constant -2147483648 : i32
    %reduce_max3A_1346 = vector.broadcast %reduce_max3A_1345 : i32 to vector<16xi32>
    %reduce_max3A_1347 = arith.xori %select_n3A_1342, %reduce_max3A_1346 : vector<16xi32>
    %reduce_max3A_1348 = tpu.scan <max>, %reduce_max3A_1347 masked %reduce_max3A_1344 : vector<16xi32>, vector<16xi1> -> vector<16xi32>
    %reduce_max3A_1349 = arith.xori %reduce_max3A_1348, %reduce_max3A_1346 : vector<16xi32>
    %reduce_max3A_1350 = vector.extract %reduce_max3A_1349[15] : i32 from vector<16xi32>
    %dma_start3A_1351 = arith.constant 0 : i32
    %dma_start3A_1352 = arith.constant 1 : i32
    %dma_start3A_1353 = arith.constant 0 : i32
    %dma_start3A_1354 = tpu.memref_slice %arg6[%dma_start3A_1351, %dma_start3A_1352, %dma_start3A_1353] : memref<33x4x256xf32, #tpu.memory_space<vmem>> -> memref<33x1x256xf32, #tpu.memory_space<vmem>>
    %dma_start3A_1355 = arith.constant 0 : i32
    %dma_start3A_1356 = arith.constant 0 : i32
    %dma_start3A_1357 = tpu.memref_slice %arg2[%dma_start3A_1355, %reduce_max3A_1350, %dma_start3A_1356] : memref<33x8192x256xf32, #tpu.memory_space<hbm>> -> memref<33x1x256xf32, #tpu.memory_space<hbm>>
    %dma_start3A_1358 = arith.constant 0 : i32
    %dma_start3A_1359 = arith.constant 1 : i32
    %dma_start3A_1360 = arith.constant 0 : i32
    %dma_start3A_1361 = tpu.memref_slice %arg6[%dma_start3A_1358, %dma_start3A_1359, %dma_start3A_1360] : memref<33x4x256xf32, #tpu.memory_space<vmem>> -> memref<33x1x256xf32, #tpu.memory_space<vmem>>
    %dma_start3A_1362 = arith.constant 0 : i32
    %dma_start3A_1363 = arith.constant 0 : i32
    %dma_start3A_1364 = tpu.memref_slice %arg2[%dma_start3A_1362, %reduce_max3A_1350, %dma_start3A_1363] : memref<33x8192x256xf32, #tpu.memory_space<hbm>> -> memref<33x1x256xf32, #tpu.memory_space<hbm>>
    tpu.enqueue_dma source(%dma_start3A_1364 : memref<33x1x256xf32, #tpu.memory_space<hbm>>) target(%dma_start3A_1361 : memref<33x1x256xf32, #tpu.memory_space<vmem>>) target_semaphore(%arg9 : memref<!tpu.dma_semaphore, #tpu.memory_space<semaphore_mem>>)
    %get3A_1365 = arith.constant 32 : index
    %get3A_1366 = tpu.vector_load %arg5[%get3A_1365] {strides = array<i32>} : memref<64xi32, #tpu.memory_space<vmem>>, vector<16xi32>,
    %eq3A_1367 = arith.constant 6 : i32
    %eq3A_1368 = vector.broadcast %eq3A_1367 : i32 to vector<16xi32>
    %eq3A_1369 = arith.cmpi eq, %iota3A, %eq3A_1368 : vector<16xi32>
    %jit3A_1370 = arith.constant 0 : i32
    %broadcast_in_dim3A_1371 = vector.broadcast %jit3A_1370 : i32 to vector<16xi32>
    %select_n3A_1372 = arith.select %eq3A_1369, %get3A_1366, %broadcast_in_dim3A_1371 : vector<16xi1>, vector<16xi32>
    %reduce_max3A_1373 = arith.constant true
    %reduce_max3A_1374 = vector.broadcast %reduce_max3A_1373 : i1 to vector<16xi1>
    %reduce_max3A_1375 = arith.constant -2147483648 : i32
    %reduce_max3A_1376 = vector.broadcast %reduce_max3A_1375 : i32 to vector<16xi32>
    %reduce_max3A_1377 = arith.xori %select_n3A_1372, %reduce_max3A_1376 : vector<16xi32>
    %reduce_max3A_1378 = tpu.scan <max>, %reduce_max3A_1377 masked %reduce_max3A_1374 : vector<16xi32>, vector<16xi1> -> vector<16xi32>
    %reduce_max3A_1379 = arith.xori %reduce_max3A_1378, %reduce_max3A_1376 : vector<16xi32>
    %reduce_max3A_1380 = vector.extract %reduce_max3A_1379[15] : i32 from vector<16xi32>
    %dma_start3A_1381 = arith.constant 0 : i32
    %dma_start3A_1382 = arith.constant 2 : i32
    %dma_start3A_1383 = arith.constant 0 : i32
    %dma_start3A_1384 = tpu.memref_slice %arg6[%dma_start3A_1381, %dma_start3A_1382, %dma_start3A_1383] : memref<33x4x256xf32, #tpu.memory_space<vmem>> -> memref<33x1x256xf32, #tpu.memory_space<vmem>>
    %dma_start3A_1385 = arith.constant 0 : i32
    %dma_start3A_1386 = arith.constant 0 : i32
    %dma_start3A_1387 = tpu.memref_slice %arg2[%dma_start3A_1385, %reduce_max3A_1380, %dma_start3A_1386] : memref<33x8192x256xf32, #tpu.memory_space<hbm>> -> memref<33x1x256xf32, #tpu.memory_space<hbm>>
    %dma_start3A_1388 = arith.constant 0 : i32
    %dma_start3A_1389 = arith.constant 2 : i32
    %dma_start3A_1390 = arith.constant 0 : i32
    %dma_start3A_1391 = tpu.memref_slice %arg6[%dma_start3A_1388, %dma_start3A_1389, %dma_start3A_1390] : memref<33x4x256xf32, #tpu.memory_space<vmem>> -> memref<33x1x256xf32, #tpu.memory_space<vmem>>
    %dma_start3A_1392 = arith.constant 0 : i32
    %dma_start3A_1393 = arith.constant 0 : i32
    %dma_start3A_1394 = tpu.memref_slice %arg2[%dma_start3A_1392, %reduce_max3A_1380, %dma_start3A_1393] : memref<33x8192x256xf32, #tpu.memory_space<hbm>> -> memref<33x1x256xf32, #tpu.memory_space<hbm>>
    tpu.enqueue_dma source(%dma_start3A_1394 : memref<33x1x256xf32, #tpu.memory_space<hbm>>) target(%dma_start3A_1391 : memref<33x1x256xf32, #tpu.memory_space<vmem>>) target_semaphore(%arg9 : memref<!tpu.dma_semaphore, #tpu.memory_space<semaphore_mem>>)
    %get3A_1395 = arith.constant 32 : index
    %get3A_1396 = tpu.vector_load %arg5[%get3A_1395] {strides = array<i32>} : memref<64xi32, #tpu.memory_space<vmem>>, vector<16xi32>,
    %eq3A_1397 = arith.constant 7 : i32
    %eq3A_1398 = vector.broadcast %eq3A_1397 : i32 to vector<16xi32>
    %eq3A_1399 = arith.cmpi eq, %iota3A, %eq3A_1398 : vector<16xi32>
    %jit3A_1400 = arith.constant 0 : i32
    %broadcast_in_dim3A_1401 = vector.broadcast %jit3A_1400 : i32 to vector<16xi32>
    %select_n3A_1402 = arith.select %eq3A_1399, %get3A_1396, %broadcast_in_dim3A_1401 : vector<16xi1>, vector<16xi32>
    %reduce_max3A_1403 = arith.constant true
    %reduce_max3A_1404 = vector.broadcast %reduce_max3A_1403 : i1 to vector<16xi1>
    %reduce_max3A_1405 = arith.constant -2147483648 : i32
    %reduce_max3A_1406 = vector.broadcast %reduce_max3A_1405 : i32 to vector<16xi32>
    %reduce_max3A_1407 = arith.xori %select_n3A_1402, %reduce_max3A_1406 : vector<16xi32>
    %reduce_max3A_1408 = tpu.scan <max>, %reduce_max3A_1407 masked %reduce_max3A_1404 : vector<16xi32>, vector<16xi1> -> vector<16xi32>
    %reduce_max3A_1409 = arith.xori %reduce_max3A_1408, %reduce_max3A_1406 : vector<16xi32>
    %reduce_max3A_1410 = vector.extract %reduce_max3A_1409[15] : i32 from vector<16xi32>
    %dma_start3A_1411 = arith.constant 0 : i32
    %dma_start3A_1412 = arith.constant 3 : i32
    %dma_start3A_1413 = arith.constant 0 : i32
    %dma_start3A_1414 = tpu.memref_slice %arg6[%dma_start3A_1411, %dma_start3A_1412, %dma_start3A_1413] : memref<33x4x256xf32, #tpu.memory_space<vmem>> -> memref<33x1x256xf32, #tpu.memory_space<vmem>>
    %dma_start3A_1415 = arith.constant 0 : i32
    %dma_start3A_1416 = arith.constant 0 : i32
    %dma_start3A_1417 = tpu.memref_slice %arg2[%dma_start3A_1415, %reduce_max3A_1410, %dma_start3A_1416] : memref<33x8192x256xf32, #tpu.memory_space<hbm>> -> memref<33x1x256xf32, #tpu.memory_space<hbm>>
    %dma_start3A_1418 = arith.constant 0 : i32
    %dma_start3A_1419 = arith.constant 3 : i32
    %dma_start3A_1420 = arith.constant 0 : i32
    %dma_start3A_1421 = tpu.memref_slice %arg6[%dma_start3A_1418, %dma_start3A_1419, %dma_start3A_1420] : memref<33x4x256xf32, #tpu.memory_space<vmem>> -> memref<33x1x256xf32, #tpu.memory_space<vmem>>
    %dma_start3A_1422 = arith.constant 0 : i32
    %dma_start3A_1423 = arith.constant 0 : i32
    %dma_start3A_1424 = tpu.memref_slice %arg2[%dma_start3A_1422, %reduce_max3A_1410, %dma_start3A_1423] : memref<33x8192x256xf32, #tpu.memory_space<hbm>> -> memref<33x1x256xf32, #tpu.memory_space<hbm>>
    tpu.enqueue_dma source(%dma_start3A_1424 : memref<33x1x256xf32, #tpu.memory_space<hbm>>) target(%dma_start3A_1421 : memref<33x1x256xf32, #tpu.memory_space<vmem>>) target_semaphore(%arg9 : memref<!tpu.dma_semaphore, #tpu.memory_space<semaphore_mem>>)
    %dma_wait3A_1425 = arith.constant 0 : i32
    %dma_wait3A_1426 = arith.constant 0 : i32
    %dma_wait3A_1427 = arith.constant 0 : i32
    %dma_wait3A_1428 = tpu.memref_slice %arg2[%dma_wait3A_1425, %dma_wait3A_1426, %dma_wait3A_1427] : memref<33x8192x256xf32, #tpu.memory_space<hbm>> -> memref<33x4x256xf32, #tpu.memory_space<hbm>>
    %dma_wait3A_1429 = arith.constant 0 : i32
    %dma_wait3A_1430 = arith.constant 0 : i32
    %dma_wait3A_1431 = arith.constant 0 : i32
    %dma_wait3A_1432 = tpu.memref_slice %arg2[%dma_wait3A_1429, %dma_wait3A_1430, %dma_wait3A_1431] : memref<33x8192x256xf32, #tpu.memory_space<hbm>> -> memref<33x4x256xf32, #tpu.memory_space<hbm>>
    tpu.wait_dma2 semaphore(%arg11 : memref<!tpu.dma_semaphore, #tpu.memory_space<semaphore_mem>>) src(%dma_wait3A_1432 : memref<33x4x256xf32, #tpu.memory_space<hbm>>) dst(%arg8 : memref<33x4x256xf32, #tpu.memory_space<vmem>>)
    %add3A_1433 = arith.constant 4 : i32
    %add3A_1434 = arith.addi %mul3A_2, %add3A_1433 : i32
    %dma_start3A_1435 = arith.constant 0 : i32
    %dma_start3A_1436 = arith.constant 0 : i32
    %dma_start3A_1437 = arith.constant 0 : i32
    %dma_start3A_1438 = tpu.memref_slice %arg4[%add3A_1434, %dma_start3A_1435, %dma_start3A_1436, %dma_start3A_1437] : memref<256x33x8x256xf32, #tpu.memory_space<hbm>> -> memref<1x33x4x256xf32, #tpu.memory_space<hbm>>
    %dma_start3A_1439 = tpu.memref_squeeze %dma_start3A_1438 : memref<1x33x4x256xf32, #tpu.memory_space<hbm>> -> memref<33x4x256xf32, #tpu.memory_space<hbm>>
    %dma_start3A_1440 = arith.constant 0 : i32
    %dma_start3A_1441 = arith.constant 0 : i32
    %dma_start3A_1442 = arith.constant 0 : i32
    %dma_start3A_1443 = tpu.memref_slice %arg4[%add3A_1434, %dma_start3A_1440, %dma_start3A_1441, %dma_start3A_1442] : memref<256x33x8x256xf32, #tpu.memory_space<hbm>> -> memref<1x33x4x256xf32, #tpu.memory_space<hbm>>
    %dma_start3A_1444 = tpu.memref_squeeze %dma_start3A_1443 : memref<1x33x4x256xf32, #tpu.memory_space<hbm>> -> memref<33x4x256xf32, #tpu.memory_space<hbm>>
    tpu.enqueue_dma source(%arg8 : memref<33x4x256xf32, #tpu.memory_space<vmem>>) target(%dma_start3A_1444 : memref<33x4x256xf32, #tpu.memory_space<hbm>>) target_semaphore(%arg14 : memref<!tpu.dma_semaphore, #tpu.memory_space<semaphore_mem>>)
    %dma_wait3A_1445 = arith.constant 0 : i32
    %dma_wait3A_1446 = arith.constant 0 : i32
    %dma_wait3A_1447 = arith.constant 0 : i32
    %dma_wait3A_1448 = tpu.memref_slice %arg4[%mul3A_2, %dma_wait3A_1445, %dma_wait3A_1446, %dma_wait3A_1447] : memref<256x33x8x256xf32, #tpu.memory_space<hbm>> -> memref<1x33x4x256xf32, #tpu.memory_space<hbm>>
    %dma_wait3A_1449 = tpu.memref_squeeze %dma_wait3A_1448 : memref<1x33x4x256xf32, #tpu.memory_space<hbm>> -> memref<33x4x256xf32, #tpu.memory_space<hbm>>
    %dma_wait3A_1450 = arith.constant 0 : i32
    %dma_wait3A_1451 = arith.constant 0 : i32
    %dma_wait3A_1452 = arith.constant 0 : i32
    %dma_wait3A_1453 = tpu.memref_slice %arg4[%mul3A_2, %dma_wait3A_1450, %dma_wait3A_1451, %dma_wait3A_1452] : memref<256x33x8x256xf32, #tpu.memory_space<hbm>> -> memref<1x33x4x256xf32, #tpu.memory_space<hbm>>
    %dma_wait3A_1454 = tpu.memref_squeeze %dma_wait3A_1453 : memref<1x33x4x256xf32, #tpu.memory_space<hbm>> -> memref<33x4x256xf32, #tpu.memory_space<hbm>>
    tpu.wait_dma2 semaphore(%arg13 : memref<!tpu.dma_semaphore, #tpu.memory_space<semaphore_mem>>) src(%arg7 : memref<33x4x256xf32, #tpu.memory_space<vmem>>) dst(%dma_wait3A_1454 : memref<33x4x256xf32, #tpu.memory_space<hbm>>)
    %get3A_1455 = arith.constant 32 : index
    %get3A_1456 = tpu.vector_load %arg5[%get3A_1455] {strides = array<i32>} : memref<64xi32, #tpu.memory_space<vmem>>, vector<16xi32>,
    %eq3A_1457 = arith.constant 8 : i32
    %eq3A_1458 = vector.broadcast %eq3A_1457 : i32 to vector<16xi32>
    %eq3A_1459 = arith.cmpi eq, %iota3A, %eq3A_1458 : vector<16xi32>
    %jit3A_1460 = arith.constant 0 : i32
    %broadcast_in_dim3A_1461 = vector.broadcast %jit3A_1460 : i32 to vector<16xi32>
    %select_n3A_1462 = arith.select %eq3A_1459, %get3A_1456, %broadcast_in_dim3A_1461 : vector<16xi1>, vector<16xi32>
    %reduce_max3A_1463 = arith.constant true
    %reduce_max3A_1464 = vector.broadcast %reduce_max3A_1463 : i1 to vector<16xi1>
    %reduce_max3A_1465 = arith.constant -2147483648 : i32
    %reduce_max3A_1466 = vector.broadcast %reduce_max3A_1465 : i32 to vector<16xi32>
    %reduce_max3A_1467 = arith.xori %select_n3A_1462, %reduce_max3A_1466 : vector<16xi32>
    %reduce_max3A_1468 = tpu.scan <max>, %reduce_max3A_1467 masked %reduce_max3A_1464 : vector<16xi32>, vector<16xi1> -> vector<16xi32>
    %reduce_max3A_1469 = arith.xori %reduce_max3A_1468, %reduce_max3A_1466 : vector<16xi32>
    %reduce_max3A_1470 = vector.extract %reduce_max3A_1469[15] : i32 from vector<16xi32>
    %dma_start3A_1471 = arith.constant 0 : i32
    %dma_start3A_1472 = arith.constant 0 : i32
    %dma_start3A_1473 = arith.constant 0 : i32
    %dma_start3A_1474 = tpu.memref_slice %arg7[%dma_start3A_1471, %dma_start3A_1472, %dma_start3A_1473] : memref<33x4x256xf32, #tpu.memory_space<vmem>> -> memref<33x1x256xf32, #tpu.memory_space<vmem>>
    %dma_start3A_1475 = arith.constant 0 : i32
    %dma_start3A_1476 = arith.constant 0 : i32
    %dma_start3A_1477 = tpu.memref_slice %arg2[%dma_start3A_1475, %reduce_max3A_1470, %dma_start3A_1476] : memref<33x8192x256xf32, #tpu.memory_space<hbm>> -> memref<33x1x256xf32, #tpu.memory_space<hbm>>
    %dma_start3A_1478 = arith.constant 0 : i32
    %dma_start3A_1479 = arith.constant 0 : i32
    %dma_start3A_1480 = arith.constant 0 : i32
    %dma_start3A_1481 = tpu.memref_slice %arg7[%dma_start3A_1478, %dma_start3A_1479, %dma_start3A_1480] : memref<33x4x256xf32, #tpu.memory_space<vmem>> -> memref<33x1x256xf32, #tpu.memory_space<vmem>>
    %dma_start3A_1482 = arith.constant 0 : i32
    %dma_start3A_1483 = arith.constant 0 : i32
    %dma_start3A_1484 = tpu.memref_slice %arg2[%dma_start3A_1482, %reduce_max3A_1470, %dma_start3A_1483] : memref<33x8192x256xf32, #tpu.memory_space<hbm>> -> memref<33x1x256xf32, #tpu.memory_space<hbm>>
    tpu.enqueue_dma source(%dma_start3A_1484 : memref<33x1x256xf32, #tpu.memory_space<hbm>>) target(%dma_start3A_1481 : memref<33x1x256xf32, #tpu.memory_space<vmem>>) target_semaphore(%arg10 : memref<!tpu.dma_semaphore, #tpu.memory_space<semaphore_mem>>)
    %get3A_1485 = arith.constant 32 : index
    %get3A_1486 = tpu.vector_load %arg5[%get3A_1485] {strides = array<i32>} : memref<64xi32, #tpu.memory_space<vmem>>, vector<16xi32>,
    %eq3A_1487 = arith.constant 9 : i32
    %eq3A_1488 = vector.broadcast %eq3A_1487 : i32 to vector<16xi32>
    %eq3A_1489 = arith.cmpi eq, %iota3A, %eq3A_1488 : vector<16xi32>
    %jit3A_1490 = arith.constant 0 : i32
    %broadcast_in_dim3A_1491 = vector.broadcast %jit3A_1490 : i32 to vector<16xi32>
    %select_n3A_1492 = arith.select %eq3A_1489, %get3A_1486, %broadcast_in_dim3A_1491 : vector<16xi1>, vector<16xi32>
    %reduce_max3A_1493 = arith.constant true
    %reduce_max3A_1494 = vector.broadcast %reduce_max3A_1493 : i1 to vector<16xi1>
    %reduce_max3A_1495 = arith.constant -2147483648 : i32
    %reduce_max3A_1496 = vector.broadcast %reduce_max3A_1495 : i32 to vector<16xi32>
    %reduce_max3A_1497 = arith.xori %select_n3A_1492, %reduce_max3A_1496 : vector<16xi32>
    %reduce_max3A_1498 = tpu.scan <max>, %reduce_max3A_1497 masked %reduce_max3A_1494 : vector<16xi32>, vector<16xi1> -> vector<16xi32>
    %reduce_max3A_1499 = arith.xori %reduce_max3A_1498, %reduce_max3A_1496 : vector<16xi32>
    %reduce_max3A_1500 = vector.extract %reduce_max3A_1499[15] : i32 from vector<16xi32>
    %dma_start3A_1501 = arith.constant 0 : i32
    %dma_start3A_1502 = arith.constant 1 : i32
    %dma_start3A_1503 = arith.constant 0 : i32
    %dma_start3A_1504 = tpu.memref_slice %arg7[%dma_start3A_1501, %dma_start3A_1502, %dma_start3A_1503] : memref<33x4x256xf32, #tpu.memory_space<vmem>> -> memref<33x1x256xf32, #tpu.memory_space<vmem>>
    %dma_start3A_1505 = arith.constant 0 : i32
    %dma_start3A_1506 = arith.constant 0 : i32
    %dma_start3A_1507 = tpu.memref_slice %arg2[%dma_start3A_1505, %reduce_max3A_1500, %dma_start3A_1506] : memref<33x8192x256xf32, #tpu.memory_space<hbm>> -> memref<33x1x256xf32, #tpu.memory_space<hbm>>
    %dma_start3A_1508 = arith.constant 0 : i32
    %dma_start3A_1509 = arith.constant 1 : i32
    %dma_start3A_1510 = arith.constant 0 : i32
    %dma_start3A_1511 = tpu.memref_slice %arg7[%dma_start3A_1508, %dma_start3A_1509, %dma_start3A_1510] : memref<33x4x256xf32, #tpu.memory_space<vmem>> -> memref<33x1x256xf32, #tpu.memory_space<vmem>>
    %dma_start3A_1512 = arith.constant 0 : i32
    %dma_start3A_1513 = arith.constant 0 : i32
    %dma_start3A_1514 = tpu.memref_slice %arg2[%dma_start3A_1512, %reduce_max3A_1500, %dma_start3A_1513] : memref<33x8192x256xf32, #tpu.memory_space<hbm>> -> memref<33x1x256xf32, #tpu.memory_space<hbm>>
    tpu.enqueue_dma source(%dma_start3A_1514 : memref<33x1x256xf32, #tpu.memory_space<hbm>>) target(%dma_start3A_1511 : memref<33x1x256xf32, #tpu.memory_space<vmem>>) target_semaphore(%arg10 : memref<!tpu.dma_semaphore, #tpu.memory_space<semaphore_mem>>)
    %get3A_1515 = arith.constant 32 : index
    %get3A_1516 = tpu.vector_load %arg5[%get3A_1515] {strides = array<i32>} : memref<64xi32, #tpu.memory_space<vmem>>, vector<16xi32>,
    %eq3A_1517 = arith.constant 10 : i32
    %eq3A_1518 = vector.broadcast %eq3A_1517 : i32 to vector<16xi32>
    %eq3A_1519 = arith.cmpi eq, %iota3A, %eq3A_1518 : vector<16xi32>
    %jit3A_1520 = arith.constant 0 : i32
    %broadcast_in_dim3A_1521 = vector.broadcast %jit3A_1520 : i32 to vector<16xi32>
    %select_n3A_1522 = arith.select %eq3A_1519, %get3A_1516, %broadcast_in_dim3A_1521 : vector<16xi1>, vector<16xi32>
    %reduce_max3A_1523 = arith.constant true
    %reduce_max3A_1524 = vector.broadcast %reduce_max3A_1523 : i1 to vector<16xi1>
    %reduce_max3A_1525 = arith.constant -2147483648 : i32
    %reduce_max3A_1526 = vector.broadcast %reduce_max3A_1525 : i32 to vector<16xi32>
    %reduce_max3A_1527 = arith.xori %select_n3A_1522, %reduce_max3A_1526 : vector<16xi32>
    %reduce_max3A_1528 = tpu.scan <max>, %reduce_max3A_1527 masked %reduce_max3A_1524 : vector<16xi32>, vector<16xi1> -> vector<16xi32>
    %reduce_max3A_1529 = arith.xori %reduce_max3A_1528, %reduce_max3A_1526 : vector<16xi32>
    %reduce_max3A_1530 = vector.extract %reduce_max3A_1529[15] : i32 from vector<16xi32>
    %dma_start3A_1531 = arith.constant 0 : i32
    %dma_start3A_1532 = arith.constant 2 : i32
    %dma_start3A_1533 = arith.constant 0 : i32
    %dma_start3A_1534 = tpu.memref_slice %arg7[%dma_start3A_1531, %dma_start3A_1532, %dma_start3A_1533] : memref<33x4x256xf32, #tpu.memory_space<vmem>> -> memref<33x1x256xf32, #tpu.memory_space<vmem>>
    %dma_start3A_1535 = arith.constant 0 : i32
    %dma_start3A_1536 = arith.constant 0 : i32
    %dma_start3A_1537 = tpu.memref_slice %arg2[%dma_start3A_1535, %reduce_max3A_1530, %dma_start3A_1536] : memref<33x8192x256xf32, #tpu.memory_space<hbm>> -> memref<33x1x256xf32, #tpu.memory_space<hbm>>
    %dma_start3A_1538 = arith.constant 0 : i32
    %dma_start3A_1539 = arith.constant 2 : i32
    %dma_start3A_1540 = arith.constant 0 : i32
    %dma_start3A_1541 = tpu.memref_slice %arg7[%dma_start3A_1538, %dma_start3A_1539, %dma_start3A_1540] : memref<33x4x256xf32, #tpu.memory_space<vmem>> -> memref<33x1x256xf32, #tpu.memory_space<vmem>>
    %dma_start3A_1542 = arith.constant 0 : i32
    %dma_start3A_1543 = arith.constant 0 : i32
    %dma_start3A_1544 = tpu.memref_slice %arg2[%dma_start3A_1542, %reduce_max3A_1530, %dma_start3A_1543] : memref<33x8192x256xf32, #tpu.memory_space<hbm>> -> memref<33x1x256xf32, #tpu.memory_space<hbm>>
    tpu.enqueue_dma source(%dma_start3A_1544 : memref<33x1x256xf32, #tpu.memory_space<hbm>>) target(%dma_start3A_1541 : memref<33x1x256xf32, #tpu.memory_space<vmem>>) target_semaphore(%arg10 : memref<!tpu.dma_semaphore, #tpu.memory_space<semaphore_mem>>)
    %get3A_1545 = arith.constant 32 : index
    %get3A_1546 = tpu.vector_load %arg5[%get3A_1545] {strides = array<i32>} : memref<64xi32, #tpu.memory_space<vmem>>, vector<16xi32>,
    %eq3A_1547 = arith.constant 11 : i32
    %eq3A_1548 = vector.broadcast %eq3A_1547 : i32 to vector<16xi32>
    %eq3A_1549 = arith.cmpi eq, %iota3A, %eq3A_1548 : vector<16xi32>
    %jit3A_1550 = arith.constant 0 : i32
    %broadcast_in_dim3A_1551 = vector.broadcast %jit3A_1550 : i32 to vector<16xi32>
    %select_n3A_1552 = arith.select %eq3A_1549, %get3A_1546, %broadcast_in_dim3A_1551 : vector<16xi1>, vector<16xi32>
    %reduce_max3A_1553 = arith.constant true
    %reduce_max3A_1554 = vector.broadcast %reduce_max3A_1553 : i1 to vector<16xi1>
    %reduce_max3A_1555 = arith.constant -2147483648 : i32
    %reduce_max3A_1556 = vector.broadcast %reduce_max3A_1555 : i32 to vector<16xi32>
    %reduce_max3A_1557 = arith.xori %select_n3A_1552, %reduce_max3A_1556 : vector<16xi32>
    %reduce_max3A_1558 = tpu.scan <max>, %reduce_max3A_1557 masked %reduce_max3A_1554 : vector<16xi32>, vector<16xi1> -> vector<16xi32>
    %reduce_max3A_1559 = arith.xori %reduce_max3A_1558, %reduce_max3A_1556 : vector<16xi32>
    %reduce_max3A_1560 = vector.extract %reduce_max3A_1559[15] : i32 from vector<16xi32>
    %dma_start3A_1561 = arith.constant 0 : i32
    %dma_start3A_1562 = arith.constant 3 : i32
    %dma_start3A_1563 = arith.constant 0 : i32
    %dma_start3A_1564 = tpu.memref_slice %arg7[%dma_start3A_1561, %dma_start3A_1562, %dma_start3A_1563] : memref<33x4x256xf32, #tpu.memory_space<vmem>> -> memref<33x1x256xf32, #tpu.memory_space<vmem>>
    %dma_start3A_1565 = arith.constant 0 : i32
    %dma_start3A_1566 = arith.constant 0 : i32
    %dma_start3A_1567 = tpu.memref_slice %arg2[%dma_start3A_1565, %reduce_max3A_1560, %dma_start3A_1566] : memref<33x8192x256xf32, #tpu.memory_space<hbm>> -> memref<33x1x256xf32, #tpu.memory_space<hbm>>
    %dma_start3A_1568 = arith.constant 0 : i32
    %dma_start3A_1569 = arith.constant 3 : i32
    %dma_start3A_1570 = arith.constant 0 : i32
    %dma_start3A_1571 = tpu.memref_slice %arg7[%dma_start3A_1568, %dma_start3A_1569, %dma_start3A_1570] : memref<33x4x256xf32, #tpu.memory_space<vmem>> -> memref<33x1x256xf32, #tpu.memory_space<vmem>>
    %dma_start3A_1572 = arith.constant 0 : i32
    %dma_start3A_1573 = arith.constant 0 : i32
    %dma_start3A_1574 = tpu.memref_slice %arg2[%dma_start3A_1572, %reduce_max3A_1560, %dma_start3A_1573] : memref<33x8192x256xf32, #tpu.memory_space<hbm>> -> memref<33x1x256xf32, #tpu.memory_space<hbm>>
    tpu.enqueue_dma source(%dma_start3A_1574 : memref<33x1x256xf32, #tpu.memory_space<hbm>>) target(%dma_start3A_1571 : memref<33x1x256xf32, #tpu.memory_space<vmem>>) target_semaphore(%arg10 : memref<!tpu.dma_semaphore, #tpu.memory_space<semaphore_mem>>)
    %dma_wait3A_1575 = arith.constant 0 : i32
    %dma_wait3A_1576 = arith.constant 0 : i32
    %dma_wait3A_1577 = arith.constant 0 : i32
    %dma_wait3A_1578 = tpu.memref_slice %arg2[%dma_wait3A_1575, %dma_wait3A_1576, %dma_wait3A_1577] : memref<33x8192x256xf32, #tpu.memory_space<hbm>> -> memref<33x4x256xf32, #tpu.memory_space<hbm>>
    %dma_wait3A_1579 = arith.constant 0 : i32
    %dma_wait3A_1580 = arith.constant 0 : i32
    %dma_wait3A_1581 = arith.constant 0 : i32
    %dma_wait3A_1582 = tpu.memref_slice %arg2[%dma_wait3A_1579, %dma_wait3A_1580, %dma_wait3A_1581] : memref<33x8192x256xf32, #tpu.memory_space<hbm>> -> memref<33x4x256xf32, #tpu.memory_space<hbm>>
    tpu.wait_dma2 semaphore(%arg9 : memref<!tpu.dma_semaphore, #tpu.memory_space<semaphore_mem>>) src(%dma_wait3A_1582 : memref<33x4x256xf32, #tpu.memory_space<hbm>>) dst(%arg6 : memref<33x4x256xf32, #tpu.memory_space<vmem>>)
    %add3A_1583 = arith.constant 4 : i32
    %add3A_1584 = arith.addi %mul3A_2, %add3A_1583 : i32
    %dma_start3A_1585 = arith.constant 0 : i32
    %dma_start3A_1586 = arith.constant 4 : i32
    %dma_start3A_1587 = arith.constant 0 : i32
    %dma_start3A_1588 = tpu.memref_slice %arg4[%add3A_1584, %dma_start3A_1585, %dma_start3A_1586, %dma_start3A_1587] : memref<256x33x8x256xf32, #tpu.memory_space<hbm>> -> memref<1x33x4x256xf32, #tpu.memory_space<hbm>>
    %dma_start3A_1589 = tpu.memref_squeeze %dma_start3A_1588 : memref<1x33x4x256xf32, #tpu.memory_space<hbm>> -> memref<33x4x256xf32, #tpu.memory_space<hbm>>
    %dma_start3A_1590 = arith.constant 0 : i32
    %dma_start3A_1591 = arith.constant 4 : i32
    %dma_start3A_1592 = arith.constant 0 : i32
    %dma_start3A_1593 = tpu.memref_slice %arg4[%add3A_1584, %dma_start3A_1590, %dma_start3A_1591, %dma_start3A_1592] : memref<256x33x8x256xf32, #tpu.memory_space<hbm>> -> memref<1x33x4x256xf32, #tpu.memory_space<hbm>>
    %dma_start3A_1594 = tpu.memref_squeeze %dma_start3A_1593 : memref<1x33x4x256xf32, #tpu.memory_space<hbm>> -> memref<33x4x256xf32, #tpu.memory_space<hbm>>
    tpu.enqueue_dma source(%arg6 : memref<33x4x256xf32, #tpu.memory_space<vmem>>) target(%dma_start3A_1594 : memref<33x4x256xf32, #tpu.memory_space<hbm>>) target_semaphore(%arg12 : memref<!tpu.dma_semaphore, #tpu.memory_space<semaphore_mem>>)
    %dma_wait3A_1595 = arith.constant 0 : i32
    %dma_wait3A_1596 = arith.constant 0 : i32
    %dma_wait3A_1597 = arith.constant 0 : i32
    %dma_wait3A_1598 = tpu.memref_slice %arg4[%mul3A_2, %dma_wait3A_1595, %dma_wait3A_1596, %dma_wait3A_1597] : memref<256x33x8x256xf32, #tpu.memory_space<hbm>> -> memref<1x33x4x256xf32, #tpu.memory_space<hbm>>
    %dma_wait3A_1599 = tpu.memref_squeeze %dma_wait3A_1598 : memref<1x33x4x256xf32, #tpu.memory_space<hbm>> -> memref<33x4x256xf32, #tpu.memory_space<hbm>>
    %dma_wait3A_1600 = arith.constant 0 : i32
    %dma_wait3A_1601 = arith.constant 0 : i32
    %dma_wait3A_1602 = arith.constant 0 : i32
    %dma_wait3A_1603 = tpu.memref_slice %arg4[%mul3A_2, %dma_wait3A_1600, %dma_wait3A_1601, %dma_wait3A_1602] : memref<256x33x8x256xf32, #tpu.memory_space<hbm>> -> memref<1x33x4x256xf32, #tpu.memory_space<hbm>>
    %dma_wait3A_1604 = tpu.memref_squeeze %dma_wait3A_1603 : memref<1x33x4x256xf32, #tpu.memory_space<hbm>> -> memref<33x4x256xf32, #tpu.memory_space<hbm>>
    tpu.wait_dma2 semaphore(%arg14 : memref<!tpu.dma_semaphore, #tpu.memory_space<semaphore_mem>>) src(%arg8 : memref<33x4x256xf32, #tpu.memory_space<vmem>>) dst(%dma_wait3A_1604 : memref<33x4x256xf32, #tpu.memory_space<hbm>>)
    %get3A_1605 = arith.constant 32 : index
    %get3A_1606 = tpu.vector_load %arg5[%get3A_1605] {strides = array<i32>} : memref<64xi32, #tpu.memory_space<vmem>>, vector<16xi32>,
    %eq3A_1607 = arith.constant 12 : i32
    %eq3A_1608 = vector.broadcast %eq3A_1607 : i32 to vector<16xi32>
    %eq3A_1609 = arith.cmpi eq, %iota3A, %eq3A_1608 : vector<16xi32>
    %jit3A_1610 = arith.constant 0 : i32
    %broadcast_in_dim3A_1611 = vector.broadcast %jit3A_1610 : i32 to vector<16xi32>
    %select_n3A_1612 = arith.select %eq3A_1609, %get3A_1606, %broadcast_in_dim3A_1611 : vector<16xi1>, vector<16xi32>
    %reduce_max3A_1613 = arith.constant true
    %reduce_max3A_1614 = vector.broadcast %reduce_max3A_1613 : i1 to vector<16xi1>
    %reduce_max3A_1615 = arith.constant -2147483648 : i32
    %reduce_max3A_1616 = vector.broadcast %reduce_max3A_1615 : i32 to vector<16xi32>
    %reduce_max3A_1617 = arith.xori %select_n3A_1612, %reduce_max3A_1616 : vector<16xi32>
    %reduce_max3A_1618 = tpu.scan <max>, %reduce_max3A_1617 masked %reduce_max3A_1614 : vector<16xi32>, vector<16xi1> -> vector<16xi32>
    %reduce_max3A_1619 = arith.xori %reduce_max3A_1618, %reduce_max3A_1616 : vector<16xi32>
    %reduce_max3A_1620 = vector.extract %reduce_max3A_1619[15] : i32 from vector<16xi32>
    %dma_start3A_1621 = arith.constant 0 : i32
    %dma_start3A_1622 = arith.constant 0 : i32
    %dma_start3A_1623 = arith.constant 0 : i32
    %dma_start3A_1624 = tpu.memref_slice %arg8[%dma_start3A_1621, %dma_start3A_1622, %dma_start3A_1623] : memref<33x4x256xf32, #tpu.memory_space<vmem>> -> memref<33x1x256xf32, #tpu.memory_space<vmem>>
    %dma_start3A_1625 = arith.constant 0 : i32
    %dma_start3A_1626 = arith.constant 0 : i32
    %dma_start3A_1627 = tpu.memref_slice %arg2[%dma_start3A_1625, %reduce_max3A_1620, %dma_start3A_1626] : memref<33x8192x256xf32, #tpu.memory_space<hbm>> -> memref<33x1x256xf32, #tpu.memory_space<hbm>>
    %dma_start3A_1628 = arith.constant 0 : i32
    %dma_start3A_1629 = arith.constant 0 : i32
    %dma_start3A_1630 = arith.constant 0 : i32
    %dma_start3A_1631 = tpu.memref_slice %arg8[%dma_start3A_1628, %dma_start3A_1629, %dma_start3A_1630] : memref<33x4x256xf32, #tpu.memory_space<vmem>> -> memref<33x1x256xf32, #tpu.memory_space<vmem>>
    %dma_start3A_1632 = arith.constant 0 : i32
    %dma_start3A_1633 = arith.constant 0 : i32
    %dma_start3A_1634 = tpu.memref_slice %arg2[%dma_start3A_1632, %reduce_max3A_1620, %dma_start3A_1633] : memref<33x8192x256xf32, #tpu.memory_space<hbm>> -> memref<33x1x256xf32, #tpu.memory_space<hbm>>
    tpu.enqueue_dma source(%dma_start3A_1634 : memref<33x1x256xf32, #tpu.memory_space<hbm>>) target(%dma_start3A_1631 : memref<33x1x256xf32, #tpu.memory_space<vmem>>) target_semaphore(%arg11 : memref<!tpu.dma_semaphore, #tpu.memory_space<semaphore_mem>>)
    %get3A_1635 = arith.constant 32 : index
    %get3A_1636 = tpu.vector_load %arg5[%get3A_1635] {strides = array<i32>} : memref<64xi32, #tpu.memory_space<vmem>>, vector<16xi32>,
    %eq3A_1637 = arith.constant 13 : i32
    %eq3A_1638 = vector.broadcast %eq3A_1637 : i32 to vector<16xi32>
    %eq3A_1639 = arith.cmpi eq, %iota3A, %eq3A_1638 : vector<16xi32>
    %jit3A_1640 = arith.constant 0 : i32
    %broadcast_in_dim3A_1641 = vector.broadcast %jit3A_1640 : i32 to vector<16xi32>
    %select_n3A_1642 = arith.select %eq3A_1639, %get3A_1636, %broadcast_in_dim3A_1641 : vector<16xi1>, vector<16xi32>
    %reduce_max3A_1643 = arith.constant true
    %reduce_max3A_1644 = vector.broadcast %reduce_max3A_1643 : i1 to vector<16xi1>
    %reduce_max3A_1645 = arith.constant -2147483648 : i32
    %reduce_max3A_1646 = vector.broadcast %reduce_max3A_1645 : i32 to vector<16xi32>
    %reduce_max3A_1647 = arith.xori %select_n3A_1642, %reduce_max3A_1646 : vector<16xi32>
    %reduce_max3A_1648 = tpu.scan <max>, %reduce_max3A_1647 masked %reduce_max3A_1644 : vector<16xi32>, vector<16xi1> -> vector<16xi32>
    %reduce_max3A_1649 = arith.xori %reduce_max3A_1648, %reduce_max3A_1646 : vector<16xi32>
    %reduce_max3A_1650 = vector.extract %reduce_max3A_1649[15] : i32 from vector<16xi32>
    %dma_start3A_1651 = arith.constant 0 : i32
    %dma_start3A_1652 = arith.constant 1 : i32
    %dma_start3A_1653 = arith.constant 0 : i32
    %dma_start3A_1654 = tpu.memref_slice %arg8[%dma_start3A_1651, %dma_start3A_1652, %dma_start3A_1653] : memref<33x4x256xf32, #tpu.memory_space<vmem>> -> memref<33x1x256xf32, #tpu.memory_space<vmem>>
    %dma_start3A_1655 = arith.constant 0 : i32
    %dma_start3A_1656 = arith.constant 0 : i32
    %dma_start3A_1657 = tpu.memref_slice %arg2[%dma_start3A_1655, %reduce_max3A_1650, %dma_start3A_1656] : memref<33x8192x256xf32, #tpu.memory_space<hbm>> -> memref<33x1x256xf32, #tpu.memory_space<hbm>>
    %dma_start3A_1658 = arith.constant 0 : i32
    %dma_start3A_1659 = arith.constant 1 : i32
    %dma_start3A_1660 = arith.constant 0 : i32
    %dma_start3A_1661 = tpu.memref_slice %arg8[%dma_start3A_1658, %dma_start3A_1659, %dma_start3A_1660] : memref<33x4x256xf32, #tpu.memory_space<vmem>> -> memref<33x1x256xf32, #tpu.memory_space<vmem>>
    %dma_start3A_1662 = arith.constant 0 : i32
    %dma_start3A_1663 = arith.constant 0 : i32
    %dma_start3A_1664 = tpu.memref_slice %arg2[%dma_start3A_1662, %reduce_max3A_1650, %dma_start3A_1663] : memref<33x8192x256xf32, #tpu.memory_space<hbm>> -> memref<33x1x256xf32, #tpu.memory_space<hbm>>
    tpu.enqueue_dma source(%dma_start3A_1664 : memref<33x1x256xf32, #tpu.memory_space<hbm>>) target(%dma_start3A_1661 : memref<33x1x256xf32, #tpu.memory_space<vmem>>) target_semaphore(%arg11 : memref<!tpu.dma_semaphore, #tpu.memory_space<semaphore_mem>>)
    %get3A_1665 = arith.constant 32 : index
    %get3A_1666 = tpu.vector_load %arg5[%get3A_1665] {strides = array<i32>} : memref<64xi32, #tpu.memory_space<vmem>>, vector<16xi32>,
    %eq3A_1667 = arith.constant 14 : i32
    %eq3A_1668 = vector.broadcast %eq3A_1667 : i32 to vector<16xi32>
    %eq3A_1669 = arith.cmpi eq, %iota3A, %eq3A_1668 : vector<16xi32>
    %jit3A_1670 = arith.constant 0 : i32
    %broadcast_in_dim3A_1671 = vector.broadcast %jit3A_1670 : i32 to vector<16xi32>
    %select_n3A_1672 = arith.select %eq3A_1669, %get3A_1666, %broadcast_in_dim3A_1671 : vector<16xi1>, vector<16xi32>
    %reduce_max3A_1673 = arith.constant true
    %reduce_max3A_1674 = vector.broadcast %reduce_max3A_1673 : i1 to vector<16xi1>
    %reduce_max3A_1675 = arith.constant -2147483648 : i32
    %reduce_max3A_1676 = vector.broadcast %reduce_max3A_1675 : i32 to vector<16xi32>
    %reduce_max3A_1677 = arith.xori %select_n3A_1672, %reduce_max3A_1676 : vector<16xi32>
    %reduce_max3A_1678 = tpu.scan <max>, %reduce_max3A_1677 masked %reduce_max3A_1674 : vector<16xi32>, vector<16xi1> -> vector<16xi32>
    %reduce_max3A_1679 = arith.xori %reduce_max3A_1678, %reduce_max3A_1676 : vector<16xi32>
    %reduce_max3A_1680 = vector.extract %reduce_max3A_1679[15] : i32 from vector<16xi32>
    %dma_start3A_1681 = arith.constant 0 : i32
    %dma_start3A_1682 = arith.constant 2 : i32
    %dma_start3A_1683 = arith.constant 0 : i32
    %dma_start3A_1684 = tpu.memref_slice %arg8[%dma_start3A_1681, %dma_start3A_1682, %dma_start3A_1683] : memref<33x4x256xf32, #tpu.memory_space<vmem>> -> memref<33x1x256xf32, #tpu.memory_space<vmem>>
    %dma_start3A_1685 = arith.constant 0 : i32
    %dma_start3A_1686 = arith.constant 0 : i32
    %dma_start3A_1687 = tpu.memref_slice %arg2[%dma_start3A_1685, %reduce_max3A_1680, %dma_start3A_1686] : memref<33x8192x256xf32, #tpu.memory_space<hbm>> -> memref<33x1x256xf32, #tpu.memory_space<hbm>>
    %dma_start3A_1688 = arith.constant 0 : i32
    %dma_start3A_1689 = arith.constant 2 : i32
    %dma_start3A_1690 = arith.constant 0 : i32
    %dma_start3A_1691 = tpu.memref_slice %arg8[%dma_start3A_1688, %dma_start3A_1689, %dma_start3A_1690] : memref<33x4x256xf32, #tpu.memory_space<vmem>> -> memref<33x1x256xf32, #tpu.memory_space<vmem>>
    %dma_start3A_1692 = arith.constant 0 : i32
    %dma_start3A_1693 = arith.constant 0 : i32
    %dma_start3A_1694 = tpu.memref_slice %arg2[%dma_start3A_1692, %reduce_max3A_1680, %dma_start3A_1693] : memref<33x8192x256xf32, #tpu.memory_space<hbm>> -> memref<33x1x256xf32, #tpu.memory_space<hbm>>
    tpu.enqueue_dma source(%dma_start3A_1694 : memref<33x1x256xf32, #tpu.memory_space<hbm>>) target(%dma_start3A_1691 : memref<33x1x256xf32, #tpu.memory_space<vmem>>) target_semaphore(%arg11 : memref<!tpu.dma_semaphore, #tpu.memory_space<semaphore_mem>>)
    %get3A_1695 = arith.constant 32 : index
    %get3A_1696 = tpu.vector_load %arg5[%get3A_1695] {strides = array<i32>} : memref<64xi32, #tpu.memory_space<vmem>>, vector<16xi32>,
    %eq3A_1697 = arith.constant 15 : i32
    %eq3A_1698 = vector.broadcast %eq3A_1697 : i32 to vector<16xi32>
    %eq3A_1699 = arith.cmpi eq, %iota3A, %eq3A_1698 : vector<16xi32>
    %jit3A_1700 = arith.constant 0 : i32
    %broadcast_in_dim3A_1701 = vector.broadcast %jit3A_1700 : i32 to vector<16xi32>
    %select_n3A_1702 = arith.select %eq3A_1699, %get3A_1696, %broadcast_in_dim3A_1701 : vector<16xi1>, vector<16xi32>
    %reduce_max3A_1703 = arith.constant true
    %reduce_max3A_1704 = vector.broadcast %reduce_max3A_1703 : i1 to vector<16xi1>
    %reduce_max3A_1705 = arith.constant -2147483648 : i32
    %reduce_max3A_1706 = vector.broadcast %reduce_max3A_1705 : i32 to vector<16xi32>
    %reduce_max3A_1707 = arith.xori %select_n3A_1702, %reduce_max3A_1706 : vector<16xi32>
    %reduce_max3A_1708 = tpu.scan <max>, %reduce_max3A_1707 masked %reduce_max3A_1704 : vector<16xi32>, vector<16xi1> -> vector<16xi32>
    %reduce_max3A_1709 = arith.xori %reduce_max3A_1708, %reduce_max3A_1706 : vector<16xi32>
    %reduce_max3A_1710 = vector.extract %reduce_max3A_1709[15] : i32 from vector<16xi32>
    %dma_start3A_1711 = arith.constant 0 : i32
    %dma_start3A_1712 = arith.constant 3 : i32
    %dma_start3A_1713 = arith.constant 0 : i32
    %dma_start3A_1714 = tpu.memref_slice %arg8[%dma_start3A_1711, %dma_start3A_1712, %dma_start3A_1713] : memref<33x4x256xf32, #tpu.memory_space<vmem>> -> memref<33x1x256xf32, #tpu.memory_space<vmem>>
    %dma_start3A_1715 = arith.constant 0 : i32
    %dma_start3A_1716 = arith.constant 0 : i32
    %dma_start3A_1717 = tpu.memref_slice %arg2[%dma_start3A_1715, %reduce_max3A_1710, %dma_start3A_1716] : memref<33x8192x256xf32, #tpu.memory_space<hbm>> -> memref<33x1x256xf32, #tpu.memory_space<hbm>>
    %dma_start3A_1718 = arith.constant 0 : i32
    %dma_start3A_1719 = arith.constant 3 : i32
    %dma_start3A_1720 = arith.constant 0 : i32
    %dma_start3A_1721 = tpu.memref_slice %arg8[%dma_start3A_1718, %dma_start3A_1719, %dma_start3A_1720] : memref<33x4x256xf32, #tpu.memory_space<vmem>> -> memref<33x1x256xf32, #tpu.memory_space<vmem>>
    %dma_start3A_1722 = arith.constant 0 : i32
    %dma_start3A_1723 = arith.constant 0 : i32
    %dma_start3A_1724 = tpu.memref_slice %arg2[%dma_start3A_1722, %reduce_max3A_1710, %dma_start3A_1723] : memref<33x8192x256xf32, #tpu.memory_space<hbm>> -> memref<33x1x256xf32, #tpu.memory_space<hbm>>
    tpu.enqueue_dma source(%dma_start3A_1724 : memref<33x1x256xf32, #tpu.memory_space<hbm>>) target(%dma_start3A_1721 : memref<33x1x256xf32, #tpu.memory_space<vmem>>) target_semaphore(%arg11 : memref<!tpu.dma_semaphore, #tpu.memory_space<semaphore_mem>>)
    %dma_wait3A_1725 = arith.constant 0 : i32
    %dma_wait3A_1726 = arith.constant 0 : i32
    %dma_wait3A_1727 = arith.constant 0 : i32
    %dma_wait3A_1728 = tpu.memref_slice %arg2[%dma_wait3A_1725, %dma_wait3A_1726, %dma_wait3A_1727] : memref<33x8192x256xf32, #tpu.memory_space<hbm>> -> memref<33x4x256xf32, #tpu.memory_space<hbm>>
    %dma_wait3A_1729 = arith.constant 0 : i32
    %dma_wait3A_1730 = arith.constant 0 : i32
    %dma_wait3A_1731 = arith.constant 0 : i32
    %dma_wait3A_1732 = tpu.memref_slice %arg2[%dma_wait3A_1729, %dma_wait3A_1730, %dma_wait3A_1731] : memref<33x8192x256xf32, #tpu.memory_space<hbm>> -> memref<33x4x256xf32, #tpu.memory_space<hbm>>
    tpu.wait_dma2 semaphore(%arg10 : memref<!tpu.dma_semaphore, #tpu.memory_space<semaphore_mem>>) src(%dma_wait3A_1732 : memref<33x4x256xf32, #tpu.memory_space<hbm>>) dst(%arg7 : memref<33x4x256xf32, #tpu.memory_space<vmem>>)
    %add3A_1733 = arith.constant 5 : i32
    %add3A_1734 = arith.addi %mul3A_2, %add3A_1733 : i32
    %dma_start3A_1735 = arith.constant 0 : i32
    %dma_start3A_1736 = arith.constant 0 : i32
    %dma_start3A_1737 = arith.constant 0 : i32
    %dma_start3A_1738 = tpu.memref_slice %arg4[%add3A_1734, %dma_start3A_1735, %dma_start3A_1736, %dma_start3A_1737] : memref<256x33x8x256xf32, #tpu.memory_space<hbm>> -> memref<1x33x4x256xf32, #tpu.memory_space<hbm>>
    %dma_start3A_1739 = tpu.memref_squeeze %dma_start3A_1738 : memref<1x33x4x256xf32, #tpu.memory_space<hbm>> -> memref<33x4x256xf32, #tpu.memory_space<hbm>>
    %dma_start3A_1740 = arith.constant 0 : i32
    %dma_start3A_1741 = arith.constant 0 : i32
    %dma_start3A_1742 = arith.constant 0 : i32
    %dma_start3A_1743 = tpu.memref_slice %arg4[%add3A_1734, %dma_start3A_1740, %dma_start3A_1741, %dma_start3A_1742] : memref<256x33x8x256xf32, #tpu.memory_space<hbm>> -> memref<1x33x4x256xf32, #tpu.memory_space<hbm>>
    %dma_start3A_1744 = tpu.memref_squeeze %dma_start3A_1743 : memref<1x33x4x256xf32, #tpu.memory_space<hbm>> -> memref<33x4x256xf32, #tpu.memory_space<hbm>>
    tpu.enqueue_dma source(%arg7 : memref<33x4x256xf32, #tpu.memory_space<vmem>>) target(%dma_start3A_1744 : memref<33x4x256xf32, #tpu.memory_space<hbm>>) target_semaphore(%arg13 : memref<!tpu.dma_semaphore, #tpu.memory_space<semaphore_mem>>)
    %dma_wait3A_1745 = arith.constant 0 : i32
    %dma_wait3A_1746 = arith.constant 0 : i32
    %dma_wait3A_1747 = arith.constant 0 : i32
    %dma_wait3A_1748 = tpu.memref_slice %arg4[%mul3A_2, %dma_wait3A_1745, %dma_wait3A_1746, %dma_wait3A_1747] : memref<256x33x8x256xf32, #tpu.memory_space<hbm>> -> memref<1x33x4x256xf32, #tpu.memory_space<hbm>>
    %dma_wait3A_1749 = tpu.memref_squeeze %dma_wait3A_1748 : memref<1x33x4x256xf32, #tpu.memory_space<hbm>> -> memref<33x4x256xf32, #tpu.memory_space<hbm>>
    %dma_wait3A_1750 = arith.constant 0 : i32
    %dma_wait3A_1751 = arith.constant 0 : i32
    %dma_wait3A_1752 = arith.constant 0 : i32
    %dma_wait3A_1753 = tpu.memref_slice %arg4[%mul3A_2, %dma_wait3A_1750, %dma_wait3A_1751, %dma_wait3A_1752] : memref<256x33x8x256xf32, #tpu.memory_space<hbm>> -> memref<1x33x4x256xf32, #tpu.memory_space<hbm>>
    %dma_wait3A_1754 = tpu.memref_squeeze %dma_wait3A_1753 : memref<1x33x4x256xf32, #tpu.memory_space<hbm>> -> memref<33x4x256xf32, #tpu.memory_space<hbm>>
    tpu.wait_dma2 semaphore(%arg12 : memref<!tpu.dma_semaphore, #tpu.memory_space<semaphore_mem>>) src(%arg6 : memref<33x4x256xf32, #tpu.memory_space<vmem>>) dst(%dma_wait3A_1754 : memref<33x4x256xf32, #tpu.memory_space<hbm>>)
    %get3A_1755 = arith.constant 48 : index
    %get3A_1756 = tpu.vector_load %arg5[%get3A_1755] {strides = array<i32>} : memref<64xi32, #tpu.memory_space<vmem>>, vector<16xi32>,
    %eq3A_1757 = arith.constant 0 : i32
    %eq3A_1758 = vector.broadcast %eq3A_1757 : i32 to vector<16xi32>
    %eq3A_1759 = arith.cmpi eq, %iota3A, %eq3A_1758 : vector<16xi32>
    %jit3A_1760 = arith.constant 0 : i32
    %broadcast_in_dim3A_1761 = vector.broadcast %jit3A_1760 : i32 to vector<16xi32>
    %select_n3A_1762 = arith.select %eq3A_1759, %get3A_1756, %broadcast_in_dim3A_1761 : vector<16xi1>, vector<16xi32>
    %reduce_max3A_1763 = arith.constant true
    %reduce_max3A_1764 = vector.broadcast %reduce_max3A_1763 : i1 to vector<16xi1>
    %reduce_max3A_1765 = arith.constant -2147483648 : i32
    %reduce_max3A_1766 = vector.broadcast %reduce_max3A_1765 : i32 to vector<16xi32>
    %reduce_max3A_1767 = arith.xori %select_n3A_1762, %reduce_max3A_1766 : vector<16xi32>
    %reduce_max3A_1768 = tpu.scan <max>, %reduce_max3A_1767 masked %reduce_max3A_1764 : vector<16xi32>, vector<16xi1> -> vector<16xi32>
    %reduce_max3A_1769 = arith.xori %reduce_max3A_1768, %reduce_max3A_1766 : vector<16xi32>
    %reduce_max3A_1770 = vector.extract %reduce_max3A_1769[15] : i32 from vector<16xi32>
    %dma_start3A_1771 = arith.constant 0 : i32
    %dma_start3A_1772 = arith.constant 0 : i32
    %dma_start3A_1773 = arith.constant 0 : i32
    %dma_start3A_1774 = tpu.memref_slice %arg6[%dma_start3A_1771, %dma_start3A_1772, %dma_start3A_1773] : memref<33x4x256xf32, #tpu.memory_space<vmem>> -> memref<33x1x256xf32, #tpu.memory_space<vmem>>
    %dma_start3A_1775 = arith.constant 0 : i32
    %dma_start3A_1776 = arith.constant 0 : i32
    %dma_start3A_1777 = tpu.memref_slice %arg2[%dma_start3A_1775, %reduce_max3A_1770, %dma_start3A_1776] : memref<33x8192x256xf32, #tpu.memory_space<hbm>> -> memref<33x1x256xf32, #tpu.memory_space<hbm>>
    %dma_start3A_1778 = arith.constant 0 : i32
    %dma_start3A_1779 = arith.constant 0 : i32
    %dma_start3A_1780 = arith.constant 0 : i32
    %dma_start3A_1781 = tpu.memref_slice %arg6[%dma_start3A_1778, %dma_start3A_1779, %dma_start3A_1780] : memref<33x4x256xf32, #tpu.memory_space<vmem>> -> memref<33x1x256xf32, #tpu.memory_space<vmem>>
    %dma_start3A_1782 = arith.constant 0 : i32
    %dma_start3A_1783 = arith.constant 0 : i32
    %dma_start3A_1784 = tpu.memref_slice %arg2[%dma_start3A_1782, %reduce_max3A_1770, %dma_start3A_1783] : memref<33x8192x256xf32, #tpu.memory_space<hbm>> -> memref<33x1x256xf32, #tpu.memory_space<hbm>>
    tpu.enqueue_dma source(%dma_start3A_1784 : memref<33x1x256xf32, #tpu.memory_space<hbm>>) target(%dma_start3A_1781 : memref<33x1x256xf32, #tpu.memory_space<vmem>>) target_semaphore(%arg9 : memref<!tpu.dma_semaphore, #tpu.memory_space<semaphore_mem>>)
    %get3A_1785 = arith.constant 48 : index
    %get3A_1786 = tpu.vector_load %arg5[%get3A_1785] {strides = array<i32>} : memref<64xi32, #tpu.memory_space<vmem>>, vector<16xi32>,
    %eq3A_1787 = arith.constant 1 : i32
    %eq3A_1788 = vector.broadcast %eq3A_1787 : i32 to vector<16xi32>
    %eq3A_1789 = arith.cmpi eq, %iota3A, %eq3A_1788 : vector<16xi32>
    %jit3A_1790 = arith.constant 0 : i32
    %broadcast_in_dim3A_1791 = vector.broadcast %jit3A_1790 : i32 to vector<16xi32>
    %select_n3A_1792 = arith.select %eq3A_1789, %get3A_1786, %broadcast_in_dim3A_1791 : vector<16xi1>, vector<16xi32>
    %reduce_max3A_1793 = arith.constant true
    %reduce_max3A_1794 = vector.broadcast %reduce_max3A_1793 : i1 to vector<16xi1>
    %reduce_max3A_1795 = arith.constant -2147483648 : i32
    %reduce_max3A_1796 = vector.broadcast %reduce_max3A_1795 : i32 to vector<16xi32>
    %reduce_max3A_1797 = arith.xori %select_n3A_1792, %reduce_max3A_1796 : vector<16xi32>
    %reduce_max3A_1798 = tpu.scan <max>, %reduce_max3A_1797 masked %reduce_max3A_1794 : vector<16xi32>, vector<16xi1> -> vector<16xi32>
    %reduce_max3A_1799 = arith.xori %reduce_max3A_1798, %reduce_max3A_1796 : vector<16xi32>
    %reduce_max3A_1800 = vector.extract %reduce_max3A_1799[15] : i32 from vector<16xi32>
    %dma_start3A_1801 = arith.constant 0 : i32
    %dma_start3A_1802 = arith.constant 1 : i32
    %dma_start3A_1803 = arith.constant 0 : i32
    %dma_start3A_1804 = tpu.memref_slice %arg6[%dma_start3A_1801, %dma_start3A_1802, %dma_start3A_1803] : memref<33x4x256xf32, #tpu.memory_space<vmem>> -> memref<33x1x256xf32, #tpu.memory_space<vmem>>
    %dma_start3A_1805 = arith.constant 0 : i32
    %dma_start3A_1806 = arith.constant 0 : i32
    %dma_start3A_1807 = tpu.memref_slice %arg2[%dma_start3A_1805, %reduce_max3A_1800, %dma_start3A_1806] : memref<33x8192x256xf32, #tpu.memory_space<hbm>> -> memref<33x1x256xf32, #tpu.memory_space<hbm>>
    %dma_start3A_1808 = arith.constant 0 : i32
    %dma_start3A_1809 = arith.constant 1 : i32
    %dma_start3A_1810 = arith.constant 0 : i32
    %dma_start3A_1811 = tpu.memref_slice %arg6[%dma_start3A_1808, %dma_start3A_1809, %dma_start3A_1810] : memref<33x4x256xf32, #tpu.memory_space<vmem>> -> memref<33x1x256xf32, #tpu.memory_space<vmem>>
    %dma_start3A_1812 = arith.constant 0 : i32
    %dma_start3A_1813 = arith.constant 0 : i32
    %dma_start3A_1814 = tpu.memref_slice %arg2[%dma_start3A_1812, %reduce_max3A_1800, %dma_start3A_1813] : memref<33x8192x256xf32, #tpu.memory_space<hbm>> -> memref<33x1x256xf32, #tpu.memory_space<hbm>>
    tpu.enqueue_dma source(%dma_start3A_1814 : memref<33x1x256xf32, #tpu.memory_space<hbm>>) target(%dma_start3A_1811 : memref<33x1x256xf32, #tpu.memory_space<vmem>>) target_semaphore(%arg9 : memref<!tpu.dma_semaphore, #tpu.memory_space<semaphore_mem>>)
    %get3A_1815 = arith.constant 48 : index
    %get3A_1816 = tpu.vector_load %arg5[%get3A_1815] {strides = array<i32>} : memref<64xi32, #tpu.memory_space<vmem>>, vector<16xi32>,
    %eq3A_1817 = arith.constant 2 : i32
    %eq3A_1818 = vector.broadcast %eq3A_1817 : i32 to vector<16xi32>
    %eq3A_1819 = arith.cmpi eq, %iota3A, %eq3A_1818 : vector<16xi32>
    %jit3A_1820 = arith.constant 0 : i32
    %broadcast_in_dim3A_1821 = vector.broadcast %jit3A_1820 : i32 to vector<16xi32>
    %select_n3A_1822 = arith.select %eq3A_1819, %get3A_1816, %broadcast_in_dim3A_1821 : vector<16xi1>, vector<16xi32>
    %reduce_max3A_1823 = arith.constant true
    %reduce_max3A_1824 = vector.broadcast %reduce_max3A_1823 : i1 to vector<16xi1>
    %reduce_max3A_1825 = arith.constant -2147483648 : i32
    %reduce_max3A_1826 = vector.broadcast %reduce_max3A_1825 : i32 to vector<16xi32>
    %reduce_max3A_1827 = arith.xori %select_n3A_1822, %reduce_max3A_1826 : vector<16xi32>
    %reduce_max3A_1828 = tpu.scan <max>, %reduce_max3A_1827 masked %reduce_max3A_1824 : vector<16xi32>, vector<16xi1> -> vector<16xi32>
    %reduce_max3A_1829 = arith.xori %reduce_max3A_1828, %reduce_max3A_1826 : vector<16xi32>
    %reduce_max3A_1830 = vector.extract %reduce_max3A_1829[15] : i32 from vector<16xi32>
    %dma_start3A_1831 = arith.constant 0 : i32
    %dma_start3A_1832 = arith.constant 2 : i32
    %dma_start3A_1833 = arith.constant 0 : i32
    %dma_start3A_1834 = tpu.memref_slice %arg6[%dma_start3A_1831, %dma_start3A_1832, %dma_start3A_1833] : memref<33x4x256xf32, #tpu.memory_space<vmem>> -> memref<33x1x256xf32, #tpu.memory_space<vmem>>
    %dma_start3A_1835 = arith.constant 0 : i32
    %dma_start3A_1836 = arith.constant 0 : i32
    %dma_start3A_1837 = tpu.memref_slice %arg2[%dma_start3A_1835, %reduce_max3A_1830, %dma_start3A_1836] : memref<33x8192x256xf32, #tpu.memory_space<hbm>> -> memref<33x1x256xf32, #tpu.memory_space<hbm>>
    %dma_start3A_1838 = arith.constant 0 : i32
    %dma_start3A_1839 = arith.constant 2 : i32
    %dma_start3A_1840 = arith.constant 0 : i32
    %dma_start3A_1841 = tpu.memref_slice %arg6[%dma_start3A_1838, %dma_start3A_1839, %dma_start3A_1840] : memref<33x4x256xf32, #tpu.memory_space<vmem>> -> memref<33x1x256xf32, #tpu.memory_space<vmem>>
    %dma_start3A_1842 = arith.constant 0 : i32
    %dma_start3A_1843 = arith.constant 0 : i32
    %dma_start3A_1844 = tpu.memref_slice %arg2[%dma_start3A_1842, %reduce_max3A_1830, %dma_start3A_1843] : memref<33x8192x256xf32, #tpu.memory_space<hbm>> -> memref<33x1x256xf32, #tpu.memory_space<hbm>>
    tpu.enqueue_dma source(%dma_start3A_1844 : memref<33x1x256xf32, #tpu.memory_space<hbm>>) target(%dma_start3A_1841 : memref<33x1x256xf32, #tpu.memory_space<vmem>>) target_semaphore(%arg9 : memref<!tpu.dma_semaphore, #tpu.memory_space<semaphore_mem>>)
    %get3A_1845 = arith.constant 48 : index
    %get3A_1846 = tpu.vector_load %arg5[%get3A_1845] {strides = array<i32>} : memref<64xi32, #tpu.memory_space<vmem>>, vector<16xi32>,
    %eq3A_1847 = arith.constant 3 : i32
    %eq3A_1848 = vector.broadcast %eq3A_1847 : i32 to vector<16xi32>
    %eq3A_1849 = arith.cmpi eq, %iota3A, %eq3A_1848 : vector<16xi32>
    %jit3A_1850 = arith.constant 0 : i32
    %broadcast_in_dim3A_1851 = vector.broadcast %jit3A_1850 : i32 to vector<16xi32>
    %select_n3A_1852 = arith.select %eq3A_1849, %get3A_1846, %broadcast_in_dim3A_1851 : vector<16xi1>, vector<16xi32>
    %reduce_max3A_1853 = arith.constant true
    %reduce_max3A_1854 = vector.broadcast %reduce_max3A_1853 : i1 to vector<16xi1>
    %reduce_max3A_1855 = arith.constant -2147483648 : i32
    %reduce_max3A_1856 = vector.broadcast %reduce_max3A_1855 : i32 to vector<16xi32>
    %reduce_max3A_1857 = arith.xori %select_n3A_1852, %reduce_max3A_1856 : vector<16xi32>
    %reduce_max3A_1858 = tpu.scan <max>, %reduce_max3A_1857 masked %reduce_max3A_1854 : vector<16xi32>, vector<16xi1> -> vector<16xi32>
    %reduce_max3A_1859 = arith.xori %reduce_max3A_1858, %reduce_max3A_1856 : vector<16xi32>
    %reduce_max3A_1860 = vector.extract %reduce_max3A_1859[15] : i32 from vector<16xi32>
    %dma_start3A_1861 = arith.constant 0 : i32
    %dma_start3A_1862 = arith.constant 3 : i32
    %dma_start3A_1863 = arith.constant 0 : i32
    %dma_start3A_1864 = tpu.memref_slice %arg6[%dma_start3A_1861, %dma_start3A_1862, %dma_start3A_1863] : memref<33x4x256xf32, #tpu.memory_space<vmem>> -> memref<33x1x256xf32, #tpu.memory_space<vmem>>
    %dma_start3A_1865 = arith.constant 0 : i32
    %dma_start3A_1866 = arith.constant 0 : i32
    %dma_start3A_1867 = tpu.memref_slice %arg2[%dma_start3A_1865, %reduce_max3A_1860, %dma_start3A_1866] : memref<33x8192x256xf32, #tpu.memory_space<hbm>> -> memref<33x1x256xf32, #tpu.memory_space<hbm>>
    %dma_start3A_1868 = arith.constant 0 : i32
    %dma_start3A_1869 = arith.constant 3 : i32
    %dma_start3A_1870 = arith.constant 0 : i32
    %dma_start3A_1871 = tpu.memref_slice %arg6[%dma_start3A_1868, %dma_start3A_1869, %dma_start3A_1870] : memref<33x4x256xf32, #tpu.memory_space<vmem>> -> memref<33x1x256xf32, #tpu.memory_space<vmem>>
    %dma_start3A_1872 = arith.constant 0 : i32
    %dma_start3A_1873 = arith.constant 0 : i32
    %dma_start3A_1874 = tpu.memref_slice %arg2[%dma_start3A_1872, %reduce_max3A_1860, %dma_start3A_1873] : memref<33x8192x256xf32, #tpu.memory_space<hbm>> -> memref<33x1x256xf32, #tpu.memory_space<hbm>>
    tpu.enqueue_dma source(%dma_start3A_1874 : memref<33x1x256xf32, #tpu.memory_space<hbm>>) target(%dma_start3A_1871 : memref<33x1x256xf32, #tpu.memory_space<vmem>>) target_semaphore(%arg9 : memref<!tpu.dma_semaphore, #tpu.memory_space<semaphore_mem>>)
    %dma_wait3A_1875 = arith.constant 0 : i32
    %dma_wait3A_1876 = arith.constant 0 : i32
    %dma_wait3A_1877 = arith.constant 0 : i32
    %dma_wait3A_1878 = tpu.memref_slice %arg2[%dma_wait3A_1875, %dma_wait3A_1876, %dma_wait3A_1877] : memref<33x8192x256xf32, #tpu.memory_space<hbm>> -> memref<33x4x256xf32, #tpu.memory_space<hbm>>
    %dma_wait3A_1879 = arith.constant 0 : i32
    %dma_wait3A_1880 = arith.constant 0 : i32
    %dma_wait3A_1881 = arith.constant 0 : i32
    %dma_wait3A_1882 = tpu.memref_slice %arg2[%dma_wait3A_1879, %dma_wait3A_1880, %dma_wait3A_1881] : memref<33x8192x256xf32, #tpu.memory_space<hbm>> -> memref<33x4x256xf32, #tpu.memory_space<hbm>>
    tpu.wait_dma2 semaphore(%arg11 : memref<!tpu.dma_semaphore, #tpu.memory_space<semaphore_mem>>) src(%dma_wait3A_1882 : memref<33x4x256xf32, #tpu.memory_space<hbm>>) dst(%arg8 : memref<33x4x256xf32, #tpu.memory_space<vmem>>)
    %add3A_1883 = arith.constant 5 : i32
    %add3A_1884 = arith.addi %mul3A_2, %add3A_1883 : i32
    %dma_start3A_1885 = arith.constant 0 : i32
    %dma_start3A_1886 = arith.constant 4 : i32
    %dma_start3A_1887 = arith.constant 0 : i32
    %dma_start3A_1888 = tpu.memref_slice %arg4[%add3A_1884, %dma_start3A_1885, %dma_start3A_1886, %dma_start3A_1887] : memref<256x33x8x256xf32, #tpu.memory_space<hbm>> -> memref<1x33x4x256xf32, #tpu.memory_space<hbm>>
    %dma_start3A_1889 = tpu.memref_squeeze %dma_start3A_1888 : memref<1x33x4x256xf32, #tpu.memory_space<hbm>> -> memref<33x4x256xf32, #tpu.memory_space<hbm>>
    %dma_start3A_1890 = arith.constant 0 : i32
    %dma_start3A_1891 = arith.constant 4 : i32
    %dma_start3A_1892 = arith.constant 0 : i32
    %dma_start3A_1893 = tpu.memref_slice %arg4[%add3A_1884, %dma_start3A_1890, %dma_start3A_1891, %dma_start3A_1892] : memref<256x33x8x256xf32, #tpu.memory_space<hbm>> -> memref<1x33x4x256xf32, #tpu.memory_space<hbm>>
    %dma_start3A_1894 = tpu.memref_squeeze %dma_start3A_1893 : memref<1x33x4x256xf32, #tpu.memory_space<hbm>> -> memref<33x4x256xf32, #tpu.memory_space<hbm>>
    tpu.enqueue_dma source(%arg8 : memref<33x4x256xf32, #tpu.memory_space<vmem>>) target(%dma_start3A_1894 : memref<33x4x256xf32, #tpu.memory_space<hbm>>) target_semaphore(%arg14 : memref<!tpu.dma_semaphore, #tpu.memory_space<semaphore_mem>>)
    %dma_wait3A_1895 = arith.constant 0 : i32
    %dma_wait3A_1896 = arith.constant 0 : i32
    %dma_wait3A_1897 = arith.constant 0 : i32
    %dma_wait3A_1898 = tpu.memref_slice %arg4[%mul3A_2, %dma_wait3A_1895, %dma_wait3A_1896, %dma_wait3A_1897] : memref<256x33x8x256xf32, #tpu.memory_space<hbm>> -> memref<1x33x4x256xf32, #tpu.memory_space<hbm>>
    %dma_wait3A_1899 = tpu.memref_squeeze %dma_wait3A_1898 : memref<1x33x4x256xf32, #tpu.memory_space<hbm>> -> memref<33x4x256xf32, #tpu.memory_space<hbm>>
    %dma_wait3A_1900 = arith.constant 0 : i32
    %dma_wait3A_1901 = arith.constant 0 : i32
    %dma_wait3A_1902 = arith.constant 0 : i32
    %dma_wait3A_1903 = tpu.memref_slice %arg4[%mul3A_2, %dma_wait3A_1900, %dma_wait3A_1901, %dma_wait3A_1902] : memref<256x33x8x256xf32, #tpu.memory_space<hbm>> -> memref<1x33x4x256xf32, #tpu.memory_space<hbm>>
    %dma_wait3A_1904 = tpu.memref_squeeze %dma_wait3A_1903 : memref<1x33x4x256xf32, #tpu.memory_space<hbm>> -> memref<33x4x256xf32, #tpu.memory_space<hbm>>
    tpu.wait_dma2 semaphore(%arg13 : memref<!tpu.dma_semaphore, #tpu.memory_space<semaphore_mem>>) src(%arg7 : memref<33x4x256xf32, #tpu.memory_space<vmem>>) dst(%dma_wait3A_1904 : memref<33x4x256xf32, #tpu.memory_space<hbm>>)
    %get3A_1905 = arith.constant 48 : index
    %get3A_1906 = tpu.vector_load %arg5[%get3A_1905] {strides = array<i32>} : memref<64xi32, #tpu.memory_space<vmem>>, vector<16xi32>,
    %eq3A_1907 = arith.constant 4 : i32
    %eq3A_1908 = vector.broadcast %eq3A_1907 : i32 to vector<16xi32>
    %eq3A_1909 = arith.cmpi eq, %iota3A, %eq3A_1908 : vector<16xi32>
    %jit3A_1910 = arith.constant 0 : i32
    %broadcast_in_dim3A_1911 = vector.broadcast %jit3A_1910 : i32 to vector<16xi32>
    %select_n3A_1912 = arith.select %eq3A_1909, %get3A_1906, %broadcast_in_dim3A_1911 : vector<16xi1>, vector<16xi32>
    %reduce_max3A_1913 = arith.constant true
    %reduce_max3A_1914 = vector.broadcast %reduce_max3A_1913 : i1 to vector<16xi1>
    %reduce_max3A_1915 = arith.constant -2147483648 : i32
    %reduce_max3A_1916 = vector.broadcast %reduce_max3A_1915 : i32 to vector<16xi32>
    %reduce_max3A_1917 = arith.xori %select_n3A_1912, %reduce_max3A_1916 : vector<16xi32>
    %reduce_max3A_1918 = tpu.scan <max>, %reduce_max3A_1917 masked %reduce_max3A_1914 : vector<16xi32>, vector<16xi1> -> vector<16xi32>
    %reduce_max3A_1919 = arith.xori %reduce_max3A_1918, %reduce_max3A_1916 : vector<16xi32>
    %reduce_max3A_1920 = vector.extract %reduce_max3A_1919[15] : i32 from vector<16xi32>
    %dma_start3A_1921 = arith.constant 0 : i32
    %dma_start3A_1922 = arith.constant 0 : i32
    %dma_start3A_1923 = arith.constant 0 : i32
    %dma_start3A_1924 = tpu.memref_slice %arg7[%dma_start3A_1921, %dma_start3A_1922, %dma_start3A_1923] : memref<33x4x256xf32, #tpu.memory_space<vmem>> -> memref<33x1x256xf32, #tpu.memory_space<vmem>>
    %dma_start3A_1925 = arith.constant 0 : i32
    %dma_start3A_1926 = arith.constant 0 : i32
    %dma_start3A_1927 = tpu.memref_slice %arg2[%dma_start3A_1925, %reduce_max3A_1920, %dma_start3A_1926] : memref<33x8192x256xf32, #tpu.memory_space<hbm>> -> memref<33x1x256xf32, #tpu.memory_space<hbm>>
    %dma_start3A_1928 = arith.constant 0 : i32
    %dma_start3A_1929 = arith.constant 0 : i32
    %dma_start3A_1930 = arith.constant 0 : i32
    %dma_start3A_1931 = tpu.memref_slice %arg7[%dma_start3A_1928, %dma_start3A_1929, %dma_start3A_1930] : memref<33x4x256xf32, #tpu.memory_space<vmem>> -> memref<33x1x256xf32, #tpu.memory_space<vmem>>
    %dma_start3A_1932 = arith.constant 0 : i32
    %dma_start3A_1933 = arith.constant 0 : i32
    %dma_start3A_1934 = tpu.memref_slice %arg2[%dma_start3A_1932, %reduce_max3A_1920, %dma_start3A_1933] : memref<33x8192x256xf32, #tpu.memory_space<hbm>> -> memref<33x1x256xf32, #tpu.memory_space<hbm>>
    tpu.enqueue_dma source(%dma_start3A_1934 : memref<33x1x256xf32, #tpu.memory_space<hbm>>) target(%dma_start3A_1931 : memref<33x1x256xf32, #tpu.memory_space<vmem>>) target_semaphore(%arg10 : memref<!tpu.dma_semaphore, #tpu.memory_space<semaphore_mem>>)
    %get3A_1935 = arith.constant 48 : index
    %get3A_1936 = tpu.vector_load %arg5[%get3A_1935] {strides = array<i32>} : memref<64xi32, #tpu.memory_space<vmem>>, vector<16xi32>,
    %eq3A_1937 = arith.constant 5 : i32
    %eq3A_1938 = vector.broadcast %eq3A_1937 : i32 to vector<16xi32>
    %eq3A_1939 = arith.cmpi eq, %iota3A, %eq3A_1938 : vector<16xi32>
    %jit3A_1940 = arith.constant 0 : i32
    %broadcast_in_dim3A_1941 = vector.broadcast %jit3A_1940 : i32 to vector<16xi32>
    %select_n3A_1942 = arith.select %eq3A_1939, %get3A_1936, %broadcast_in_dim3A_1941 : vector<16xi1>, vector<16xi32>
    %reduce_max3A_1943 = arith.constant true
    %reduce_max3A_1944 = vector.broadcast %reduce_max3A_1943 : i1 to vector<16xi1>
    %reduce_max3A_1945 = arith.constant -2147483648 : i32
    %reduce_max3A_1946 = vector.broadcast %reduce_max3A_1945 : i32 to vector<16xi32>
    %reduce_max3A_1947 = arith.xori %select_n3A_1942, %reduce_max3A_1946 : vector<16xi32>
    %reduce_max3A_1948 = tpu.scan <max>, %reduce_max3A_1947 masked %reduce_max3A_1944 : vector<16xi32>, vector<16xi1> -> vector<16xi32>
    %reduce_max3A_1949 = arith.xori %reduce_max3A_1948, %reduce_max3A_1946 : vector<16xi32>
    %reduce_max3A_1950 = vector.extract %reduce_max3A_1949[15] : i32 from vector<16xi32>
    %dma_start3A_1951 = arith.constant 0 : i32
    %dma_start3A_1952 = arith.constant 1 : i32
    %dma_start3A_1953 = arith.constant 0 : i32
    %dma_start3A_1954 = tpu.memref_slice %arg7[%dma_start3A_1951, %dma_start3A_1952, %dma_start3A_1953] : memref<33x4x256xf32, #tpu.memory_space<vmem>> -> memref<33x1x256xf32, #tpu.memory_space<vmem>>
    %dma_start3A_1955 = arith.constant 0 : i32
    %dma_start3A_1956 = arith.constant 0 : i32
    %dma_start3A_1957 = tpu.memref_slice %arg2[%dma_start3A_1955, %reduce_max3A_1950, %dma_start3A_1956] : memref<33x8192x256xf32, #tpu.memory_space<hbm>> -> memref<33x1x256xf32, #tpu.memory_space<hbm>>
    %dma_start3A_1958 = arith.constant 0 : i32
    %dma_start3A_1959 = arith.constant 1 : i32
    %dma_start3A_1960 = arith.constant 0 : i32
    %dma_start3A_1961 = tpu.memref_slice %arg7[%dma_start3A_1958, %dma_start3A_1959, %dma_start3A_1960] : memref<33x4x256xf32, #tpu.memory_space<vmem>> -> memref<33x1x256xf32, #tpu.memory_space<vmem>>
    %dma_start3A_1962 = arith.constant 0 : i32
    %dma_start3A_1963 = arith.constant 0 : i32
    %dma_start3A_1964 = tpu.memref_slice %arg2[%dma_start3A_1962, %reduce_max3A_1950, %dma_start3A_1963] : memref<33x8192x256xf32, #tpu.memory_space<hbm>> -> memref<33x1x256xf32, #tpu.memory_space<hbm>>
    tpu.enqueue_dma source(%dma_start3A_1964 : memref<33x1x256xf32, #tpu.memory_space<hbm>>) target(%dma_start3A_1961 : memref<33x1x256xf32, #tpu.memory_space<vmem>>) target_semaphore(%arg10 : memref<!tpu.dma_semaphore, #tpu.memory_space<semaphore_mem>>)
    %get3A_1965 = arith.constant 48 : index
    %get3A_1966 = tpu.vector_load %arg5[%get3A_1965] {strides = array<i32>} : memref<64xi32, #tpu.memory_space<vmem>>, vector<16xi32>,
    %eq3A_1967 = arith.constant 6 : i32
    %eq3A_1968 = vector.broadcast %eq3A_1967 : i32 to vector<16xi32>
    %eq3A_1969 = arith.cmpi eq, %iota3A, %eq3A_1968 : vector<16xi32>
    %jit3A_1970 = arith.constant 0 : i32
    %broadcast_in_dim3A_1971 = vector.broadcast %jit3A_1970 : i32 to vector<16xi32>
    %select_n3A_1972 = arith.select %eq3A_1969, %get3A_1966, %broadcast_in_dim3A_1971 : vector<16xi1>, vector<16xi32>
    %reduce_max3A_1973 = arith.constant true
    %reduce_max3A_1974 = vector.broadcast %reduce_max3A_1973 : i1 to vector<16xi1>
    %reduce_max3A_1975 = arith.constant -2147483648 : i32
    %reduce_max3A_1976 = vector.broadcast %reduce_max3A_1975 : i32 to vector<16xi32>
    %reduce_max3A_1977 = arith.xori %select_n3A_1972, %reduce_max3A_1976 : vector<16xi32>
    %reduce_max3A_1978 = tpu.scan <max>, %reduce_max3A_1977 masked %reduce_max3A_1974 : vector<16xi32>, vector<16xi1> -> vector<16xi32>
    %reduce_max3A_1979 = arith.xori %reduce_max3A_1978, %reduce_max3A_1976 : vector<16xi32>
    %reduce_max3A_1980 = vector.extract %reduce_max3A_1979[15] : i32 from vector<16xi32>
    %dma_start3A_1981 = arith.constant 0 : i32
    %dma_start3A_1982 = arith.constant 2 : i32
    %dma_start3A_1983 = arith.constant 0 : i32
    %dma_start3A_1984 = tpu.memref_slice %arg7[%dma_start3A_1981, %dma_start3A_1982, %dma_start3A_1983] : memref<33x4x256xf32, #tpu.memory_space<vmem>> -> memref<33x1x256xf32, #tpu.memory_space<vmem>>
    %dma_start3A_1985 = arith.constant 0 : i32
    %dma_start3A_1986 = arith.constant 0 : i32
    %dma_start3A_1987 = tpu.memref_slice %arg2[%dma_start3A_1985, %reduce_max3A_1980, %dma_start3A_1986] : memref<33x8192x256xf32, #tpu.memory_space<hbm>> -> memref<33x1x256xf32, #tpu.memory_space<hbm>>
    %dma_start3A_1988 = arith.constant 0 : i32
    %dma_start3A_1989 = arith.constant 2 : i32
    %dma_start3A_1990 = arith.constant 0 : i32
    %dma_start3A_1991 = tpu.memref_slice %arg7[%dma_start3A_1988, %dma_start3A_1989, %dma_start3A_1990] : memref<33x4x256xf32, #tpu.memory_space<vmem>> -> memref<33x1x256xf32, #tpu.memory_space<vmem>>
    %dma_start3A_1992 = arith.constant 0 : i32
    %dma_start3A_1993 = arith.constant 0 : i32
    %dma_start3A_1994 = tpu.memref_slice %arg2[%dma_start3A_1992, %reduce_max3A_1980, %dma_start3A_1993] : memref<33x8192x256xf32, #tpu.memory_space<hbm>> -> memref<33x1x256xf32, #tpu.memory_space<hbm>>
    tpu.enqueue_dma source(%dma_start3A_1994 : memref<33x1x256xf32, #tpu.memory_space<hbm>>) target(%dma_start3A_1991 : memref<33x1x256xf32, #tpu.memory_space<vmem>>) target_semaphore(%arg10 : memref<!tpu.dma_semaphore, #tpu.memory_space<semaphore_mem>>)
    %get3A_1995 = arith.constant 48 : index
    %get3A_1996 = tpu.vector_load %arg5[%get3A_1995] {strides = array<i32>} : memref<64xi32, #tpu.memory_space<vmem>>, vector<16xi32>,
    %eq3A_1997 = arith.constant 7 : i32
    %eq3A_1998 = vector.broadcast %eq3A_1997 : i32 to vector<16xi32>
    %eq3A_1999 = arith.cmpi eq, %iota3A, %eq3A_1998 : vector<16xi32>
    %jit3A_2000 = arith.constant 0 : i32
    %broadcast_in_dim3A_2001 = vector.broadcast %jit3A_2000 : i32 to vector<16xi32>
    %select_n3A_2002 = arith.select %eq3A_1999, %get3A_1996, %broadcast_in_dim3A_2001 : vector<16xi1>, vector<16xi32>
    %reduce_max3A_2003 = arith.constant true
    %reduce_max3A_2004 = vector.broadcast %reduce_max3A_2003 : i1 to vector<16xi1>
    %reduce_max3A_2005 = arith.constant -2147483648 : i32
    %reduce_max3A_2006 = vector.broadcast %reduce_max3A_2005 : i32 to vector<16xi32>
    %reduce_max3A_2007 = arith.xori %select_n3A_2002, %reduce_max3A_2006 : vector<16xi32>
    %reduce_max3A_2008 = tpu.scan <max>, %reduce_max3A_2007 masked %reduce_max3A_2004 : vector<16xi32>, vector<16xi1> -> vector<16xi32>
    %reduce_max3A_2009 = arith.xori %reduce_max3A_2008, %reduce_max3A_2006 : vector<16xi32>
    %reduce_max3A_2010 = vector.extract %reduce_max3A_2009[15] : i32 from vector<16xi32>
    %dma_start3A_2011 = arith.constant 0 : i32
    %dma_start3A_2012 = arith.constant 3 : i32
    %dma_start3A_2013 = arith.constant 0 : i32
    %dma_start3A_2014 = tpu.memref_slice %arg7[%dma_start3A_2011, %dma_start3A_2012, %dma_start3A_2013] : memref<33x4x256xf32, #tpu.memory_space<vmem>> -> memref<33x1x256xf32, #tpu.memory_space<vmem>>
    %dma_start3A_2015 = arith.constant 0 : i32
    %dma_start3A_2016 = arith.constant 0 : i32
    %dma_start3A_2017 = tpu.memref_slice %arg2[%dma_start3A_2015, %reduce_max3A_2010, %dma_start3A_2016] : memref<33x8192x256xf32, #tpu.memory_space<hbm>> -> memref<33x1x256xf32, #tpu.memory_space<hbm>>
    %dma_start3A_2018 = arith.constant 0 : i32
    %dma_start3A_2019 = arith.constant 3 : i32
    %dma_start3A_2020 = arith.constant 0 : i32
    %dma_start3A_2021 = tpu.memref_slice %arg7[%dma_start3A_2018, %dma_start3A_2019, %dma_start3A_2020] : memref<33x4x256xf32, #tpu.memory_space<vmem>> -> memref<33x1x256xf32, #tpu.memory_space<vmem>>
    %dma_start3A_2022 = arith.constant 0 : i32
    %dma_start3A_2023 = arith.constant 0 : i32
    %dma_start3A_2024 = tpu.memref_slice %arg2[%dma_start3A_2022, %reduce_max3A_2010, %dma_start3A_2023] : memref<33x8192x256xf32, #tpu.memory_space<hbm>> -> memref<33x1x256xf32, #tpu.memory_space<hbm>>
    tpu.enqueue_dma source(%dma_start3A_2024 : memref<33x1x256xf32, #tpu.memory_space<hbm>>) target(%dma_start3A_2021 : memref<33x1x256xf32, #tpu.memory_space<vmem>>) target_semaphore(%arg10 : memref<!tpu.dma_semaphore, #tpu.memory_space<semaphore_mem>>)
    %dma_wait3A_2025 = arith.constant 0 : i32
    %dma_wait3A_2026 = arith.constant 0 : i32
    %dma_wait3A_2027 = arith.constant 0 : i32
    %dma_wait3A_2028 = tpu.memref_slice %arg2[%dma_wait3A_2025, %dma_wait3A_2026, %dma_wait3A_2027] : memref<33x8192x256xf32, #tpu.memory_space<hbm>> -> memref<33x4x256xf32, #tpu.memory_space<hbm>>
    %dma_wait3A_2029 = arith.constant 0 : i32
    %dma_wait3A_2030 = arith.constant 0 : i32
    %dma_wait3A_2031 = arith.constant 0 : i32
    %dma_wait3A_2032 = tpu.memref_slice %arg2[%dma_wait3A_2029, %dma_wait3A_2030, %dma_wait3A_2031] : memref<33x8192x256xf32, #tpu.memory_space<hbm>> -> memref<33x4x256xf32, #tpu.memory_space<hbm>>
    tpu.wait_dma2 semaphore(%arg9 : memref<!tpu.dma_semaphore, #tpu.memory_space<semaphore_mem>>) src(%dma_wait3A_2032 : memref<33x4x256xf32, #tpu.memory_space<hbm>>) dst(%arg6 : memref<33x4x256xf32, #tpu.memory_space<vmem>>)
    %add3A_2033 = arith.constant 6 : i32
    %add3A_2034 = arith.addi %mul3A_2, %add3A_2033 : i32
    %dma_start3A_2035 = arith.constant 0 : i32
    %dma_start3A_2036 = arith.constant 0 : i32
    %dma_start3A_2037 = arith.constant 0 : i32
    %dma_start3A_2038 = tpu.memref_slice %arg4[%add3A_2034, %dma_start3A_2035, %dma_start3A_2036, %dma_start3A_2037] : memref<256x33x8x256xf32, #tpu.memory_space<hbm>> -> memref<1x33x4x256xf32, #tpu.memory_space<hbm>>
    %dma_start3A_2039 = tpu.memref_squeeze %dma_start3A_2038 : memref<1x33x4x256xf32, #tpu.memory_space<hbm>> -> memref<33x4x256xf32, #tpu.memory_space<hbm>>
    %dma_start3A_2040 = arith.constant 0 : i32
    %dma_start3A_2041 = arith.constant 0 : i32
    %dma_start3A_2042 = arith.constant 0 : i32
    %dma_start3A_2043 = tpu.memref_slice %arg4[%add3A_2034, %dma_start3A_2040, %dma_start3A_2041, %dma_start3A_2042] : memref<256x33x8x256xf32, #tpu.memory_space<hbm>> -> memref<1x33x4x256xf32, #tpu.memory_space<hbm>>
    %dma_start3A_2044 = tpu.memref_squeeze %dma_start3A_2043 : memref<1x33x4x256xf32, #tpu.memory_space<hbm>> -> memref<33x4x256xf32, #tpu.memory_space<hbm>>
    tpu.enqueue_dma source(%arg6 : memref<33x4x256xf32, #tpu.memory_space<vmem>>) target(%dma_start3A_2044 : memref<33x4x256xf32, #tpu.memory_space<hbm>>) target_semaphore(%arg12 : memref<!tpu.dma_semaphore, #tpu.memory_space<semaphore_mem>>)
    %dma_wait3A_2045 = arith.constant 0 : i32
    %dma_wait3A_2046 = arith.constant 0 : i32
    %dma_wait3A_2047 = arith.constant 0 : i32
    %dma_wait3A_2048 = tpu.memref_slice %arg4[%mul3A_2, %dma_wait3A_2045, %dma_wait3A_2046, %dma_wait3A_2047] : memref<256x33x8x256xf32, #tpu.memory_space<hbm>> -> memref<1x33x4x256xf32, #tpu.memory_space<hbm>>
    %dma_wait3A_2049 = tpu.memref_squeeze %dma_wait3A_2048 : memref<1x33x4x256xf32, #tpu.memory_space<hbm>> -> memref<33x4x256xf32, #tpu.memory_space<hbm>>
    %dma_wait3A_2050 = arith.constant 0 : i32
    %dma_wait3A_2051 = arith.constant 0 : i32
    %dma_wait3A_2052 = arith.constant 0 : i32
    %dma_wait3A_2053 = tpu.memref_slice %arg4[%mul3A_2, %dma_wait3A_2050, %dma_wait3A_2051, %dma_wait3A_2052] : memref<256x33x8x256xf32, #tpu.memory_space<hbm>> -> memref<1x33x4x256xf32, #tpu.memory_space<hbm>>
    %dma_wait3A_2054 = tpu.memref_squeeze %dma_wait3A_2053 : memref<1x33x4x256xf32, #tpu.memory_space<hbm>> -> memref<33x4x256xf32, #tpu.memory_space<hbm>>
    tpu.wait_dma2 semaphore(%arg14 : memref<!tpu.dma_semaphore, #tpu.memory_space<semaphore_mem>>) src(%arg8 : memref<33x4x256xf32, #tpu.memory_space<vmem>>) dst(%dma_wait3A_2054 : memref<33x4x256xf32, #tpu.memory_space<hbm>>)
    %get3A_2055 = arith.constant 48 : index
    %get3A_2056 = tpu.vector_load %arg5[%get3A_2055] {strides = array<i32>} : memref<64xi32, #tpu.memory_space<vmem>>, vector<16xi32>,
    %eq3A_2057 = arith.constant 8 : i32
    %eq3A_2058 = vector.broadcast %eq3A_2057 : i32 to vector<16xi32>
    %eq3A_2059 = arith.cmpi eq, %iota3A, %eq3A_2058 : vector<16xi32>
    %jit3A_2060 = arith.constant 0 : i32
    %broadcast_in_dim3A_2061 = vector.broadcast %jit3A_2060 : i32 to vector<16xi32>
    %select_n3A_2062 = arith.select %eq3A_2059, %get3A_2056, %broadcast_in_dim3A_2061 : vector<16xi1>, vector<16xi32>
    %reduce_max3A_2063 = arith.constant true
    %reduce_max3A_2064 = vector.broadcast %reduce_max3A_2063 : i1 to vector<16xi1>
    %reduce_max3A_2065 = arith.constant -2147483648 : i32
    %reduce_max3A_2066 = vector.broadcast %reduce_max3A_2065 : i32 to vector<16xi32>
    %reduce_max3A_2067 = arith.xori %select_n3A_2062, %reduce_max3A_2066 : vector<16xi32>
    %reduce_max3A_2068 = tpu.scan <max>, %reduce_max3A_2067 masked %reduce_max3A_2064 : vector<16xi32>, vector<16xi1> -> vector<16xi32>
    %reduce_max3A_2069 = arith.xori %reduce_max3A_2068, %reduce_max3A_2066 : vector<16xi32>
    %reduce_max3A_2070 = vector.extract %reduce_max3A_2069[15] : i32 from vector<16xi32>
    %dma_start3A_2071 = arith.constant 0 : i32
    %dma_start3A_2072 = arith.constant 0 : i32
    %dma_start3A_2073 = arith.constant 0 : i32
    %dma_start3A_2074 = tpu.memref_slice %arg8[%dma_start3A_2071, %dma_start3A_2072, %dma_start3A_2073] : memref<33x4x256xf32, #tpu.memory_space<vmem>> -> memref<33x1x256xf32, #tpu.memory_space<vmem>>
    %dma_start3A_2075 = arith.constant 0 : i32
    %dma_start3A_2076 = arith.constant 0 : i32
    %dma_start3A_2077 = tpu.memref_slice %arg2[%dma_start3A_2075, %reduce_max3A_2070, %dma_start3A_2076] : memref<33x8192x256xf32, #tpu.memory_space<hbm>> -> memref<33x1x256xf32, #tpu.memory_space<hbm>>
    %dma_start3A_2078 = arith.constant 0 : i32
    %dma_start3A_2079 = arith.constant 0 : i32
    %dma_start3A_2080 = arith.constant 0 : i32
    %dma_start3A_2081 = tpu.memref_slice %arg8[%dma_start3A_2078, %dma_start3A_2079, %dma_start3A_2080] : memref<33x4x256xf32, #tpu.memory_space<vmem>> -> memref<33x1x256xf32, #tpu.memory_space<vmem>>
    %dma_start3A_2082 = arith.constant 0 : i32
    %dma_start3A_2083 = arith.constant 0 : i32
    %dma_start3A_2084 = tpu.memref_slice %arg2[%dma_start3A_2082, %reduce_max3A_2070, %dma_start3A_2083] : memref<33x8192x256xf32, #tpu.memory_space<hbm>> -> memref<33x1x256xf32, #tpu.memory_space<hbm>>
    tpu.enqueue_dma source(%dma_start3A_2084 : memref<33x1x256xf32, #tpu.memory_space<hbm>>) target(%dma_start3A_2081 : memref<33x1x256xf32, #tpu.memory_space<vmem>>) target_semaphore(%arg11 : memref<!tpu.dma_semaphore, #tpu.memory_space<semaphore_mem>>)
    %get3A_2085 = arith.constant 48 : index
    %get3A_2086 = tpu.vector_load %arg5[%get3A_2085] {strides = array<i32>} : memref<64xi32, #tpu.memory_space<vmem>>, vector<16xi32>,
    %eq3A_2087 = arith.constant 9 : i32
    %eq3A_2088 = vector.broadcast %eq3A_2087 : i32 to vector<16xi32>
    %eq3A_2089 = arith.cmpi eq, %iota3A, %eq3A_2088 : vector<16xi32>
    %jit3A_2090 = arith.constant 0 : i32
    %broadcast_in_dim3A_2091 = vector.broadcast %jit3A_2090 : i32 to vector<16xi32>
    %select_n3A_2092 = arith.select %eq3A_2089, %get3A_2086, %broadcast_in_dim3A_2091 : vector<16xi1>, vector<16xi32>
    %reduce_max3A_2093 = arith.constant true
    %reduce_max3A_2094 = vector.broadcast %reduce_max3A_2093 : i1 to vector<16xi1>
    %reduce_max3A_2095 = arith.constant -2147483648 : i32
    %reduce_max3A_2096 = vector.broadcast %reduce_max3A_2095 : i32 to vector<16xi32>
    %reduce_max3A_2097 = arith.xori %select_n3A_2092, %reduce_max3A_2096 : vector<16xi32>
    %reduce_max3A_2098 = tpu.scan <max>, %reduce_max3A_2097 masked %reduce_max3A_2094 : vector<16xi32>, vector<16xi1> -> vector<16xi32>
    %reduce_max3A_2099 = arith.xori %reduce_max3A_2098, %reduce_max3A_2096 : vector<16xi32>
    %reduce_max3A_2100 = vector.extract %reduce_max3A_2099[15] : i32 from vector<16xi32>
    %dma_start3A_2101 = arith.constant 0 : i32
    %dma_start3A_2102 = arith.constant 1 : i32
    %dma_start3A_2103 = arith.constant 0 : i32
    %dma_start3A_2104 = tpu.memref_slice %arg8[%dma_start3A_2101, %dma_start3A_2102, %dma_start3A_2103] : memref<33x4x256xf32, #tpu.memory_space<vmem>> -> memref<33x1x256xf32, #tpu.memory_space<vmem>>
    %dma_start3A_2105 = arith.constant 0 : i32
    %dma_start3A_2106 = arith.constant 0 : i32
    %dma_start3A_2107 = tpu.memref_slice %arg2[%dma_start3A_2105, %reduce_max3A_2100, %dma_start3A_2106] : memref<33x8192x256xf32, #tpu.memory_space<hbm>> -> memref<33x1x256xf32, #tpu.memory_space<hbm>>
    %dma_start3A_2108 = arith.constant 0 : i32
    %dma_start3A_2109 = arith.constant 1 : i32
    %dma_start3A_2110 = arith.constant 0 : i32
    %dma_start3A_2111 = tpu.memref_slice %arg8[%dma_start3A_2108, %dma_start3A_2109, %dma_start3A_2110] : memref<33x4x256xf32, #tpu.memory_space<vmem>> -> memref<33x1x256xf32, #tpu.memory_space<vmem>>
    %dma_start3A_2112 = arith.constant 0 : i32
    %dma_start3A_2113 = arith.constant 0 : i32
    %dma_start3A_2114 = tpu.memref_slice %arg2[%dma_start3A_2112, %reduce_max3A_2100, %dma_start3A_2113] : memref<33x8192x256xf32, #tpu.memory_space<hbm>> -> memref<33x1x256xf32, #tpu.memory_space<hbm>>
    tpu.enqueue_dma source(%dma_start3A_2114 : memref<33x1x256xf32, #tpu.memory_space<hbm>>) target(%dma_start3A_2111 : memref<33x1x256xf32, #tpu.memory_space<vmem>>) target_semaphore(%arg11 : memref<!tpu.dma_semaphore, #tpu.memory_space<semaphore_mem>>)
    %get3A_2115 = arith.constant 48 : index
    %get3A_2116 = tpu.vector_load %arg5[%get3A_2115] {strides = array<i32>} : memref<64xi32, #tpu.memory_space<vmem>>, vector<16xi32>,
    %eq3A_2117 = arith.constant 10 : i32
    %eq3A_2118 = vector.broadcast %eq3A_2117 : i32 to vector<16xi32>
    %eq3A_2119 = arith.cmpi eq, %iota3A, %eq3A_2118 : vector<16xi32>
    %jit3A_2120 = arith.constant 0 : i32
    %broadcast_in_dim3A_2121 = vector.broadcast %jit3A_2120 : i32 to vector<16xi32>
    %select_n3A_2122 = arith.select %eq3A_2119, %get3A_2116, %broadcast_in_dim3A_2121 : vector<16xi1>, vector<16xi32>
    %reduce_max3A_2123 = arith.constant true
    %reduce_max3A_2124 = vector.broadcast %reduce_max3A_2123 : i1 to vector<16xi1>
    %reduce_max3A_2125 = arith.constant -2147483648 : i32
    %reduce_max3A_2126 = vector.broadcast %reduce_max3A_2125 : i32 to vector<16xi32>
    %reduce_max3A_2127 = arith.xori %select_n3A_2122, %reduce_max3A_2126 : vector<16xi32>
    %reduce_max3A_2128 = tpu.scan <max>, %reduce_max3A_2127 masked %reduce_max3A_2124 : vector<16xi32>, vector<16xi1> -> vector<16xi32>
    %reduce_max3A_2129 = arith.xori %reduce_max3A_2128, %reduce_max3A_2126 : vector<16xi32>
    %reduce_max3A_2130 = vector.extract %reduce_max3A_2129[15] : i32 from vector<16xi32>
    %dma_start3A_2131 = arith.constant 0 : i32
    %dma_start3A_2132 = arith.constant 2 : i32
    %dma_start3A_2133 = arith.constant 0 : i32
    %dma_start3A_2134 = tpu.memref_slice %arg8[%dma_start3A_2131, %dma_start3A_2132, %dma_start3A_2133] : memref<33x4x256xf32, #tpu.memory_space<vmem>> -> memref<33x1x256xf32, #tpu.memory_space<vmem>>
    %dma_start3A_2135 = arith.constant 0 : i32
    %dma_start3A_2136 = arith.constant 0 : i32
    %dma_start3A_2137 = tpu.memref_slice %arg2[%dma_start3A_2135, %reduce_max3A_2130, %dma_start3A_2136] : memref<33x8192x256xf32, #tpu.memory_space<hbm>> -> memref<33x1x256xf32, #tpu.memory_space<hbm>>
    %dma_start3A_2138 = arith.constant 0 : i32
    %dma_start3A_2139 = arith.constant 2 : i32
    %dma_start3A_2140 = arith.constant 0 : i32
    %dma_start3A_2141 = tpu.memref_slice %arg8[%dma_start3A_2138, %dma_start3A_2139, %dma_start3A_2140] : memref<33x4x256xf32, #tpu.memory_space<vmem>> -> memref<33x1x256xf32, #tpu.memory_space<vmem>>
    %dma_start3A_2142 = arith.constant 0 : i32
    %dma_start3A_2143 = arith.constant 0 : i32
    %dma_start3A_2144 = tpu.memref_slice %arg2[%dma_start3A_2142, %reduce_max3A_2130, %dma_start3A_2143] : memref<33x8192x256xf32, #tpu.memory_space<hbm>> -> memref<33x1x256xf32, #tpu.memory_space<hbm>>
    tpu.enqueue_dma source(%dma_start3A_2144 : memref<33x1x256xf32, #tpu.memory_space<hbm>>) target(%dma_start3A_2141 : memref<33x1x256xf32, #tpu.memory_space<vmem>>) target_semaphore(%arg11 : memref<!tpu.dma_semaphore, #tpu.memory_space<semaphore_mem>>)
    %get3A_2145 = arith.constant 48 : index
    %get3A_2146 = tpu.vector_load %arg5[%get3A_2145] {strides = array<i32>} : memref<64xi32, #tpu.memory_space<vmem>>, vector<16xi32>,
    %eq3A_2147 = arith.constant 11 : i32
    %eq3A_2148 = vector.broadcast %eq3A_2147 : i32 to vector<16xi32>
    %eq3A_2149 = arith.cmpi eq, %iota3A, %eq3A_2148 : vector<16xi32>
    %jit3A_2150 = arith.constant 0 : i32
    %broadcast_in_dim3A_2151 = vector.broadcast %jit3A_2150 : i32 to vector<16xi32>
    %select_n3A_2152 = arith.select %eq3A_2149, %get3A_2146, %broadcast_in_dim3A_2151 : vector<16xi1>, vector<16xi32>
    %reduce_max3A_2153 = arith.constant true
    %reduce_max3A_2154 = vector.broadcast %reduce_max3A_2153 : i1 to vector<16xi1>
    %reduce_max3A_2155 = arith.constant -2147483648 : i32
    %reduce_max3A_2156 = vector.broadcast %reduce_max3A_2155 : i32 to vector<16xi32>
    %reduce_max3A_2157 = arith.xori %select_n3A_2152, %reduce_max3A_2156 : vector<16xi32>
    %reduce_max3A_2158 = tpu.scan <max>, %reduce_max3A_2157 masked %reduce_max3A_2154 : vector<16xi32>, vector<16xi1> -> vector<16xi32>
    %reduce_max3A_2159 = arith.xori %reduce_max3A_2158, %reduce_max3A_2156 : vector<16xi32>
    %reduce_max3A_2160 = vector.extract %reduce_max3A_2159[15] : i32 from vector<16xi32>
    %dma_start3A_2161 = arith.constant 0 : i32
    %dma_start3A_2162 = arith.constant 3 : i32
    %dma_start3A_2163 = arith.constant 0 : i32
    %dma_start3A_2164 = tpu.memref_slice %arg8[%dma_start3A_2161, %dma_start3A_2162, %dma_start3A_2163] : memref<33x4x256xf32, #tpu.memory_space<vmem>> -> memref<33x1x256xf32, #tpu.memory_space<vmem>>
    %dma_start3A_2165 = arith.constant 0 : i32
    %dma_start3A_2166 = arith.constant 0 : i32
    %dma_start3A_2167 = tpu.memref_slice %arg2[%dma_start3A_2165, %reduce_max3A_2160, %dma_start3A_2166] : memref<33x8192x256xf32, #tpu.memory_space<hbm>> -> memref<33x1x256xf32, #tpu.memory_space<hbm>>
    %dma_start3A_2168 = arith.constant 0 : i32
    %dma_start3A_2169 = arith.constant 3 : i32
    %dma_start3A_2170 = arith.constant 0 : i32
    %dma_start3A_2171 = tpu.memref_slice %arg8[%dma_start3A_2168, %dma_start3A_2169, %dma_start3A_2170] : memref<33x4x256xf32, #tpu.memory_space<vmem>> -> memref<33x1x256xf32, #tpu.memory_space<vmem>>
    %dma_start3A_2172 = arith.constant 0 : i32
    %dma_start3A_2173 = arith.constant 0 : i32
    %dma_start3A_2174 = tpu.memref_slice %arg2[%dma_start3A_2172, %reduce_max3A_2160, %dma_start3A_2173] : memref<33x8192x256xf32, #tpu.memory_space<hbm>> -> memref<33x1x256xf32, #tpu.memory_space<hbm>>
    tpu.enqueue_dma source(%dma_start3A_2174 : memref<33x1x256xf32, #tpu.memory_space<hbm>>) target(%dma_start3A_2171 : memref<33x1x256xf32, #tpu.memory_space<vmem>>) target_semaphore(%arg11 : memref<!tpu.dma_semaphore, #tpu.memory_space<semaphore_mem>>)
    %dma_wait3A_2175 = arith.constant 0 : i32
    %dma_wait3A_2176 = arith.constant 0 : i32
    %dma_wait3A_2177 = arith.constant 0 : i32
    %dma_wait3A_2178 = tpu.memref_slice %arg2[%dma_wait3A_2175, %dma_wait3A_2176, %dma_wait3A_2177] : memref<33x8192x256xf32, #tpu.memory_space<hbm>> -> memref<33x4x256xf32, #tpu.memory_space<hbm>>
    %dma_wait3A_2179 = arith.constant 0 : i32
    %dma_wait3A_2180 = arith.constant 0 : i32
    %dma_wait3A_2181 = arith.constant 0 : i32
    %dma_wait3A_2182 = tpu.memref_slice %arg2[%dma_wait3A_2179, %dma_wait3A_2180, %dma_wait3A_2181] : memref<33x8192x256xf32, #tpu.memory_space<hbm>> -> memref<33x4x256xf32, #tpu.memory_space<hbm>>
    tpu.wait_dma2 semaphore(%arg10 : memref<!tpu.dma_semaphore, #tpu.memory_space<semaphore_mem>>) src(%dma_wait3A_2182 : memref<33x4x256xf32, #tpu.memory_space<hbm>>) dst(%arg7 : memref<33x4x256xf32, #tpu.memory_space<vmem>>)
    %add3A_2183 = arith.constant 6 : i32
    %add3A_2184 = arith.addi %mul3A_2, %add3A_2183 : i32
    %dma_start3A_2185 = arith.constant 0 : i32
    %dma_start3A_2186 = arith.constant 4 : i32
    %dma_start3A_2187 = arith.constant 0 : i32
    %dma_start3A_2188 = tpu.memref_slice %arg4[%add3A_2184, %dma_start3A_2185, %dma_start3A_2186, %dma_start3A_2187] : memref<256x33x8x256xf32, #tpu.memory_space<hbm>> -> memref<1x33x4x256xf32, #tpu.memory_space<hbm>>
    %dma_start3A_2189 = tpu.memref_squeeze %dma_start3A_2188 : memref<1x33x4x256xf32, #tpu.memory_space<hbm>> -> memref<33x4x256xf32, #tpu.memory_space<hbm>>
    %dma_start3A_2190 = arith.constant 0 : i32
    %dma_start3A_2191 = arith.constant 4 : i32
    %dma_start3A_2192 = arith.constant 0 : i32
    %dma_start3A_2193 = tpu.memref_slice %arg4[%add3A_2184, %dma_start3A_2190, %dma_start3A_2191, %dma_start3A_2192] : memref<256x33x8x256xf32, #tpu.memory_space<hbm>> -> memref<1x33x4x256xf32, #tpu.memory_space<hbm>>
    %dma_start3A_2194 = tpu.memref_squeeze %dma_start3A_2193 : memref<1x33x4x256xf32, #tpu.memory_space<hbm>> -> memref<33x4x256xf32, #tpu.memory_space<hbm>>
    tpu.enqueue_dma source(%arg7 : memref<33x4x256xf32, #tpu.memory_space<vmem>>) target(%dma_start3A_2194 : memref<33x4x256xf32, #tpu.memory_space<hbm>>) target_semaphore(%arg13 : memref<!tpu.dma_semaphore, #tpu.memory_space<semaphore_mem>>)
    %dma_wait3A_2195 = arith.constant 0 : i32
    %dma_wait3A_2196 = arith.constant 0 : i32
    %dma_wait3A_2197 = arith.constant 0 : i32
    %dma_wait3A_2198 = tpu.memref_slice %arg4[%mul3A_2, %dma_wait3A_2195, %dma_wait3A_2196, %dma_wait3A_2197] : memref<256x33x8x256xf32, #tpu.memory_space<hbm>> -> memref<1x33x4x256xf32, #tpu.memory_space<hbm>>
    %dma_wait3A_2199 = tpu.memref_squeeze %dma_wait3A_2198 : memref<1x33x4x256xf32, #tpu.memory_space<hbm>> -> memref<33x4x256xf32, #tpu.memory_space<hbm>>
    %dma_wait3A_2200 = arith.constant 0 : i32
    %dma_wait3A_2201 = arith.constant 0 : i32
    %dma_wait3A_2202 = arith.constant 0 : i32
    %dma_wait3A_2203 = tpu.memref_slice %arg4[%mul3A_2, %dma_wait3A_2200, %dma_wait3A_2201, %dma_wait3A_2202] : memref<256x33x8x256xf32, #tpu.memory_space<hbm>> -> memref<1x33x4x256xf32, #tpu.memory_space<hbm>>
    %dma_wait3A_2204 = tpu.memref_squeeze %dma_wait3A_2203 : memref<1x33x4x256xf32, #tpu.memory_space<hbm>> -> memref<33x4x256xf32, #tpu.memory_space<hbm>>
    tpu.wait_dma2 semaphore(%arg12 : memref<!tpu.dma_semaphore, #tpu.memory_space<semaphore_mem>>) src(%arg6 : memref<33x4x256xf32, #tpu.memory_space<vmem>>) dst(%dma_wait3A_2204 : memref<33x4x256xf32, #tpu.memory_space<hbm>>)
    %get3A_2205 = arith.constant 48 : index
    %get3A_2206 = tpu.vector_load %arg5[%get3A_2205] {strides = array<i32>} : memref<64xi32, #tpu.memory_space<vmem>>, vector<16xi32>,
    %eq3A_2207 = arith.constant 12 : i32
    %eq3A_2208 = vector.broadcast %eq3A_2207 : i32 to vector<16xi32>
    %eq3A_2209 = arith.cmpi eq, %iota3A, %eq3A_2208 : vector<16xi32>
    %jit3A_2210 = arith.constant 0 : i32
    %broadcast_in_dim3A_2211 = vector.broadcast %jit3A_2210 : i32 to vector<16xi32>
    %select_n3A_2212 = arith.select %eq3A_2209, %get3A_2206, %broadcast_in_dim3A_2211 : vector<16xi1>, vector<16xi32>
    %reduce_max3A_2213 = arith.constant true
    %reduce_max3A_2214 = vector.broadcast %reduce_max3A_2213 : i1 to vector<16xi1>
    %reduce_max3A_2215 = arith.constant -2147483648 : i32
    %reduce_max3A_2216 = vector.broadcast %reduce_max3A_2215 : i32 to vector<16xi32>
    %reduce_max3A_2217 = arith.xori %select_n3A_2212, %reduce_max3A_2216 : vector<16xi32>
    %reduce_max3A_2218 = tpu.scan <max>, %reduce_max3A_2217 masked %reduce_max3A_2214 : vector<16xi32>, vector<16xi1> -> vector<16xi32>
    %reduce_max3A_2219 = arith.xori %reduce_max3A_2218, %reduce_max3A_2216 : vector<16xi32>
    %reduce_max3A_2220 = vector.extract %reduce_max3A_2219[15] : i32 from vector<16xi32>
    %dma_start3A_2221 = arith.constant 0 : i32
    %dma_start3A_2222 = arith.constant 0 : i32
    %dma_start3A_2223 = arith.constant 0 : i32
    %dma_start3A_2224 = tpu.memref_slice %arg6[%dma_start3A_2221, %dma_start3A_2222, %dma_start3A_2223] : memref<33x4x256xf32, #tpu.memory_space<vmem>> -> memref<33x1x256xf32, #tpu.memory_space<vmem>>
    %dma_start3A_2225 = arith.constant 0 : i32
    %dma_start3A_2226 = arith.constant 0 : i32
    %dma_start3A_2227 = tpu.memref_slice %arg2[%dma_start3A_2225, %reduce_max3A_2220, %dma_start3A_2226] : memref<33x8192x256xf32, #tpu.memory_space<hbm>> -> memref<33x1x256xf32, #tpu.memory_space<hbm>>
    %dma_start3A_2228 = arith.constant 0 : i32
    %dma_start3A_2229 = arith.constant 0 : i32
    %dma_start3A_2230 = arith.constant 0 : i32
    %dma_start3A_2231 = tpu.memref_slice %arg6[%dma_start3A_2228, %dma_start3A_2229, %dma_start3A_2230] : memref<33x4x256xf32, #tpu.memory_space<vmem>> -> memref<33x1x256xf32, #tpu.memory_space<vmem>>
    %dma_start3A_2232 = arith.constant 0 : i32
    %dma_start3A_2233 = arith.constant 0 : i32
    %dma_start3A_2234 = tpu.memref_slice %arg2[%dma_start3A_2232, %reduce_max3A_2220, %dma_start3A_2233] : memref<33x8192x256xf32, #tpu.memory_space<hbm>> -> memref<33x1x256xf32, #tpu.memory_space<hbm>>
    tpu.enqueue_dma source(%dma_start3A_2234 : memref<33x1x256xf32, #tpu.memory_space<hbm>>) target(%dma_start3A_2231 : memref<33x1x256xf32, #tpu.memory_space<vmem>>) target_semaphore(%arg9 : memref<!tpu.dma_semaphore, #tpu.memory_space<semaphore_mem>>)
    %get3A_2235 = arith.constant 48 : index
    %get3A_2236 = tpu.vector_load %arg5[%get3A_2235] {strides = array<i32>} : memref<64xi32, #tpu.memory_space<vmem>>, vector<16xi32>,
    %eq3A_2237 = arith.constant 13 : i32
    %eq3A_2238 = vector.broadcast %eq3A_2237 : i32 to vector<16xi32>
    %eq3A_2239 = arith.cmpi eq, %iota3A, %eq3A_2238 : vector<16xi32>
    %jit3A_2240 = arith.constant 0 : i32
    %broadcast_in_dim3A_2241 = vector.broadcast %jit3A_2240 : i32 to vector<16xi32>
    %select_n3A_2242 = arith.select %eq3A_2239, %get3A_2236, %broadcast_in_dim3A_2241 : vector<16xi1>, vector<16xi32>
    %reduce_max3A_2243 = arith.constant true
    %reduce_max3A_2244 = vector.broadcast %reduce_max3A_2243 : i1 to vector<16xi1>
    %reduce_max3A_2245 = arith.constant -2147483648 : i32
    %reduce_max3A_2246 = vector.broadcast %reduce_max3A_2245 : i32 to vector<16xi32>
    %reduce_max3A_2247 = arith.xori %select_n3A_2242, %reduce_max3A_2246 : vector<16xi32>
    %reduce_max3A_2248 = tpu.scan <max>, %reduce_max3A_2247 masked %reduce_max3A_2244 : vector<16xi32>, vector<16xi1> -> vector<16xi32>
    %reduce_max3A_2249 = arith.xori %reduce_max3A_2248, %reduce_max3A_2246 : vector<16xi32>
    %reduce_max3A_2250 = vector.extract %reduce_max3A_2249[15] : i32 from vector<16xi32>
    %dma_start3A_2251 = arith.constant 0 : i32
    %dma_start3A_2252 = arith.constant 1 : i32
    %dma_start3A_2253 = arith.constant 0 : i32
    %dma_start3A_2254 = tpu.memref_slice %arg6[%dma_start3A_2251, %dma_start3A_2252, %dma_start3A_2253] : memref<33x4x256xf32, #tpu.memory_space<vmem>> -> memref<33x1x256xf32, #tpu.memory_space<vmem>>
    %dma_start3A_2255 = arith.constant 0 : i32
    %dma_start3A_2256 = arith.constant 0 : i32
    %dma_start3A_2257 = tpu.memref_slice %arg2[%dma_start3A_2255, %reduce_max3A_2250, %dma_start3A_2256] : memref<33x8192x256xf32, #tpu.memory_space<hbm>> -> memref<33x1x256xf32, #tpu.memory_space<hbm>>
    %dma_start3A_2258 = arith.constant 0 : i32
    %dma_start3A_2259 = arith.constant 1 : i32
    %dma_start3A_2260 = arith.constant 0 : i32
    %dma_start3A_2261 = tpu.memref_slice %arg6[%dma_start3A_2258, %dma_start3A_2259, %dma_start3A_2260] : memref<33x4x256xf32, #tpu.memory_space<vmem>> -> memref<33x1x256xf32, #tpu.memory_space<vmem>>
    %dma_start3A_2262 = arith.constant 0 : i32
    %dma_start3A_2263 = arith.constant 0 : i32
    %dma_start3A_2264 = tpu.memref_slice %arg2[%dma_start3A_2262, %reduce_max3A_2250, %dma_start3A_2263] : memref<33x8192x256xf32, #tpu.memory_space<hbm>> -> memref<33x1x256xf32, #tpu.memory_space<hbm>>
    tpu.enqueue_dma source(%dma_start3A_2264 : memref<33x1x256xf32, #tpu.memory_space<hbm>>) target(%dma_start3A_2261 : memref<33x1x256xf32, #tpu.memory_space<vmem>>) target_semaphore(%arg9 : memref<!tpu.dma_semaphore, #tpu.memory_space<semaphore_mem>>)
    %get3A_2265 = arith.constant 48 : index
    %get3A_2266 = tpu.vector_load %arg5[%get3A_2265] {strides = array<i32>} : memref<64xi32, #tpu.memory_space<vmem>>, vector<16xi32>,
    %eq3A_2267 = arith.constant 14 : i32
    %eq3A_2268 = vector.broadcast %eq3A_2267 : i32 to vector<16xi32>
    %eq3A_2269 = arith.cmpi eq, %iota3A, %eq3A_2268 : vector<16xi32>
    %jit3A_2270 = arith.constant 0 : i32
    %broadcast_in_dim3A_2271 = vector.broadcast %jit3A_2270 : i32 to vector<16xi32>
    %select_n3A_2272 = arith.select %eq3A_2269, %get3A_2266, %broadcast_in_dim3A_2271 : vector<16xi1>, vector<16xi32>
    %reduce_max3A_2273 = arith.constant true
    %reduce_max3A_2274 = vector.broadcast %reduce_max3A_2273 : i1 to vector<16xi1>
    %reduce_max3A_2275 = arith.constant -2147483648 : i32
    %reduce_max3A_2276 = vector.broadcast %reduce_max3A_2275 : i32 to vector<16xi32>
    %reduce_max3A_2277 = arith.xori %select_n3A_2272, %reduce_max3A_2276 : vector<16xi32>
    %reduce_max3A_2278 = tpu.scan <max>, %reduce_max3A_2277 masked %reduce_max3A_2274 : vector<16xi32>, vector<16xi1> -> vector<16xi32>
    %reduce_max3A_2279 = arith.xori %reduce_max3A_2278, %reduce_max3A_2276 : vector<16xi32>
    %reduce_max3A_2280 = vector.extract %reduce_max3A_2279[15] : i32 from vector<16xi32>
    %dma_start3A_2281 = arith.constant 0 : i32
    %dma_start3A_2282 = arith.constant 2 : i32
    %dma_start3A_2283 = arith.constant 0 : i32
    %dma_start3A_2284 = tpu.memref_slice %arg6[%dma_start3A_2281, %dma_start3A_2282, %dma_start3A_2283] : memref<33x4x256xf32, #tpu.memory_space<vmem>> -> memref<33x1x256xf32, #tpu.memory_space<vmem>>
    %dma_start3A_2285 = arith.constant 0 : i32
    %dma_start3A_2286 = arith.constant 0 : i32
    %dma_start3A_2287 = tpu.memref_slice %arg2[%dma_start3A_2285, %reduce_max3A_2280, %dma_start3A_2286] : memref<33x8192x256xf32, #tpu.memory_space<hbm>> -> memref<33x1x256xf32, #tpu.memory_space<hbm>>
    %dma_start3A_2288 = arith.constant 0 : i32
    %dma_start3A_2289 = arith.constant 2 : i32
    %dma_start3A_2290 = arith.constant 0 : i32
    %dma_start3A_2291 = tpu.memref_slice %arg6[%dma_start3A_2288, %dma_start3A_2289, %dma_start3A_2290] : memref<33x4x256xf32, #tpu.memory_space<vmem>> -> memref<33x1x256xf32, #tpu.memory_space<vmem>>
    %dma_start3A_2292 = arith.constant 0 : i32
    %dma_start3A_2293 = arith.constant 0 : i32
    %dma_start3A_2294 = tpu.memref_slice %arg2[%dma_start3A_2292, %reduce_max3A_2280, %dma_start3A_2293] : memref<33x8192x256xf32, #tpu.memory_space<hbm>> -> memref<33x1x256xf32, #tpu.memory_space<hbm>>
    tpu.enqueue_dma source(%dma_start3A_2294 : memref<33x1x256xf32, #tpu.memory_space<hbm>>) target(%dma_start3A_2291 : memref<33x1x256xf32, #tpu.memory_space<vmem>>) target_semaphore(%arg9 : memref<!tpu.dma_semaphore, #tpu.memory_space<semaphore_mem>>)
    %get3A_2295 = arith.constant 48 : index
    %get3A_2296 = tpu.vector_load %arg5[%get3A_2295] {strides = array<i32>} : memref<64xi32, #tpu.memory_space<vmem>>, vector<16xi32>,
    %eq3A_2297 = arith.constant 15 : i32
    %eq3A_2298 = vector.broadcast %eq3A_2297 : i32 to vector<16xi32>
    %eq3A_2299 = arith.cmpi eq, %iota3A, %eq3A_2298 : vector<16xi32>
    %jit3A_2300 = arith.constant 0 : i32
    %broadcast_in_dim3A_2301 = vector.broadcast %jit3A_2300 : i32 to vector<16xi32>
    %select_n3A_2302 = arith.select %eq3A_2299, %get3A_2296, %broadcast_in_dim3A_2301 : vector<16xi1>, vector<16xi32>
    %reduce_max3A_2303 = arith.constant true
    %reduce_max3A_2304 = vector.broadcast %reduce_max3A_2303 : i1 to vector<16xi1>
    %reduce_max3A_2305 = arith.constant -2147483648 : i32
    %reduce_max3A_2306 = vector.broadcast %reduce_max3A_2305 : i32 to vector<16xi32>
    %reduce_max3A_2307 = arith.xori %select_n3A_2302, %reduce_max3A_2306 : vector<16xi32>
    %reduce_max3A_2308 = tpu.scan <max>, %reduce_max3A_2307 masked %reduce_max3A_2304 : vector<16xi32>, vector<16xi1> -> vector<16xi32>
    %reduce_max3A_2309 = arith.xori %reduce_max3A_2308, %reduce_max3A_2306 : vector<16xi32>
    %reduce_max3A_2310 = vector.extract %reduce_max3A_2309[15] : i32 from vector<16xi32>
    %dma_start3A_2311 = arith.constant 0 : i32
    %dma_start3A_2312 = arith.constant 3 : i32
    %dma_start3A_2313 = arith.constant 0 : i32
    %dma_start3A_2314 = tpu.memref_slice %arg6[%dma_start3A_2311, %dma_start3A_2312, %dma_start3A_2313] : memref<33x4x256xf32, #tpu.memory_space<vmem>> -> memref<33x1x256xf32, #tpu.memory_space<vmem>>
    %dma_start3A_2315 = arith.constant 0 : i32
    %dma_start3A_2316 = arith.constant 0 : i32
    %dma_start3A_2317 = tpu.memref_slice %arg2[%dma_start3A_2315, %reduce_max3A_2310, %dma_start3A_2316] : memref<33x8192x256xf32, #tpu.memory_space<hbm>> -> memref<33x1x256xf32, #tpu.memory_space<hbm>>
    %dma_start3A_2318 = arith.constant 0 : i32
    %dma_start3A_2319 = arith.constant 3 : i32
    %dma_start3A_2320 = arith.constant 0 : i32
    %dma_start3A_2321 = tpu.memref_slice %arg6[%dma_start3A_2318, %dma_start3A_2319, %dma_start3A_2320] : memref<33x4x256xf32, #tpu.memory_space<vmem>> -> memref<33x1x256xf32, #tpu.memory_space<vmem>>
    %dma_start3A_2322 = arith.constant 0 : i32
    %dma_start3A_2323 = arith.constant 0 : i32
    %dma_start3A_2324 = tpu.memref_slice %arg2[%dma_start3A_2322, %reduce_max3A_2310, %dma_start3A_2323] : memref<33x8192x256xf32, #tpu.memory_space<hbm>> -> memref<33x1x256xf32, #tpu.memory_space<hbm>>
    tpu.enqueue_dma source(%dma_start3A_2324 : memref<33x1x256xf32, #tpu.memory_space<hbm>>) target(%dma_start3A_2321 : memref<33x1x256xf32, #tpu.memory_space<vmem>>) target_semaphore(%arg9 : memref<!tpu.dma_semaphore, #tpu.memory_space<semaphore_mem>>)
    %dma_wait3A_2325 = arith.constant 0 : i32
    %dma_wait3A_2326 = arith.constant 0 : i32
    %dma_wait3A_2327 = arith.constant 0 : i32
    %dma_wait3A_2328 = tpu.memref_slice %arg2[%dma_wait3A_2325, %dma_wait3A_2326, %dma_wait3A_2327] : memref<33x8192x256xf32, #tpu.memory_space<hbm>> -> memref<33x4x256xf32, #tpu.memory_space<hbm>>
    %dma_wait3A_2329 = arith.constant 0 : i32
    %dma_wait3A_2330 = arith.constant 0 : i32
    %dma_wait3A_2331 = arith.constant 0 : i32
    %dma_wait3A_2332 = tpu.memref_slice %arg2[%dma_wait3A_2329, %dma_wait3A_2330, %dma_wait3A_2331] : memref<33x8192x256xf32, #tpu.memory_space<hbm>> -> memref<33x4x256xf32, #tpu.memory_space<hbm>>
    tpu.wait_dma2 semaphore(%arg11 : memref<!tpu.dma_semaphore, #tpu.memory_space<semaphore_mem>>) src(%dma_wait3A_2332 : memref<33x4x256xf32, #tpu.memory_space<hbm>>) dst(%arg8 : memref<33x4x256xf32, #tpu.memory_space<vmem>>)
    %add3A_2333 = arith.constant 7 : i32
    %add3A_2334 = arith.addi %mul3A_2, %add3A_2333 : i32
    %dma_start3A_2335 = arith.constant 0 : i32
    %dma_start3A_2336 = arith.constant 0 : i32
    %dma_start3A_2337 = arith.constant 0 : i32
    %dma_start3A_2338 = tpu.memref_slice %arg4[%add3A_2334, %dma_start3A_2335, %dma_start3A_2336, %dma_start3A_2337] : memref<256x33x8x256xf32, #tpu.memory_space<hbm>> -> memref<1x33x4x256xf32, #tpu.memory_space<hbm>>
    %dma_start3A_2339 = tpu.memref_squeeze %dma_start3A_2338 : memref<1x33x4x256xf32, #tpu.memory_space<hbm>> -> memref<33x4x256xf32, #tpu.memory_space<hbm>>
    %dma_start3A_2340 = arith.constant 0 : i32
    %dma_start3A_2341 = arith.constant 0 : i32
    %dma_start3A_2342 = arith.constant 0 : i32
    %dma_start3A_2343 = tpu.memref_slice %arg4[%add3A_2334, %dma_start3A_2340, %dma_start3A_2341, %dma_start3A_2342] : memref<256x33x8x256xf32, #tpu.memory_space<hbm>> -> memref<1x33x4x256xf32, #tpu.memory_space<hbm>>
    %dma_start3A_2344 = tpu.memref_squeeze %dma_start3A_2343 : memref<1x33x4x256xf32, #tpu.memory_space<hbm>> -> memref<33x4x256xf32, #tpu.memory_space<hbm>>
    tpu.enqueue_dma source(%arg8 : memref<33x4x256xf32, #tpu.memory_space<vmem>>) target(%dma_start3A_2344 : memref<33x4x256xf32, #tpu.memory_space<hbm>>) target_semaphore(%arg14 : memref<!tpu.dma_semaphore, #tpu.memory_space<semaphore_mem>>)
    %dma_wait3A_2345 = arith.constant 0 : i32
    %dma_wait3A_2346 = arith.constant 0 : i32
    %dma_wait3A_2347 = arith.constant 0 : i32
    %dma_wait3A_2348 = tpu.memref_slice %arg2[%dma_wait3A_2345, %dma_wait3A_2346, %dma_wait3A_2347] : memref<33x8192x256xf32, #tpu.memory_space<hbm>> -> memref<33x4x256xf32, #tpu.memory_space<hbm>>
    %dma_wait3A_2349 = arith.constant 0 : i32
    %dma_wait3A_2350 = arith.constant 0 : i32
    %dma_wait3A_2351 = arith.constant 0 : i32
    %dma_wait3A_2352 = tpu.memref_slice %arg2[%dma_wait3A_2349, %dma_wait3A_2350, %dma_wait3A_2351] : memref<33x8192x256xf32, #tpu.memory_space<hbm>> -> memref<33x4x256xf32, #tpu.memory_space<hbm>>
    tpu.wait_dma2 semaphore(%arg9 : memref<!tpu.dma_semaphore, #tpu.memory_space<semaphore_mem>>) src(%dma_wait3A_2352 : memref<33x4x256xf32, #tpu.memory_space<hbm>>) dst(%arg6 : memref<33x4x256xf32, #tpu.memory_space<vmem>>)
    %add3A_2353 = arith.constant 7 : i32
    %add3A_2354 = arith.addi %mul3A_2, %add3A_2353 : i32
    %dma_start3A_2355 = arith.constant 0 : i32
    %dma_start3A_2356 = arith.constant 4 : i32
    %dma_start3A_2357 = arith.constant 0 : i32
    %dma_start3A_2358 = tpu.memref_slice %arg4[%add3A_2354, %dma_start3A_2355, %dma_start3A_2356, %dma_start3A_2357] : memref<256x33x8x256xf32, #tpu.memory_space<hbm>> -> memref<1x33x4x256xf32, #tpu.memory_space<hbm>>
    %dma_start3A_2359 = tpu.memref_squeeze %dma_start3A_2358 : memref<1x33x4x256xf32, #tpu.memory_space<hbm>> -> memref<33x4x256xf32, #tpu.memory_space<hbm>>
    %dma_start3A_2360 = arith.constant 0 : i32
    %dma_start3A_2361 = arith.constant 4 : i32
    %dma_start3A_2362 = arith.constant 0 : i32
    %dma_start3A_2363 = tpu.memref_slice %arg4[%add3A_2354, %dma_start3A_2360, %dma_start3A_2361, %dma_start3A_2362] : memref<256x33x8x256xf32, #tpu.memory_space<hbm>> -> memref<1x33x4x256xf32, #tpu.memory_space<hbm>>
    %dma_start3A_2364 = tpu.memref_squeeze %dma_start3A_2363 : memref<1x33x4x256xf32, #tpu.memory_space<hbm>> -> memref<33x4x256xf32, #tpu.memory_space<hbm>>
    tpu.enqueue_dma source(%arg6 : memref<33x4x256xf32, #tpu.memory_space<vmem>>) target(%dma_start3A_2364 : memref<33x4x256xf32, #tpu.memory_space<hbm>>) target_semaphore(%arg12 : memref<!tpu.dma_semaphore, #tpu.memory_space<semaphore_mem>>)
    %dma_wait3A_2365 = arith.constant 0 : i32
    %dma_wait3A_2366 = arith.constant 0 : i32
    %dma_wait3A_2367 = arith.constant 0 : i32
    %dma_wait3A_2368 = tpu.memref_slice %arg4[%mul3A_2, %dma_wait3A_2365, %dma_wait3A_2366, %dma_wait3A_2367] : memref<256x33x8x256xf32, #tpu.memory_space<hbm>> -> memref<1x33x4x256xf32, #tpu.memory_space<hbm>>
    %dma_wait3A_2369 = tpu.memref_squeeze %dma_wait3A_2368 : memref<1x33x4x256xf32, #tpu.memory_space<hbm>> -> memref<33x4x256xf32, #tpu.memory_space<hbm>>
    %dma_wait3A_2370 = arith.constant 0 : i32
    %dma_wait3A_2371 = arith.constant 0 : i32
    %dma_wait3A_2372 = arith.constant 0 : i32
    %dma_wait3A_2373 = tpu.memref_slice %arg4[%mul3A_2, %dma_wait3A_2370, %dma_wait3A_2371, %dma_wait3A_2372] : memref<256x33x8x256xf32, #tpu.memory_space<hbm>> -> memref<1x33x4x256xf32, #tpu.memory_space<hbm>>
    %dma_wait3A_2374 = tpu.memref_squeeze %dma_wait3A_2373 : memref<1x33x4x256xf32, #tpu.memory_space<hbm>> -> memref<33x4x256xf32, #tpu.memory_space<hbm>>
    tpu.wait_dma2 semaphore(%arg14 : memref<!tpu.dma_semaphore, #tpu.memory_space<semaphore_mem>>) src(%arg8 : memref<33x4x256xf32, #tpu.memory_space<vmem>>) dst(%dma_wait3A_2374 : memref<33x4x256xf32, #tpu.memory_space<hbm>>)
    %dma_wait3A_2375 = arith.constant 0 : i32
    %dma_wait3A_2376 = arith.constant 0 : i32
    %dma_wait3A_2377 = arith.constant 0 : i32
    %dma_wait3A_2378 = tpu.memref_slice %arg4[%mul3A_2, %dma_wait3A_2375, %dma_wait3A_2376, %dma_wait3A_2377] : memref<256x33x8x256xf32, #tpu.memory_space<hbm>> -> memref<1x33x4x256xf32, #tpu.memory_space<hbm>>
    %dma_wait3A_2379 = tpu.memref_squeeze %dma_wait3A_2378 : memref<1x33x4x256xf32, #tpu.memory_space<hbm>> -> memref<33x4x256xf32, #tpu.memory_space<hbm>>
    %dma_wait3A_2380 = arith.constant 0 : i32
    %dma_wait3A_2381 = arith.constant 0 : i32
    %dma_wait3A_2382 = arith.constant 0 : i32
    %dma_wait3A_2383 = tpu.memref_slice %arg4[%mul3A_2, %dma_wait3A_2380, %dma_wait3A_2381, %dma_wait3A_2382] : memref<256x33x8x256xf32, #tpu.memory_space<hbm>> -> memref<1x33x4x256xf32, #tpu.memory_space<hbm>>
    %dma_wait3A_2384 = tpu.memref_squeeze %dma_wait3A_2383 : memref<1x33x4x256xf32, #tpu.memory_space<hbm>> -> memref<33x4x256xf32, #tpu.memory_space<hbm>>
    tpu.wait_dma2 semaphore(%arg12 : memref<!tpu.dma_semaphore, #tpu.memory_space<semaphore_mem>>) src(%arg6 : memref<33x4x256xf32, #tpu.memory_space<vmem>>) dst(%dma_wait3A_2384 : memref<33x4x256xf32, #tpu.memory_space<hbm>>)
    return
  }
}

module attributes {stable_mosaic.version = 14 : i64} {
  func.func @_encoder_topk_body(%arg0: i32, %arg1: memref<8192x32xf32, #tpu.memory_space<vmem>>, %arg2: memref<32x896xf32, #tpu.memory_space<vmem>>, %arg3: memref<1x64xf32, #tpu.memory_space<vmem>>, %arg4: memref<64x64xf32, #tpu.memory_space<vmem>>, %arg5: memref<8192x64xf32, #tpu.memory_space<vmem>>, %arg6: memref<32x8xf32, #tpu.memory_space<vmem>>, %arg7: memref<32x8xi32, #tpu.memory_space<vmem>>) attributes {dimension_semantics = [#tpu.dimension_semantics<arbitrary>], iteration_bounds = array<i64: 8>, scalar_prefetch = 0 : i64, scratch_operands = 0 : i64, tpu.core_type = #tpu.core_type<tc>, window_params = [{transform_indices = @transform_0, window_bounds = array<i64: 8192, 32>}, {pipeline_mode = #tpu.pipeline_mode<synchronous>, transform_indices = @transform_1, window_bounds = array<i64: 32, 896>}, {pipeline_mode = #tpu.pipeline_mode<synchronous>, transform_indices = @transform_2, window_bounds = array<i64: 1, 64>}, {pipeline_mode = #tpu.pipeline_mode<synchronous>, transform_indices = @transform_3, window_bounds = array<i64: 64, 64>}, {pipeline_mode = #tpu.pipeline_mode<synchronous>, transform_indices = @transform_4, window_bounds = array<i64: 8192, 64>}, {transform_indices = @transform_5, window_bounds = array<i64: 32, 8>}, {transform_indices = @transform_6, window_bounds = array<i64: 32, 8>}]} {
    %get3A = arith.constant 0 : index
    %get3A_0 = arith.constant 0 : index
    %get3A_1 = vector.load %arg1[%get3A, %get3A_0] : memref<8192x32xf32, #tpu.memory_space<vmem>>, vector<8192x32xf32>
    %get3A_2 = arith.constant 0 : index
    %get3A_3 = arith.constant 0 : index
    %get3A_4 = vector.load %arg2[%get3A_2, %get3A_3] : memref<32x896xf32, #tpu.memory_space<vmem>>, vector<32x896xf32>
    %dot_general3A = arith.constant dense<0.000000e+00> : vector<8192x896xf32>
    %dot_general3A_5 = tpu.matmul %get3A_1, %get3A_4, %dot_general3A {dimension_numbers = #tpu.dot_dimension_numbers<[1], [0], [0], [1], [0, 0, 1, 1], [], []>, transpose_lhs_hint = false} : vector<8192x32xf32>, vector<32x896xf32>, vector<8192x896xf32> -> vector<8192x896xf32>
    %reshape3A = vector.shape_cast %dot_general3A_5 : vector<8192x896xf32> to vector<32x256x896xf32>
    %broadcast_in_dim3A = arith.constant 0.000000e+00 : f32
    %broadcast_in_dim3A_6 = vector.broadcast %broadcast_in_dim3A : f32 to vector<32x256x64xf32>
    %slice3A = vector.extract_strided_slice %reshape3A {offsets = [0, 0, 0], sizes = [32, 256, 64], strides = [1, 1, 1]} : vector<32x256x896xf32> to vector<32x256x64xf32>
    %broadcast_in_dim3A_7 = arith.constant 0.000000e+00 : f32
    %broadcast_in_dim3A_8 = vector.broadcast %broadcast_in_dim3A_7 : f32 to vector<32x4x64xf32>
    %slice3A_9 = vector.extract_strided_slice %slice3A {offsets = [0, 0, 0], sizes = [32, 252, 64], strides = [1, 1, 1]} : vector<32x256x64xf32> to vector<32x252x64xf32>
    %concatenate3A = tpu.concatenate %broadcast_in_dim3A_8, %slice3A_9 in 1 : vector<32x4x64xf32>, vector<32x252x64xf32> -> vector<32x256x64xf32>
    %add3A = arith.addf %broadcast_in_dim3A_6, %concatenate3A : vector<32x256x64xf32>
    %slice3A_10 = vector.extract_strided_slice %reshape3A {offsets = [0, 0, 128], sizes = [32, 256, 64], strides = [1, 1, 1]} : vector<32x256x896xf32> to vector<32x256x64xf32>
    %broadcast_in_dim3A_11 = arith.constant 0.000000e+00 : f32
    %broadcast_in_dim3A_12 = vector.broadcast %broadcast_in_dim3A_11 : f32 to vector<32x2x64xf32>
    %slice3A_13 = vector.extract_strided_slice %slice3A_10 {offsets = [0, 0, 0], sizes = [32, 254, 64], strides = [1, 1, 1]} : vector<32x256x64xf32> to vector<32x254x64xf32>
    %concatenate3A_14 = tpu.concatenate %broadcast_in_dim3A_12, %slice3A_13 in 1 : vector<32x2x64xf32>, vector<32x254x64xf32> -> vector<32x256x64xf32>
    %add3A_15 = arith.addf %add3A, %concatenate3A_14 : vector<32x256x64xf32>
    %slice3A_16 = vector.extract_strided_slice %reshape3A {offsets = [0, 0, 256], sizes = [32, 256, 64], strides = [1, 1, 1]} : vector<32x256x896xf32> to vector<32x256x64xf32>
    %broadcast_in_dim3A_17 = arith.constant 0.000000e+00 : f32
    %broadcast_in_dim3A_18 = vector.broadcast %broadcast_in_dim3A_17 : f32 to vector<32x1x64xf32>
    %slice3A_19 = vector.extract_strided_slice %slice3A_16 {offsets = [0, 0, 0], sizes = [32, 255, 64], strides = [1, 1, 1]} : vector<32x256x64xf32> to vector<32x255x64xf32>
    %concatenate3A_20 = tpu.concatenate %broadcast_in_dim3A_18, %slice3A_19 in 1 : vector<32x1x64xf32>, vector<32x255x64xf32> -> vector<32x256x64xf32>
    %add3A_21 = arith.addf %add3A_15, %concatenate3A_20 : vector<32x256x64xf32>
    %slice3A_22 = vector.extract_strided_slice %reshape3A {offsets = [0, 0, 384], sizes = [32, 256, 64], strides = [1, 1, 1]} : vector<32x256x896xf32> to vector<32x256x64xf32>
    %add3A_23 = arith.addf %add3A_21, %slice3A_22 : vector<32x256x64xf32>
    %slice3A_24 = vector.extract_strided_slice %reshape3A {offsets = [0, 0, 512], sizes = [32, 256, 64], strides = [1, 1, 1]} : vector<32x256x896xf32> to vector<32x256x64xf32>
    %slice3A_25 = vector.extract_strided_slice %slice3A_24 {offsets = [0, 1, 0], sizes = [32, 255, 64], strides = [1, 1, 1]} : vector<32x256x64xf32> to vector<32x255x64xf32>
    %broadcast_in_dim3A_26 = arith.constant 0.000000e+00 : f32
    %broadcast_in_dim3A_27 = vector.broadcast %broadcast_in_dim3A_26 : f32 to vector<32x1x64xf32>
    %concatenate3A_28 = tpu.concatenate %slice3A_25, %broadcast_in_dim3A_27 in 1 : vector<32x255x64xf32>, vector<32x1x64xf32> -> vector<32x256x64xf32>
    %add3A_29 = arith.addf %add3A_23, %concatenate3A_28 : vector<32x256x64xf32>
    %slice3A_30 = vector.extract_strided_slice %reshape3A {offsets = [0, 0, 640], sizes = [32, 256, 64], strides = [1, 1, 1]} : vector<32x256x896xf32> to vector<32x256x64xf32>
    %slice3A_31 = vector.extract_strided_slice %slice3A_30 {offsets = [0, 2, 0], sizes = [32, 254, 64], strides = [1, 1, 1]} : vector<32x256x64xf32> to vector<32x254x64xf32>
    %broadcast_in_dim3A_32 = arith.constant 0.000000e+00 : f32
    %broadcast_in_dim3A_33 = vector.broadcast %broadcast_in_dim3A_32 : f32 to vector<32x2x64xf32>
    %concatenate3A_34 = tpu.concatenate %slice3A_31, %broadcast_in_dim3A_33 in 1 : vector<32x254x64xf32>, vector<32x2x64xf32> -> vector<32x256x64xf32>
    %add3A_35 = arith.addf %add3A_29, %concatenate3A_34 : vector<32x256x64xf32>
    %slice3A_36 = vector.extract_strided_slice %reshape3A {offsets = [0, 0, 768], sizes = [32, 256, 64], strides = [1, 1, 1]} : vector<32x256x896xf32> to vector<32x256x64xf32>
    %slice3A_37 = vector.extract_strided_slice %slice3A_36 {offsets = [0, 4, 0], sizes = [32, 252, 64], strides = [1, 1, 1]} : vector<32x256x64xf32> to vector<32x252x64xf32>
    %broadcast_in_dim3A_38 = arith.constant 0.000000e+00 : f32
    %broadcast_in_dim3A_39 = vector.broadcast %broadcast_in_dim3A_38 : f32 to vector<32x4x64xf32>
    %concatenate3A_40 = tpu.concatenate %slice3A_37, %broadcast_in_dim3A_39 in 1 : vector<32x252x64xf32>, vector<32x4x64xf32> -> vector<32x256x64xf32>
    %add3A_41 = arith.addf %add3A_35, %concatenate3A_40 : vector<32x256x64xf32>
    %get3A_42 = arith.constant 0 : index
    %get3A_43 = arith.constant 0 : index
    %get3A_44 = vector.load %arg3[%get3A_42, %get3A_43] : memref<1x64xf32, #tpu.memory_space<vmem>>, vector<1x64xf32>
    %broadcast_in_dim3A_45 = vector.shape_cast %get3A_44 : vector<1x64xf32> to vector<1x1x64xf32>
    %add3A_46 = vector.broadcast %broadcast_in_dim3A_45 : vector<1x1x64xf32> to vector<32x256x64xf32>
    %add3A_47 = arith.addf %add3A_41, %add3A_46 : vector<32x256x64xf32>
    %mul3A = arith.constant 5.000000e-01 : f32
    %mul3A_48 = vector.broadcast %mul3A : f32 to vector<32x256x64xf32>
    %mul3A_49 = arith.mulf %add3A_47, %mul3A_48 : vector<32x256x64xf32>
    %mul3A_50 = arith.constant 0.707106769 : f32
    %mul3A_51 = vector.broadcast %mul3A_50 : f32 to vector<32x256x64xf32>
    %mul3A_52 = arith.mulf %add3A_47, %mul3A_51 : vector<32x256x64xf32>
    %erf3A = math.erf %mul3A_52 : vector<32x256x64xf32>
    %add3A_53 = arith.constant 1.000000e+00 : f32
    %add3A_54 = vector.broadcast %add3A_53 : f32 to vector<32x256x64xf32>
    %add3A_55 = arith.addf %add3A_54, %erf3A : vector<32x256x64xf32>
    %mul3A_56 = arith.mulf %mul3A_49, %add3A_55 : vector<32x256x64xf32>
    %reduce_sum3A = arith.constant dense<0.000000e+00> : vector<32x64xf32>
    %reduce_sum3A_57 = vector.multi_reduction <add>, %mul3A_56, %reduce_sum3A [1] : vector<32x256x64xf32> to vector<32x64xf32>
    %mul3A_58 = arith.constant 3.906250e-03 : f32
    %mul3A_59 = vector.broadcast %mul3A_58 : f32 to vector<32x64xf32>
    %mul3A_60 = arith.mulf %reduce_sum3A_57, %mul3A_59 : vector<32x64xf32>
    %get3A_61 = arith.constant 0 : index
    %get3A_62 = arith.constant 0 : index
    %get3A_63 = vector.load %arg4[%get3A_61, %get3A_62] : memref<64x64xf32, #tpu.memory_space<vmem>>, vector<64x64xf32>
    %transpose3A = tpu.transpose %get3A_63, [1, 0] : vector<64x64xf32> -> vector<64x64xf32>
    %dot_general3A_64 = arith.constant dense<0.000000e+00> : vector<32x64xf32>
    %dot_general3A_65 = tpu.matmul %mul3A_60, %transpose3A, %dot_general3A_64 {dimension_numbers = #tpu.dot_dimension_numbers<[1], [0], [0], [1], [0, 0, 1, 1], [], []>, transpose_lhs_hint = false} : vector<32x64xf32>, vector<64x64xf32>, vector<32x64xf32> -> vector<32x64xf32>
    %reduce_sum3A_66 = arith.constant dense<0.000000e+00> : vector<32xf32>
    %reduce_sum3A_67 = vector.multi_reduction <add>, %dot_general3A_65, %reduce_sum3A_66 [1] : vector<32x64xf32> to vector<32xf32>
    %broadcast_in_dim3A_68 = vector.shape_cast %reduce_sum3A_67 : vector<32xf32> to vector<32x1xf32>
    %div3A = arith.constant 6.400000e+01 : f32
    %div3A_69 = vector.broadcast %div3A : f32 to vector<32x1xf32>
    %div3A_70 = arith.divf %broadcast_in_dim3A_68, %div3A_69 : vector<32x1xf32>
    %sub3A = vector.broadcast %div3A_70 : vector<32x1xf32> to vector<32x64xf32>
    %sub3A_71 = arith.subf %dot_general3A_65, %sub3A : vector<32x64xf32>
    %integer_pow3A = arith.mulf %sub3A_71, %sub3A_71 : vector<32x64xf32>
    %reduce_sum3A_72 = arith.constant dense<0.000000e+00> : vector<32xf32>
    %reduce_sum3A_73 = vector.multi_reduction <add>, %integer_pow3A, %reduce_sum3A_72 [1] : vector<32x64xf32> to vector<32xf32>
    %broadcast_in_dim3A_74 = vector.shape_cast %reduce_sum3A_73 : vector<32xf32> to vector<32x1xf32>
    %div3A_75 = arith.constant 6.400000e+01 : f32
    %div3A_76 = vector.broadcast %div3A_75 : f32 to vector<32x1xf32>
    %div3A_77 = arith.divf %broadcast_in_dim3A_74, %div3A_76 : vector<32x1xf32>
    %sub3A_78 = vector.broadcast %div3A_70 : vector<32x1xf32> to vector<32x64xf32>
    %sub3A_79 = arith.subf %dot_general3A_65, %sub3A_78 : vector<32x64xf32>
    %add3A_80 = arith.constant 9.99999974E-6 : f32
    %add3A_81 = vector.broadcast %add3A_80 : f32 to vector<32x1xf32>
    %add3A_82 = arith.addf %div3A_77, %add3A_81 : vector<32x1xf32>
    %rsqrt3A = math.rsqrt %add3A_82 : vector<32x1xf32>
    %mul3A_83 = vector.broadcast %rsqrt3A : vector<32x1xf32> to vector<32x64xf32>
    %mul3A_84 = arith.mulf %sub3A_79, %mul3A_83 : vector<32x64xf32>
    %mul3A_85 = arith.mulf %mul3A_84, %mul3A_84 : vector<32x64xf32>
    %reduce_sum3A_86 = arith.constant dense<0.000000e+00> : vector<32xf32>
    %reduce_sum3A_87 = vector.multi_reduction <add>, %mul3A_85, %reduce_sum3A_86 [1] : vector<32x64xf32> to vector<32xf32>
    %broadcast_in_dim3A_88 = vector.shape_cast %reduce_sum3A_87 : vector<32xf32> to vector<32x1xf32>
    %sqrt3A = math.sqrt %broadcast_in_dim3A_88 : vector<32x1xf32>
    %max3A = arith.constant 9.99999996E-13 : f32
    %max3A_89 = vector.broadcast %max3A : f32 to vector<32x1xf32>
    %max3A_90 = arith.maximumf %sqrt3A, %max3A_89 : vector<32x1xf32>
    %div3A_91 = vector.broadcast %max3A_90 : vector<32x1xf32> to vector<32x64xf32>
    %div3A_92 = arith.divf %mul3A_84, %div3A_91 : vector<32x64xf32>
    %get3A_93 = arith.constant 0 : index
    %get3A_94 = arith.constant 0 : index
    %get3A_95 = vector.load %arg5[%get3A_93, %get3A_94] : memref<8192x64xf32, #tpu.memory_space<vmem>>, vector<8192x64xf32>
    %dot_general3A_96 = arith.constant dense<0.000000e+00> : vector<32x8192xf32>
    %dot_general3A_97 = tpu.matmul %div3A_92, %get3A_95, %dot_general3A_96 {dimension_numbers = #tpu.dot_dimension_numbers<[1], [1], [0], [0], [0, 0, 1, 0], [], []>, transpose_lhs_hint = false} : vector<32x64xf32>, vector<8192x64xf32>, vector<32x8192xf32> -> vector<32x8192xf32>
    %iota3A = tpu.iota {dimensions = array<i32: 1>} : vector<32x8192xi32>
    %reduce_max3A = arith.constant dense<0xFF800000> : vector<32xf32>
    %reduce_max3A_98 = vector.multi_reduction <maximumf>, %dot_general3A_97, %reduce_max3A [1] : vector<32x8192xf32> to vector<32xf32>
    %broadcast_in_dim3A_99 = vector.shape_cast %reduce_max3A_98 : vector<32xf32> to vector<32x1xf32>
    %eq3A = vector.broadcast %broadcast_in_dim3A_99 : vector<32x1xf32> to vector<32x8192xf32>
    %eq3A_100 = arith.cmpf oeq, %dot_general3A_97, %eq3A : vector<32x8192xf32>
    %jit3A = arith.constant 8192 : i32
    %broadcast_in_dim3A_101 = vector.broadcast %jit3A : i32 to vector<32x8192xi32>
    %select_n3A = arith.select %eq3A_100, %iota3A, %broadcast_in_dim3A_101 : vector<32x8192xi1>, vector<32x8192xi32>
    %reduce_min3A = arith.constant dense<2147483647> : vector<32xi32>
    %reduce_min3A_102 = vector.multi_reduction <minsi>, %select_n3A, %reduce_min3A [1] : vector<32x8192xi32> to vector<32xi32>
    %broadcast_in_dim3A_103 = vector.shape_cast %reduce_min3A_102 : vector<32xi32> to vector<32x1xi32>
    %eq3A_104 = vector.broadcast %broadcast_in_dim3A_103 : vector<32x1xi32> to vector<32x8192xi32>
    %eq3A_105 = arith.cmpi eq, %iota3A, %eq3A_104 : vector<32x8192xi32>
    %jit3A_106 = arith.constant 0xFF800000 : f32
    %broadcast_in_dim3A_107 = vector.broadcast %jit3A_106 : f32 to vector<32x8192xf32>
    %select_n3A_108 = arith.select %eq3A_105, %broadcast_in_dim3A_107, %dot_general3A_97 : vector<32x8192xi1>, vector<32x8192xf32>
    %reduce_max3A_109 = arith.constant dense<0xFF800000> : vector<32xf32>
    %reduce_max3A_110 = vector.multi_reduction <maximumf>, %select_n3A_108, %reduce_max3A_109 [1] : vector<32x8192xf32> to vector<32xf32>
    %broadcast_in_dim3A_111 = vector.shape_cast %reduce_max3A_110 : vector<32xf32> to vector<32x1xf32>
    %eq3A_112 = vector.broadcast %broadcast_in_dim3A_111 : vector<32x1xf32> to vector<32x8192xf32>
    %eq3A_113 = arith.cmpf oeq, %select_n3A_108, %eq3A_112 : vector<32x8192xf32>
    %jit3A_114 = arith.constant 8192 : i32
    %broadcast_in_dim3A_115 = vector.broadcast %jit3A_114 : i32 to vector<32x8192xi32>
    %select_n3A_116 = arith.select %eq3A_113, %iota3A, %broadcast_in_dim3A_115 : vector<32x8192xi1>, vector<32x8192xi32>
    %reduce_min3A_117 = arith.constant dense<2147483647> : vector<32xi32>
    %reduce_min3A_118 = vector.multi_reduction <minsi>, %select_n3A_116, %reduce_min3A_117 [1] : vector<32x8192xi32> to vector<32xi32>
    %broadcast_in_dim3A_119 = vector.shape_cast %reduce_min3A_118 : vector<32xi32> to vector<32x1xi32>
    %eq3A_120 = vector.broadcast %broadcast_in_dim3A_119 : vector<32x1xi32> to vector<32x8192xi32>
    %eq3A_121 = arith.cmpi eq, %iota3A, %eq3A_120 : vector<32x8192xi32>
    %jit3A_122 = arith.constant 0xFF800000 : f32
    %broadcast_in_dim3A_123 = vector.broadcast %jit3A_122 : f32 to vector<32x8192xf32>
    %select_n3A_124 = arith.select %eq3A_121, %broadcast_in_dim3A_123, %select_n3A_108 : vector<32x8192xi1>, vector<32x8192xf32>
    %reduce_max3A_125 = arith.constant dense<0xFF800000> : vector<32xf32>
    %reduce_max3A_126 = vector.multi_reduction <maximumf>, %select_n3A_124, %reduce_max3A_125 [1] : vector<32x8192xf32> to vector<32xf32>
    %broadcast_in_dim3A_127 = vector.shape_cast %reduce_max3A_126 : vector<32xf32> to vector<32x1xf32>
    %eq3A_128 = vector.broadcast %broadcast_in_dim3A_127 : vector<32x1xf32> to vector<32x8192xf32>
    %eq3A_129 = arith.cmpf oeq, %select_n3A_124, %eq3A_128 : vector<32x8192xf32>
    %jit3A_130 = arith.constant 8192 : i32
    %broadcast_in_dim3A_131 = vector.broadcast %jit3A_130 : i32 to vector<32x8192xi32>
    %select_n3A_132 = arith.select %eq3A_129, %iota3A, %broadcast_in_dim3A_131 : vector<32x8192xi1>, vector<32x8192xi32>
    %reduce_min3A_133 = arith.constant dense<2147483647> : vector<32xi32>
    %reduce_min3A_134 = vector.multi_reduction <minsi>, %select_n3A_132, %reduce_min3A_133 [1] : vector<32x8192xi32> to vector<32xi32>
    %broadcast_in_dim3A_135 = vector.shape_cast %reduce_min3A_134 : vector<32xi32> to vector<32x1xi32>
    %eq3A_136 = vector.broadcast %broadcast_in_dim3A_135 : vector<32x1xi32> to vector<32x8192xi32>
    %eq3A_137 = arith.cmpi eq, %iota3A, %eq3A_136 : vector<32x8192xi32>
    %jit3A_138 = arith.constant 0xFF800000 : f32
    %broadcast_in_dim3A_139 = vector.broadcast %jit3A_138 : f32 to vector<32x8192xf32>
    %select_n3A_140 = arith.select %eq3A_137, %broadcast_in_dim3A_139, %select_n3A_124 : vector<32x8192xi1>, vector<32x8192xf32>
    %reduce_max3A_141 = arith.constant dense<0xFF800000> : vector<32xf32>
    %reduce_max3A_142 = vector.multi_reduction <maximumf>, %select_n3A_140, %reduce_max3A_141 [1] : vector<32x8192xf32> to vector<32xf32>
    %broadcast_in_dim3A_143 = vector.shape_cast %reduce_max3A_142 : vector<32xf32> to vector<32x1xf32>
    %eq3A_144 = vector.broadcast %broadcast_in_dim3A_143 : vector<32x1xf32> to vector<32x8192xf32>
    %eq3A_145 = arith.cmpf oeq, %select_n3A_140, %eq3A_144 : vector<32x8192xf32>
    %jit3A_146 = arith.constant 8192 : i32
    %broadcast_in_dim3A_147 = vector.broadcast %jit3A_146 : i32 to vector<32x8192xi32>
    %select_n3A_148 = arith.select %eq3A_145, %iota3A, %broadcast_in_dim3A_147 : vector<32x8192xi1>, vector<32x8192xi32>
    %reduce_min3A_149 = arith.constant dense<2147483647> : vector<32xi32>
    %reduce_min3A_150 = vector.multi_reduction <minsi>, %select_n3A_148, %reduce_min3A_149 [1] : vector<32x8192xi32> to vector<32xi32>
    %broadcast_in_dim3A_151 = vector.shape_cast %reduce_min3A_150 : vector<32xi32> to vector<32x1xi32>
    %eq3A_152 = vector.broadcast %broadcast_in_dim3A_151 : vector<32x1xi32> to vector<32x8192xi32>
    %eq3A_153 = arith.cmpi eq, %iota3A, %eq3A_152 : vector<32x8192xi32>
    %jit3A_154 = arith.constant 0xFF800000 : f32
    %broadcast_in_dim3A_155 = vector.broadcast %jit3A_154 : f32 to vector<32x8192xf32>
    %select_n3A_156 = arith.select %eq3A_153, %broadcast_in_dim3A_155, %select_n3A_140 : vector<32x8192xi1>, vector<32x8192xf32>
    %reduce_max3A_157 = arith.constant dense<0xFF800000> : vector<32xf32>
    %reduce_max3A_158 = vector.multi_reduction <maximumf>, %select_n3A_156, %reduce_max3A_157 [1] : vector<32x8192xf32> to vector<32xf32>
    %broadcast_in_dim3A_159 = vector.shape_cast %reduce_max3A_158 : vector<32xf32> to vector<32x1xf32>
    %eq3A_160 = vector.broadcast %broadcast_in_dim3A_159 : vector<32x1xf32> to vector<32x8192xf32>
    %eq3A_161 = arith.cmpf oeq, %select_n3A_156, %eq3A_160 : vector<32x8192xf32>
    %jit3A_162 = arith.constant 8192 : i32
    %broadcast_in_dim3A_163 = vector.broadcast %jit3A_162 : i32 to vector<32x8192xi32>
    %select_n3A_164 = arith.select %eq3A_161, %iota3A, %broadcast_in_dim3A_163 : vector<32x8192xi1>, vector<32x8192xi32>
    %reduce_min3A_165 = arith.constant dense<2147483647> : vector<32xi32>
    %reduce_min3A_166 = vector.multi_reduction <minsi>, %select_n3A_164, %reduce_min3A_165 [1] : vector<32x8192xi32> to vector<32xi32>
    %broadcast_in_dim3A_167 = vector.shape_cast %reduce_min3A_166 : vector<32xi32> to vector<32x1xi32>
    %eq3A_168 = vector.broadcast %broadcast_in_dim3A_167 : vector<32x1xi32> to vector<32x8192xi32>
    %eq3A_169 = arith.cmpi eq, %iota3A, %eq3A_168 : vector<32x8192xi32>
    %jit3A_170 = arith.constant 0xFF800000 : f32
    %broadcast_in_dim3A_171 = vector.broadcast %jit3A_170 : f32 to vector<32x8192xf32>
    %select_n3A_172 = arith.select %eq3A_169, %broadcast_in_dim3A_171, %select_n3A_156 : vector<32x8192xi1>, vector<32x8192xf32>
    %reduce_max3A_173 = arith.constant dense<0xFF800000> : vector<32xf32>
    %reduce_max3A_174 = vector.multi_reduction <maximumf>, %select_n3A_172, %reduce_max3A_173 [1] : vector<32x8192xf32> to vector<32xf32>
    %broadcast_in_dim3A_175 = vector.shape_cast %reduce_max3A_174 : vector<32xf32> to vector<32x1xf32>
    %eq3A_176 = vector.broadcast %broadcast_in_dim3A_175 : vector<32x1xf32> to vector<32x8192xf32>
    %eq3A_177 = arith.cmpf oeq, %select_n3A_172, %eq3A_176 : vector<32x8192xf32>
    %jit3A_178 = arith.constant 8192 : i32
    %broadcast_in_dim3A_179 = vector.broadcast %jit3A_178 : i32 to vector<32x8192xi32>
    %select_n3A_180 = arith.select %eq3A_177, %iota3A, %broadcast_in_dim3A_179 : vector<32x8192xi1>, vector<32x8192xi32>
    %reduce_min3A_181 = arith.constant dense<2147483647> : vector<32xi32>
    %reduce_min3A_182 = vector.multi_reduction <minsi>, %select_n3A_180, %reduce_min3A_181 [1] : vector<32x8192xi32> to vector<32xi32>
    %broadcast_in_dim3A_183 = vector.shape_cast %reduce_min3A_182 : vector<32xi32> to vector<32x1xi32>
    %eq3A_184 = vector.broadcast %broadcast_in_dim3A_183 : vector<32x1xi32> to vector<32x8192xi32>
    %eq3A_185 = arith.cmpi eq, %iota3A, %eq3A_184 : vector<32x8192xi32>
    %jit3A_186 = arith.constant 0xFF800000 : f32
    %broadcast_in_dim3A_187 = vector.broadcast %jit3A_186 : f32 to vector<32x8192xf32>
    %select_n3A_188 = arith.select %eq3A_185, %broadcast_in_dim3A_187, %select_n3A_172 : vector<32x8192xi1>, vector<32x8192xf32>
    %reduce_max3A_189 = arith.constant dense<0xFF800000> : vector<32xf32>
    %reduce_max3A_190 = vector.multi_reduction <maximumf>, %select_n3A_188, %reduce_max3A_189 [1] : vector<32x8192xf32> to vector<32xf32>
    %broadcast_in_dim3A_191 = vector.shape_cast %reduce_max3A_190 : vector<32xf32> to vector<32x1xf32>
    %eq3A_192 = vector.broadcast %broadcast_in_dim3A_191 : vector<32x1xf32> to vector<32x8192xf32>
    %eq3A_193 = arith.cmpf oeq, %select_n3A_188, %eq3A_192 : vector<32x8192xf32>
    %jit3A_194 = arith.constant 8192 : i32
    %broadcast_in_dim3A_195 = vector.broadcast %jit3A_194 : i32 to vector<32x8192xi32>
    %select_n3A_196 = arith.select %eq3A_193, %iota3A, %broadcast_in_dim3A_195 : vector<32x8192xi1>, vector<32x8192xi32>
    %reduce_min3A_197 = arith.constant dense<2147483647> : vector<32xi32>
    %reduce_min3A_198 = vector.multi_reduction <minsi>, %select_n3A_196, %reduce_min3A_197 [1] : vector<32x8192xi32> to vector<32xi32>
    %broadcast_in_dim3A_199 = vector.shape_cast %reduce_min3A_198 : vector<32xi32> to vector<32x1xi32>
    %eq3A_200 = vector.broadcast %broadcast_in_dim3A_199 : vector<32x1xi32> to vector<32x8192xi32>
    %eq3A_201 = arith.cmpi eq, %iota3A, %eq3A_200 : vector<32x8192xi32>
    %jit3A_202 = arith.constant 0xFF800000 : f32
    %broadcast_in_dim3A_203 = vector.broadcast %jit3A_202 : f32 to vector<32x8192xf32>
    %select_n3A_204 = arith.select %eq3A_201, %broadcast_in_dim3A_203, %select_n3A_188 : vector<32x8192xi1>, vector<32x8192xf32>
    %reduce_max3A_205 = arith.constant dense<0xFF800000> : vector<32xf32>
    %reduce_max3A_206 = vector.multi_reduction <maximumf>, %select_n3A_204, %reduce_max3A_205 [1] : vector<32x8192xf32> to vector<32xf32>
    %broadcast_in_dim3A_207 = vector.shape_cast %reduce_max3A_206 : vector<32xf32> to vector<32x1xf32>
    %eq3A_208 = vector.broadcast %broadcast_in_dim3A_207 : vector<32x1xf32> to vector<32x8192xf32>
    %eq3A_209 = arith.cmpf oeq, %select_n3A_204, %eq3A_208 : vector<32x8192xf32>
    %jit3A_210 = arith.constant 8192 : i32
    %broadcast_in_dim3A_211 = vector.broadcast %jit3A_210 : i32 to vector<32x8192xi32>
    %select_n3A_212 = arith.select %eq3A_209, %iota3A, %broadcast_in_dim3A_211 : vector<32x8192xi1>, vector<32x8192xi32>
    %reduce_min3A_213 = arith.constant dense<2147483647> : vector<32xi32>
    %reduce_min3A_214 = vector.multi_reduction <minsi>, %select_n3A_212, %reduce_min3A_213 [1] : vector<32x8192xi32> to vector<32xi32>
    %broadcast_in_dim3A_215 = vector.shape_cast %reduce_min3A_214 : vector<32xi32> to vector<32x1xi32>
    %concatenate3A_216 = tpu.concatenate %broadcast_in_dim3A_99, %broadcast_in_dim3A_111, %broadcast_in_dim3A_127, %broadcast_in_dim3A_143, %broadcast_in_dim3A_159, %broadcast_in_dim3A_175, %broadcast_in_dim3A_191, %broadcast_in_dim3A_207 in 1 : vector<32x1xf32>, vector<32x1xf32>, vector<32x1xf32>, vector<32x1xf32>, vector<32x1xf32>, vector<32x1xf32>, vector<32x1xf32>, vector<32x1xf32> -> vector<32x8xf32>
    %swap3A = arith.constant 0 : index
    %swap3A_217 = arith.constant 0 : index
    %swap3A_218 = vector.load %arg6[%swap3A, %swap3A_217] : memref<32x8xf32, #tpu.memory_space<vmem>>, vector<32x8xf32>
    tpu.vector_store %arg6[%swap3A, %swap3A_217], %concatenate3A_216 {strides = array<i32>} : memref<32x8xf32, #tpu.memory_space<vmem>>, vector<32x8xf32>,
    %concatenate3A_219 = tpu.concatenate %broadcast_in_dim3A_103, %broadcast_in_dim3A_119, %broadcast_in_dim3A_135, %broadcast_in_dim3A_151, %broadcast_in_dim3A_167, %broadcast_in_dim3A_183, %broadcast_in_dim3A_199, %broadcast_in_dim3A_215 in 1 : vector<32x1xi32>, vector<32x1xi32>, vector<32x1xi32>, vector<32x1xi32>, vector<32x1xi32>, vector<32x1xi32>, vector<32x1xi32>, vector<32x1xi32> -> vector<32x8xi32>
    %swap3A_220 = arith.constant 0 : index
    %swap3A_221 = arith.constant 0 : index
    %swap3A_222 = vector.load %arg7[%swap3A_220, %swap3A_221] : memref<32x8xi32, #tpu.memory_space<vmem>>, vector<32x8xi32>
    tpu.vector_store %arg7[%swap3A_220, %swap3A_221], %concatenate3A_219 {strides = array<i32>} : memref<32x8xi32, #tpu.memory_space<vmem>>, vector<32x8xi32>,
    return
  }
  func.func @transform_0(%arg0: i32) -> (i32, i32) {
    %c0_i32 = arith.constant 0 : i32
    %c0_i32_0 = arith.constant 0 : i32
    return %arg0, %c0_i32 : i32, i32
  }
  func.func @transform_1(%arg0: i32) -> (i32, i32) {
    %c0_i32 = arith.constant 0 : i32
    %c0_i32_0 = arith.constant 0 : i32
    %c0_i32_1 = arith.constant 0 : i32
    return %c0_i32, %c0_i32_0 : i32, i32
  }
  func.func @transform_2(%arg0: i32) -> (i32, i32) {
    %c0_i32 = arith.constant 0 : i32
    %c0_i32_0 = arith.constant 0 : i32
    %c0_i32_1 = arith.constant 0 : i32
    return %c0_i32, %c0_i32_0 : i32, i32
  }
  func.func @transform_3(%arg0: i32) -> (i32, i32) {
    %c0_i32 = arith.constant 0 : i32
    %c0_i32_0 = arith.constant 0 : i32
    %c0_i32_1 = arith.constant 0 : i32
    return %c0_i32, %c0_i32_0 : i32, i32
  }
  func.func @transform_4(%arg0: i32) -> (i32, i32) {
    %c0_i32 = arith.constant 0 : i32
    %c0_i32_0 = arith.constant 0 : i32
    %c0_i32_1 = arith.constant 0 : i32
    return %c0_i32, %c0_i32_0 : i32, i32
  }
  func.func @transform_5(%arg0: i32) -> (i32, i32) {
    %c0_i32 = arith.constant 0 : i32
    %c0_i32_0 = arith.constant 0 : i32
    return %arg0, %c0_i32 : i32, i32
  }
  func.func @transform_6(%arg0: i32) -> (i32, i32) {
    %c0_i32 = arith.constant 0 : i32
    %c0_i32_0 = arith.constant 0 : i32
    return %arg0, %c0_i32 : i32, i32
  }
}

</mosaic_0001>

<sc_bundles>
// kernel: kernel.4.cloned.1.call-start
scs
__scs_entry_jumppad:
0x0: {  	(pc) =	sbr.rel $0x88, $3  }
0x1: {  	(tag) =	ssettag $0x0;
	lr =	simm.s32 $0x1  }
0x2: {  	[smem:$0x3F95] =	sst lr;
	_ =	strace $0xD0000000  }
0x3: {  	_ = 	snop  }
0x4: {  	_ = 	snop  }
0x5: {  	_ = 	snop  }
0x6: {  	_ = 	snop  }
0x7: {  	_ = 	snop  }
__scs_overlays_trampoline_lowered:
0x8: {  	[smem:$0x3FA4] =	sst s0  }
0x9: {  	[smem:$0x3FA5] =	sst s1  }
0xa: {  	[smem:$0x3FA6] =	sst s2  }
0xb: {  	[smem:$0x3FA7] =	sst s3  }
0xc: {  	[smem:$0x3FA8] =	sst s4  }
0xd: {  	[smem:$0x3FA9] =	sst s5  }
0xe: {  	[smem:$0x3FAA] =	sst s6  }
0xf: {  	[smem:$0x3FAB] =	sst s7  }
0x10: {  	[smem:$0x3FAC] =	sst s8  }
0x11: {  	[smem:$0x3FAD] =	sst s9;
	s0 =	simm.s32 @!p0 $0x0  }
0x12: {  	s1 =	sld [smem:$0x3F93];
	s0 =	simm.s32 @p0 $0x1  }
0x13: {  	[smem:$0x3FAE] =	sst s0;
	s0 =	simm.s32 @!p1 $0x0  }
0x14: {  	s2 =	sld [smem:$0x3F92];
	s0 =	simm.s32 @p1 $0x1  }
0x15: {  	[smem:$0x3FAF] =	sst s0;
	s0 =	simm.s32 @!p2 $0x0  }
0x16: {  	s3 =	sld [smem:$0x3FDB];
	s0 =	simm.s32 @p2 $0x1  }
0x17: {  	s4 =	simm.s32 $0x1BF5;
	[smem:$0x3FB1] =	sst s0  }
0x18: {  	s0 =	sld [smem:$0x3F94];
	_ =	swait.ge [sflag:s4], $0x0  }
0x19: {  	s7 =	sld [smem:$0x3F95]  }
0x1a: {  	s8 =	sadd.s32 $0xFFFFE003, lr  }
0x1b: {  	s9 =	sadd.s32 $0xFFFFFEF7, lr;
	s5 =	simm.s32 $0xFFFFFFFF;
	p2 =	slt.u32 s8, $0xFFFFF086  }
0x1c: {  	p1 =	slt.u32 s9, $0xF7A;
	s5 =	simm.s32 @!p2 $0x0  }
0x1d: {  	s5 =	simm.s32 @p1 $0x1;
	p0 =	seq.s32 s7, s2  }
0x1e: {  	s7 =	smul.u32 @!p0 $0xF7A, s2;
	p2 =	seq.s32 @!p0 s5, $0x0  }
0x1f: {  	s9 =	smul.u32 $0xF7A, s1;
	s8 =	simm.s32 @!p0 $0x1BF5;
	p2 =	por !p2, p0  }
0x20: {  	[sflag:s8] =	ssyncset.s32 @!p0 $0xFFFFF086;
	s6 =	sadd.s32 @!p0 s3, s7;
	s7 =	simm.s32 @!p0 $0x108  }
0x21: {  	s3 =	sadd.s32 s3, s9;
	s6 =	sadd.s32 @!p0 $0x88, s6;
	s7 =	simm.s32 @p2 $0x1082  }
0x22: {  	[simem:s7], [sflag:s8] =	dma.local @!p0 [hbm:s6], $0xF7A  }
0x23: {  	s9 =	sor.u32 $0xD0000000, s2;
	s6 =	simm.s32 $0x108;
	_ =	swait.ge @!p0 [sflag:s8], $0x0  }
0x24: {  	s3 =	sadd.s32 $0x88, s3;
	s6 =	simm.s32 @!p1 $0x1082;
	[sflag:s4] =	ssyncset.s32 $0xFFFFF086  }
0x25: {  	[simem:s6], [sflag:s4] =	dma.local [hbm:s3], $0xF7A  }
0x26: {  	[smem:$0x3F95] =	sst s1;
	(tag) =	ssettag s2;
	_ =	strace s9  }
0x27: {  	s1 =	sld [smem:$0x3FA5]  }
0x28: {  	s2 =	sld [smem:$0x3FA6]  }
0x29: {  	s4 =	sld [smem:$0x3FA8]  }
0x2a: {  	p0 =	seq.s32 s5, $0x0;
	s5 =	sld [smem:$0x3FA9]  }
0x2b: {  	s6 =	sld [smem:$0x3FAA]  }
0x2c: {  	s7 =	sld [smem:$0x3FAB]  }
0x2d: {  	s3 =	simm.s32 $0x108;
	s8 =	sld [smem:$0x3FAC]  }
0x2e: {  	s3 =	simm.s32 @!p0 $0x1082;
	s9 =	sld [smem:$0x3FAD]  }
0x2f: {  	lr =	sadd.s32 s0, s3;
	s0 =	sld [smem:$0x3FA4]  }
0x30: {  	s3 =	sld [smem:$0x3FA7]  }
0x31: {  	[smem:$0x3FB0] =	sst s10  }
0x32: {  	s10 =	sld [smem:$0x3FAE];
	_ =	sdelay $0x3  }
0x33: {  	p0 =	seq.s32 s10, $0x1;
	s10 =	sld [smem:$0x3FB0];
	_ =	sdelay $0x3  }
0x34: {  	[smem:$0x3FB0] =	sst s10  }
0x35: {  	s10 =	sld [smem:$0x3FAF];
	_ =	sdelay $0x3  }
0x36: {  	p1 =	seq.s32 s10, $0x1;
	s10 =	sld [smem:$0x3FB0];
	_ =	sdelay $0x3  }
0x37: {  	[smem:$0x3FB0] =	sst s10  }
0x38: {  	s10 =	sld [smem:$0x3FB1]  }
0x39: {  	_ = 	snop;
	(pc) =	sbr.ind lr, $3  }
0x3a: {  	_ = 	snop  }
0x3b: {  	_ = 	snop  }
0x3c: {  	p2 =	seq.s32 s10, $0x1;
	s10 =	sld [smem:$0x3FB0]  }
0x3d: {  	_ =	shalt  }
0x3e: {  	_ =	shalt  }
0x3f: {  	_ =	shalt  }
0x40: {  	_ =	shalt  }
0x41: {  	_ =	shalt  }
0x42: {  	_ =	shalt  }
0x43: {  	_ =	shalt  }
0x44: {  	_ =	shalt  }
0x45: {  	_ =	shalt  }
0x46: {  	_ =	shalt  }
0x47: {  	_ =	shalt  }
0x48: {  	_ =	shalt  }
0x49: {  	_ =	shalt  }
0x4a: {  	_ =	shalt  }
0x4b: {  	_ =	shalt  }
0x4c: {  	_ =	shalt  }
0x4d: {  	_ =	shalt  }
0x4e: {  	_ =	shalt  }
0x4f: {  	_ =	shalt  }
0x50: {  	_ =	shalt  }
0x51: {  	_ =	shalt  }
0x52: {  	_ =	shalt  }
0x53: {  	_ =	shalt  }
0x54: {  	_ =	shalt  }
0x55: {  	_ =	shalt  }
0x56: {  	_ =	shalt  }
0x57: {  	_ =	shalt  }
0x58: {  	_ =	shalt  }
0x59: {  	_ =	shalt  }
0x5a: {  	_ =	shalt  }
0x5b: {  	_ =	shalt  }
0x5c: {  	_ =	shalt  }
0x5d: {  	_ =	shalt  }
0x5e: {  	_ =	shalt  }
0x5f: {  	_ =	shalt  }
0x60: {  	_ =	shalt  }
0x61: {  	_ =	shalt  }
0x62: {  	_ =	shalt  }
0x63: {  	_ =	shalt  }
0x64: {  	_ =	shalt  }
0x65: {  	_ =	shalt  }
0x66: {  	_ =	shalt  }
0x67: {  	_ =	shalt  }
0x68: {  	_ =	shalt  }
0x69: {  	_ =	shalt  }
0x6a: {  	_ =	shalt  }
0x6b: {  	_ =	shalt  }
0x6c: {  	_ =	shalt  }
0x6d: {  	_ =	shalt  }
0x6e: {  	_ =	shalt  }
0x6f: {  	_ =	shalt  }
0x70: {  	_ =	shalt  }
0x71: {  	_ =	shalt  }
0x72: {  	_ =	shalt  }
0x73: {  	_ =	shalt  }
0x74: {  	_ =	shalt  }
0x75: {  	_ =	shalt  }
0x76: {  	_ =	shalt  }
0x77: {  	_ =	shalt  }
0x78: {  	_ =	shalt  }
0x79: {  	_ =	shalt  }
0x7a: {  	_ =	shalt  }
0x7b: {  	_ =	shalt  }
0x7c: {  	_ =	shalt  }
0x7d: {  	_ =	shalt  }
0x7e: {  	_ =	shalt  }
0x7f: {  	_ =	shalt  }
0x80: {  	_ =	shalt  }
0x81: {  	_ =	shalt  }
0x82: {  	_ =	shalt  }
0x83: {  	_ =	shalt  }
0x84: {  	_ =	shalt  }
0x85: {  	_ =	shalt  }
0x86: {  	_ =	shalt  }
0x87: {  	_ =	shalt  }
.Lfunc_end0:
.L_simem_size_0:
called_computation_lowered:
.L_overlay_start_0:
0x88: {  	s2 =	sld [smem:$0x3FD9]  }
0x89: {  	s3 =	sld [smem:$0x3FFE];
	_ =	sdelay $0x1  }
0x8a: {  	s1 =	srdreg.scid  }
0x8b: {  	s0 =	sand.u32 $0x1, s1  }
0x8c: {  	s14 =	sshll.u32 s0, $0xA;
	s2 =	sadd.s32 s3, s2  }
0x8d: {  	s2 =	sadd.s32 s2, s14  }
0x8e: {  	[smem:$0x3FBC] =	sst s2  }
0x8f: {  	_ = 	snop  }
0x90: {  	s2 =	sld [smem:$0x3FD0];
	_ =	sdelay $0x2  }
0x91: {  	s4 =	simm.s32 $0xA;
	s5 =	simm.s32 $0x10;
	s15 =	sld [smem:$0x3FBE]  }
0x92: {  	[smem:s5], [sflag:s4] =	dma.local [hbm:s2], $0x1  }
0x93: {  	_ =	swait.eq [sflag:s4], $0x1  }
0x94: {  	[sflag:s4] =	ssyncset.done $0x0  }
0x95: {  	[sflag:s4] =	ssyncadd.s32 $0xFFFFFFFF  }
0x96: {  	s16 =	sld [smem:$0x11];
	(tm) =	ssettm $0x1  }
0x97: {  	s17 =	sld [smem:$0x3FFB];
	_ =	sdelay $0x3  }
0x98: {  	_ =	strace s17  }
0x99: {  	s4 =	sld [smem:$0x3FFC];
	_ =	sdelay $0x3  }
0x9a: {  	_ =	strace s4  }
0x9b: {  	s4 =	sld [smem:$0x3FFD];
	_ =	sdelay $0x3  }
0x9c: {  	_ =	strace s4  }
0x9d: {  	_ =	strace $0x8FFFFFFF  }
0x9e: {  	s18 =	sld [smem:$0x3FDB];
	_ =	sdelay $0x1  }
0x9f: {  	s19 =	simm.s32 $_scs_section_size  }
0xa0: {  	s6 =	simm.s32 $_size__tile_overlayer_lowered;
	s7 =	simm.s32 $_tile_overlayer_lowered  }
0xa1: {  	s22 =	simm.s32 $0x1BFF;
	s21 =	sshll.u32 s7, $0x1;
	s4 =	sadd.s32 s19, s18  }
0xa2: {  	s8 =	simm.s32 $0x0;
	s20 =	sshll.u32 s6, $0x1;
	s6 =	sadd.s32 s21, s4  }
0xa3: {  	[timem:s8], [sflag:s22] =	dma.local [hbm:s6], s20  }
0xa4: {  	_ =	swait.ge [sflag:s22], s20  }
0xa5: {  	s5 =	ssub.s32 $0x0, s20;
	[sflag:s22] =	ssyncset.done $0x0  }
0xa6: {  	[sflag:s22] =	ssyncadd.s32 s5;
	_ =	sdelay $0x1  }
0xa7: {  	s23 =	simm.s32 $0x1B8B  }
0xa8: {  	_ =	swait.ge [sflag:s23], $0x1  }
0xa9: {  	[sflag:s23] =	ssyncset.done $0x0  }
0xaa: {  	s25 =	simm.s32 $0x1B8E;
	s24 =	sld [smem:$0x3FFE];
	[sflag:s23] =	ssyncadd.s32 $0xFFFFFFFF  }
0xab: {  	s26 =	simm.s32 $execute0_lowered;
	[smem:$0x3FD2] =	sst s25  }
0xac: {  	s6 =	sshll.u32 s26, $0x1;
	_ =	strace $0x80000046;
	[dreg:$0x1] =	wrdreg $0xFFFFFFFF  }
0xad: {  	s28 =	simm.s32 $_size_execute0_lowered;
	s4 =	sadd.s32 s4, s6;
	[dreg:$0x0] =	wrdreg $0x0  }
0xae: {  	s6 =	sshll.u32 s28, $0x1;
	[dreg:$0x2] =	wrdreg s4  }
0xaf: {  	[dreg:$0x3] =	wrdreg s6  }
0xb0: {  	[dreg:$0x4] =	wrdreg $0xC0  }
0xb1: {  	_ =	task [dreg:s8], $0x5FFFF  }
0xb2: {  	[dreg:$0x1] =	wrdreg $0xFFFFFFFF  }
0xb3: {  	[dreg:$0x0] =	wrdreg $0x60  }
0xb4: {  	[dreg:$0x2] =	wrdreg s15  }
0xb5: {  	[dreg:$0x3] =	wrdreg s24  }
0xb6: {  	[dreg:$0x4] =	wrdreg s16  }
0xb7: {  	[dreg:$0x5] =	wrdreg $0x9  }
0xb8: {  	_ =	task.clear_ibuf [dreg:s8], $0x6FFFF;
	_ =	strace $0x90000046  }
0xb9: {  	s29 =	simm.s32 $0x9;
	_ =	strace $0x80000048  }
0xba: {  	_ =	swait.ge [sflag:s29], $0x1  }
0xbb: {  	[sflag:s29] =	ssyncadd.s32 $0xFFFFFFFF  }
0xbc: {  	_ =	strace $0x90000048  }
0xbd: {  	_ =	sfence  }
0xbe: {  	s30 =	sld [smem:$0x0];
	_ =	sdelay $0x2  }
0xbf: {  	s31 =	sshll.u32 s1, $0xD;
	s1 =	sshrl.u32 s1, $0x2  }
0xc0: {  	s3 =	sand.u32 $0x4000, s31;
	s1 =	sadd.s32 s1, s30  }
0xc1: {  	s0 =	sor.u32 s3, s0;
	s1 =	sshll.u32 s1, $0x11  }
0xc2: {  	s0 =	sor.u32 s1, s0  }
0xc3: {  	s0 =	sadd.s32 $0x8F2B, s0  }
0xc4: {  	[sflag:s0] =	ssyncadd.remote.s32 $0x1  }
0xc5: {  	_ =	sfence.sel $0xFFFF  }
0xc6: {  	[dreg:$0x0] =	wrdreg $0xFFFFFFFF;
	(pc) =	sbr.abs _section_cstart, $3  }
0xc7: {  	[dreg:$0x1] =	wrdreg $0xFFFFFFFF  }
0xc8: {  	_ =	task.clear_ibuf [dreg:s8], $0x2FFFF;
	_ =	strace $0x9FFFFFFF  }
0xc9: {  	(tm) =	ssettm $0x7FFFFFFF  }
tec
execute0_lowered:
.L_overlay_start_1:
0x0: {  	(tag) =	ssettag $0x1  }
0x1: {  	s1 =	rddreg [dreg:$0x0]  }
0x2: {  	s0 =	rddreg [dreg:$0x1];
	s2 =	srdreg.scid  }
0x3: {  	s3 =	stileid.u32;
	s4 =	rddreg [dreg:$0x2]  }
0x4: {  	s28 =	simm.s32 $0x2;
	s29 =	simm.s32 $0x8480;
	s30 =	simm.s32 $0x4  }
0x5: {  	s2 =	sand.u32 $0x1, s2;
	s5 =	sshll.u32 s3, $0x1;
	s3 =	simm.s32 $0x0  }
0x6: {  	s31 =	simm.s32 $0x3;
	s5 =	sor.u32 s2, s5;
	[smem:$0x7FF] =	sst s3  }
0x7: {  	s2 =	ssub.s32 $0x2, s2;
	s6 =	smul.u32 $0x84000, s5;
	s5 =	sshll.u32 s5, $0x4  }
0x8: {  	_ =	strace $0x80000047;
	s7 =	sshrl.u32 s2, $0x1;
	s0 =	sadd.s32 s5, s0  }
0x9: {  	s2 =	ssub.s32 s2, s7;
	s6 =	sshrl.u32 s6, $0x3;
	s0 =	sadd.s32 $0x2800, s0  }
0xa: {  	s5 =	simm.s32 $0x6;
	s4 =	sadd.s32 s4, s6;
	[dreg:$0x4] =	wrdreg s0  }
0xb: {  	s0 =	simm.s32 $0x5;
	s6 =	simm.s32 $0x0;
	s21 =	sadd.s32 $0x40, s4  }
0xc: {  	s22 =	sadd.s32 $0x2100, s4;
	s23 =	sadd.s32 $0x2140, s4;
	s24 =	sadd.s32 $0x4200, s4  }
0xd: {  	s25 =	sadd.s32 $0x4240, s4;
	s26 =	sadd.s32 $0x6300, s4;
	[dreg:$0x5] =	wrdreg s21  }
0xe: {  	s12 =	sadd.s32 $0x6340, s4;
	s13 =	sadd.s32 $0x8400, s4;
	[dreg:$0x6] =	wrdreg s22  }
0xf: {  	vm0 =	vmmov $0x1;
	s14 =	sadd.s32 $0x8440, s4;
	s15 =	sadd.s32 $0xA500, s4;
	[dreg:$0x7] =	wrdreg s23  }
0x10: {  	vm1 =	vcmask $0x308;
	vm2 =	vcmask $0x70C;
	vm3 =	vcmask $0xB10;
	s16 =	sadd.s32 $0xA540, s4;
	s17 =	sadd.s32 $0xC600, s4;
	[dreg:$0x8] =	wrdreg s24  }
0x11: {  	vm4 =	vcmask $0xF14;
	vm5 =	vcmask $0x1318;
	vm6 =	vcmask $0x171C;
	s18 =	sadd.s32 $0xC640, s4;
	s19 =	sadd.s32 $0xE700, s4;
	[dreg:$0x9] =	wrdreg s25  }
0x12: {  	vm7 =	vcmask $0x1B20;
	vm8 =	vcmask $0x1F24;
	vm9 =	vcmask $0x2328;
	s20 =	sadd.s32 $0xE740, s4;
	[dreg:$0xa] =	wrdreg s26;
	s21 =	smax.u32 s2, $0x1  }
0x13: {  	vm10 =	vcmask $0x272C;
	vm11 =	vcmask $0x2B30;
	vm12 =	vcmask $0x2F34;
	s22 =	simm.s32 $0x7;
	s23 =	simm.s32 $0x1;
	s24 =	simm.s32 $0x200  }
0x14: {  	vm13 =	vcmask $0x3338;
	vm14 =	vcmask $0x373C;
	vm15 =	vmmov $0x7fff;
	s25 =	simm.s32 $0x400;
	s26 =	simm.s32 $0x80;
	s2 =	simm.s32 $0x10880  }
.LBB2_1:
0x15: {  	s7 =	rddreg [dreg:$0x4]  }
0x16: {  	[tilespmem:s3], [sflag:$0x7] =	stream.linear.gather [hbm4b:s7+s3], $0x80, $0x38;
	[tilespmem:$0x18C80] =	vst v63  }
0x17: {  	_ =	swait.ge [sflag:s22], $0x80  }
0x18: {  	[sflag:s22] =	ssyncset.done $0x0  }
0x19: {  	[sflag:s22] =	ssyncadd.s32 $0xFFFFFF80  }
0x1a: {  	v0 =	vld [tilespmem:$0x0];
	_ =	sdelay $0x4  }
0x1b: {  	v0 =	vnsel vm0, $0x0, v0  }
0x1c: {  	v0 =	vxor.u32 $0x80000000, v0  }
0x1d: {  	(xrf0) =	vmax.scan.msk.u32 $0xffff, v0;
	_ =	sdelay $0x5  }
0x1e: {  	v0, _, _ =	vpop (xrf0)  }
0x1f: {  	(v2sf) =	vpush v0, $0xF;
	_ =	sdelay $0xe  }
0x20: {  	s11 =	spop (v2sf)  }
0x21: {  	s8 =	sshll.u32 s11, $0x8;
	s7 =	sshll.u32 s11, $0x7  }
0x22: {  	s8 =	sand.u32 $0xFFFFF800, s8;
	s7 =	sand.u32 $0x380, s7  }
0x23: {  	s7 =	sor.u32 s7, s8  }
0x24: {  	s7 =	sshrl.u32 s7, $0x3  }
0x25: {  	s7 =	sadd.s32 s1, s7  }
0x26: {  	s11 =	simm.s32 $0x280;
	s9 =	sadd.s32 $0x0, s7  }
0x27: {  	[tilespmem:s26], [sflag:$0x1] =	stream.linear.gather [hbm4b:s9+s3], $0x80, $0x38;
	[tilespmem:$0x18C80] =	vst v63  }
0x28: {  	s8 =	simm.s32 $0x40000;
	s10 =	sadd.s32 $0x80, s9;
	s9 =	simm.s32 $0x480  }
.LBB2_2:
0x29: {  	[tilespmem:s11], [sflag:$0x1] =	stream.linear.gather [hbm4b:s10+s3], $0x80, $0x38;
	[tilespmem:$0x18C80] =	vst v63  }
0x2a: {  	s10 =	smov.u32 s8;
	p0 =	sne.s32 s8, $0x800000  }
.Ltmp0:
0x2b: {  	s8 =	sadd.s32 $0x40000, s8;
	(pc) =	sbr.rel @p0 .LBB2_2-.Ltmp0, $4  }
0x2c: {  	_ = 	snop  }
0x2d: {  	s10 =	sadd.s32 s10, s7  }
0x2e: {  	[tilespmem:s9], [sflag:$0x1] =	stream.linear.gather [hbm4b:s10+s3], $0x80, $0x38;
	[tilespmem:$0x18C80] =	vst v63  }
0x2f: {  	s11 =	sadd.s32 $0x200, s9;
	s10 =	sadd.s32 $0x80, s10;
	s9 =	sadd.s32 $0x400, s9  }
0x30: {  	[tilespmem:s11], [sflag:$0x1] =	stream.linear.gather [hbm4b:s10+s3], $0x80, $0x38;
	[tilespmem:$0x18C80] =	vst v63  }
0x31: {  	v0 =	vld [tilespmem:$0x0];
	_ =	sdelay $0x4  }
0x32: {  	v0 =	vsel vm1, $0x0, v0  }
0x33: {  	v0 =	vxor.u32 $0x80000000, v0  }
0x34: {  	(xrf0) =	vmax.scan.msk.u32 $0xffff, v0;
	_ =	sdelay $0x5  }
0x35: {  	v0, _, _ =	vpop (xrf0)  }
0x36: {  	(v2sf) =	vpush v0, $0xF;
	_ =	sdelay $0xe  }
0x37: {  	s7 =	spop (v2sf)  }
0x38: {  	s8 =	sshll.u32 s7, $0x8;
	s7 =	sshll.u32 s7, $0x7  }
0x39: {  	s8 =	sand.u32 $0xFFFFF800, s8;
	s7 =	sand.u32 $0x380, s7  }
0x3a: {  	s7 =	sor.u32 s7, s8  }
0x3b: {  	s7 =	sshrl.u32 s7, $0x3  }
0x3c: {  	s7 =	sadd.s32 s1, s7  }
0x3d: {  	s11 =	simm.s32 $0x100;
	s9 =	sadd.s32 $0x0, s7  }
0x3e: {  	[tilespmem:s11], [sflag:$0x1] =	stream.linear.gather [hbm4b:s9+s3], $0x80, $0x38;
	[tilespmem:$0x18C80] =	vst v63  }
0x3f: {  	s8 =	simm.s32 $0x300;
	s9 =	sadd.s32 $0x80, s9  }
0x40: {  	[tilespmem:s8], [sflag:$0x1] =	stream.linear.gather [hbm4b:s9+s3], $0x80, $0x38;
	[tilespmem:$0x18C80] =	vst v63  }
0x41: {  	s9 =	simm.s32 $0x40000  }
.LBB2_4:
0x42: {  	p0 =	sne.s32 s9, $0x800000  }
.Ltmp1:
0x43: {  	s10 =	sadd.s32 s9, s7;
	s8 =	sadd.s32 $0x400, s8;
	(pc) =	sbr.rel @p0 .LBB2_4-.Ltmp1, $4  }
0x44: {  	s9 =	sadd.s32 $0x40000, s9;
	s11 =	sadd.s32 $0xFFFFFE00, s8  }
0x45: {  	[tilespmem:s11], [sflag:$0x1] =	stream.linear.gather [hbm4b:s10+s3], $0x80, $0x38;
	[tilespmem:$0x18C80] =	vst v63  }
0x46: {  	s10 =	sadd.s32 $0x80, s10  }
0x47: {  	[tilespmem:s8], [sflag:$0x1] =	stream.linear.gather [hbm4b:s10+s3], $0x80, $0x38;
	[tilespmem:$0x18C80] =	vst v63  }
0x48: {  	v0 =	vld [tilespmem:$0x0];
	_ =	sdelay $0x4  }
0x49: {  	v0 =	vsel vm2, $0x0, v0  }
0x4a: {  	v0 =	vxor.u32 $0x80000000, v0  }
0x4b: {  	(xrf0) =	vmax.scan.msk.u32 $0xffff, v0;
	_ =	sdelay $0x5  }
0x4c: {  	v0, _, _ =	vpop (xrf0)  }
0x4d: {  	(v2sf) =	vpush v0, $0xF;
	_ =	sdelay $0xe  }
0x4e: {  	s7 =	spop (v2sf)  }
0x4f: {  	s8 =	sshll.u32 s7, $0x8;
	s7 =	sshll.u32 s7, $0x7  }
0x50: {  	s8 =	sand.u32 $0xFFFFF800, s8;
	s7 =	sand.u32 $0x380, s7  }
0x51: {  	s7 =	sor.u32 s7, s8  }
0x52: {  	s7 =	sshrl.u32 s7, $0x3  }
0x53: {  	s7 =	sadd.s32 s1, s7  }
0x54: {  	s11 =	simm.s32 $0x180;
	s9 =	sadd.s32 $0x0, s7  }
0x55: {  	[tilespmem:s11], [sflag:$0x1] =	stream.linear.gather [hbm4b:s9+s3], $0x80, $0x38;
	[tilespmem:$0x18C80] =	vst v63  }
0x56: {  	s8 =	simm.s32 $0x380;
	s9 =	sadd.s32 $0x80, s9  }
0x57: {  	[tilespmem:s8], [sflag:$0x1] =	stream.linear.gather [hbm4b:s9+s3], $0x80, $0x38;
	[tilespmem:$0x18C80] =	vst v63  }
0x58: {  	s9 =	simm.s32 $0x40000  }
.LBB2_6:
0x59: {  	p0 =	sne.s32 s9, $0x800000  }
.Ltmp2:
0x5a: {  	s10 =	sadd.s32 s9, s7;
	s8 =	sadd.s32 $0x400, s8;
	(pc) =	sbr.rel @p0 .LBB2_6-.Ltmp2, $4  }
0x5b: {  	s9 =	sadd.s32 $0x40000, s9;
	s11 =	sadd.s32 $0xFFFFFE00, s8  }
0x5c: {  	[tilespmem:s11], [sflag:$0x1] =	stream.linear.gather [hbm4b:s10+s3], $0x80, $0x38;
	[tilespmem:$0x18C80] =	vst v63  }
0x5d: {  	s10 =	sadd.s32 $0x80, s10  }
0x5e: {  	[tilespmem:s8], [sflag:$0x1] =	stream.linear.gather [hbm4b:s10+s3], $0x80, $0x38;
	[tilespmem:$0x18C80] =	vst v63  }
0x5f: {  	v0 =	vld [tilespmem:$0x0];
	_ =	sdelay $0x4  }
0x60: {  	v0 =	vsel vm3, $0x0, v0  }
0x61: {  	v0 =	vxor.u32 $0x80000000, v0  }
0x62: {  	(xrf0) =	vmax.scan.msk.u32 $0xffff, v0;
	_ =	sdelay $0x5  }
0x63: {  	v0, _, _ =	vpop (xrf0)  }
0x64: {  	(v2sf) =	vpush v0, $0xF;
	_ =	sdelay $0xe  }
0x65: {  	s7 =	spop (v2sf)  }
0x66: {  	s8 =	sshll.u32 s7, $0x8;
	s7 =	sshll.u32 s7, $0x7  }
0x67: {  	s8 =	sand.u32 $0xFFFFF800, s8;
	s7 =	sand.u32 $0x380, s7  }
0x68: {  	s7 =	sor.u32 s7, s8  }
0x69: {  	s7 =	sshrl.u32 s7, $0x3  }
0x6a: {  	s7 =	sadd.s32 s1, s7  }
0x6b: {  	s11 =	simm.s32 $0x200;
	s9 =	sadd.s32 $0x0, s7  }
0x6c: {  	[tilespmem:s11], [sflag:$0x1] =	stream.linear.gather [hbm4b:s9+s3], $0x80, $0x38;
	[tilespmem:$0x18C80] =	vst v63  }
0x6d: {  	s8 =	simm.s32 $0x400;
	s9 =	sadd.s32 $0x80, s9  }
0x6e: {  	[tilespmem:s8], [sflag:$0x1] =	stream.linear.gather [hbm4b:s9+s3], $0x80, $0x38;
	[tilespmem:$0x18C80] =	vst v63  }
0x6f: {  	s9 =	simm.s32 $0x40000  }
.LBB2_8:
0x70: {  	p0 =	sne.s32 s9, $0x800000  }
.Ltmp3:
0x71: {  	s10 =	sadd.s32 s9, s7;
	s8 =	sadd.s32 $0x400, s8;
	(pc) =	sbr.rel @p0 .LBB2_8-.Ltmp3, $4  }
0x72: {  	s9 =	sadd.s32 $0x40000, s9;
	s11 =	sadd.s32 $0xFFFFFE00, s8  }
0x73: {  	[tilespmem:s11], [sflag:$0x1] =	stream.linear.gather [hbm4b:s10+s3], $0x80, $0x38;
	[tilespmem:$0x18C80] =	vst v63  }
0x74: {  	s10 =	sadd.s32 $0x80, s10  }
0x75: {  	[tilespmem:s8], [sflag:$0x1] =	stream.linear.gather [hbm4b:s10+s3], $0x80, $0x38;
	[tilespmem:$0x18C80] =	vst v63  }
0x76: {  	v0 =	vld [tilespmem:$0x0];
	_ =	sdelay $0x4  }
0x77: {  	v0 =	vsel vm4, $0x0, v0  }
0x78: {  	v0 =	vxor.u32 $0x80000000, v0  }
0x79: {  	(xrf0) =	vmax.scan.msk.u32 $0xffff, v0;
	_ =	sdelay $0x5  }
0x7a: {  	v0, _, _ =	vpop (xrf0)  }
0x7b: {  	(v2sf) =	vpush v0, $0xF;
	_ =	sdelay $0xe  }
0x7c: {  	s7 =	spop (v2sf)  }
0x7d: {  	s8 =	sshll.u32 s7, $0x8;
	s7 =	sshll.u32 s7, $0x7  }
0x7e: {  	s8 =	sand.u32 $0xFFFFF800, s8;
	s7 =	sand.u32 $0x380, s7  }
0x7f: {  	s7 =	sor.u32 s7, s8  }
0x80: {  	s7 =	sshrl.u32 s7, $0x3  }
0x81: {  	s7 =	sadd.s32 s1, s7  }
0x82: {  	s11 =	simm.s32 $0x8480;
	s8 =	simm.s32 $0x40000;
	s9 =	sadd.s32 $0x0, s7  }
0x83: {  	[tilespmem:s11], [sflag:$0x2] =	stream.linear.gather [hbm4b:s9+s3], $0x80, $0x38;
	[tilespmem:$0x18C80] =	vst v63  }
0x84: {  	s10 =	sadd.s32 $0x80, s9;
	s11 =	simm.s32 $0x8680;
	s9 =	simm.s32 $0x8880  }
.LBB2_10:
0x85: {  	[tilespmem:s11], [sflag:$0x2] =	stream.linear.gather [hbm4b:s10+s3], $0x80, $0x38;
	[tilespmem:$0x18C80] =	vst v63  }
0x86: {  	s10 =	smov.u32 s8;
	p0 =	sne.s32 s8, $0x800000  }
.Ltmp4:
0x87: {  	s8 =	sadd.s32 $0x40000, s8;
	(pc) =	sbr.rel @p0 .LBB2_10-.Ltmp4, $4  }
0x88: {  	_ = 	snop  }
0x89: {  	s10 =	sadd.s32 s10, s7  }
0x8a: {  	[tilespmem:s9], [sflag:$0x2] =	stream.linear.gather [hbm4b:s10+s3], $0x80, $0x38;
	[tilespmem:$0x18C80] =	vst v63  }
0x8b: {  	s11 =	sadd.s32 $0x200, s9;
	s10 =	sadd.s32 $0x80, s10;
	s9 =	sadd.s32 $0x400, s9  }
0x8c: {  	[tilespmem:s11], [sflag:$0x2] =	stream.linear.gather [hbm4b:s10+s3], $0x80, $0x38;
	[tilespmem:$0x18C80] =	vst v63  }
0x8d: {  	v0 =	vld [tilespmem:$0x0];
	_ =	sdelay $0x4  }
0x8e: {  	v0 =	vsel vm5, $0x0, v0  }
0x8f: {  	v0 =	vxor.u32 $0x80000000, v0  }
0x90: {  	(xrf0) =	vmax.scan.msk.u32 $0xffff, v0;
	_ =	sdelay $0x5  }
0x91: {  	v0, _, _ =	vpop (xrf0)  }
0x92: {  	(v2sf) =	vpush v0, $0xF;
	_ =	sdelay $0xe  }
0x93: {  	s7 =	spop (v2sf)  }
0x94: {  	s8 =	sshll.u32 s7, $0x8;
	s7 =	sshll.u32 s7, $0x7  }
0x95: {  	s8 =	sand.u32 $0xFFFFF800, s8;
	s7 =	sand.u32 $0x380, s7  }
0x96: {  	s7 =	sor.u32 s7, s8  }
0x97: {  	s7 =	sshrl.u32 s7, $0x3  }
0x98: {  	s7 =	sadd.s32 s1, s7  }
0x99: {  	s11 =	simm.s32 $0x8500;
	s9 =	sadd.s32 $0x0, s7  }
0x9a: {  	[tilespmem:s11], [sflag:$0x2] =	stream.linear.gather [hbm4b:s9+s3], $0x80, $0x38;
	[tilespmem:$0x18C80] =	vst v63  }
0x9b: {  	s8 =	simm.s32 $0x8700;
	s9 =	sadd.s32 $0x80, s9  }
0x9c: {  	[tilespmem:s8], [sflag:$0x2] =	stream.linear.gather [hbm4b:s9+s3], $0x80, $0x38;
	[tilespmem:$0x18C80] =	vst v63  }
0x9d: {  	s9 =	simm.s32 $0x40000  }
.LBB2_12:
0x9e: {  	p0 =	sne.s32 s9, $0x800000  }
.Ltmp5:
0x9f: {  	s10 =	sadd.s32 s9, s7;
	s8 =	sadd.s32 $0x400, s8;
	(pc) =	sbr.rel @p0 .LBB2_12-.Ltmp5, $4  }
0xa0: {  	s9 =	sadd.s32 $0x40000, s9;
	s11 =	sadd.s32 $0xFFFFFE00, s8  }
0xa1: {  	[tilespmem:s11], [sflag:$0x2] =	stream.linear.gather [hbm4b:s10+s3], $0x80, $0x38;
	[tilespmem:$0x18C80] =	vst v63  }
0xa2: {  	s10 =	sadd.s32 $0x80, s10  }
0xa3: {  	[tilespmem:s8], [sflag:$0x2] =	stream.linear.gather [hbm4b:s10+s3], $0x80, $0x38;
	[tilespmem:$0x18C80] =	vst v63  }
0xa4: {  	v0 =	vld [tilespmem:$0x0];
	_ =	sdelay $0x4  }
0xa5: {  	v0 =	vsel vm6, $0x0, v0  }
0xa6: {  	v0 =	vxor.u32 $0x80000000, v0  }
0xa7: {  	(xrf0) =	vmax.scan.msk.u32 $0xffff, v0;
	_ =	sdelay $0x5  }
0xa8: {  	v0, _, _ =	vpop (xrf0)  }
0xa9: {  	(v2sf) =	vpush v0, $0xF;
	_ =	sdelay $0xe  }
0xaa: {  	s7 =	spop (v2sf)  }
0xab: {  	s8 =	sshll.u32 s7, $0x8;
	s7 =	sshll.u32 s7, $0x7  }
0xac: {  	s8 =	sand.u32 $0xFFFFF800, s8;
	s7 =	sand.u32 $0x380, s7  }
0xad: {  	s7 =	sor.u32 s7, s8  }
0xae: {  	s7 =	sshrl.u32 s7, $0x3  }
0xaf: {  	s7 =	sadd.s32 s1, s7  }
0xb0: {  	s11 =	simm.s32 $0x8580;
	s9 =	sadd.s32 $0x0, s7  }
0xb1: {  	[tilespmem:s11], [sflag:$0x2] =	stream.linear.gather [hbm4b:s9+s3], $0x80, $0x38;
	[tilespmem:$0x18C80] =	vst v63  }
0xb2: {  	s8 =	simm.s32 $0x8780;
	s9 =	sadd.s32 $0x80, s9  }
0xb3: {  	[tilespmem:s8], [sflag:$0x2] =	stream.linear.gather [hbm4b:s9+s3], $0x80, $0x38;
	[tilespmem:$0x18C80] =	vst v63  }
0xb4: {  	s9 =	simm.s32 $0x40000  }
.LBB2_14:
0xb5: {  	p0 =	sne.s32 s9, $0x800000  }
.Ltmp6:
0xb6: {  	s10 =	sadd.s32 s9, s7;
	s8 =	sadd.s32 $0x400, s8;
	(pc) =	sbr.rel @p0 .LBB2_14-.Ltmp6, $4  }
0xb7: {  	s9 =	sadd.s32 $0x40000, s9;
	s11 =	sadd.s32 $0xFFFFFE00, s8  }
0xb8: {  	[tilespmem:s11], [sflag:$0x2] =	stream.linear.gather [hbm4b:s10+s3], $0x80, $0x38;
	[tilespmem:$0x18C80] =	vst v63  }
0xb9: {  	s10 =	sadd.s32 $0x80, s10  }
0xba: {  	[tilespmem:s8], [sflag:$0x2] =	stream.linear.gather [hbm4b:s10+s3], $0x80, $0x38;
	[tilespmem:$0x18C80] =	vst v63  }
0xbb: {  	v0 =	vld [tilespmem:$0x0];
	_ =	sdelay $0x4  }
0xbc: {  	v0 =	vsel vm7, $0x0, v0  }
0xbd: {  	v0 =	vxor.u32 $0x80000000, v0  }
0xbe: {  	(xrf0) =	vmax.scan.msk.u32 $0xffff, v0;
	_ =	sdelay $0x5  }
0xbf: {  	v0, _, _ =	vpop (xrf0)  }
0xc0: {  	(v2sf) =	vpush v0, $0xF;
	_ =	sdelay $0xe  }
0xc1: {  	s7 =	spop (v2sf)  }
0xc2: {  	s8 =	sshll.u32 s7, $0x8;
	s7 =	sshll.u32 s7, $0x7  }
0xc3: {  	s8 =	sand.u32 $0xFFFFF800, s8;
	s7 =	sand.u32 $0x380, s7  }
0xc4: {  	s7 =	sor.u32 s7, s8  }
0xc5: {  	s7 =	sshrl.u32 s7, $0x3  }
0xc6: {  	s7 =	sadd.s32 s1, s7  }
0xc7: {  	s11 =	simm.s32 $0x8600;
	s9 =	sadd.s32 $0x0, s7  }
0xc8: {  	[tilespmem:s11], [sflag:$0x2] =	stream.linear.gather [hbm4b:s9+s3], $0x80, $0x38;
	[tilespmem:$0x18C80] =	vst v63  }
0xc9: {  	s8 =	simm.s32 $0x8800;
	s9 =	sadd.s32 $0x80, s9  }
0xca: {  	[tilespmem:s8], [sflag:$0x2] =	stream.linear.gather [hbm4b:s9+s3], $0x80, $0x38;
	[tilespmem:$0x18C80] =	vst v63  }
0xcb: {  	s9 =	simm.s32 $0x40000  }
.LBB2_16:
0xcc: {  	p0 =	sne.s32 s9, $0x800000  }
.Ltmp7:
0xcd: {  	s10 =	sadd.s32 s9, s7;
	s8 =	sadd.s32 $0x400, s8;
	(pc) =	sbr.rel @p0 .LBB2_16-.Ltmp7, $4  }
0xce: {  	s9 =	sadd.s32 $0x40000, s9;
	s11 =	sadd.s32 $0xFFFFFE00, s8  }
0xcf: {  	[tilespmem:s11], [sflag:$0x2] =	stream.linear.gather [hbm4b:s10+s3], $0x80, $0x38;
	[tilespmem:$0x18C80] =	vst v63  }
0xd0: {  	s10 =	sadd.s32 $0x80, s10  }
0xd1: {  	[tilespmem:s8], [sflag:$0x2] =	stream.linear.gather [hbm4b:s10+s3], $0x80, $0x38;
	[tilespmem:$0x18C80] =	vst v63  }
0xd2: {  	_ =	swait.ge [sflag:s23], $0x8400  }
0xd3: {  	[sflag:s23] =	ssyncset.done $0x0  }
0xd4: {  	[sflag:s23] =	ssyncadd.s32 $0xFFFF7C00  }
0xd5: {  	[hbm4b:s4+s24] =	stream.strided.scatter [tilespmem:s26], [sflag:$0x4], $0x8400, s25, s24, $0x38;
	[tilespmem:$0x18C80] =	vst v63  }
0xd6: {  	v0 =	vld [tilespmem:$0x0];
	_ =	sdelay $0x4  }
0xd7: {  	v0 =	vsel vm8, $0x0, v0  }
0xd8: {  	v0 =	vxor.u32 $0x80000000, v0  }
0xd9: {  	(xrf0) =	vmax.scan.msk.u32 $0xffff, v0;
	_ =	sdelay $0x5  }
0xda: {  	v0, _, _ =	vpop (xrf0)  }
0xdb: {  	(v2sf) =	vpush v0, $0xF;
	_ =	sdelay $0xe  }
0xdc: {  	s7 =	spop (v2sf)  }
0xdd: {  	s8 =	sshll.u32 s7, $0x8;
	s7 =	sshll.u32 s7, $0x7  }
0xde: {  	s8 =	sand.u32 $0xFFFFF800, s8;
	s7 =	sand.u32 $0x380, s7  }
0xdf: {  	s7 =	sor.u32 s7, s8  }
0xe0: {  	s7 =	sshrl.u32 s7, $0x3  }
0xe1: {  	s7 =	sadd.s32 s1, s7  }
0xe2: {  	s11 =	simm.s32 $0x10880;
	s8 =	simm.s32 $0x40000;
	s9 =	sadd.s32 $0x0, s7  }
0xe3: {  	[tilespmem:s11], [sflag:$0x3] =	stream.linear.gather [hbm4b:s9+s3], $0x80, $0x38;
	[tilespmem:$0x18C80] =	vst v63  }
0xe4: {  	s10 =	sadd.s32 $0x80, s9;
	s11 =	simm.s32 $0x10A80;
	s9 =	simm.s32 $0x10C80  }
.LBB2_18:
0xe5: {  	[tilespmem:s11], [sflag:$0x3] =	stream.linear.gather [hbm4b:s10+s3], $0x80, $0x38;
	[tilespmem:$0x18C80] =	vst v63  }
0xe6: {  	s10 =	smov.u32 s8;
	p0 =	sne.s32 s8, $0x800000  }
.Ltmp8:
0xe7: {  	s8 =	sadd.s32 $0x40000, s8;
	(pc) =	sbr.rel @p0 .LBB2_18-.Ltmp8, $4  }
0xe8: {  	_ = 	snop  }
0xe9: {  	s10 =	sadd.s32 s10, s7  }
0xea: {  	[tilespmem:s9], [sflag:$0x3] =	stream.linear.gather [hbm4b:s10+s3], $0x80, $0x38;
	[tilespmem:$0x18C80] =	vst v63  }
0xeb: {  	s11 =	sadd.s32 $0x200, s9;
	s10 =	sadd.s32 $0x80, s10;
	s9 =	sadd.s32 $0x400, s9  }
0xec: {  	[tilespmem:s11], [sflag:$0x3] =	stream.linear.gather [hbm4b:s10+s3], $0x80, $0x38;
	[tilespmem:$0x18C80] =	vst v63  }
0xed: {  	v0 =	vld [tilespmem:$0x0];
	_ =	sdelay $0x4  }
0xee: {  	v0 =	vsel vm9, $0x0, v0  }
0xef: {  	v0 =	vxor.u32 $0x80000000, v0  }
0xf0: {  	(xrf0) =	vmax.scan.msk.u32 $0xffff, v0;
	_ =	sdelay $0x5  }
0xf1: {  	v0, _, _ =	vpop (xrf0)  }
0xf2: {  	(v2sf) =	vpush v0, $0xF;
	_ =	sdelay $0xe  }
0xf3: {  	s7 =	spop (v2sf)  }
0xf4: {  	s8 =	sshll.u32 s7, $0x8;
	s7 =	sshll.u32 s7, $0x7  }
0xf5: {  	s8 =	sand.u32 $0xFFFFF800, s8;
	s7 =	sand.u32 $0x380, s7  }
0xf6: {  	s7 =	sor.u32 s7, s8  }
0xf7: {  	s7 =	sshrl.u32 s7, $0x3  }
0xf8: {  	s7 =	sadd.s32 s1, s7  }
0xf9: {  	s11 =	simm.s32 $0x10900;
	s9 =	sadd.s32 $0x0, s7  }
0xfa: {  	[tilespmem:s11], [sflag:$0x3] =	stream.linear.gather [hbm4b:s9+s3], $0x80, $0x38;
	[tilespmem:$0x18C80] =	vst v63  }
0xfb: {  	s8 =	simm.s32 $0x10B00;
	s9 =	sadd.s32 $0x80, s9  }
0xfc: {  	[tilespmem:s8], [sflag:$0x3] =	stream.linear.gather [hbm4b:s9+s3], $0x80, $0x38;
	[tilespmem:$0x18C80] =	vst v63  }
0xfd: {  	s9 =	simm.s32 $0x40000  }
.LBB2_20:
0xfe: {  	p0 =	sne.s32 s9, $0x800000  }
.Ltmp9:
0xff: {  	s10 =	sadd.s32 s9, s7;
	s8 =	sadd.s32 $0x400, s8;
	(pc) =	sbr.rel @p0 .LBB2_20-.Ltmp9, $4  }
0x100: {  	s9 =	sadd.s32 $0x40000, s9;
	s11 =	sadd.s32 $0xFFFFFE00, s8  }
0x101: {  	[tilespmem:s11], [sflag:$0x3] =	stream.linear.gather [hbm4b:s10+s3], $0x80, $0x38;
	[tilespmem:$0x18C80] =	vst v63  }
0x102: {  	s10 =	sadd.s32 $0x80, s10  }
0x103: {  	[tilespmem:s8], [sflag:$0x3] =	stream.linear.gather [hbm4b:s10+s3], $0x80, $0x38;
	[tilespmem:$0x18C80] =	vst v63  }
0x104: {  	v0 =	vld [tilespmem:$0x0];
	_ =	sdelay $0x4  }
0x105: {  	v0 =	vsel vm10, $0x0, v0  }
0x106: {  	v0 =	vxor.u32 $0x80000000, v0  }
0x107: {  	(xrf0) =	vmax.scan.msk.u32 $0xffff, v0;
	_ =	sdelay $0x5  }
0x108: {  	v0, _, _ =	vpop (xrf0)  }
0x109: {  	(v2sf) =	vpush v0, $0xF;
	_ =	sdelay $0xe  }
0x10a: {  	s7 =	spop (v2sf)  }
0x10b: {  	s8 =	sshll.u32 s7, $0x8;
	s7 =	sshll.u32 s7, $0x7  }
0x10c: {  	s8 =	sand.u32 $0xFFFFF800, s8;
	s7 =	sand.u32 $0x380, s7  }
0x10d: {  	s7 =	sor.u32 s7, s8  }
0x10e: {  	s7 =	sshrl.u32 s7, $0x3  }
0x10f: {  	s7 =	sadd.s32 s1, s7  }
0x110: {  	s11 =	simm.s32 $0x10980;
	s9 =	sadd.s32 $0x0, s7  }
0x111: {  	[tilespmem:s11], [sflag:$0x3] =	stream.linear.gather [hbm4b:s9+s3], $0x80, $0x38;
	[tilespmem:$0x18C80] =	vst v63  }
0x112: {  	s8 =	simm.s32 $0x10B80;
	s9 =	sadd.s32 $0x80, s9  }
0x113: {  	[tilespmem:s8], [sflag:$0x3] =	stream.linear.gather [hbm4b:s9+s3], $0x80, $0x38;
	[tilespmem:$0x18C80] =	vst v63  }
0x114: {  	s9 =	simm.s32 $0x40000  }
.LBB2_22:
0x115: {  	p0 =	sne.s32 s9, $0x800000  }
.Ltmp10:
0x116: {  	s10 =	sadd.s32 s9, s7;
	s8 =	sadd.s32 $0x400, s8;
	(pc) =	sbr.rel @p0 .LBB2_22-.Ltmp10, $4  }
0x117: {  	s9 =	sadd.s32 $0x40000, s9;
	s11 =	sadd.s32 $0xFFFFFE00, s8  }
0x118: {  	[tilespmem:s11], [sflag:$0x3] =	stream.linear.gather [hbm4b:s10+s3], $0x80, $0x38;
	[tilespmem:$0x18C80] =	vst v63  }
0x119: {  	s10 =	sadd.s32 $0x80, s10  }
0x11a: {  	[tilespmem:s8], [sflag:$0x3] =	stream.linear.gather [hbm4b:s10+s3], $0x80, $0x38;
	[tilespmem:$0x18C80] =	vst v63  }
0x11b: {  	v0 =	vld [tilespmem:$0x0];
	_ =	sdelay $0x4  }
0x11c: {  	v0 =	vsel vm11, $0x0, v0  }
0x11d: {  	v0 =	vxor.u32 $0x80000000, v0  }
0x11e: {  	(xrf0) =	vmax.scan.msk.u32 $0xffff, v0;
	_ =	sdelay $0x5  }
0x11f: {  	v0, _, _ =	vpop (xrf0)  }
0x120: {  	(v2sf) =	vpush v0, $0xF;
	_ =	sdelay $0xe  }
0x121: {  	s7 =	spop (v2sf)  }
0x122: {  	s8 =	sshll.u32 s7, $0x8;
	s7 =	sshll.u32 s7, $0x7  }
0x123: {  	s8 =	sand.u32 $0xFFFFF800, s8;
	s7 =	sand.u32 $0x380, s7  }
0x124: {  	s7 =	sor.u32 s7, s8  }
0x125: {  	s7 =	sshrl.u32 s7, $0x3  }
0x126: {  	s7 =	sadd.s32 s1, s7  }
0x127: {  	s11 =	simm.s32 $0x10A00;
	s9 =	sadd.s32 $0x0, s7  }
0x128: {  	[tilespmem:s11], [sflag:$0x3] =	stream.linear.gather [hbm4b:s9+s3], $0x80, $0x38;
	[tilespmem:$0x18C80] =	vst v63  }
0x129: {  	s8 =	simm.s32 $0x10C00;
	s9 =	sadd.s32 $0x80, s9  }
0x12a: {  	[tilespmem:s8], [sflag:$0x3] =	stream.linear.gather [hbm4b:s9+s3], $0x80, $0x38;
	[tilespmem:$0x18C80] =	vst v63  }
0x12b: {  	s9 =	simm.s32 $0x40000  }
.LBB2_24:
0x12c: {  	p0 =	sne.s32 s9, $0x800000  }
.Ltmp11:
0x12d: {  	s10 =	sadd.s32 s9, s7;
	s8 =	sadd.s32 $0x400, s8;
	(pc) =	sbr.rel @p0 .LBB2_24-.Ltmp11, $4  }
0x12e: {  	s9 =	sadd.s32 $0x40000, s9;
	s11 =	sadd.s32 $0xFFFFFE00, s8  }
0x12f: {  	[tilespmem:s11], [sflag:$0x3] =	stream.linear.gather [hbm4b:s10+s3], $0x80, $0x38;
	[tilespmem:$0x18C80] =	vst v63  }
0x130: {  	s10 =	sadd.s32 $0x80, s10  }
0x131: {  	[tilespmem:s8], [sflag:$0x3] =	stream.linear.gather [hbm4b:s10+s3], $0x80, $0x38;
	[tilespmem:$0x18C80] =	vst v63  }
0x132: {  	_ =	swait.ge [sflag:s28], $0x8400  }
0x133: {  	[sflag:s28] =	ssyncset.done $0x0  }
0x134: {  	s7 =	rddreg [dreg:$0x5];
	[sflag:s28] =	ssyncadd.s32 $0xFFFF7C00  }
0x135: {  	[hbm4b:s7+s24] =	stream.strided.scatter [tilespmem:s29], [sflag:$0x5], $0x8400, s25, s24, $0x38;
	[tilespmem:$0x18C80] =	vst v63  }
0x136: {  	_ =	swait.ge [sflag:s30], $0x8400  }
0x137: {  	[sflag:s30] =	ssyncset.done $0x0  }
0x138: {  	[sflag:s30] =	ssyncadd.s32 $0xFFFF7C00  }
0x139: {  	v0 =	vld [tilespmem:$0x0];
	_ =	sdelay $0x4  }
0x13a: {  	v0 =	vsel vm12, $0x0, v0  }
0x13b: {  	v0 =	vxor.u32 $0x80000000, v0  }
0x13c: {  	(xrf0) =	vmax.scan.msk.u32 $0xffff, v0;
	_ =	sdelay $0x5  }
0x13d: {  	v0, _, _ =	vpop (xrf0)  }
0x13e: {  	(v2sf) =	vpush v0, $0xF;
	_ =	sdelay $0xe  }
0x13f: {  	s10 =	spop (v2sf)  }
0x140: {  	s8 =	sshll.u32 s10, $0x8;
	s7 =	sshll.u32 s10, $0x7  }
0x141: {  	s8 =	sand.u32 $0xFFFFF800, s8;
	s7 =	sand.u32 $0x380, s7  }
0x142: {  	s7 =	sor.u32 s7, s8  }
0x143: {  	s7 =	sshrl.u32 s7, $0x3  }
0x144: {  	s7 =	sadd.s32 s1, s7  }
0x145: {  	s11 =	simm.s32 $0x80;
	s8 =	simm.s32 $0x40000;
	s9 =	sadd.s32 $0x0, s7  }
0x146: {  	[tilespmem:s11], [sflag:$0x1] =	stream.linear.gather [hbm4b:s9+s3], $0x80, $0x38;
	[tilespmem:$0x18C80] =	vst v63  }
0x147: {  	s10 =	sadd.s32 $0x80, s9;
	s11 =	simm.s32 $0x280;
	s9 =	simm.s32 $0x480  }
.LBB2_26:
0x148: {  	[tilespmem:s11], [sflag:$0x1] =	stream.linear.gather [hbm4b:s10+s3], $0x80, $0x38;
	[tilespmem:$0x18C80] =	vst v63  }
0x149: {  	s10 =	smov.u32 s8;
	p0 =	sne.s32 s8, $0x800000  }
.Ltmp12:
0x14a: {  	s8 =	sadd.s32 $0x40000, s8;
	(pc) =	sbr.rel @p0 .LBB2_26-.Ltmp12, $4  }
0x14b: {  	_ = 	snop  }
0x14c: {  	s10 =	sadd.s32 s10, s7  }
0x14d: {  	[tilespmem:s9], [sflag:$0x1] =	stream.linear.gather [hbm4b:s10+s3], $0x80, $0x38;
	[tilespmem:$0x18C80] =	vst v63  }
0x14e: {  	s11 =	sadd.s32 $0x200, s9;
	s10 =	sadd.s32 $0x80, s10;
	s9 =	sadd.s32 $0x400, s9  }
0x14f: {  	[tilespmem:s11], [sflag:$0x1] =	stream.linear.gather [hbm4b:s10+s3], $0x80, $0x38;
	[tilespmem:$0x18C80] =	vst v63  }
0x150: {  	v0 =	vld [tilespmem:$0x0];
	_ =	sdelay $0x4  }
0x151: {  	v0 =	vsel vm13, $0x0, v0  }
0x152: {  	v0 =	vxor.u32 $0x80000000, v0  }
0x153: {  	(xrf0) =	vmax.scan.msk.u32 $0xffff, v0;
	_ =	sdelay $0x5  }
0x154: {  	v0, _, _ =	vpop (xrf0)  }
0x155: {  	(v2sf) =	vpush v0, $0xF;
	_ =	sdelay $0xe  }
0x156: {  	s7 =	spop (v2sf)  }
0x157: {  	s8 =	sshll.u32 s7, $0x8;
	s7 =	sshll.u32 s7, $0x7  }
0x158: {  	s8 =	sand.u32 $0xFFFFF800, s8;
	s7 =	sand.u32 $0x380, s7  }
0x159: {  	s7 =	sor.u32 s7, s8  }
0x15a: {  	s7 =	sshrl.u32 s7, $0x3  }
0x15b: {  	s7 =	sadd.s32 s1, s7  }
0x15c: {  	s11 =	simm.s32 $0x100;
	s9 =	sadd.s32 $0x0, s7  }
0x15d: {  	[tilespmem:s11], [sflag:$0x1] =	stream.linear.gather [hbm4b:s9+s3], $0x80, $0x38;
	[tilespmem:$0x18C80] =	vst v63  }
0x15e: {  	s8 =	simm.s32 $0x300;
	s9 =	sadd.s32 $0x80, s9  }
0x15f: {  	[tilespmem:s8], [sflag:$0x1] =	stream.linear.gather [hbm4b:s9+s3], $0x80, $0x38;
	[tilespmem:$0x18C80] =	vst v63  }
0x160: {  	s9 =	simm.s32 $0x40000  }
.LBB2_28:
0x161: {  	p0 =	sne.s32 s9, $0x800000  }
.Ltmp13:
0x162: {  	s10 =	sadd.s32 s9, s7;
	s8 =	sadd.s32 $0x400, s8;
	(pc) =	sbr.rel @p0 .LBB2_28-.Ltmp13, $4  }
0x163: {  	s9 =	sadd.s32 $0x40000, s9;
	s11 =	sadd.s32 $0xFFFFFE00, s8  }
0x164: {  	[tilespmem:s11], [sflag:$0x1] =	stream.linear.gather [hbm4b:s10+s3], $0x80, $0x38;
	[tilespmem:$0x18C80] =	vst v63  }
0x165: {  	s10 =	sadd.s32 $0x80, s10  }
0x166: {  	[tilespmem:s8], [sflag:$0x1] =	stream.linear.gather [hbm4b:s10+s3], $0x80, $0x38;
	[tilespmem:$0x18C80] =	vst v63  }
0x167: {  	v0 =	vld [tilespmem:$0x0];
	_ =	sdelay $0x4  }
0x168: {  	v0 =	vsel vm14, $0x0, v0  }
0x169: {  	v0 =	vxor.u32 $0x80000000, v0  }
0x16a: {  	(xrf0) =	vmax.scan.msk.u32 $0xffff, v0;
	_ =	sdelay $0x5  }
0x16b: {  	v0, _, _ =	vpop (xrf0)  }
0x16c: {  	(v2sf) =	vpush v0, $0xF;
	_ =	sdelay $0xe  }
0x16d: {  	s7 =	spop (v2sf)  }
0x16e: {  	s8 =	sshll.u32 s7, $0x8;
	s7 =	sshll.u32 s7, $0x7  }
0x16f: {  	s8 =	sand.u32 $0xFFFFF800, s8;
	s7 =	sand.u32 $0x380, s7  }
0x170: {  	s7 =	sor.u32 s7, s8  }
0x171: {  	s7 =	sshrl.u32 s7, $0x3  }
0x172: {  	s7 =	sadd.s32 s1, s7  }
0x173: {  	s11 =	simm.s32 $0x180;
	s9 =	sadd.s32 $0x0, s7  }
0x174: {  	[tilespmem:s11], [sflag:$0x1] =	stream.linear.gather [hbm4b:s9+s3], $0x80, $0x38;
	[tilespmem:$0x18C80] =	vst v63  }
0x175: {  	s8 =	simm.s32 $0x380;
	s9 =	sadd.s32 $0x80, s9  }
0x176: {  	[tilespmem:s8], [sflag:$0x1] =	stream.linear.gather [hbm4b:s9+s3], $0x80, $0x38;
	[tilespmem:$0x18C80] =	vst v63  }
0x177: {  	s9 =	simm.s32 $0x40000  }
.LBB2_30:
0x178: {  	p0 =	sne.s32 s9, $0x800000  }
.Ltmp14:
0x179: {  	s10 =	sadd.s32 s9, s7;
	s8 =	sadd.s32 $0x400, s8;
	(pc) =	sbr.rel @p0 .LBB2_30-.Ltmp14, $4  }
0x17a: {  	s9 =	sadd.s32 $0x40000, s9;
	s11 =	sadd.s32 $0xFFFFFE00, s8  }
0x17b: {  	[tilespmem:s11], [sflag:$0x1] =	stream.linear.gather [hbm4b:s10+s3], $0x80, $0x38;
	[tilespmem:$0x18C80] =	vst v63  }
0x17c: {  	s10 =	sadd.s32 $0x80, s10  }
0x17d: {  	[tilespmem:s8], [sflag:$0x1] =	stream.linear.gather [hbm4b:s10+s3], $0x80, $0x38;
	[tilespmem:$0x18C80] =	vst v63  }
0x17e: {  	v0 =	vld [tilespmem:$0x0];
	_ =	sdelay $0x4  }
0x17f: {  	v0 =	vsel vm15, $0x0, v0  }
0x180: {  	v0 =	vxor.u32 $0x80000000, v0  }
0x181: {  	(xrf0) =	vmax.scan.msk.u32 $0xffff, v0;
	_ =	sdelay $0x5  }
0x182: {  	v0, _, _ =	vpop (xrf0)  }
0x183: {  	(v2sf) =	vpush v0, $0xF;
	_ =	sdelay $0xe  }
0x184: {  	s7 =	spop (v2sf)  }
0x185: {  	s8 =	sshll.u32 s7, $0x8;
	s7 =	sshll.u32 s7, $0x7  }
0x186: {  	s8 =	sand.u32 $0xFFFFF800, s8;
	s7 =	sand.u32 $0x380, s7  }
0x187: {  	s7 =	sor.u32 s7, s8  }
0x188: {  	s7 =	sshrl.u32 s7, $0x3  }
0x189: {  	s7 =	sadd.s32 s1, s7  }
0x18a: {  	s11 =	simm.s32 $0x200;
	s9 =	sadd.s32 $0x0, s7  }
0x18b: {  	[tilespmem:s11], [sflag:$0x1] =	stream.linear.gather [hbm4b:s9+s3], $0x80, $0x38;
	[tilespmem:$0x18C80] =	vst v63  }
0x18c: {  	s8 =	simm.s32 $0x400;
	s9 =	sadd.s32 $0x80, s9  }
0x18d: {  	[tilespmem:s8], [sflag:$0x1] =	stream.linear.gather [hbm4b:s9+s3], $0x80, $0x38;
	[tilespmem:$0x18C80] =	vst v63  }
0x18e: {  	s9 =	simm.s32 $0x40000  }
.LBB2_32:
0x18f: {  	p0 =	sne.s32 s9, $0x800000  }
.Ltmp15:
0x190: {  	s10 =	sadd.s32 s9, s7;
	s8 =	sadd.s32 $0x400, s8;
	(pc) =	sbr.rel @p0 .LBB2_32-.Ltmp15, $4  }
0x191: {  	s9 =	sadd.s32 $0x40000, s9;
	s11 =	sadd.s32 $0xFFFFFE00, s8  }
0x192: {  	[tilespmem:s11], [sflag:$0x1] =	stream.linear.gather [hbm4b:s10+s3], $0x80, $0x38;
	[tilespmem:$0x18C80] =	vst v63  }
0x193: {  	s10 =	sadd.s32 $0x80, s10  }
0x194: {  	[tilespmem:s8], [sflag:$0x1] =	stream.linear.gather [hbm4b:s10+s3], $0x80, $0x38;
	[tilespmem:$0x18C80] =	vst v63  }
0x195: {  	_ =	swait.ge [sflag:s31], $0x8400  }
0x196: {  	[sflag:s31] =	ssyncset.done $0x0  }
0x197: {  	s7 =	rddreg [dreg:$0x6];
	[sflag:s31] =	ssyncadd.s32 $0xFFFF7C00  }
0x198: {  	[hbm4b:s7+s24] =	stream.strided.scatter [tilespmem:s2], [sflag:$0x6], $0x8400, s25, s24, $0x38;
	[tilespmem:$0x18C80] =	vst v63  }
0x199: {  	_ =	swait.ge [sflag:s0], $0x8400  }
0x19a: {  	[sflag:s0] =	ssyncset.done $0x0  }
0x19b: {  	[sflag:s0] =	ssyncadd.s32 $0xFFFF7C00  }
0x19c: {  	v0 =	vld [tilespmem:$0x10];
	_ =	sdelay $0x4  }
0x19d: {  	v0 =	vnsel vm0, $0x0, v0  }
0x19e: {  	v0 =	vxor.u32 $0x80000000, v0  }
0x19f: {  	(xrf0) =	vmax.scan.msk.u32 $0xffff, v0;
	_ =	sdelay $0x5  }
0x1a0: {  	v0, _, _ =	vpop (xrf0)  }
0x1a1: {  	(v2sf) =	vpush v0, $0xF;
	_ =	sdelay $0xe  }
0x1a2: {  	s10 =	spop (v2sf)  }
0x1a3: {  	s8 =	sshll.u32 s10, $0x8;
	s7 =	sshll.u32 s10, $0x7  }
0x1a4: {  	s8 =	sand.u32 $0xFFFFF800, s8;
	s7 =	sand.u32 $0x380, s7  }
0x1a5: {  	s7 =	sor.u32 s7, s8  }
0x1a6: {  	s7 =	sshrl.u32 s7, $0x3  }
0x1a7: {  	s7 =	sadd.s32 s1, s7  }
0x1a8: {  	s11 =	simm.s32 $0x8480;
	s8 =	simm.s32 $0x40000;
	s9 =	sadd.s32 $0x0, s7  }
0x1a9: {  	[tilespmem:s11], [sflag:$0x2] =	stream.linear.gather [hbm4b:s9+s3], $0x80, $0x38;
	[tilespmem:$0x18C80] =	vst v63  }
0x1aa: {  	s10 =	sadd.s32 $0x80, s9;
	s11 =	simm.s32 $0x8680;
	s9 =	simm.s32 $0x8880  }
.LBB2_34:
0x1ab: {  	[tilespmem:s11], [sflag:$0x2] =	stream.linear.gather [hbm4b:s10+s3], $0x80, $0x38;
	[tilespmem:$0x18C80] =	vst v63  }
0x1ac: {  	s10 =	smov.u32 s8;
	p0 =	sne.s32 s8, $0x800000  }
.Ltmp16:
0x1ad: {  	s8 =	sadd.s32 $0x40000, s8;
	(pc) =	sbr.rel @p0 .LBB2_34-.Ltmp16, $4  }
0x1ae: {  	_ = 	snop  }
0x1af: {  	s10 =	sadd.s32 s10, s7  }
0x1b0: {  	[tilespmem:s9], [sflag:$0x2] =	stream.linear.gather [hbm4b:s10+s3], $0x80, $0x38;
	[tilespmem:$0x18C80] =	vst v63  }
0x1b1: {  	s11 =	sadd.s32 $0x200, s9;
	s10 =	sadd.s32 $0x80, s10;
	s9 =	sadd.s32 $0x400, s9  }
0x1b2: {  	[tilespmem:s11], [sflag:$0x2] =	stream.linear.gather [hbm4b:s10+s3], $0x80, $0x38;
	[tilespmem:$0x18C80] =	vst v63  }
0x1b3: {  	v0 =	vld [tilespmem:$0x10];
	_ =	sdelay $0x4  }
0x1b4: {  	v0 =	vsel vm1, $0x0, v0  }
0x1b5: {  	v0 =	vxor.u32 $0x80000000, v0  }
0x1b6: {  	(xrf0) =	vmax.scan.msk.u32 $0xffff, v0;
	_ =	sdelay $0x5  }
0x1b7: {  	v0, _, _ =	vpop (xrf0)  }
0x1b8: {  	(v2sf) =	vpush v0, $0xF;
	_ =	sdelay $0xe  }
0x1b9: {  	s7 =	spop (v2sf)  }
0x1ba: {  	s8 =	sshll.u32 s7, $0x8;
	s7 =	sshll.u32 s7, $0x7  }
0x1bb: {  	s8 =	sand.u32 $0xFFFFF800, s8;
	s7 =	sand.u32 $0x380, s7  }
0x1bc: {  	s7 =	sor.u32 s7, s8  }
0x1bd: {  	s7 =	sshrl.u32 s7, $0x3  }
0x1be: {  	s7 =	sadd.s32 s1, s7  }
0x1bf: {  	s11 =	simm.s32 $0x8500;
	s9 =	sadd.s32 $0x0, s7  }
0x1c0: {  	[tilespmem:s11], [sflag:$0x2] =	stream.linear.gather [hbm4b:s9+s3], $0x80, $0x38;
	[tilespmem:$0x18C80] =	vst v63  }
0x1c1: {  	s8 =	simm.s32 $0x8700;
	s9 =	sadd.s32 $0x80, s9  }
0x1c2: {  	[tilespmem:s8], [sflag:$0x2] =	stream.linear.gather [hbm4b:s9+s3], $0x80, $0x38;
	[tilespmem:$0x18C80] =	vst v63  }
0x1c3: {  	s9 =	simm.s32 $0x40000  }
.LBB2_36:
0x1c4: {  	p0 =	sne.s32 s9, $0x800000  }
.Ltmp17:
0x1c5: {  	s10 =	sadd.s32 s9, s7;
	s8 =	sadd.s32 $0x400, s8;
	(pc) =	sbr.rel @p0 .LBB2_36-.Ltmp17, $4  }
0x1c6: {  	s9 =	sadd.s32 $0x40000, s9;
	s11 =	sadd.s32 $0xFFFFFE00, s8  }
0x1c7: {  	[tilespmem:s11], [sflag:$0x2] =	stream.linear.gather [hbm4b:s10+s3], $0x80, $0x38;
	[tilespmem:$0x18C80] =	vst v63  }
0x1c8: {  	s10 =	sadd.s32 $0x80, s10  }
0x1c9: {  	[tilespmem:s8], [sflag:$0x2] =	stream.linear.gather [hbm4b:s10+s3], $0x80, $0x38;
	[tilespmem:$0x18C80] =	vst v63  }
0x1ca: {  	v0 =	vld [tilespmem:$0x10];
	_ =	sdelay $0x4  }
0x1cb: {  	v0 =	vsel vm2, $0x0, v0  }
0x1cc: {  	v0 =	vxor.u32 $0x80000000, v0  }
0x1cd: {  	(xrf0) =	vmax.scan.msk.u32 $0xffff, v0;
	_ =	sdelay $0x5  }
0x1ce: {  	v0, _, _ =	vpop (xrf0)  }
0x1cf: {  	(v2sf) =	vpush v0, $0xF;
	_ =	sdelay $0xe  }
0x1d0: {  	s7 =	spop (v2sf)  }
0x1d1: {  	s8 =	sshll.u32 s7, $0x8;
	s7 =	sshll.u32 s7, $0x7  }
0x1d2: {  	s8 =	sand.u32 $0xFFFFF800, s8;
	s7 =	sand.u32 $0x380, s7  }
0x1d3: {  	s7 =	sor.u32 s7, s8  }
0x1d4: {  	s7 =	sshrl.u32 s7, $0x3  }
0x1d5: {  	s7 =	sadd.s32 s1, s7  }
0x1d6: {  	s11 =	simm.s32 $0x8580;
	s9 =	sadd.s32 $0x0, s7  }
0x1d7: {  	[tilespmem:s11], [sflag:$0x2] =	stream.linear.gather [hbm4b:s9+s3], $0x80, $0x38;
	[tilespmem:$0x18C80] =	vst v63  }
0x1d8: {  	s8 =	simm.s32 $0x8780;
	s9 =	sadd.s32 $0x80, s9  }
0x1d9: {  	[tilespmem:s8], [sflag:$0x2] =	stream.linear.gather [hbm4b:s9+s3], $0x80, $0x38;
	[tilespmem:$0x18C80] =	vst v63  }
0x1da: {  	s9 =	simm.s32 $0x40000  }
.LBB2_38:
0x1db: {  	p0 =	sne.s32 s9, $0x800000  }
.Ltmp18:
0x1dc: {  	s10 =	sadd.s32 s9, s7;
	s8 =	sadd.s32 $0x400, s8;
	(pc) =	sbr.rel @p0 .LBB2_38-.Ltmp18, $4  }
0x1dd: {  	s9 =	sadd.s32 $0x40000, s9;
	s11 =	sadd.s32 $0xFFFFFE00, s8  }
0x1de: {  	[tilespmem:s11], [sflag:$0x2] =	stream.linear.gather [hbm4b:s10+s3], $0x80, $0x38;
	[tilespmem:$0x18C80] =	vst v63  }
0x1df: {  	s10 =	sadd.s32 $0x80, s10  }
0x1e0: {  	[tilespmem:s8], [sflag:$0x2] =	stream.linear.gather [hbm4b:s10+s3], $0x80, $0x38;
	[tilespmem:$0x18C80] =	vst v63  }
0x1e1: {  	v0 =	vld [tilespmem:$0x10];
	_ =	sdelay $0x4  }
0x1e2: {  	v0 =	vsel vm3, $0x0, v0  }
0x1e3: {  	v0 =	vxor.u32 $0x80000000, v0  }
0x1e4: {  	(xrf0) =	vmax.scan.msk.u32 $0xffff, v0;
	_ =	sdelay $0x5  }
0x1e5: {  	v0, _, _ =	vpop (xrf0)  }
0x1e6: {  	(v2sf) =	vpush v0, $0xF;
	_ =	sdelay $0xe  }
0x1e7: {  	s7 =	spop (v2sf)  }
0x1e8: {  	s8 =	sshll.u32 s7, $0x8;
	s7 =	sshll.u32 s7, $0x7  }
0x1e9: {  	s8 =	sand.u32 $0xFFFFF800, s8;
	s7 =	sand.u32 $0x380, s7  }
0x1ea: {  	s7 =	sor.u32 s7, s8  }
0x1eb: {  	s7 =	sshrl.u32 s7, $0x3  }
0x1ec: {  	s7 =	sadd.s32 s1, s7  }
0x1ed: {  	s11 =	simm.s32 $0x8600;
	s9 =	sadd.s32 $0x0, s7  }
0x1ee: {  	[tilespmem:s11], [sflag:$0x2] =	stream.linear.gather [hbm4b:s9+s3], $0x80, $0x38;
	[tilespmem:$0x18C80] =	vst v63  }
0x1ef: {  	s8 =	simm.s32 $0x8800;
	s9 =	sadd.s32 $0x80, s9  }
0x1f0: {  	[tilespmem:s8], [sflag:$0x2] =	stream.linear.gather [hbm4b:s9+s3], $0x80, $0x38;
	[tilespmem:$0x18C80] =	vst v63  }
0x1f1: {  	s9 =	simm.s32 $0x40000  }
.LBB2_40:
0x1f2: {  	p0 =	sne.s32 s9, $0x800000  }
.Ltmp19:
0x1f3: {  	s10 =	sadd.s32 s9, s7;
	s8 =	sadd.s32 $0x400, s8;
	(pc) =	sbr.rel @p0 .LBB2_40-.Ltmp19, $4  }
0x1f4: {  	s9 =	sadd.s32 $0x40000, s9;
	s11 =	sadd.s32 $0xFFFFFE00, s8  }
0x1f5: {  	[tilespmem:s11], [sflag:$0x2] =	stream.linear.gather [hbm4b:s10+s3], $0x80, $0x38;
	[tilespmem:$0x18C80] =	vst v63  }
0x1f6: {  	s10 =	sadd.s32 $0x80, s10  }
0x1f7: {  	[tilespmem:s8], [sflag:$0x2] =	stream.linear.gather [hbm4b:s10+s3], $0x80, $0x38;
	[tilespmem:$0x18C80] =	vst v63  }
0x1f8: {  	_ =	swait.ge [sflag:s23], $0x8400  }
0x1f9: {  	[sflag:s23] =	ssyncset.done $0x0  }
0x1fa: {  	s7 =	rddreg [dreg:$0x7];
	[sflag:s23] =	ssyncadd.s32 $0xFFFF7C00  }
0x1fb: {  	[hbm4b:s7+s24] =	stream.strided.scatter [tilespmem:s26], [sflag:$0x4], $0x8400, s25, s24, $0x38;
	[tilespmem:$0x18C80] =	vst v63  }
0x1fc: {  	_ =	swait.ge [sflag:s5], $0x8400  }
0x1fd: {  	[sflag:s5] =	ssyncset.done $0x0  }
0x1fe: {  	[sflag:s5] =	ssyncadd.s32 $0xFFFF7C00  }
0x1ff: {  	v0 =	vld [tilespmem:$0x10];
	_ =	sdelay $0x4  }
0x200: {  	v0 =	vsel vm4, $0x0, v0  }
0x201: {  	v0 =	vxor.u32 $0x80000000, v0  }
0x202: {  	(xrf0) =	vmax.scan.msk.u32 $0xffff, v0;
	_ =	sdelay $0x5  }
0x203: {  	v0, _, _ =	vpop (xrf0)  }
0x204: {  	(v2sf) =	vpush v0, $0xF;
	_ =	sdelay $0xe  }
0x205: {  	s10 =	spop (v2sf)  }
0x206: {  	s8 =	sshll.u32 s10, $0x8;
	s7 =	sshll.u32 s10, $0x7  }
0x207: {  	s8 =	sand.u32 $0xFFFFF800, s8;
	s7 =	sand.u32 $0x380, s7  }
0x208: {  	s7 =	sor.u32 s7, s8  }
0x209: {  	s7 =	sshrl.u32 s7, $0x3  }
0x20a: {  	s7 =	sadd.s32 s1, s7  }
0x20b: {  	s11 =	simm.s32 $0x10880;
	s8 =	simm.s32 $0x40000;
	s9 =	sadd.s32 $0x0, s7  }
0x20c: {  	[tilespmem:s11], [sflag:$0x3] =	stream.linear.gather [hbm4b:s9+s3], $0x80, $0x38;
	[tilespmem:$0x18C80] =	vst v63  }
0x20d: {  	s10 =	sadd.s32 $0x80, s9;
	s11 =	simm.s32 $0x10A80;
	s9 =	simm.s32 $0x10C80  }
.LBB2_42:
0x20e: {  	[tilespmem:s11], [sflag:$0x3] =	stream.linear.gather [hbm4b:s10+s3], $0x80, $0x38;
	[tilespmem:$0x18C80] =	vst v63  }
0x20f: {  	s10 =	smov.u32 s8;
	p0 =	sne.s32 s8, $0x800000  }
.Ltmp20:
0x210: {  	s8 =	sadd.s32 $0x40000, s8;
	(pc) =	sbr.rel @p0 .LBB2_42-.Ltmp20, $4  }
0x211: {  	_ = 	snop  }
0x212: {  	s10 =	sadd.s32 s10, s7  }
0x213: {  	[tilespmem:s9], [sflag:$0x3] =	stream.linear.gather [hbm4b:s10+s3], $0x80, $0x38;
	[tilespmem:$0x18C80] =	vst v63  }
0x214: {  	s11 =	sadd.s32 $0x200, s9;
	s10 =	sadd.s32 $0x80, s10;
	s9 =	sadd.s32 $0x400, s9  }
0x215: {  	[tilespmem:s11], [sflag:$0x3] =	stream.linear.gather [hbm4b:s10+s3], $0x80, $0x38;
	[tilespmem:$0x18C80] =	vst v63  }
0x216: {  	v0 =	vld [tilespmem:$0x10];
	_ =	sdelay $0x4  }
0x217: {  	v0 =	vsel vm5, $0x0, v0  }
0x218: {  	v0 =	vxor.u32 $0x80000000, v0  }
0x219: {  	(xrf0) =	vmax.scan.msk.u32 $0xffff, v0;
	_ =	sdelay $0x5  }
0x21a: {  	v0, _, _ =	vpop (xrf0)  }
0x21b: {  	(v2sf) =	vpush v0, $0xF;
	_ =	sdelay $0xe  }
0x21c: {  	s7 =	spop (v2sf)  }
0x21d: {  	s8 =	sshll.u32 s7, $0x8;
	s7 =	sshll.u32 s7, $0x7  }
0x21e: {  	s8 =	sand.u32 $0xFFFFF800, s8;
	s7 =	sand.u32 $0x380, s7  }
0x21f: {  	s7 =	sor.u32 s7, s8  }
0x220: {  	s7 =	sshrl.u32 s7, $0x3  }
0x221: {  	s7 =	sadd.s32 s1, s7  }
0x222: {  	s11 =	simm.s32 $0x10900;
	s9 =	sadd.s32 $0x0, s7  }
0x223: {  	[tilespmem:s11], [sflag:$0x3] =	stream.linear.gather [hbm4b:s9+s3], $0x80, $0x38;
	[tilespmem:$0x18C80] =	vst v63  }
0x224: {  	s8 =	simm.s32 $0x10B00;
	s9 =	sadd.s32 $0x80, s9  }
0x225: {  	[tilespmem:s8], [sflag:$0x3] =	stream.linear.gather [hbm4b:s9+s3], $0x80, $0x38;
	[tilespmem:$0x18C80] =	vst v63  }
0x226: {  	s9 =	simm.s32 $0x40000  }
.LBB2_44:
0x227: {  	p0 =	sne.s32 s9, $0x800000  }
.Ltmp21:
0x228: {  	s10 =	sadd.s32 s9, s7;
	s8 =	sadd.s32 $0x400, s8;
	(pc) =	sbr.rel @p0 .LBB2_44-.Ltmp21, $4  }
0x229: {  	s9 =	sadd.s32 $0x40000, s9;
	s11 =	sadd.s32 $0xFFFFFE00, s8  }
0x22a: {  	[tilespmem:s11], [sflag:$0x3] =	stream.linear.gather [hbm4b:s10+s3], $0x80, $0x38;
	[tilespmem:$0x18C80] =	vst v63  }
0x22b: {  	s10 =	sadd.s32 $0x80, s10  }
0x22c: {  	[tilespmem:s8], [sflag:$0x3] =	stream.linear.gather [hbm4b:s10+s3], $0x80, $0x38;
	[tilespmem:$0x18C80] =	vst v63  }
0x22d: {  	v0 =	vld [tilespmem:$0x10];
	_ =	sdelay $0x4  }
0x22e: {  	v0 =	vsel vm6, $0x0, v0  }
0x22f: {  	v0 =	vxor.u32 $0x80000000, v0  }
0x230: {  	(xrf0) =	vmax.scan.msk.u32 $0xffff, v0;
	_ =	sdelay $0x5  }
0x231: {  	v0, _, _ =	vpop (xrf0)  }
0x232: {  	(v2sf) =	vpush v0, $0xF;
	_ =	sdelay $0xe  }
0x233: {  	s7 =	spop (v2sf)  }
0x234: {  	s8 =	sshll.u32 s7, $0x8;
	s7 =	sshll.u32 s7, $0x7  }
0x235: {  	s8 =	sand.u32 $0xFFFFF800, s8;
	s7 =	sand.u32 $0x380, s7  }
0x236: {  	s7 =	sor.u32 s7, s8  }
0x237: {  	s7 =	sshrl.u32 s7, $0x3  }
0x238: {  	s7 =	sadd.s32 s1, s7  }
0x239: {  	s11 =	simm.s32 $0x10980;
	s9 =	sadd.s32 $0x0, s7  }
0x23a: {  	[tilespmem:s11], [sflag:$0x3] =	stream.linear.gather [hbm4b:s9+s3], $0x80, $0x38;
	[tilespmem:$0x18C80] =	vst v63  }
0x23b: {  	s8 =	simm.s32 $0x10B80;
	s9 =	sadd.s32 $0x80, s9  }
0x23c: {  	[tilespmem:s8], [sflag:$0x3] =	stream.linear.gather [hbm4b:s9+s3], $0x80, $0x38;
	[tilespmem:$0x18C80] =	vst v63  }
0x23d: {  	s9 =	simm.s32 $0x40000  }
.LBB2_46:
0x23e: {  	p0 =	sne.s32 s9, $0x800000  }
.Ltmp22:
0x23f: {  	s10 =	sadd.s32 s9, s7;
	s8 =	sadd.s32 $0x400, s8;
	(pc) =	sbr.rel @p0 .LBB2_46-.Ltmp22, $4  }
0x240: {  	s9 =	sadd.s32 $0x40000, s9;
	s11 =	sadd.s32 $0xFFFFFE00, s8  }
0x241: {  	[tilespmem:s11], [sflag:$0x3] =	stream.linear.gather [hbm4b:s10+s3], $0x80, $0x38;
	[tilespmem:$0x18C80] =	vst v63  }
0x242: {  	s10 =	sadd.s32 $0x80, s10  }
0x243: {  	[tilespmem:s8], [sflag:$0x3] =	stream.linear.gather [hbm4b:s10+s3], $0x80, $0x38;
	[tilespmem:$0x18C80] =	vst v63  }
0x244: {  	v0 =	vld [tilespmem:$0x10];
	_ =	sdelay $0x4  }
0x245: {  	v0 =	vsel vm7, $0x0, v0  }
0x246: {  	v0 =	vxor.u32 $0x80000000, v0  }
0x247: {  	(xrf0) =	vmax.scan.msk.u32 $0xffff, v0;
	_ =	sdelay $0x5  }
0x248: {  	v0, _, _ =	vpop (xrf0)  }
0x249: {  	(v2sf) =	vpush v0, $0xF;
	_ =	sdelay $0xe  }
0x24a: {  	s7 =	spop (v2sf)  }
0x24b: {  	s8 =	sshll.u32 s7, $0x8;
	s7 =	sshll.u32 s7, $0x7  }
0x24c: {  	s8 =	sand.u32 $0xFFFFF800, s8;
	s7 =	sand.u32 $0x380, s7  }
0x24d: {  	s7 =	sor.u32 s7, s8  }
0x24e: {  	s7 =	sshrl.u32 s7, $0x3  }
0x24f: {  	s7 =	sadd.s32 s1, s7  }
0x250: {  	s11 =	simm.s32 $0x10A00;
	s9 =	sadd.s32 $0x0, s7  }
0x251: {  	[tilespmem:s11], [sflag:$0x3] =	stream.linear.gather [hbm4b:s9+s3], $0x80, $0x38;
	[tilespmem:$0x18C80] =	vst v63  }
0x252: {  	s8 =	simm.s32 $0x10C00;
	s9 =	sadd.s32 $0x80, s9  }
0x253: {  	[tilespmem:s8], [sflag:$0x3] =	stream.linear.gather [hbm4b:s9+s3], $0x80, $0x38;
	[tilespmem:$0x18C80] =	vst v63  }
0x254: {  	s9 =	simm.s32 $0x40000  }
.LBB2_48:
0x255: {  	p0 =	sne.s32 s9, $0x800000  }
.Ltmp23:
0x256: {  	s10 =	sadd.s32 s9, s7;
	s8 =	sadd.s32 $0x400, s8;
	(pc) =	sbr.rel @p0 .LBB2_48-.Ltmp23, $4  }
0x257: {  	s9 =	sadd.s32 $0x40000, s9;
	s11 =	sadd.s32 $0xFFFFFE00, s8  }
0x258: {  	[tilespmem:s11], [sflag:$0x3] =	stream.linear.gather [hbm4b:s10+s3], $0x80, $0x38;
	[tilespmem:$0x18C80] =	vst v63  }
0x259: {  	s10 =	sadd.s32 $0x80, s10  }
0x25a: {  	[tilespmem:s8], [sflag:$0x3] =	stream.linear.gather [hbm4b:s10+s3], $0x80, $0x38;
	[tilespmem:$0x18C80] =	vst v63  }
0x25b: {  	_ =	swait.ge [sflag:s28], $0x8400  }
0x25c: {  	[sflag:s28] =	ssyncset.done $0x0  }
0x25d: {  	s7 =	rddreg [dreg:$0x8];
	[sflag:s28] =	ssyncadd.s32 $0xFFFF7C00  }
0x25e: {  	[hbm4b:s7+s24] =	stream.strided.scatter [tilespmem:s29], [sflag:$0x5], $0x8400, s25, s24, $0x38;
	[tilespmem:$0x18C80] =	vst v63  }
0x25f: {  	_ =	swait.ge [sflag:s30], $0x8400  }
0x260: {  	[sflag:s30] =	ssyncset.done $0x0  }
0x261: {  	[sflag:s30] =	ssyncadd.s32 $0xFFFF7C00  }
0x262: {  	v0 =	vld [tilespmem:$0x10];
	_ =	sdelay $0x4  }
0x263: {  	v0 =	vsel vm8, $0x0, v0  }
0x264: {  	v0 =	vxor.u32 $0x80000000, v0  }
0x265: {  	(xrf0) =	vmax.scan.msk.u32 $0xffff, v0;
	_ =	sdelay $0x5  }
0x266: {  	v0, _, _ =	vpop (xrf0)  }
0x267: {  	(v2sf) =	vpush v0, $0xF;
	_ =	sdelay $0xe  }
0x268: {  	s10 =	spop (v2sf)  }
0x269: {  	s8 =	sshll.u32 s10, $0x8;
	s7 =	sshll.u32 s10, $0x7  }
0x26a: {  	s8 =	sand.u32 $0xFFFFF800, s8;
	s7 =	sand.u32 $0x380, s7  }
0x26b: {  	s7 =	sor.u32 s7, s8  }
0x26c: {  	s7 =	sshrl.u32 s7, $0x3  }
0x26d: {  	s7 =	sadd.s32 s1, s7  }
0x26e: {  	s11 =	simm.s32 $0x80;
	s8 =	simm.s32 $0x40000;
	s9 =	sadd.s32 $0x0, s7  }
0x26f: {  	[tilespmem:s11], [sflag:$0x1] =	stream.linear.gather [hbm4b:s9+s3], $0x80, $0x38;
	[tilespmem:$0x18C80] =	vst v63  }
0x270: {  	s10 =	sadd.s32 $0x80, s9;
	s11 =	simm.s32 $0x280;
	s9 =	simm.s32 $0x480  }
.LBB2_50:
0x271: {  	[tilespmem:s11], [sflag:$0x1] =	stream.linear.gather [hbm4b:s10+s3], $0x80, $0x38;
	[tilespmem:$0x18C80] =	vst v63  }
0x272: {  	s10 =	smov.u32 s8;
	p0 =	sne.s32 s8, $0x800000  }
.Ltmp24:
0x273: {  	s8 =	sadd.s32 $0x40000, s8;
	(pc) =	sbr.rel @p0 .LBB2_50-.Ltmp24, $4  }
0x274: {  	_ = 	snop  }
0x275: {  	s10 =	sadd.s32 s10, s7  }
0x276: {  	[tilespmem:s9], [sflag:$0x1] =	stream.linear.gather [hbm4b:s10+s3], $0x80, $0x38;
	[tilespmem:$0x18C80] =	vst v63  }
0x277: {  	s11 =	sadd.s32 $0x200, s9;
	s10 =	sadd.s32 $0x80, s10;
	s9 =	sadd.s32 $0x400, s9  }
0x278: {  	[tilespmem:s11], [sflag:$0x1] =	stream.linear.gather [hbm4b:s10+s3], $0x80, $0x38;
	[tilespmem:$0x18C80] =	vst v63  }
0x279: {  	v0 =	vld [tilespmem:$0x10];
	_ =	sdelay $0x4  }
0x27a: {  	v0 =	vsel vm9, $0x0, v0  }
0x27b: {  	v0 =	vxor.u32 $0x80000000, v0  }
0x27c: {  	(xrf0) =	vmax.scan.msk.u32 $0xffff, v0;
	_ =	sdelay $0x5  }
0x27d: {  	v0, _, _ =	vpop (xrf0)  }
0x27e: {  	(v2sf) =	vpush v0, $0xF;
	_ =	sdelay $0xe  }
0x27f: {  	s7 =	spop (v2sf)  }
0x280: {  	s8 =	sshll.u32 s7, $0x8;
	s7 =	sshll.u32 s7, $0x7  }
0x281: {  	s8 =	sand.u32 $0xFFFFF800, s8;
	s7 =	sand.u32 $0x380, s7  }
0x282: {  	s7 =	sor.u32 s7, s8  }
0x283: {  	s7 =	sshrl.u32 s7, $0x3  }
0x284: {  	s7 =	sadd.s32 s1, s7  }
0x285: {  	s11 =	simm.s32 $0x100;
	s9 =	sadd.s32 $0x0, s7  }
0x286: {  	[tilespmem:s11], [sflag:$0x1] =	stream.linear.gather [hbm4b:s9+s3], $0x80, $0x38;
	[tilespmem:$0x18C80] =	vst v63  }
0x287: {  	s8 =	simm.s32 $0x300;
	s9 =	sadd.s32 $0x80, s9  }
0x288: {  	[tilespmem:s8], [sflag:$0x1] =	stream.linear.gather [hbm4b:s9+s3], $0x80, $0x38;
	[tilespmem:$0x18C80] =	vst v63  }
0x289: {  	s9 =	simm.s32 $0x40000  }
.LBB2_52:
0x28a: {  	p0 =	sne.s32 s9, $0x800000  }
.Ltmp25:
0x28b: {  	s10 =	sadd.s32 s9, s7;
	s8 =	sadd.s32 $0x400, s8;
	(pc) =	sbr.rel @p0 .LBB2_52-.Ltmp25, $4  }
0x28c: {  	s9 =	sadd.s32 $0x40000, s9;
	s11 =	sadd.s32 $0xFFFFFE00, s8  }
0x28d: {  	[tilespmem:s11], [sflag:$0x1] =	stream.linear.gather [hbm4b:s10+s3], $0x80, $0x38;
	[tilespmem:$0x18C80] =	vst v63  }
0x28e: {  	s10 =	sadd.s32 $0x80, s10  }
0x28f: {  	[tilespmem:s8], [sflag:$0x1] =	stream.linear.gather [hbm4b:s10+s3], $0x80, $0x38;
	[tilespmem:$0x18C80] =	vst v63  }
0x290: {  	v0 =	vld [tilespmem:$0x10];
	_ =	sdelay $0x4  }
0x291: {  	v0 =	vsel vm10, $0x0, v0  }
0x292: {  	v0 =	vxor.u32 $0x80000000, v0  }
0x293: {  	(xrf0) =	vmax.scan.msk.u32 $0xffff, v0;
	_ =	sdelay $0x5  }
0x294: {  	v0, _, _ =	vpop (xrf0)  }
0x295: {  	(v2sf) =	vpush v0, $0xF;
	_ =	sdelay $0xe  }
0x296: {  	s7 =	spop (v2sf)  }
0x297: {  	s8 =	sshll.u32 s7, $0x8;
	s7 =	sshll.u32 s7, $0x7  }
0x298: {  	s8 =	sand.u32 $0xFFFFF800, s8;
	s7 =	sand.u32 $0x380, s7  }
0x299: {  	s7 =	sor.u32 s7, s8  }
0x29a: {  	s7 =	sshrl.u32 s7, $0x3  }
0x29b: {  	s7 =	sadd.s32 s1, s7  }
0x29c: {  	s11 =	simm.s32 $0x180;
	s9 =	sadd.s32 $0x0, s7  }
0x29d: {  	[tilespmem:s11], [sflag:$0x1] =	stream.linear.gather [hbm4b:s9+s3], $0x80, $0x38;
	[tilespmem:$0x18C80] =	vst v63  }
0x29e: {  	s8 =	simm.s32 $0x380;
	s9 =	sadd.s32 $0x80, s9  }
0x29f: {  	[tilespmem:s8], [sflag:$0x1] =	stream.linear.gather [hbm4b:s9+s3], $0x80, $0x38;
	[tilespmem:$0x18C80] =	vst v63  }
0x2a0: {  	s9 =	simm.s32 $0x40000  }
.LBB2_54:
0x2a1: {  	p0 =	sne.s32 s9, $0x800000  }
.Ltmp26:
0x2a2: {  	s10 =	sadd.s32 s9, s7;
	s8 =	sadd.s32 $0x400, s8;
	(pc) =	sbr.rel @p0 .LBB2_54-.Ltmp26, $4  }
0x2a3: {  	s9 =	sadd.s32 $0x40000, s9;
	s11 =	sadd.s32 $0xFFFFFE00, s8  }
0x2a4: {  	[tilespmem:s11], [sflag:$0x1] =	stream.linear.gather [hbm4b:s10+s3], $0x80, $0x38;
	[tilespmem:$0x18C80] =	vst v63  }
0x2a5: {  	s10 =	sadd.s32 $0x80, s10  }
0x2a6: {  	[tilespmem:s8], [sflag:$0x1] =	stream.linear.gather [hbm4b:s10+s3], $0x80, $0x38;
	[tilespmem:$0x18C80] =	vst v63  }
0x2a7: {  	v0 =	vld [tilespmem:$0x10];
	_ =	sdelay $0x4  }
0x2a8: {  	v0 =	vsel vm11, $0x0, v0  }
0x2a9: {  	v0 =	vxor.u32 $0x80000000, v0  }
0x2aa: {  	(xrf0) =	vmax.scan.msk.u32 $0xffff, v0;
	_ =	sdelay $0x5  }
0x2ab: {  	v0, _, _ =	vpop (xrf0)  }
0x2ac: {  	(v2sf) =	vpush v0, $0xF;
	_ =	sdelay $0xe  }
0x2ad: {  	s7 =	spop (v2sf)  }
0x2ae: {  	s8 =	sshll.u32 s7, $0x8;
	s7 =	sshll.u32 s7, $0x7  }
0x2af: {  	s8 =	sand.u32 $0xFFFFF800, s8;
	s7 =	sand.u32 $0x380, s7  }
0x2b0: {  	s7 =	sor.u32 s7, s8  }
0x2b1: {  	s7 =	sshrl.u32 s7, $0x3  }
0x2b2: {  	s7 =	sadd.s32 s1, s7  }
0x2b3: {  	s11 =	simm.s32 $0x200;
	s9 =	sadd.s32 $0x0, s7  }
0x2b4: {  	[tilespmem:s11], [sflag:$0x1] =	stream.linear.gather [hbm4b:s9+s3], $0x80, $0x38;
	[tilespmem:$0x18C80] =	vst v63  }
0x2b5: {  	s8 =	simm.s32 $0x400;
	s9 =	sadd.s32 $0x80, s9  }
0x2b6: {  	[tilespmem:s8], [sflag:$0x1] =	stream.linear.gather [hbm4b:s9+s3], $0x80, $0x38;
	[tilespmem:$0x18C80] =	vst v63  }
0x2b7: {  	s9 =	simm.s32 $0x40000  }
.LBB2_56:
0x2b8: {  	p0 =	sne.s32 s9, $0x800000  }
.Ltmp27:
0x2b9: {  	s10 =	sadd.s32 s9, s7;
	s8 =	sadd.s32 $0x400, s8;
	(pc) =	sbr.rel @p0 .LBB2_56-.Ltmp27, $4  }
0x2ba: {  	s9 =	sadd.s32 $0x40000, s9;
	s11 =	sadd.s32 $0xFFFFFE00, s8  }
0x2bb: {  	[tilespmem:s11], [sflag:$0x1] =	stream.linear.gather [hbm4b:s10+s3], $0x80, $0x38;
	[tilespmem:$0x18C80] =	vst v63  }
0x2bc: {  	s10 =	sadd.s32 $0x80, s10  }
0x2bd: {  	[tilespmem:s8], [sflag:$0x1] =	stream.linear.gather [hbm4b:s10+s3], $0x80, $0x38;
	[tilespmem:$0x18C80] =	vst v63  }
0x2be: {  	_ =	swait.ge [sflag:s31], $0x8400  }
0x2bf: {  	[sflag:s31] =	ssyncset.done $0x0  }
0x2c0: {  	s7 =	rddreg [dreg:$0x9];
	[sflag:s31] =	ssyncadd.s32 $0xFFFF7C00  }
0x2c1: {  	[hbm4b:s7+s24] =	stream.strided.scatter [tilespmem:s2], [sflag:$0x6], $0x8400, s25, s24, $0x38;
	[tilespmem:$0x18C80] =	vst v63  }
0x2c2: {  	_ =	swait.ge [sflag:s0], $0x8400  }
0x2c3: {  	[sflag:s0] =	ssyncset.done $0x0  }
0x2c4: {  	[sflag:s0] =	ssyncadd.s32 $0xFFFF7C00  }
0x2c5: {  	v0 =	vld [tilespmem:$0x10];
	_ =	sdelay $0x4  }
0x2c6: {  	v0 =	vsel vm12, $0x0, v0  }
0x2c7: {  	v0 =	vxor.u32 $0x80000000, v0  }
0x2c8: {  	(xrf0) =	vmax.scan.msk.u32 $0xffff, v0;
	_ =	sdelay $0x5  }
0x2c9: {  	v0, _, _ =	vpop (xrf0)  }
0x2ca: {  	(v2sf) =	vpush v0, $0xF;
	_ =	sdelay $0xe  }
0x2cb: {  	s10 =	spop (v2sf)  }
0x2cc: {  	s8 =	sshll.u32 s10, $0x8;
	s7 =	sshll.u32 s10, $0x7  }
0x2cd: {  	s8 =	sand.u32 $0xFFFFF800, s8;
	s7 =	sand.u32 $0x380, s7  }
0x2ce: {  	s7 =	sor.u32 s7, s8  }
0x2cf: {  	s7 =	sshrl.u32 s7, $0x3  }
0x2d0: {  	s7 =	sadd.s32 s1, s7  }
0x2d1: {  	s11 =	simm.s32 $0x8480;
	s8 =	simm.s32 $0x40000;
	s9 =	sadd.s32 $0x0, s7  }
0x2d2: {  	[tilespmem:s11], [sflag:$0x2] =	stream.linear.gather [hbm4b:s9+s3], $0x80, $0x38;
	[tilespmem:$0x18C80] =	vst v63  }
0x2d3: {  	s10 =	sadd.s32 $0x80, s9;
	s11 =	simm.s32 $0x8680;
	s9 =	simm.s32 $0x8880  }
.LBB2_58:
0x2d4: {  	[tilespmem:s11], [sflag:$0x2] =	stream.linear.gather [hbm4b:s10+s3], $0x80, $0x38;
	[tilespmem:$0x18C80] =	vst v63  }
0x2d5: {  	s10 =	smov.u32 s8;
	p0 =	sne.s32 s8, $0x800000  }
.Ltmp28:
0x2d6: {  	s8 =	sadd.s32 $0x40000, s8;
	(pc) =	sbr.rel @p0 .LBB2_58-.Ltmp28, $4  }
0x2d7: {  	_ = 	snop  }
0x2d8: {  	s10 =	sadd.s32 s10, s7  }
0x2d9: {  	[tilespmem:s9], [sflag:$0x2] =	stream.linear.gather [hbm4b:s10+s3], $0x80, $0x38;
	[tilespmem:$0x18C80] =	vst v63  }
0x2da: {  	s11 =	sadd.s32 $0x200, s9;
	s10 =	sadd.s32 $0x80, s10;
	s9 =	sadd.s32 $0x400, s9  }
0x2db: {  	[tilespmem:s11], [sflag:$0x2] =	stream.linear.gather [hbm4b:s10+s3], $0x80, $0x38;
	[tilespmem:$0x18C80] =	vst v63  }
0x2dc: {  	v0 =	vld [tilespmem:$0x10];
	_ =	sdelay $0x4  }
0x2dd: {  	v0 =	vsel vm13, $0x0, v0  }
0x2de: {  	v0 =	vxor.u32 $0x80000000, v0  }
0x2df: {  	(xrf0) =	vmax.scan.msk.u32 $0xffff, v0;
	_ =	sdelay $0x5  }
0x2e0: {  	v0, _, _ =	vpop (xrf0)  }
0x2e1: {  	(v2sf) =	vpush v0, $0xF;
	_ =	sdelay $0xe  }
0x2e2: {  	s7 =	spop (v2sf)  }
0x2e3: {  	s8 =	sshll.u32 s7, $0x8;
	s7 =	sshll.u32 s7, $0x7  }
0x2e4: {  	s8 =	sand.u32 $0xFFFFF800, s8;
	s7 =	sand.u32 $0x380, s7  }
0x2e5: {  	s7 =	sor.u32 s7, s8  }
0x2e6: {  	s7 =	sshrl.u32 s7, $0x3  }
0x2e7: {  	s7 =	sadd.s32 s1, s7  }
0x2e8: {  	s11 =	simm.s32 $0x8500;
	s9 =	sadd.s32 $0x0, s7  }
0x2e9: {  	[tilespmem:s11], [sflag:$0x2] =	stream.linear.gather [hbm4b:s9+s3], $0x80, $0x38;
	[tilespmem:$0x18C80] =	vst v63  }
0x2ea: {  	s8 =	simm.s32 $0x8700;
	s9 =	sadd.s32 $0x80, s9  }
0x2eb: {  	[tilespmem:s8], [sflag:$0x2] =	stream.linear.gather [hbm4b:s9+s3], $0x80, $0x38;
	[tilespmem:$0x18C80] =	vst v63  }
0x2ec: {  	s9 =	simm.s32 $0x40000  }
.LBB2_60:
0x2ed: {  	p0 =	sne.s32 s9, $0x800000  }
.Ltmp29:
0x2ee: {  	s10 =	sadd.s32 s9, s7;
	s8 =	sadd.s32 $0x400, s8;
	(pc) =	sbr.rel @p0 .LBB2_60-.Ltmp29, $4  }
0x2ef: {  	s9 =	sadd.s32 $0x40000, s9;
	s11 =	sadd.s32 $0xFFFFFE00, s8  }
0x2f0: {  	[tilespmem:s11], [sflag:$0x2] =	stream.linear.gather [hbm4b:s10+s3], $0x80, $0x38;
	[tilespmem:$0x18C80] =	vst v63  }
0x2f1: {  	s10 =	sadd.s32 $0x80, s10  }
0x2f2: {  	[tilespmem:s8], [sflag:$0x2] =	stream.linear.gather [hbm4b:s10+s3], $0x80, $0x38;
	[tilespmem:$0x18C80] =	vst v63  }
0x2f3: {  	v0 =	vld [tilespmem:$0x10];
	_ =	sdelay $0x4  }
0x2f4: {  	v0 =	vsel vm14, $0x0, v0  }
0x2f5: {  	v0 =	vxor.u32 $0x80000000, v0  }
0x2f6: {  	(xrf0) =	vmax.scan.msk.u32 $0xffff, v0;
	_ =	sdelay $0x5  }
0x2f7: {  	v0, _, _ =	vpop (xrf0)  }
0x2f8: {  	(v2sf) =	vpush v0, $0xF;
	_ =	sdelay $0xe  }
0x2f9: {  	s7 =	spop (v2sf)  }
0x2fa: {  	s8 =	sshll.u32 s7, $0x8;
	s7 =	sshll.u32 s7, $0x7  }
0x2fb: {  	s8 =	sand.u32 $0xFFFFF800, s8;
	s7 =	sand.u32 $0x380, s7  }
0x2fc: {  	s7 =	sor.u32 s7, s8  }
0x2fd: {  	s7 =	sshrl.u32 s7, $0x3  }
0x2fe: {  	s7 =	sadd.s32 s1, s7  }
0x2ff: {  	s11 =	simm.s32 $0x8580;
	s9 =	sadd.s32 $0x0, s7  }
0x300: {  	[tilespmem:s11], [sflag:$0x2] =	stream.linear.gather [hbm4b:s9+s3], $0x80, $0x38;
	[tilespmem:$0x18C80] =	vst v63  }
0x301: {  	s8 =	simm.s32 $0x8780;
	s9 =	sadd.s32 $0x80, s9  }
0x302: {  	[tilespmem:s8], [sflag:$0x2] =	stream.linear.gather [hbm4b:s9+s3], $0x80, $0x38;
	[tilespmem:$0x18C80] =	vst v63  }
0x303: {  	s9 =	simm.s32 $0x40000  }
.LBB2_62:
0x304: {  	p0 =	sne.s32 s9, $0x800000  }
.Ltmp30:
0x305: {  	s10 =	sadd.s32 s9, s7;
	s8 =	sadd.s32 $0x400, s8;
	(pc) =	sbr.rel @p0 .LBB2_62-.Ltmp30, $4  }
0x306: {  	s9 =	sadd.s32 $0x40000, s9;
	s11 =	sadd.s32 $0xFFFFFE00, s8  }
0x307: {  	[tilespmem:s11], [sflag:$0x2] =	stream.linear.gather [hbm4b:s10+s3], $0x80, $0x38;
	[tilespmem:$0x18C80] =	vst v63  }
0x308: {  	s10 =	sadd.s32 $0x80, s10  }
0x309: {  	[tilespmem:s8], [sflag:$0x2] =	stream.linear.gather [hbm4b:s10+s3], $0x80, $0x38;
	[tilespmem:$0x18C80] =	vst v63  }
0x30a: {  	v0 =	vld [tilespmem:$0x10];
	_ =	sdelay $0x4  }
0x30b: {  	v0 =	vsel vm15, $0x0, v0  }
0x30c: {  	v0 =	vxor.u32 $0x80000000, v0  }
0x30d: {  	(xrf0) =	vmax.scan.msk.u32 $0xffff, v0;
	_ =	sdelay $0x5  }
0x30e: {  	v0, _, _ =	vpop (xrf0)  }
0x30f: {  	(v2sf) =	vpush v0, $0xF;
	_ =	sdelay $0xe  }
0x310: {  	s7 =	spop (v2sf)  }
0x311: {  	s8 =	sshll.u32 s7, $0x8;
	s7 =	sshll.u32 s7, $0x7  }
0x312: {  	s8 =	sand.u32 $0xFFFFF800, s8;
	s7 =	sand.u32 $0x380, s7  }
0x313: {  	s7 =	sor.u32 s7, s8  }
0x314: {  	s7 =	sshrl.u32 s7, $0x3  }
0x315: {  	s7 =	sadd.s32 s1, s7  }
0x316: {  	s11 =	simm.s32 $0x8600;
	s9 =	sadd.s32 $0x0, s7  }
0x317: {  	[tilespmem:s11], [sflag:$0x2] =	stream.linear.gather [hbm4b:s9+s3], $0x80, $0x38;
	[tilespmem:$0x18C80] =	vst v63  }
0x318: {  	s8 =	simm.s32 $0x8800;
	s9 =	sadd.s32 $0x80, s9  }
0x319: {  	[tilespmem:s8], [sflag:$0x2] =	stream.linear.gather [hbm4b:s9+s3], $0x80, $0x38;
	[tilespmem:$0x18C80] =	vst v63  }
0x31a: {  	s9 =	simm.s32 $0x40000  }
.LBB2_64:
0x31b: {  	p0 =	sne.s32 s9, $0x800000  }
.Ltmp31:
0x31c: {  	s10 =	sadd.s32 s9, s7;
	s8 =	sadd.s32 $0x400, s8;
	(pc) =	sbr.rel @p0 .LBB2_64-.Ltmp31, $4  }
0x31d: {  	s9 =	sadd.s32 $0x40000, s9;
	s11 =	sadd.s32 $0xFFFFFE00, s8  }
0x31e: {  	[tilespmem:s11], [sflag:$0x2] =	stream.linear.gather [hbm4b:s10+s3], $0x80, $0x38;
	[tilespmem:$0x18C80] =	vst v63  }
0x31f: {  	s10 =	sadd.s32 $0x80, s10  }
0x320: {  	[tilespmem:s8], [sflag:$0x2] =	stream.linear.gather [hbm4b:s10+s3], $0x80, $0x38;
	[tilespmem:$0x18C80] =	vst v63  }
0x321: {  	_ =	swait.ge [sflag:s23], $0x8400  }
0x322: {  	[sflag:s23] =	ssyncset.done $0x0  }
0x323: {  	s7 =	rddreg [dreg:$0xa];
	[sflag:s23] =	ssyncadd.s32 $0xFFFF7C00  }
0x324: {  	[hbm4b:s7+s24] =	stream.strided.scatter [tilespmem:s26], [sflag:$0x4], $0x8400, s25, s24, $0x38;
	[tilespmem:$0x18C80] =	vst v63  }
0x325: {  	_ =	swait.ge [sflag:s5], $0x8400  }
0x326: {  	[sflag:s5] =	ssyncset.done $0x0  }
0x327: {  	[sflag:s5] =	ssyncadd.s32 $0xFFFF7C00  }
0x328: {  	v0 =	vld [tilespmem:$0x20];
	_ =	sdelay $0x4  }
0x329: {  	v0 =	vnsel vm0, $0x0, v0  }
0x32a: {  	v0 =	vxor.u32 $0x80000000, v0  }
0x32b: {  	(xrf0) =	vmax.scan.msk.u32 $0xffff, v0;
	_ =	sdelay $0x5  }
0x32c: {  	v0, _, _ =	vpop (xrf0)  }
0x32d: {  	(v2sf) =	vpush v0, $0xF;
	_ =	sdelay $0xe  }
0x32e: {  	s10 =	spop (v2sf)  }
0x32f: {  	s8 =	sshll.u32 s10, $0x8;
	s7 =	sshll.u32 s10, $0x7  }
0x330: {  	s8 =	sand.u32 $0xFFFFF800, s8;
	s7 =	sand.u32 $0x380, s7  }
0x331: {  	s7 =	sor.u32 s7, s8  }
0x332: {  	s7 =	sshrl.u32 s7, $0x3  }
0x333: {  	s7 =	sadd.s32 s1, s7  }
0x334: {  	s11 =	simm.s32 $0x10880;
	s8 =	simm.s32 $0x40000;
	s9 =	sadd.s32 $0x0, s7  }
0x335: {  	[tilespmem:s11], [sflag:$0x3] =	stream.linear.gather [hbm4b:s9+s3], $0x80, $0x38;
	[tilespmem:$0x18C80] =	vst v63  }
0x336: {  	s10 =	sadd.s32 $0x80, s9;
	s11 =	simm.s32 $0x10A80;
	s9 =	simm.s32 $0x10C80  }
.LBB2_66:
0x337: {  	[tilespmem:s11], [sflag:$0x3] =	stream.linear.gather [hbm4b:s10+s3], $0x80, $0x38;
	[tilespmem:$0x18C80] =	vst v63  }
0x338: {  	s10 =	smov.u32 s8;
	p0 =	sne.s32 s8, $0x800000  }
.Ltmp32:
0x339: {  	s8 =	sadd.s32 $0x40000, s8;
	(pc) =	sbr.rel @p0 .LBB2_66-.Ltmp32, $4  }
0x33a: {  	_ = 	snop  }
0x33b: {  	s10 =	sadd.s32 s10, s7  }
0x33c: {  	[tilespmem:s9], [sflag:$0x3] =	stream.linear.gather [hbm4b:s10+s3], $0x80, $0x38;
	[tilespmem:$0x18C80] =	vst v63  }
0x33d: {  	s11 =	sadd.s32 $0x200, s9;
	s10 =	sadd.s32 $0x80, s10;
	s9 =	sadd.s32 $0x400, s9  }
0x33e: {  	[tilespmem:s11], [sflag:$0x3] =	stream.linear.gather [hbm4b:s10+s3], $0x80, $0x38;
	[tilespmem:$0x18C80] =	vst v63  }
0x33f: {  	v0 =	vld [tilespmem:$0x20];
	_ =	sdelay $0x4  }
0x340: {  	v0 =	vsel vm1, $0x0, v0  }
0x341: {  	v0 =	vxor.u32 $0x80000000, v0  }
0x342: {  	(xrf0) =	vmax.scan.msk.u32 $0xffff, v0;
	_ =	sdelay $0x5  }
0x343: {  	v0, _, _ =	vpop (xrf0)  }
0x344: {  	(v2sf) =	vpush v0, $0xF;
	_ =	sdelay $0xe  }
0x345: {  	s7 =	spop (v2sf)  }
0x346: {  	s8 =	sshll.u32 s7, $0x8;
	s7 =	sshll.u32 s7, $0x7  }
0x347: {  	s8 =	sand.u32 $0xFFFFF800, s8;
	s7 =	sand.u32 $0x380, s7  }
0x348: {  	s7 =	sor.u32 s7, s8  }
0x349: {  	s7 =	sshrl.u32 s7, $0x3  }
0x34a: {  	s7 =	sadd.s32 s1, s7  }
0x34b: {  	s11 =	simm.s32 $0x10900;
	s9 =	sadd.s32 $0x0, s7  }
0x34c: {  	[tilespmem:s11], [sflag:$0x3] =	stream.linear.gather [hbm4b:s9+s3], $0x80, $0x38;
	[tilespmem:$0x18C80] =	vst v63  }
0x34d: {  	s8 =	simm.s32 $0x10B00;
	s9 =	sadd.s32 $0x80, s9  }
0x34e: {  	[tilespmem:s8], [sflag:$0x3] =	stream.linear.gather [hbm4b:s9+s3], $0x80, $0x38;
	[tilespmem:$0x18C80] =	vst v63  }
0x34f: {  	s9 =	simm.s32 $0x40000  }
.LBB2_68:
0x350: {  	p0 =	sne.s32 s9, $0x800000  }
.Ltmp33:
0x351: {  	s10 =	sadd.s32 s9, s7;
	s8 =	sadd.s32 $0x400, s8;
	(pc) =	sbr.rel @p0 .LBB2_68-.Ltmp33, $4  }
0x352: {  	s9 =	sadd.s32 $0x40000, s9;
	s11 =	sadd.s32 $0xFFFFFE00, s8  }
0x353: {  	[tilespmem:s11], [sflag:$0x3] =	stream.linear.gather [hbm4b:s10+s3], $0x80, $0x38;
	[tilespmem:$0x18C80] =	vst v63  }
0x354: {  	s10 =	sadd.s32 $0x80, s10  }
0x355: {  	[tilespmem:s8], [sflag:$0x3] =	stream.linear.gather [hbm4b:s10+s3], $0x80, $0x38;
	[tilespmem:$0x18C80] =	vst v63  }
0x356: {  	v0 =	vld [tilespmem:$0x20];
	_ =	sdelay $0x4  }
0x357: {  	v0 =	vsel vm2, $0x0, v0  }
0x358: {  	v0 =	vxor.u32 $0x80000000, v0  }
0x359: {  	(xrf0) =	vmax.scan.msk.u32 $0xffff, v0;
	_ =	sdelay $0x5  }
0x35a: {  	v0, _, _ =	vpop (xrf0)  }
0x35b: {  	(v2sf) =	vpush v0, $0xF;
	_ =	sdelay $0xe  }
0x35c: {  	s7 =	spop (v2sf)  }
0x35d: {  	s8 =	sshll.u32 s7, $0x8;
	s7 =	sshll.u32 s7, $0x7  }
0x35e: {  	s8 =	sand.u32 $0xFFFFF800, s8;
	s7 =	sand.u32 $0x380, s7  }
0x35f: {  	s7 =	sor.u32 s7, s8  }
0x360: {  	s7 =	sshrl.u32 s7, $0x3  }
0x361: {  	s7 =	sadd.s32 s1, s7  }
0x362: {  	s11 =	simm.s32 $0x10980;
	s9 =	sadd.s32 $0x0, s7  }
0x363: {  	[tilespmem:s11], [sflag:$0x3] =	stream.linear.gather [hbm4b:s9+s3], $0x80, $0x38;
	[tilespmem:$0x18C80] =	vst v63  }
0x364: {  	s8 =	simm.s32 $0x10B80;
	s9 =	sadd.s32 $0x80, s9  }
0x365: {  	[tilespmem:s8], [sflag:$0x3] =	stream.linear.gather [hbm4b:s9+s3], $0x80, $0x38;
	[tilespmem:$0x18C80] =	vst v63  }
0x366: {  	s9 =	simm.s32 $0x40000  }
.LBB2_70:
0x367: {  	p0 =	sne.s32 s9, $0x800000  }
.Ltmp34:
0x368: {  	s10 =	sadd.s32 s9, s7;
	s8 =	sadd.s32 $0x400, s8;
	(pc) =	sbr.rel @p0 .LBB2_70-.Ltmp34, $4  }
0x369: {  	s9 =	sadd.s32 $0x40000, s9;
	s11 =	sadd.s32 $0xFFFFFE00, s8  }
0x36a: {  	[tilespmem:s11], [sflag:$0x3] =	stream.linear.gather [hbm4b:s10+s3], $0x80, $0x38;
	[tilespmem:$0x18C80] =	vst v63  }
0x36b: {  	s10 =	sadd.s32 $0x80, s10  }
0x36c: {  	[tilespmem:s8], [sflag:$0x3] =	stream.linear.gather [hbm4b:s10+s3], $0x80, $0x38;
	[tilespmem:$0x18C80] =	vst v63  }
0x36d: {  	v0 =	vld [tilespmem:$0x20];
	_ =	sdelay $0x4  }
0x36e: {  	v0 =	vsel vm3, $0x0, v0  }
0x36f: {  	v0 =	vxor.u32 $0x80000000, v0  }
0x370: {  	(xrf0) =	vmax.scan.msk.u32 $0xffff, v0;
	_ =	sdelay $0x5  }
0x371: {  	v0, _, _ =	vpop (xrf0)  }
0x372: {  	(v2sf) =	vpush v0, $0xF;
	_ =	sdelay $0xe  }
0x373: {  	s7 =	spop (v2sf)  }
0x374: {  	s8 =	sshll.u32 s7, $0x8;
	s7 =	sshll.u32 s7, $0x7  }
0x375: {  	s8 =	sand.u32 $0xFFFFF800, s8;
	s7 =	sand.u32 $0x380, s7  }
0x376: {  	s7 =	sor.u32 s7, s8  }
0x377: {  	s7 =	sshrl.u32 s7, $0x3  }
0x378: {  	s7 =	sadd.s32 s1, s7  }
0x379: {  	s11 =	simm.s32 $0x10A00;
	s9 =	sadd.s32 $0x0, s7  }
0x37a: {  	[tilespmem:s11], [sflag:$0x3] =	stream.linear.gather [hbm4b:s9+s3], $0x80, $0x38;
	[tilespmem:$0x18C80] =	vst v63  }
0x37b: {  	s8 =	simm.s32 $0x10C00;
	s9 =	sadd.s32 $0x80, s9  }
0x37c: {  	[tilespmem:s8], [sflag:$0x3] =	stream.linear.gather [hbm4b:s9+s3], $0x80, $0x38;
	[tilespmem:$0x18C80] =	vst v63  }
0x37d: {  	s9 =	simm.s32 $0x40000  }
.LBB2_72:
0x37e: {  	p0 =	sne.s32 s9, $0x800000  }
.Ltmp35:
0x37f: {  	s10 =	sadd.s32 s9, s7;
	s8 =	sadd.s32 $0x400, s8;
	(pc) =	sbr.rel @p0 .LBB2_72-.Ltmp35, $4  }
0x380: {  	s9 =	sadd.s32 $0x40000, s9;
	s11 =	sadd.s32 $0xFFFFFE00, s8  }
0x381: {  	[tilespmem:s11], [sflag:$0x3] =	stream.linear.gather [hbm4b:s10+s3], $0x80, $0x38;
	[tilespmem:$0x18C80] =	vst v63  }
0x382: {  	s10 =	sadd.s32 $0x80, s10  }
0x383: {  	[tilespmem:s8], [sflag:$0x3] =	stream.linear.gather [hbm4b:s10+s3], $0x80, $0x38;
	[tilespmem:$0x18C80] =	vst v63  }
0x384: {  	_ =	swait.ge [sflag:s28], $0x8400  }
0x385: {  	[sflag:s28] =	ssyncset.done $0x0  }
0x386: {  	[sflag:s28] =	ssyncadd.s32 $0xFFFF7C00  }
0x387: {  	[hbm4b:s12+s24] =	stream.strided.scatter [tilespmem:s29], [sflag:$0x5], $0x8400, s25, s24, $0x38;
	[tilespmem:$0x18C80] =	vst v63  }
0x388: {  	_ =	swait.ge [sflag:s30], $0x8400  }
0x389: {  	[sflag:s30] =	ssyncset.done $0x0  }
0x38a: {  	[sflag:s30] =	ssyncadd.s32 $0xFFFF7C00  }
0x38b: {  	v0 =	vld [tilespmem:$0x20];
	_ =	sdelay $0x4  }
0x38c: {  	v0 =	vsel vm4, $0x0, v0  }
0x38d: {  	v0 =	vxor.u32 $0x80000000, v0  }
0x38e: {  	(xrf0) =	vmax.scan.msk.u32 $0xffff, v0;
	_ =	sdelay $0x5  }
0x38f: {  	v0, _, _ =	vpop (xrf0)  }
0x390: {  	(v2sf) =	vpush v0, $0xF;
	_ =	sdelay $0xe  }
0x391: {  	s7 =	spop (v2sf)  }
0x392: {  	s8 =	sshll.u32 s7, $0x8;
	s7 =	sshll.u32 s7, $0x7  }
0x393: {  	s8 =	sand.u32 $0xFFFFF800, s8;
	s7 =	sand.u32 $0x380, s7  }
0x394: {  	s7 =	sor.u32 s7, s8  }
0x395: {  	s7 =	sshrl.u32 s7, $0x3  }
0x396: {  	s7 =	sadd.s32 s1, s7  }
0x397: {  	s11 =	simm.s32 $0x80;
	s8 =	simm.s32 $0x40000;
	s9 =	sadd.s32 $0x0, s7  }
0x398: {  	[tilespmem:s11], [sflag:$0x1] =	stream.linear.gather [hbm4b:s9+s3], $0x80, $0x38;
	[tilespmem:$0x18C80] =	vst v63  }
0x399: {  	s10 =	sadd.s32 $0x80, s9;
	s11 =	simm.s32 $0x280;
	s9 =	simm.s32 $0x480  }
.LBB2_74:
0x39a: {  	[tilespmem:s11], [sflag:$0x1] =	stream.linear.gather [hbm4b:s10+s3], $0x80, $0x38;
	[tilespmem:$0x18C80] =	vst v63  }
0x39b: {  	s10 =	smov.u32 s8;
	p0 =	sne.s32 s8, $0x800000  }
.Ltmp36:
0x39c: {  	s8 =	sadd.s32 $0x40000, s8;
	(pc) =	sbr.rel @p0 .LBB2_74-.Ltmp36, $4  }
0x39d: {  	_ = 	snop  }
0x39e: {  	s10 =	sadd.s32 s10, s7  }
0x39f: {  	[tilespmem:s9], [sflag:$0x1] =	stream.linear.gather [hbm4b:s10+s3], $0x80, $0x38;
	[tilespmem:$0x18C80] =	vst v63  }
0x3a0: {  	s11 =	sadd.s32 $0x200, s9;
	s10 =	sadd.s32 $0x80, s10;
	s9 =	sadd.s32 $0x400, s9  }
0x3a1: {  	[tilespmem:s11], [sflag:$0x1] =	stream.linear.gather [hbm4b:s10+s3], $0x80, $0x38;
	[tilespmem:$0x18C80] =	vst v63  }
0x3a2: {  	v0 =	vld [tilespmem:$0x20];
	_ =	sdelay $0x4  }
0x3a3: {  	v0 =	vsel vm5, $0x0, v0  }
0x3a4: {  	v0 =	vxor.u32 $0x80000000, v0  }
0x3a5: {  	(xrf0) =	vmax.scan.msk.u32 $0xffff, v0;
	_ =	sdelay $0x5  }
0x3a6: {  	v0, _, _ =	vpop (xrf0)  }
0x3a7: {  	(v2sf) =	vpush v0, $0xF;
	_ =	sdelay $0xe  }
0x3a8: {  	s7 =	spop (v2sf)  }
0x3a9: {  	s8 =	sshll.u32 s7, $0x8;
	s7 =	sshll.u32 s7, $0x7  }
0x3aa: {  	s8 =	sand.u32 $0xFFFFF800, s8;
	s7 =	sand.u32 $0x380, s7  }
0x3ab: {  	s7 =	sor.u32 s7, s8  }
0x3ac: {  	s7 =	sshrl.u32 s7, $0x3  }
0x3ad: {  	s7 =	sadd.s32 s1, s7  }
0x3ae: {  	s11 =	simm.s32 $0x100;
	s9 =	sadd.s32 $0x0, s7  }
0x3af: {  	[tilespmem:s11], [sflag:$0x1] =	stream.linear.gather [hbm4b:s9+s3], $0x80, $0x38;
	[tilespmem:$0x18C80] =	vst v63  }
0x3b0: {  	s8 =	simm.s32 $0x300;
	s9 =	sadd.s32 $0x80, s9  }
0x3b1: {  	[tilespmem:s8], [sflag:$0x1] =	stream.linear.gather [hbm4b:s9+s3], $0x80, $0x38;
	[tilespmem:$0x18C80] =	vst v63  }
0x3b2: {  	s9 =	simm.s32 $0x40000  }
.LBB2_76:
0x3b3: {  	p0 =	sne.s32 s9, $0x800000  }
.Ltmp37:
0x3b4: {  	s10 =	sadd.s32 s9, s7;
	s8 =	sadd.s32 $0x400, s8;
	(pc) =	sbr.rel @p0 .LBB2_76-.Ltmp37, $4  }
0x3b5: {  	s9 =	sadd.s32 $0x40000, s9;
	s11 =	sadd.s32 $0xFFFFFE00, s8  }
0x3b6: {  	[tilespmem:s11], [sflag:$0x1] =	stream.linear.gather [hbm4b:s10+s3], $0x80, $0x38;
	[tilespmem:$0x18C80] =	vst v63  }
0x3b7: {  	s10 =	sadd.s32 $0x80, s10  }
0x3b8: {  	[tilespmem:s8], [sflag:$0x1] =	stream.linear.gather [hbm4b:s10+s3], $0x80, $0x38;
	[tilespmem:$0x18C80] =	vst v63  }
0x3b9: {  	v0 =	vld [tilespmem:$0x20];
	_ =	sdelay $0x4  }
0x3ba: {  	v0 =	vsel vm6, $0x0, v0  }
0x3bb: {  	v0 =	vxor.u32 $0x80000000, v0  }
0x3bc: {  	(xrf0) =	vmax.scan.msk.u32 $0xffff, v0;
	_ =	sdelay $0x5  }
0x3bd: {  	v0, _, _ =	vpop (xrf0)  }
0x3be: {  	(v2sf) =	vpush v0, $0xF;
	_ =	sdelay $0xe  }
0x3bf: {  	s7 =	spop (v2sf)  }
0x3c0: {  	s8 =	sshll.u32 s7, $0x8;
	s7 =	sshll.u32 s7, $0x7  }
0x3c1: {  	s8 =	sand.u32 $0xFFFFF800, s8;
	s7 =	sand.u32 $0x380, s7  }
0x3c2: {  	s7 =	sor.u32 s7, s8  }
0x3c3: {  	s7 =	sshrl.u32 s7, $0x3  }
0x3c4: {  	s7 =	sadd.s32 s1, s7  }
0x3c5: {  	s11 =	simm.s32 $0x180;
	s9 =	sadd.s32 $0x0, s7  }
0x3c6: {  	[tilespmem:s11], [sflag:$0x1] =	stream.linear.gather [hbm4b:s9+s3], $0x80, $0x38;
	[tilespmem:$0x18C80] =	vst v63  }
0x3c7: {  	s8 =	simm.s32 $0x380;
	s9 =	sadd.s32 $0x80, s9  }
0x3c8: {  	[tilespmem:s8], [sflag:$0x1] =	stream.linear.gather [hbm4b:s9+s3], $0x80, $0x38;
	[tilespmem:$0x18C80] =	vst v63  }
0x3c9: {  	s9 =	simm.s32 $0x40000  }
.LBB2_78:
0x3ca: {  	p0 =	sne.s32 s9, $0x800000  }
.Ltmp38:
0x3cb: {  	s10 =	sadd.s32 s9, s7;
	s8 =	sadd.s32 $0x400, s8;
	(pc) =	sbr.rel @p0 .LBB2_78-.Ltmp38, $4  }
0x3cc: {  	s9 =	sadd.s32 $0x40000, s9;
	s11 =	sadd.s32 $0xFFFFFE00, s8  }
0x3cd: {  	[tilespmem:s11], [sflag:$0x1] =	stream.linear.gather [hbm4b:s10+s3], $0x80, $0x38;
	[tilespmem:$0x18C80] =	vst v63  }
0x3ce: {  	s10 =	sadd.s32 $0x80, s10  }
0x3cf: {  	[tilespmem:s8], [sflag:$0x1] =	stream.linear.gather [hbm4b:s10+s3], $0x80, $0x38;
	[tilespmem:$0x18C80] =	vst v63  }
0x3d0: {  	v0 =	vld [tilespmem:$0x20];
	_ =	sdelay $0x4  }
0x3d1: {  	v0 =	vsel vm7, $0x0, v0  }
0x3d2: {  	v0 =	vxor.u32 $0x80000000, v0  }
0x3d3: {  	(xrf0) =	vmax.scan.msk.u32 $0xffff, v0;
	_ =	sdelay $0x5  }
0x3d4: {  	v0, _, _ =	vpop (xrf0)  }
0x3d5: {  	(v2sf) =	vpush v0, $0xF;
	_ =	sdelay $0xe  }
0x3d6: {  	s7 =	spop (v2sf)  }
0x3d7: {  	s8 =	sshll.u32 s7, $0x8;
	s7 =	sshll.u32 s7, $0x7  }
0x3d8: {  	s8 =	sand.u32 $0xFFFFF800, s8;
	s7 =	sand.u32 $0x380, s7  }
0x3d9: {  	s7 =	sor.u32 s7, s8  }
0x3da: {  	s7 =	sshrl.u32 s7, $0x3  }
0x3db: {  	s7 =	sadd.s32 s1, s7  }
0x3dc: {  	s11 =	simm.s32 $0x200;
	s9 =	sadd.s32 $0x0, s7  }
0x3dd: {  	[tilespmem:s11], [sflag:$0x1] =	stream.linear.gather [hbm4b:s9+s3], $0x80, $0x38;
	[tilespmem:$0x18C80] =	vst v63  }
0x3de: {  	s8 =	simm.s32 $0x400;
	s9 =	sadd.s32 $0x80, s9  }
0x3df: {  	[tilespmem:s8], [sflag:$0x1] =	stream.linear.gather [hbm4b:s9+s3], $0x80, $0x38;
	[tilespmem:$0x18C80] =	vst v63  }
0x3e0: {  	s9 =	simm.s32 $0x40000  }
.LBB2_80:
0x3e1: {  	p0 =	sne.s32 s9, $0x800000  }
.Ltmp39:
0x3e2: {  	s10 =	sadd.s32 s9, s7;
	s8 =	sadd.s32 $0x400, s8;
	(pc) =	sbr.rel @p0 .LBB2_80-.Ltmp39, $4  }
0x3e3: {  	s9 =	sadd.s32 $0x40000, s9;
	s11 =	sadd.s32 $0xFFFFFE00, s8  }
0x3e4: {  	[tilespmem:s11], [sflag:$0x1] =	stream.linear.gather [hbm4b:s10+s3], $0x80, $0x38;
	[tilespmem:$0x18C80] =	vst v63  }
0x3e5: {  	s10 =	sadd.s32 $0x80, s10  }
0x3e6: {  	[tilespmem:s8], [sflag:$0x1] =	stream.linear.gather [hbm4b:s10+s3], $0x80, $0x38;
	[tilespmem:$0x18C80] =	vst v63  }
0x3e7: {  	_ =	swait.ge [sflag:s31], $0x8400  }
0x3e8: {  	[sflag:s31] =	ssyncset.done $0x0  }
0x3e9: {  	[sflag:s31] =	ssyncadd.s32 $0xFFFF7C00  }
0x3ea: {  	[hbm4b:s13+s24] =	stream.strided.scatter [tilespmem:s2], [sflag:$0x6], $0x8400, s25, s24, $0x38;
	[tilespmem:$0x18C80] =	vst v63  }
0x3eb: {  	_ =	swait.ge [sflag:s0], $0x8400  }
0x3ec: {  	[sflag:s0] =	ssyncset.done $0x0  }
0x3ed: {  	[sflag:s0] =	ssyncadd.s32 $0xFFFF7C00  }
0x3ee: {  	v0 =	vld [tilespmem:$0x20];
	_ =	sdelay $0x4  }
0x3ef: {  	v0 =	vsel vm8, $0x0, v0  }
0x3f0: {  	v0 =	vxor.u32 $0x80000000, v0  }
0x3f1: {  	(xrf0) =	vmax.scan.msk.u32 $0xffff, v0;
	_ =	sdelay $0x5  }
0x3f2: {  	v0, _, _ =	vpop (xrf0)  }
0x3f3: {  	(v2sf) =	vpush v0, $0xF;
	_ =	sdelay $0xe  }
0x3f4: {  	s7 =	spop (v2sf)  }
0x3f5: {  	s8 =	sshll.u32 s7, $0x8;
	s7 =	sshll.u32 s7, $0x7  }
0x3f6: {  	s8 =	sand.u32 $0xFFFFF800, s8;
	s7 =	sand.u32 $0x380, s7  }
0x3f7: {  	s7 =	sor.u32 s7, s8  }
0x3f8: {  	s7 =	sshrl.u32 s7, $0x3  }
0x3f9: {  	s7 =	sadd.s32 s1, s7  }
0x3fa: {  	s11 =	simm.s32 $0x8480;
	s8 =	simm.s32 $0x40000;
	s9 =	sadd.s32 $0x0, s7  }
0x3fb: {  	[tilespmem:s11], [sflag:$0x2] =	stream.linear.gather [hbm4b:s9+s3], $0x80, $0x38;
	[tilespmem:$0x18C80] =	vst v63  }
0x3fc: {  	s10 =	sadd.s32 $0x80, s9;
	s11 =	simm.s32 $0x8680;
	s9 =	simm.s32 $0x8880  }
.LBB2_82:
0x3fd: {  	[tilespmem:s11], [sflag:$0x2] =	stream.linear.gather [hbm4b:s10+s3], $0x80, $0x38;
	[tilespmem:$0x18C80] =	vst v63  }
0x3fe: {  	s10 =	smov.u32 s8;
	p0 =	sne.s32 s8, $0x800000  }
.Ltmp40:
0x3ff: {  	s8 =	sadd.s32 $0x40000, s8;
	(pc) =	sbr.rel @p0 .LBB2_82-.Ltmp40, $4  }
0x400: {  	_ = 	snop  }
0x401: {  	s10 =	sadd.s32 s10, s7  }
0x402: {  	[tilespmem:s9], [sflag:$0x2] =	stream.linear.gather [hbm4b:s10+s3], $0x80, $0x38;
	[tilespmem:$0x18C80] =	vst v63  }
0x403: {  	s11 =	sadd.s32 $0x200, s9;
	s10 =	sadd.s32 $0x80, s10;
	s9 =	sadd.s32 $0x400, s9  }
0x404: {  	[tilespmem:s11], [sflag:$0x2] =	stream.linear.gather [hbm4b:s10+s3], $0x80, $0x38;
	[tilespmem:$0x18C80] =	vst v63  }
0x405: {  	v0 =	vld [tilespmem:$0x20];
	_ =	sdelay $0x4  }
0x406: {  	v0 =	vsel vm9, $0x0, v0  }
0x407: {  	v0 =	vxor.u32 $0x80000000, v0  }
0x408: {  	(xrf0) =	vmax.scan.msk.u32 $0xffff, v0;
	_ =	sdelay $0x5  }
0x409: {  	v0, _, _ =	vpop (xrf0)  }
0x40a: {  	(v2sf) =	vpush v0, $0xF;
	_ =	sdelay $0xe  }
0x40b: {  	s7 =	spop (v2sf)  }
0x40c: {  	s8 =	sshll.u32 s7, $0x8;
	s7 =	sshll.u32 s7, $0x7  }
0x40d: {  	s8 =	sand.u32 $0xFFFFF800, s8;
	s7 =	sand.u32 $0x380, s7  }
0x40e: {  	s7 =	sor.u32 s7, s8  }
0x40f: {  	s7 =	sshrl.u32 s7, $0x3  }
0x410: {  	s7 =	sadd.s32 s1, s7  }
0x411: {  	s11 =	simm.s32 $0x8500;
	s9 =	sadd.s32 $0x0, s7  }
0x412: {  	[tilespmem:s11], [sflag:$0x2] =	stream.linear.gather [hbm4b:s9+s3], $0x80, $0x38;
	[tilespmem:$0x18C80] =	vst v63  }
0x413: {  	s8 =	simm.s32 $0x8700;
	s9 =	sadd.s32 $0x80, s9  }
0x414: {  	[tilespmem:s8], [sflag:$0x2] =	stream.linear.gather [hbm4b:s9+s3], $0x80, $0x38;
	[tilespmem:$0x18C80] =	vst v63  }
0x415: {  	s9 =	simm.s32 $0x40000  }
.LBB2_84:
0x416: {  	p0 =	sne.s32 s9, $0x800000  }
.Ltmp41:
0x417: {  	s10 =	sadd.s32 s9, s7;
	s8 =	sadd.s32 $0x400, s8;
	(pc) =	sbr.rel @p0 .LBB2_84-.Ltmp41, $4  }
0x418: {  	s9 =	sadd.s32 $0x40000, s9;
	s11 =	sadd.s32 $0xFFFFFE00, s8  }
0x419: {  	[tilespmem:s11], [sflag:$0x2] =	stream.linear.gather [hbm4b:s10+s3], $0x80, $0x38;
	[tilespmem:$0x18C80] =	vst v63  }
0x41a: {  	s10 =	sadd.s32 $0x80, s10  }
0x41b: {  	[tilespmem:s8], [sflag:$0x2] =	stream.linear.gather [hbm4b:s10+s3], $0x80, $0x38;
	[tilespmem:$0x18C80] =	vst v63  }
0x41c: {  	v0 =	vld [tilespmem:$0x20];
	_ =	sdelay $0x4  }
0x41d: {  	v0 =	vsel vm10, $0x0, v0  }
0x41e: {  	v0 =	vxor.u32 $0x80000000, v0  }
0x41f: {  	(xrf0) =	vmax.scan.msk.u32 $0xffff, v0;
	_ =	sdelay $0x5  }
0x420: {  	v0, _, _ =	vpop (xrf0)  }
0x421: {  	(v2sf) =	vpush v0, $0xF;
	_ =	sdelay $0xe  }
0x422: {  	s7 =	spop (v2sf)  }
0x423: {  	s8 =	sshll.u32 s7, $0x8;
	s7 =	sshll.u32 s7, $0x7  }
0x424: {  	s8 =	sand.u32 $0xFFFFF800, s8;
	s7 =	sand.u32 $0x380, s7  }
0x425: {  	s7 =	sor.u32 s7, s8  }
0x426: {  	s7 =	sshrl.u32 s7, $0x3  }
0x427: {  	s7 =	sadd.s32 s1, s7  }
0x428: {  	s11 =	simm.s32 $0x8580;
	s9 =	sadd.s32 $0x0, s7  }
0x429: {  	[tilespmem:s11], [sflag:$0x2] =	stream.linear.gather [hbm4b:s9+s3], $0x80, $0x38;
	[tilespmem:$0x18C80] =	vst v63  }
0x42a: {  	s8 =	simm.s32 $0x8780;
	s9 =	sadd.s32 $0x80, s9  }
0x42b: {  	[tilespmem:s8], [sflag:$0x2] =	stream.linear.gather [hbm4b:s9+s3], $0x80, $0x38;
	[tilespmem:$0x18C80] =	vst v63  }
0x42c: {  	s9 =	simm.s32 $0x40000  }
.LBB2_86:
0x42d: {  	p0 =	sne.s32 s9, $0x800000  }
.Ltmp42:
0x42e: {  	s10 =	sadd.s32 s9, s7;
	s8 =	sadd.s32 $0x400, s8;
	(pc) =	sbr.rel @p0 .LBB2_86-.Ltmp42, $4  }
0x42f: {  	s9 =	sadd.s32 $0x40000, s9;
	s11 =	sadd.s32 $0xFFFFFE00, s8  }
0x430: {  	[tilespmem:s11], [sflag:$0x2] =	stream.linear.gather [hbm4b:s10+s3], $0x80, $0x38;
	[tilespmem:$0x18C80] =	vst v63  }
0x431: {  	s10 =	sadd.s32 $0x80, s10  }
0x432: {  	[tilespmem:s8], [sflag:$0x2] =	stream.linear.gather [hbm4b:s10+s3], $0x80, $0x38;
	[tilespmem:$0x18C80] =	vst v63  }
0x433: {  	v0 =	vld [tilespmem:$0x20];
	_ =	sdelay $0x4  }
0x434: {  	v0 =	vsel vm11, $0x0, v0  }
0x435: {  	v0 =	vxor.u32 $0x80000000, v0  }
0x436: {  	(xrf0) =	vmax.scan.msk.u32 $0xffff, v0;
	_ =	sdelay $0x5  }
0x437: {  	v0, _, _ =	vpop (xrf0)  }
0x438: {  	(v2sf) =	vpush v0, $0xF;
	_ =	sdelay $0xe  }
0x439: {  	s7 =	spop (v2sf)  }
0x43a: {  	s8 =	sshll.u32 s7, $0x8;
	s7 =	sshll.u32 s7, $0x7  }
0x43b: {  	s8 =	sand.u32 $0xFFFFF800, s8;
	s7 =	sand.u32 $0x380, s7  }
0x43c: {  	s7 =	sor.u32 s7, s8  }
0x43d: {  	s7 =	sshrl.u32 s7, $0x3  }
0x43e: {  	s7 =	sadd.s32 s1, s7  }
0x43f: {  	s11 =	simm.s32 $0x8600;
	s9 =	sadd.s32 $0x0, s7  }
0x440: {  	[tilespmem:s11], [sflag:$0x2] =	stream.linear.gather [hbm4b:s9+s3], $0x80, $0x38;
	[tilespmem:$0x18C80] =	vst v63  }
0x441: {  	s8 =	simm.s32 $0x8800;
	s9 =	sadd.s32 $0x80, s9  }
0x442: {  	[tilespmem:s8], [sflag:$0x2] =	stream.linear.gather [hbm4b:s9+s3], $0x80, $0x38;
	[tilespmem:$0x18C80] =	vst v63  }
0x443: {  	s9 =	simm.s32 $0x40000  }
.LBB2_88:
0x444: {  	p0 =	sne.s32 s9, $0x800000  }
.Ltmp43:
0x445: {  	s10 =	sadd.s32 s9, s7;
	s8 =	sadd.s32 $0x400, s8;
	(pc) =	sbr.rel @p0 .LBB2_88-.Ltmp43, $4  }
0x446: {  	s9 =	sadd.s32 $0x40000, s9;
	s11 =	sadd.s32 $0xFFFFFE00, s8  }
0x447: {  	[tilespmem:s11], [sflag:$0x2] =	stream.linear.gather [hbm4b:s10+s3], $0x80, $0x38;
	[tilespmem:$0x18C80] =	vst v63  }
0x448: {  	s10 =	sadd.s32 $0x80, s10  }
0x449: {  	[tilespmem:s8], [sflag:$0x2] =	stream.linear.gather [hbm4b:s10+s3], $0x80, $0x38;
	[tilespmem:$0x18C80] =	vst v63  }
0x44a: {  	_ =	swait.ge [sflag:s23], $0x8400  }
0x44b: {  	[sflag:s23] =	ssyncset.done $0x0  }
0x44c: {  	[sflag:s23] =	ssyncadd.s32 $0xFFFF7C00  }
0x44d: {  	[hbm4b:s14+s24] =	stream.strided.scatter [tilespmem:s26], [sflag:$0x4], $0x8400, s25, s24, $0x38;
	[tilespmem:$0x18C80] =	vst v63  }
0x44e: {  	_ =	swait.ge [sflag:s5], $0x8400  }
0x44f: {  	[sflag:s5] =	ssyncset.done $0x0  }
0x450: {  	[sflag:s5] =	ssyncadd.s32 $0xFFFF7C00  }
0x451: {  	v0 =	vld [tilespmem:$0x20];
	_ =	sdelay $0x4  }
0x452: {  	v0 =	vsel vm12, $0x0, v0  }
0x453: {  	v0 =	vxor.u32 $0x80000000, v0  }
0x454: {  	(xrf0) =	vmax.scan.msk.u32 $0xffff, v0;
	_ =	sdelay $0x5  }
0x455: {  	v0, _, _ =	vpop (xrf0)  }
0x456: {  	(v2sf) =	vpush v0, $0xF;
	_ =	sdelay $0xe  }
0x457: {  	s7 =	spop (v2sf)  }
0x458: {  	s8 =	sshll.u32 s7, $0x8;
	s7 =	sshll.u32 s7, $0x7  }
0x459: {  	s8 =	sand.u32 $0xFFFFF800, s8;
	s7 =	sand.u32 $0x380, s7  }
0x45a: {  	s7 =	sor.u32 s7, s8  }
0x45b: {  	s7 =	sshrl.u32 s7, $0x3  }
0x45c: {  	s7 =	sadd.s32 s1, s7  }
0x45d: {  	s11 =	simm.s32 $0x10880;
	s8 =	simm.s32 $0x40000;
	s9 =	sadd.s32 $0x0, s7  }
0x45e: {  	[tilespmem:s11], [sflag:$0x3] =	stream.linear.gather [hbm4b:s9+s3], $0x80, $0x38;
	[tilespmem:$0x18C80] =	vst v63  }
0x45f: {  	s10 =	sadd.s32 $0x80, s9;
	s11 =	simm.s32 $0x10A80;
	s9 =	simm.s32 $0x10C80  }
.LBB2_90:
0x460: {  	[tilespmem:s11], [sflag:$0x3] =	stream.linear.gather [hbm4b:s10+s3], $0x80, $0x38;
	[tilespmem:$0x18C80] =	vst v63  }
0x461: {  	s10 =	smov.u32 s8;
	p0 =	sne.s32 s8, $0x800000  }
.Ltmp44:
0x462: {  	s8 =	sadd.s32 $0x40000, s8;
	(pc) =	sbr.rel @p0 .LBB2_90-.Ltmp44, $4  }
0x463: {  	_ = 	snop  }
0x464: {  	s10 =	sadd.s32 s10, s7  }
0x465: {  	[tilespmem:s9], [sflag:$0x3] =	stream.linear.gather [hbm4b:s10+s3], $0x80, $0x38;
	[tilespmem:$0x18C80] =	vst v63  }
0x466: {  	s11 =	sadd.s32 $0x200, s9;
	s10 =	sadd.s32 $0x80, s10;
	s9 =	sadd.s32 $0x400, s9  }
0x467: {  	[tilespmem:s11], [sflag:$0x3] =	stream.linear.gather [hbm4b:s10+s3], $0x80, $0x38;
	[tilespmem:$0x18C80] =	vst v63  }
0x468: {  	v0 =	vld [tilespmem:$0x20];
	_ =	sdelay $0x4  }
0x469: {  	v0 =	vsel vm13, $0x0, v0  }
0x46a: {  	v0 =	vxor.u32 $0x80000000, v0  }
0x46b: {  	(xrf0) =	vmax.scan.msk.u32 $0xffff, v0;
	_ =	sdelay $0x5  }
0x46c: {  	v0, _, _ =	vpop (xrf0)  }
0x46d: {  	(v2sf) =	vpush v0, $0xF;
	_ =	sdelay $0xe  }
0x46e: {  	s7 =	spop (v2sf)  }
0x46f: {  	s8 =	sshll.u32 s7, $0x8;
	s7 =	sshll.u32 s7, $0x7  }
0x470: {  	s8 =	sand.u32 $0xFFFFF800, s8;
	s7 =	sand.u32 $0x380, s7  }
0x471: {  	s7 =	sor.u32 s7, s8  }
0x472: {  	s7 =	sshrl.u32 s7, $0x3  }
0x473: {  	s7 =	sadd.s32 s1, s7  }
0x474: {  	s11 =	simm.s32 $0x10900;
	s9 =	sadd.s32 $0x0, s7  }
0x475: {  	[tilespmem:s11], [sflag:$0x3] =	stream.linear.gather [hbm4b:s9+s3], $0x80, $0x38;
	[tilespmem:$0x18C80] =	vst v63  }
0x476: {  	s8 =	simm.s32 $0x10B00;
	s9 =	sadd.s32 $0x80, s9  }
0x477: {  	[tilespmem:s8], [sflag:$0x3] =	stream.linear.gather [hbm4b:s9+s3], $0x80, $0x38;
	[tilespmem:$0x18C80] =	vst v63  }
0x478: {  	s9 =	simm.s32 $0x40000  }
.LBB2_92:
0x479: {  	p0 =	sne.s32 s9, $0x800000  }
.Ltmp45:
0x47a: {  	s10 =	sadd.s32 s9, s7;
	s8 =	sadd.s32 $0x400, s8;
	(pc) =	sbr.rel @p0 .LBB2_92-.Ltmp45, $4  }
0x47b: {  	s9 =	sadd.s32 $0x40000, s9;
	s11 =	sadd.s32 $0xFFFFFE00, s8  }
0x47c: {  	[tilespmem:s11], [sflag:$0x3] =	stream.linear.gather [hbm4b:s10+s3], $0x80, $0x38;
	[tilespmem:$0x18C80] =	vst v63  }
0x47d: {  	s10 =	sadd.s32 $0x80, s10  }
0x47e: {  	[tilespmem:s8], [sflag:$0x3] =	stream.linear.gather [hbm4b:s10+s3], $0x80, $0x38;
	[tilespmem:$0x18C80] =	vst v63  }
0x47f: {  	v0 =	vld [tilespmem:$0x20];
	_ =	sdelay $0x4  }
0x480: {  	v0 =	vsel vm14, $0x0, v0  }
0x481: {  	v0 =	vxor.u32 $0x80000000, v0  }
0x482: {  	(xrf0) =	vmax.scan.msk.u32 $0xffff, v0;
	_ =	sdelay $0x5  }
0x483: {  	v0, _, _ =	vpop (xrf0)  }
0x484: {  	(v2sf) =	vpush v0, $0xF;
	_ =	sdelay $0xe  }
0x485: {  	s7 =	spop (v2sf)  }
0x486: {  	s8 =	sshll.u32 s7, $0x8;
	s7 =	sshll.u32 s7, $0x7  }
0x487: {  	s8 =	sand.u32 $0xFFFFF800, s8;
	s7 =	sand.u32 $0x380, s7  }
0x488: {  	s7 =	sor.u32 s7, s8  }
0x489: {  	s7 =	sshrl.u32 s7, $0x3  }
0x48a: {  	s7 =	sadd.s32 s1, s7  }
0x48b: {  	s11 =	simm.s32 $0x10980;
	s9 =	sadd.s32 $0x0, s7  }
0x48c: {  	[tilespmem:s11], [sflag:$0x3] =	stream.linear.gather [hbm4b:s9+s3], $0x80, $0x38;
	[tilespmem:$0x18C80] =	vst v63  }
0x48d: {  	s8 =	simm.s32 $0x10B80;
	s9 =	sadd.s32 $0x80, s9  }
0x48e: {  	[tilespmem:s8], [sflag:$0x3] =	stream.linear.gather [hbm4b:s9+s3], $0x80, $0x38;
	[tilespmem:$0x18C80] =	vst v63  }
0x48f: {  	s9 =	simm.s32 $0x40000  }
.LBB2_94:
0x490: {  	p0 =	sne.s32 s9, $0x800000  }
.Ltmp46:
0x491: {  	s10 =	sadd.s32 s9, s7;
	s8 =	sadd.s32 $0x400, s8;
	(pc) =	sbr.rel @p0 .LBB2_94-.Ltmp46, $4  }
0x492: {  	s9 =	sadd.s32 $0x40000, s9;
	s11 =	sadd.s32 $0xFFFFFE00, s8  }
0x493: {  	[tilespmem:s11], [sflag:$0x3] =	stream.linear.gather [hbm4b:s10+s3], $0x80, $0x38;
	[tilespmem:$0x18C80] =	vst v63  }
0x494: {  	s10 =	sadd.s32 $0x80, s10  }
0x495: {  	[tilespmem:s8], [sflag:$0x3] =	stream.linear.gather [hbm4b:s10+s3], $0x80, $0x38;
	[tilespmem:$0x18C80] =	vst v63  }
0x496: {  	v0 =	vld [tilespmem:$0x20];
	_ =	sdelay $0x4  }
0x497: {  	v0 =	vsel vm15, $0x0, v0  }
0x498: {  	v0 =	vxor.u32 $0x80000000, v0  }
0x499: {  	(xrf0) =	vmax.scan.msk.u32 $0xffff, v0;
	_ =	sdelay $0x5  }
0x49a: {  	v0, _, _ =	vpop (xrf0)  }
0x49b: {  	(v2sf) =	vpush v0, $0xF;
	_ =	sdelay $0xe  }
0x49c: {  	s7 =	spop (v2sf)  }
0x49d: {  	s8 =	sshll.u32 s7, $0x8;
	s7 =	sshll.u32 s7, $0x7  }
0x49e: {  	s8 =	sand.u32 $0xFFFFF800, s8;
	s7 =	sand.u32 $0x380, s7  }
0x49f: {  	s7 =	sor.u32 s7, s8  }
0x4a0: {  	s7 =	sshrl.u32 s7, $0x3  }
0x4a1: {  	s7 =	sadd.s32 s1, s7  }
0x4a2: {  	s11 =	simm.s32 $0x10A00;
	s9 =	sadd.s32 $0x0, s7  }
0x4a3: {  	[tilespmem:s11], [sflag:$0x3] =	stream.linear.gather [hbm4b:s9+s3], $0x80, $0x38;
	[tilespmem:$0x18C80] =	vst v63  }
0x4a4: {  	s8 =	simm.s32 $0x10C00;
	s9 =	sadd.s32 $0x80, s9  }
0x4a5: {  	[tilespmem:s8], [sflag:$0x3] =	stream.linear.gather [hbm4b:s9+s3], $0x80, $0x38;
	[tilespmem:$0x18C80] =	vst v63  }
0x4a6: {  	s9 =	simm.s32 $0x40000  }
.LBB2_96:
0x4a7: {  	p0 =	sne.s32 s9, $0x800000  }
.Ltmp47:
0x4a8: {  	s10 =	sadd.s32 s9, s7;
	s8 =	sadd.s32 $0x400, s8;
	(pc) =	sbr.rel @p0 .LBB2_96-.Ltmp47, $4  }
0x4a9: {  	s9 =	sadd.s32 $0x40000, s9;
	s11 =	sadd.s32 $0xFFFFFE00, s8  }
0x4aa: {  	[tilespmem:s11], [sflag:$0x3] =	stream.linear.gather [hbm4b:s10+s3], $0x80, $0x38;
	[tilespmem:$0x18C80] =	vst v63  }
0x4ab: {  	s10 =	sadd.s32 $0x80, s10  }
0x4ac: {  	[tilespmem:s8], [sflag:$0x3] =	stream.linear.gather [hbm4b:s10+s3], $0x80, $0x38;
	[tilespmem:$0x18C80] =	vst v63  }
0x4ad: {  	_ =	swait.ge [sflag:s28], $0x8400  }
0x4ae: {  	[sflag:s28] =	ssyncset.done $0x0  }
0x4af: {  	[sflag:s28] =	ssyncadd.s32 $0xFFFF7C00  }
0x4b0: {  	[hbm4b:s15+s24] =	stream.strided.scatter [tilespmem:s29], [sflag:$0x5], $0x8400, s25, s24, $0x38;
	[tilespmem:$0x18C80] =	vst v63  }
0x4b1: {  	_ =	swait.ge [sflag:s30], $0x8400  }
0x4b2: {  	[sflag:s30] =	ssyncset.done $0x0  }
0x4b3: {  	[sflag:s30] =	ssyncadd.s32 $0xFFFF7C00  }
0x4b4: {  	v0 =	vld [tilespmem:$0x30];
	_ =	sdelay $0x4  }
0x4b5: {  	v0 =	vnsel vm0, $0x0, v0  }
0x4b6: {  	v0 =	vxor.u32 $0x80000000, v0  }
0x4b7: {  	(xrf0) =	vmax.scan.msk.u32 $0xffff, v0;
	_ =	sdelay $0x5  }
0x4b8: {  	v0, _, _ =	vpop (xrf0)  }
0x4b9: {  	(v2sf) =	vpush v0, $0xF;
	_ =	sdelay $0xe  }
0x4ba: {  	s7 =	spop (v2sf)  }
0x4bb: {  	s8 =	sshll.u32 s7, $0x8;
	s7 =	sshll.u32 s7, $0x7  }
0x4bc: {  	s8 =	sand.u32 $0xFFFFF800, s8;
	s7 =	sand.u32 $0x380, s7  }
0x4bd: {  	s7 =	sor.u32 s7, s8  }
0x4be: {  	s7 =	sshrl.u32 s7, $0x3  }
0x4bf: {  	s7 =	sadd.s32 s1, s7  }
0x4c0: {  	s11 =	simm.s32 $0x80;
	s8 =	simm.s32 $0x40000;
	s9 =	sadd.s32 $0x0, s7  }
0x4c1: {  	[tilespmem:s11], [sflag:$0x1] =	stream.linear.gather [hbm4b:s9+s3], $0x80, $0x38;
	[tilespmem:$0x18C80] =	vst v63  }
0x4c2: {  	s10 =	sadd.s32 $0x80, s9;
	s11 =	simm.s32 $0x280;
	s9 =	simm.s32 $0x480  }
.LBB2_98:
0x4c3: {  	[tilespmem:s11], [sflag:$0x1] =	stream.linear.gather [hbm4b:s10+s3], $0x80, $0x38;
	[tilespmem:$0x18C80] =	vst v63  }
0x4c4: {  	s10 =	smov.u32 s8;
	p0 =	sne.s32 s8, $0x800000  }
.Ltmp48:
0x4c5: {  	s8 =	sadd.s32 $0x40000, s8;
	(pc) =	sbr.rel @p0 .LBB2_98-.Ltmp48, $4  }
0x4c6: {  	_ = 	snop  }
0x4c7: {  	s10 =	sadd.s32 s10, s7  }
0x4c8: {  	[tilespmem:s9], [sflag:$0x1] =	stream.linear.gather [hbm4b:s10+s3], $0x80, $0x38;
	[tilespmem:$0x18C80] =	vst v63  }
0x4c9: {  	s11 =	sadd.s32 $0x200, s9;
	s10 =	sadd.s32 $0x80, s10;
	s9 =	sadd.s32 $0x400, s9  }
0x4ca: {  	[tilespmem:s11], [sflag:$0x1] =	stream.linear.gather [hbm4b:s10+s3], $0x80, $0x38;
	[tilespmem:$0x18C80] =	vst v63  }
0x4cb: {  	v0 =	vld [tilespmem:$0x30];
	_ =	sdelay $0x4  }
0x4cc: {  	v0 =	vsel vm1, $0x0, v0  }
0x4cd: {  	v0 =	vxor.u32 $0x80000000, v0  }
0x4ce: {  	(xrf0) =	vmax.scan.msk.u32 $0xffff, v0;
	_ =	sdelay $0x5  }
0x4cf: {  	v0, _, _ =	vpop (xrf0)  }
0x4d0: {  	(v2sf) =	vpush v0, $0xF;
	_ =	sdelay $0xe  }
0x4d1: {  	s7 =	spop (v2sf)  }
0x4d2: {  	s8 =	sshll.u32 s7, $0x8;
	s7 =	sshll.u32 s7, $0x7  }
0x4d3: {  	s8 =	sand.u32 $0xFFFFF800, s8;
	s7 =	sand.u32 $0x380, s7  }
0x4d4: {  	s7 =	sor.u32 s7, s8  }
0x4d5: {  	s7 =	sshrl.u32 s7, $0x3  }
0x4d6: {  	s7 =	sadd.s32 s1, s7  }
0x4d7: {  	s11 =	simm.s32 $0x100;
	s9 =	sadd.s32 $0x0, s7  }
0x4d8: {  	[tilespmem:s11], [sflag:$0x1] =	stream.linear.gather [hbm4b:s9+s3], $0x80, $0x38;
	[tilespmem:$0x18C80] =	vst v63  }
0x4d9: {  	s8 =	simm.s32 $0x300;
	s9 =	sadd.s32 $0x80, s9  }
0x4da: {  	[tilespmem:s8], [sflag:$0x1] =	stream.linear.gather [hbm4b:s9+s3], $0x80, $0x38;
	[tilespmem:$0x18C80] =	vst v63  }
0x4db: {  	s9 =	simm.s32 $0x40000  }
.LBB2_100:
0x4dc: {  	p0 =	sne.s32 s9, $0x800000  }
.Ltmp49:
0x4dd: {  	s10 =	sadd.s32 s9, s7;
	s8 =	sadd.s32 $0x400, s8;
	(pc) =	sbr.rel @p0 .LBB2_100-.Ltmp49, $4  }
0x4de: {  	s9 =	sadd.s32 $0x40000, s9;
	s11 =	sadd.s32 $0xFFFFFE00, s8  }
0x4df: {  	[tilespmem:s11], [sflag:$0x1] =	stream.linear.gather [hbm4b:s10+s3], $0x80, $0x38;
	[tilespmem:$0x18C80] =	vst v63  }
0x4e0: {  	s10 =	sadd.s32 $0x80, s10  }
0x4e1: {  	[tilespmem:s8], [sflag:$0x1] =	stream.linear.gather [hbm4b:s10+s3], $0x80, $0x38;
	[tilespmem:$0x18C80] =	vst v63  }
0x4e2: {  	v0 =	vld [tilespmem:$0x30];
	_ =	sdelay $0x4  }
0x4e3: {  	v0 =	vsel vm2, $0x0, v0  }
0x4e4: {  	v0 =	vxor.u32 $0x80000000, v0  }
0x4e5: {  	(xrf0) =	vmax.scan.msk.u32 $0xffff, v0;
	_ =	sdelay $0x5  }
0x4e6: {  	v0, _, _ =	vpop (xrf0)  }
0x4e7: {  	(v2sf) =	vpush v0, $0xF;
	_ =	sdelay $0xe  }
0x4e8: {  	s7 =	spop (v2sf)  }
0x4e9: {  	s8 =	sshll.u32 s7, $0x8;
	s7 =	sshll.u32 s7, $0x7  }
0x4ea: {  	s8 =	sand.u32 $0xFFFFF800, s8;
	s7 =	sand.u32 $0x380, s7  }
0x4eb: {  	s7 =	sor.u32 s7, s8  }
0x4ec: {  	s7 =	sshrl.u32 s7, $0x3  }
0x4ed: {  	s7 =	sadd.s32 s1, s7  }
0x4ee: {  	s11 =	simm.s32 $0x180;
	s9 =	sadd.s32 $0x0, s7  }
0x4ef: {  	[tilespmem:s11], [sflag:$0x1] =	stream.linear.gather [hbm4b:s9+s3], $0x80, $0x38;
	[tilespmem:$0x18C80] =	vst v63  }
0x4f0: {  	s8 =	simm.s32 $0x380;
	s9 =	sadd.s32 $0x80, s9  }
0x4f1: {  	[tilespmem:s8], [sflag:$0x1] =	stream.linear.gather [hbm4b:s9+s3], $0x80, $0x38;
	[tilespmem:$0x18C80] =	vst v63  }
0x4f2: {  	s9 =	simm.s32 $0x40000  }
.LBB2_102:
0x4f3: {  	p0 =	sne.s32 s9, $0x800000  }
.Ltmp50:
0x4f4: {  	s10 =	sadd.s32 s9, s7;
	s8 =	sadd.s32 $0x400, s8;
	(pc) =	sbr.rel @p0 .LBB2_102-.Ltmp50, $4  }
0x4f5: {  	s9 =	sadd.s32 $0x40000, s9;
	s11 =	sadd.s32 $0xFFFFFE00, s8  }
0x4f6: {  	[tilespmem:s11], [sflag:$0x1] =	stream.linear.gather [hbm4b:s10+s3], $0x80, $0x38;
	[tilespmem:$0x18C80] =	vst v63  }
0x4f7: {  	s10 =	sadd.s32 $0x80, s10  }
0x4f8: {  	[tilespmem:s8], [sflag:$0x1] =	stream.linear.gather [hbm4b:s10+s3], $0x80, $0x38;
	[tilespmem:$0x18C80] =	vst v63  }
0x4f9: {  	v0 =	vld [tilespmem:$0x30];
	_ =	sdelay $0x4  }
0x4fa: {  	v0 =	vsel vm3, $0x0, v0  }
0x4fb: {  	v0 =	vxor.u32 $0x80000000, v0  }
0x4fc: {  	(xrf0) =	vmax.scan.msk.u32 $0xffff, v0;
	_ =	sdelay $0x5  }
0x4fd: {  	v0, _, _ =	vpop (xrf0)  }
0x4fe: {  	(v2sf) =	vpush v0, $0xF;
	_ =	sdelay $0xe  }
0x4ff: {  	s7 =	spop (v2sf)  }
0x500: {  	s8 =	sshll.u32 s7, $0x8;
	s7 =	sshll.u32 s7, $0x7  }
0x501: {  	s8 =	sand.u32 $0xFFFFF800, s8;
	s7 =	sand.u32 $0x380, s7  }
0x502: {  	s7 =	sor.u32 s7, s8  }
0x503: {  	s7 =	sshrl.u32 s7, $0x3  }
0x504: {  	s7 =	sadd.s32 s1, s7  }
0x505: {  	s11 =	simm.s32 $0x200;
	s9 =	sadd.s32 $0x0, s7  }
0x506: {  	[tilespmem:s11], [sflag:$0x1] =	stream.linear.gather [hbm4b:s9+s3], $0x80, $0x38;
	[tilespmem:$0x18C80] =	vst v63  }
0x507: {  	s8 =	simm.s32 $0x400;
	s9 =	sadd.s32 $0x80, s9  }
0x508: {  	[tilespmem:s8], [sflag:$0x1] =	stream.linear.gather [hbm4b:s9+s3], $0x80, $0x38;
	[tilespmem:$0x18C80] =	vst v63  }
0x509: {  	s9 =	simm.s32 $0x40000  }
.LBB2_104:
0x50a: {  	p0 =	sne.s32 s9, $0x800000  }
.Ltmp51:
0x50b: {  	s10 =	sadd.s32 s9, s7;
	s8 =	sadd.s32 $0x400, s8;
	(pc) =	sbr.rel @p0 .LBB2_104-.Ltmp51, $4  }
0x50c: {  	s9 =	sadd.s32 $0x40000, s9;
	s11 =	sadd.s32 $0xFFFFFE00, s8  }
0x50d: {  	[tilespmem:s11], [sflag:$0x1] =	stream.linear.gather [hbm4b:s10+s3], $0x80, $0x38;
	[tilespmem:$0x18C80] =	vst v63  }
0x50e: {  	s10 =	sadd.s32 $0x80, s10  }
0x50f: {  	[tilespmem:s8], [sflag:$0x1] =	stream.linear.gather [hbm4b:s10+s3], $0x80, $0x38;
	[tilespmem:$0x18C80] =	vst v63  }
0x510: {  	_ =	swait.ge [sflag:s31], $0x8400  }
0x511: {  	[sflag:s31] =	ssyncset.done $0x0  }
0x512: {  	[sflag:s31] =	ssyncadd.s32 $0xFFFF7C00  }
0x513: {  	[hbm4b:s16+s24] =	stream.strided.scatter [tilespmem:s2], [sflag:$0x6], $0x8400, s25, s24, $0x38;
	[tilespmem:$0x18C80] =	vst v63  }
0x514: {  	_ =	swait.ge [sflag:s0], $0x8400  }
0x515: {  	[sflag:s0] =	ssyncset.done $0x0  }
0x516: {  	[sflag:s0] =	ssyncadd.s32 $0xFFFF7C00  }
0x517: {  	v0 =	vld [tilespmem:$0x30];
	_ =	sdelay $0x4  }
0x518: {  	v0 =	vsel vm4, $0x0, v0  }
0x519: {  	v0 =	vxor.u32 $0x80000000, v0  }
0x51a: {  	(xrf0) =	vmax.scan.msk.u32 $0xffff, v0;
	_ =	sdelay $0x5  }
0x51b: {  	v0, _, _ =	vpop (xrf0)  }
0x51c: {  	(v2sf) =	vpush v0, $0xF;
	_ =	sdelay $0xe  }
0x51d: {  	s7 =	spop (v2sf)  }
0x51e: {  	s8 =	sshll.u32 s7, $0x8;
	s7 =	sshll.u32 s7, $0x7  }
0x51f: {  	s8 =	sand.u32 $0xFFFFF800, s8;
	s7 =	sand.u32 $0x380, s7  }
0x520: {  	s7 =	sor.u32 s7, s8  }
0x521: {  	s7 =	sshrl.u32 s7, $0x3  }
0x522: {  	s7 =	sadd.s32 s1, s7  }
0x523: {  	s11 =	simm.s32 $0x8480;
	s8 =	simm.s32 $0x40000;
	s9 =	sadd.s32 $0x0, s7  }
0x524: {  	[tilespmem:s11], [sflag:$0x2] =	stream.linear.gather [hbm4b:s9+s3], $0x80, $0x38;
	[tilespmem:$0x18C80] =	vst v63  }
0x525: {  	s10 =	sadd.s32 $0x80, s9;
	s11 =	simm.s32 $0x8680;
	s9 =	simm.s32 $0x8880  }
.LBB2_106:
0x526: {  	[tilespmem:s11], [sflag:$0x2] =	stream.linear.gather [hbm4b:s10+s3], $0x80, $0x38;
	[tilespmem:$0x18C80] =	vst v63  }
0x527: {  	s10 =	smov.u32 s8;
	p0 =	sne.s32 s8, $0x800000  }
.Ltmp52:
0x528: {  	s8 =	sadd.s32 $0x40000, s8;
	(pc) =	sbr.rel @p0 .LBB2_106-.Ltmp52, $4  }
0x529: {  	_ = 	snop  }
0x52a: {  	s10 =	sadd.s32 s10, s7  }
0x52b: {  	[tilespmem:s9], [sflag:$0x2] =	stream.linear.gather [hbm4b:s10+s3], $0x80, $0x38;
	[tilespmem:$0x18C80] =	vst v63  }
0x52c: {  	s11 =	sadd.s32 $0x200, s9;
	s10 =	sadd.s32 $0x80, s10;
	s9 =	sadd.s32 $0x400, s9  }
0x52d: {  	[tilespmem:s11], [sflag:$0x2] =	stream.linear.gather [hbm4b:s10+s3], $0x80, $0x38;
	[tilespmem:$0x18C80] =	vst v63  }
0x52e: {  	v0 =	vld [tilespmem:$0x30];
	_ =	sdelay $0x4  }
0x52f: {  	v0 =	vsel vm5, $0x0, v0  }
0x530: {  	v0 =	vxor.u32 $0x80000000, v0  }
0x531: {  	(xrf0) =	vmax.scan.msk.u32 $0xffff, v0;
	_ =	sdelay $0x5  }
0x532: {  	v0, _, _ =	vpop (xrf0)  }
0x533: {  	(v2sf) =	vpush v0, $0xF;
	_ =	sdelay $0xe  }
0x534: {  	s7 =	spop (v2sf)  }
0x535: {  	s8 =	sshll.u32 s7, $0x8;
	s7 =	sshll.u32 s7, $0x7  }
0x536: {  	s8 =	sand.u32 $0xFFFFF800, s8;
	s7 =	sand.u32 $0x380, s7  }
0x537: {  	s7 =	sor.u32 s7, s8  }
0x538: {  	s7 =	sshrl.u32 s7, $0x3  }
0x539: {  	s7 =	sadd.s32 s1, s7  }
0x53a: {  	s11 =	simm.s32 $0x8500;
	s9 =	sadd.s32 $0x0, s7  }
0x53b: {  	[tilespmem:s11], [sflag:$0x2] =	stream.linear.gather [hbm4b:s9+s3], $0x80, $0x38;
	[tilespmem:$0x18C80] =	vst v63  }
0x53c: {  	s8 =	simm.s32 $0x8700;
	s9 =	sadd.s32 $0x80, s9  }
0x53d: {  	[tilespmem:s8], [sflag:$0x2] =	stream.linear.gather [hbm4b:s9+s3], $0x80, $0x38;
	[tilespmem:$0x18C80] =	vst v63  }
0x53e: {  	s9 =	simm.s32 $0x40000  }
.LBB2_108:
0x53f: {  	p0 =	sne.s32 s9, $0x800000  }
.Ltmp53:
0x540: {  	s10 =	sadd.s32 s9, s7;
	s8 =	sadd.s32 $0x400, s8;
	(pc) =	sbr.rel @p0 .LBB2_108-.Ltmp53, $4  }
0x541: {  	s9 =	sadd.s32 $0x40000, s9;
	s11 =	sadd.s32 $0xFFFFFE00, s8  }
0x542: {  	[tilespmem:s11], [sflag:$0x2] =	stream.linear.gather [hbm4b:s10+s3], $0x80, $0x38;
	[tilespmem:$0x18C80] =	vst v63  }
0x543: {  	s10 =	sadd.s32 $0x80, s10  }
0x544: {  	[tilespmem:s8], [sflag:$0x2] =	stream.linear.gather [hbm4b:s10+s3], $0x80, $0x38;
	[tilespmem:$0x18C80] =	vst v63  }
0x545: {  	v0 =	vld [tilespmem:$0x30];
	_ =	sdelay $0x4  }
0x546: {  	v0 =	vsel vm6, $0x0, v0  }
0x547: {  	v0 =	vxor.u32 $0x80000000, v0  }
0x548: {  	(xrf0) =	vmax.scan.msk.u32 $0xffff, v0;
	_ =	sdelay $0x5  }
0x549: {  	v0, _, _ =	vpop (xrf0)  }
0x54a: {  	(v2sf) =	vpush v0, $0xF;
	_ =	sdelay $0xe  }
0x54b: {  	s7 =	spop (v2sf)  }
0x54c: {  	s8 =	sshll.u32 s7, $0x8;
	s7 =	sshll.u32 s7, $0x7  }
0x54d: {  	s8 =	sand.u32 $0xFFFFF800, s8;
	s7 =	sand.u32 $0x380, s7  }
0x54e: {  	s7 =	sor.u32 s7, s8  }
0x54f: {  	s7 =	sshrl.u32 s7, $0x3  }
0x550: {  	s7 =	sadd.s32 s1, s7  }
0x551: {  	s11 =	simm.s32 $0x8580;
	s9 =	sadd.s32 $0x0, s7  }
0x552: {  	[tilespmem:s11], [sflag:$0x2] =	stream.linear.gather [hbm4b:s9+s3], $0x80, $0x38;
	[tilespmem:$0x18C80] =	vst v63  }
0x553: {  	s8 =	simm.s32 $0x8780;
	s9 =	sadd.s32 $0x80, s9  }
0x554: {  	[tilespmem:s8], [sflag:$0x2] =	stream.linear.gather [hbm4b:s9+s3], $0x80, $0x38;
	[tilespmem:$0x18C80] =	vst v63  }
0x555: {  	s9 =	simm.s32 $0x40000  }
.LBB2_110:
0x556: {  	p0 =	sne.s32 s9, $0x800000  }
.Ltmp54:
0x557: {  	s10 =	sadd.s32 s9, s7;
	s8 =	sadd.s32 $0x400, s8;
	(pc) =	sbr.rel @p0 .LBB2_110-.Ltmp54, $4  }
0x558: {  	s9 =	sadd.s32 $0x40000, s9;
	s11 =	sadd.s32 $0xFFFFFE00, s8  }
0x559: {  	[tilespmem:s11], [sflag:$0x2] =	stream.linear.gather [hbm4b:s10+s3], $0x80, $0x38;
	[tilespmem:$0x18C80] =	vst v63  }
0x55a: {  	s10 =	sadd.s32 $0x80, s10  }
0x55b: {  	[tilespmem:s8], [sflag:$0x2] =	stream.linear.gather [hbm4b:s10+s3], $0x80, $0x38;
	[tilespmem:$0x18C80] =	vst v63  }
0x55c: {  	v0 =	vld [tilespmem:$0x30];
	_ =	sdelay $0x4  }
0x55d: {  	v0 =	vsel vm7, $0x0, v0  }
0x55e: {  	v0 =	vxor.u32 $0x80000000, v0  }
0x55f: {  	(xrf0) =	vmax.scan.msk.u32 $0xffff, v0;
	_ =	sdelay $0x5  }
0x560: {  	v0, _, _ =	vpop (xrf0)  }
0x561: {  	(v2sf) =	vpush v0, $0xF;
	_ =	sdelay $0xe  }
0x562: {  	s7 =	spop (v2sf)  }
0x563: {  	s8 =	sshll.u32 s7, $0x8;
	s7 =	sshll.u32 s7, $0x7  }
0x564: {  	s8 =	sand.u32 $0xFFFFF800, s8;
	s7 =	sand.u32 $0x380, s7  }
0x565: {  	s7 =	sor.u32 s7, s8  }
0x566: {  	s7 =	sshrl.u32 s7, $0x3  }
0x567: {  	s7 =	sadd.s32 s1, s7  }
0x568: {  	s11 =	simm.s32 $0x8600;
	s9 =	sadd.s32 $0x0, s7  }
0x569: {  	[tilespmem:s11], [sflag:$0x2] =	stream.linear.gather [hbm4b:s9+s3], $0x80, $0x38;
	[tilespmem:$0x18C80] =	vst v63  }
0x56a: {  	s8 =	simm.s32 $0x8800;
	s9 =	sadd.s32 $0x80, s9  }
0x56b: {  	[tilespmem:s8], [sflag:$0x2] =	stream.linear.gather [hbm4b:s9+s3], $0x80, $0x38;
	[tilespmem:$0x18C80] =	vst v63  }
0x56c: {  	s9 =	simm.s32 $0x40000  }
.LBB2_112:
0x56d: {  	p0 =	sne.s32 s9, $0x800000  }
.Ltmp55:
0x56e: {  	s10 =	sadd.s32 s9, s7;
	s8 =	sadd.s32 $0x400, s8;
	(pc) =	sbr.rel @p0 .LBB2_112-.Ltmp55, $4  }
0x56f: {  	s9 =	sadd.s32 $0x40000, s9;
	s11 =	sadd.s32 $0xFFFFFE00, s8  }
0x570: {  	[tilespmem:s11], [sflag:$0x2] =	stream.linear.gather [hbm4b:s10+s3], $0x80, $0x38;
	[tilespmem:$0x18C80] =	vst v63  }
0x571: {  	s10 =	sadd.s32 $0x80, s10  }
0x572: {  	[tilespmem:s8], [sflag:$0x2] =	stream.linear.gather [hbm4b:s10+s3], $0x80, $0x38;
	[tilespmem:$0x18C80] =	vst v63  }
0x573: {  	_ =	swait.ge [sflag:s23], $0x8400  }
0x574: {  	[sflag:s23] =	ssyncset.done $0x0  }
0x575: {  	[sflag:s23] =	ssyncadd.s32 $0xFFFF7C00  }
0x576: {  	[hbm4b:s17+s24] =	stream.strided.scatter [tilespmem:s26], [sflag:$0x4], $0x8400, s25, s24, $0x38;
	[tilespmem:$0x18C80] =	vst v63  }
0x577: {  	_ =	swait.ge [sflag:s5], $0x8400  }
0x578: {  	[sflag:s5] =	ssyncset.done $0x0  }
0x579: {  	[sflag:s5] =	ssyncadd.s32 $0xFFFF7C00  }
0x57a: {  	v0 =	vld [tilespmem:$0x30];
	_ =	sdelay $0x4  }
0x57b: {  	v0 =	vsel vm8, $0x0, v0  }
0x57c: {  	v0 =	vxor.u32 $0x80000000, v0  }
0x57d: {  	(xrf0) =	vmax.scan.msk.u32 $0xffff, v0;
	_ =	sdelay $0x5  }
0x57e: {  	v0, _, _ =	vpop (xrf0)  }
0x57f: {  	(v2sf) =	vpush v0, $0xF;
	_ =	sdelay $0xe  }
0x580: {  	s7 =	spop (v2sf)  }
0x581: {  	s8 =	sshll.u32 s7, $0x8;
	s7 =	sshll.u32 s7, $0x7  }
0x582: {  	s8 =	sand.u32 $0xFFFFF800, s8;
	s7 =	sand.u32 $0x380, s7  }
0x583: {  	s7 =	sor.u32 s7, s8  }
0x584: {  	s7 =	sshrl.u32 s7, $0x3  }
0x585: {  	s7 =	sadd.s32 s1, s7  }
0x586: {  	s11 =	simm.s32 $0x10880;
	s8 =	simm.s32 $0x40000;
	s9 =	sadd.s32 $0x0, s7  }
0x587: {  	[tilespmem:s11], [sflag:$0x3] =	stream.linear.gather [hbm4b:s9+s3], $0x80, $0x38;
	[tilespmem:$0x18C80] =	vst v63  }
0x588: {  	s10 =	sadd.s32 $0x80, s9;
	s11 =	simm.s32 $0x10A80;
	s9 =	simm.s32 $0x10C80  }
.LBB2_114:
0x589: {  	[tilespmem:s11], [sflag:$0x3] =	stream.linear.gather [hbm4b:s10+s3], $0x80, $0x38;
	[tilespmem:$0x18C80] =	vst v63  }
0x58a: {  	s10 =	smov.u32 s8;
	p0 =	sne.s32 s8, $0x800000  }
.Ltmp56:
0x58b: {  	s8 =	sadd.s32 $0x40000, s8;
	(pc) =	sbr.rel @p0 .LBB2_114-.Ltmp56, $4  }
0x58c: {  	_ = 	snop  }
0x58d: {  	s10 =	sadd.s32 s10, s7  }
0x58e: {  	[tilespmem:s9], [sflag:$0x3] =	stream.linear.gather [hbm4b:s10+s3], $0x80, $0x38;
	[tilespmem:$0x18C80] =	vst v63  }
0x58f: {  	s11 =	sadd.s32 $0x200, s9;
	s10 =	sadd.s32 $0x80, s10;
	s9 =	sadd.s32 $0x400, s9  }
0x590: {  	[tilespmem:s11], [sflag:$0x3] =	stream.linear.gather [hbm4b:s10+s3], $0x80, $0x38;
	[tilespmem:$0x18C80] =	vst v63  }
0x591: {  	v0 =	vld [tilespmem:$0x30];
	_ =	sdelay $0x4  }
0x592: {  	v0 =	vsel vm9, $0x0, v0  }
0x593: {  	v0 =	vxor.u32 $0x80000000, v0  }
0x594: {  	(xrf0) =	vmax.scan.msk.u32 $0xffff, v0;
	_ =	sdelay $0x5  }
0x595: {  	v0, _, _ =	vpop (xrf0)  }
0x596: {  	(v2sf) =	vpush v0, $0xF;
	_ =	sdelay $0xe  }
0x597: {  	s7 =	spop (v2sf)  }
0x598: {  	s8 =	sshll.u32 s7, $0x8;
	s7 =	sshll.u32 s7, $0x7  }
0x599: {  	s8 =	sand.u32 $0xFFFFF800, s8;
	s7 =	sand.u32 $0x380, s7  }
0x59a: {  	s7 =	sor.u32 s7, s8  }
0x59b: {  	s7 =	sshrl.u32 s7, $0x3  }
0x59c: {  	s7 =	sadd.s32 s1, s7  }
0x59d: {  	s11 =	simm.s32 $0x10900;
	s9 =	sadd.s32 $0x0, s7  }
0x59e: {  	[tilespmem:s11], [sflag:$0x3] =	stream.linear.gather [hbm4b:s9+s3], $0x80, $0x38;
	[tilespmem:$0x18C80] =	vst v63  }
0x59f: {  	s8 =	simm.s32 $0x10B00;
	s9 =	sadd.s32 $0x80, s9  }
0x5a0: {  	[tilespmem:s8], [sflag:$0x3] =	stream.linear.gather [hbm4b:s9+s3], $0x80, $0x38;
	[tilespmem:$0x18C80] =	vst v63  }
0x5a1: {  	s9 =	simm.s32 $0x40000  }
.LBB2_116:
0x5a2: {  	p0 =	sne.s32 s9, $0x800000  }
.Ltmp57:
0x5a3: {  	s10 =	sadd.s32 s9, s7;
	s8 =	sadd.s32 $0x400, s8;
	(pc) =	sbr.rel @p0 .LBB2_116-.Ltmp57, $4  }
0x5a4: {  	s9 =	sadd.s32 $0x40000, s9;
	s11 =	sadd.s32 $0xFFFFFE00, s8  }
0x5a5: {  	[tilespmem:s11], [sflag:$0x3] =	stream.linear.gather [hbm4b:s10+s3], $0x80, $0x38;
	[tilespmem:$0x18C80] =	vst v63  }
0x5a6: {  	s10 =	sadd.s32 $0x80, s10  }
0x5a7: {  	[tilespmem:s8], [sflag:$0x3] =	stream.linear.gather [hbm4b:s10+s3], $0x80, $0x38;
	[tilespmem:$0x18C80] =	vst v63  }
0x5a8: {  	v0 =	vld [tilespmem:$0x30];
	_ =	sdelay $0x4  }
0x5a9: {  	v0 =	vsel vm10, $0x0, v0  }
0x5aa: {  	v0 =	vxor.u32 $0x80000000, v0  }
0x5ab: {  	(xrf0) =	vmax.scan.msk.u32 $0xffff, v0;
	_ =	sdelay $0x5  }
0x5ac: {  	v0, _, _ =	vpop (xrf0)  }
0x5ad: {  	(v2sf) =	vpush v0, $0xF;
	_ =	sdelay $0xe  }
0x5ae: {  	s7 =	spop (v2sf)  }
0x5af: {  	s8 =	sshll.u32 s7, $0x8;
	s7 =	sshll.u32 s7, $0x7  }
0x5b0: {  	s8 =	sand.u32 $0xFFFFF800, s8;
	s7 =	sand.u32 $0x380, s7  }
0x5b1: {  	s7 =	sor.u32 s7, s8  }
0x5b2: {  	s7 =	sshrl.u32 s7, $0x3  }
0x5b3: {  	s7 =	sadd.s32 s1, s7  }
0x5b4: {  	s11 =	simm.s32 $0x10980;
	s9 =	sadd.s32 $0x0, s7  }
0x5b5: {  	[tilespmem:s11], [sflag:$0x3] =	stream.linear.gather [hbm4b:s9+s3], $0x80, $0x38;
	[tilespmem:$0x18C80] =	vst v63  }
0x5b6: {  	s8 =	simm.s32 $0x10B80;
	s9 =	sadd.s32 $0x80, s9  }
0x5b7: {  	[tilespmem:s8], [sflag:$0x3] =	stream.linear.gather [hbm4b:s9+s3], $0x80, $0x38;
	[tilespmem:$0x18C80] =	vst v63  }
0x5b8: {  	s9 =	simm.s32 $0x40000  }
.LBB2_118:
0x5b9: {  	p0 =	sne.s32 s9, $0x800000  }
.Ltmp58:
0x5ba: {  	s10 =	sadd.s32 s9, s7;
	s8 =	sadd.s32 $0x400, s8;
	(pc) =	sbr.rel @p0 .LBB2_118-.Ltmp58, $4  }
0x5bb: {  	s9 =	sadd.s32 $0x40000, s9;
	s11 =	sadd.s32 $0xFFFFFE00, s8  }
0x5bc: {  	[tilespmem:s11], [sflag:$0x3] =	stream.linear.gather [hbm4b:s10+s3], $0x80, $0x38;
	[tilespmem:$0x18C80] =	vst v63  }
0x5bd: {  	s10 =	sadd.s32 $0x80, s10  }
0x5be: {  	[tilespmem:s8], [sflag:$0x3] =	stream.linear.gather [hbm4b:s10+s3], $0x80, $0x38;
	[tilespmem:$0x18C80] =	vst v63  }
0x5bf: {  	v0 =	vld [tilespmem:$0x30];
	_ =	sdelay $0x4  }
0x5c0: {  	v0 =	vsel vm11, $0x0, v0  }
0x5c1: {  	v0 =	vxor.u32 $0x80000000, v0  }
0x5c2: {  	(xrf0) =	vmax.scan.msk.u32 $0xffff, v0;
	_ =	sdelay $0x5  }
0x5c3: {  	v0, _, _ =	vpop (xrf0)  }
0x5c4: {  	(v2sf) =	vpush v0, $0xF;
	_ =	sdelay $0xe  }
0x5c5: {  	s7 =	spop (v2sf)  }
0x5c6: {  	s8 =	sshll.u32 s7, $0x8;
	s7 =	sshll.u32 s7, $0x7  }
0x5c7: {  	s8 =	sand.u32 $0xFFFFF800, s8;
	s7 =	sand.u32 $0x380, s7  }
0x5c8: {  	s7 =	sor.u32 s7, s8  }
0x5c9: {  	s7 =	sshrl.u32 s7, $0x3  }
0x5ca: {  	s7 =	sadd.s32 s1, s7  }
0x5cb: {  	s11 =	simm.s32 $0x10A00;
	s9 =	sadd.s32 $0x0, s7  }
0x5cc: {  	[tilespmem:s11], [sflag:$0x3] =	stream.linear.gather [hbm4b:s9+s3], $0x80, $0x38;
	[tilespmem:$0x18C80] =	vst v63  }
0x5cd: {  	s8 =	simm.s32 $0x10C00;
	s9 =	sadd.s32 $0x80, s9  }
0x5ce: {  	[tilespmem:s8], [sflag:$0x3] =	stream.linear.gather [hbm4b:s9+s3], $0x80, $0x38;
	[tilespmem:$0x18C80] =	vst v63  }
0x5cf: {  	s9 =	simm.s32 $0x40000  }
.LBB2_120:
0x5d0: {  	p0 =	sne.s32 s9, $0x800000  }
.Ltmp59:
0x5d1: {  	s10 =	sadd.s32 s9, s7;
	s8 =	sadd.s32 $0x400, s8;
	(pc) =	sbr.rel @p0 .LBB2_120-.Ltmp59, $4  }
0x5d2: {  	s9 =	sadd.s32 $0x40000, s9;
	s11 =	sadd.s32 $0xFFFFFE00, s8  }
0x5d3: {  	[tilespmem:s11], [sflag:$0x3] =	stream.linear.gather [hbm4b:s10+s3], $0x80, $0x38;
	[tilespmem:$0x18C80] =	vst v63  }
0x5d4: {  	s10 =	sadd.s32 $0x80, s10  }
0x5d5: {  	[tilespmem:s8], [sflag:$0x3] =	stream.linear.gather [hbm4b:s10+s3], $0x80, $0x38;
	[tilespmem:$0x18C80] =	vst v63  }
0x5d6: {  	_ =	swait.ge [sflag:s28], $0x8400  }
0x5d7: {  	[sflag:s28] =	ssyncset.done $0x0  }
0x5d8: {  	[sflag:s28] =	ssyncadd.s32 $0xFFFF7C00  }
0x5d9: {  	[hbm4b:s18+s24] =	stream.strided.scatter [tilespmem:s29], [sflag:$0x5], $0x8400, s25, s24, $0x38;
	[tilespmem:$0x18C80] =	vst v63  }
0x5da: {  	_ =	swait.ge [sflag:s30], $0x8400  }
0x5db: {  	[sflag:s30] =	ssyncset.done $0x0  }
0x5dc: {  	[sflag:s30] =	ssyncadd.s32 $0xFFFF7C00  }
0x5dd: {  	v0 =	vld [tilespmem:$0x30];
	_ =	sdelay $0x4  }
0x5de: {  	v0 =	vsel vm12, $0x0, v0  }
0x5df: {  	v0 =	vxor.u32 $0x80000000, v0  }
0x5e0: {  	(xrf0) =	vmax.scan.msk.u32 $0xffff, v0;
	_ =	sdelay $0x5  }
0x5e1: {  	v0, _, _ =	vpop (xrf0)  }
0x5e2: {  	(v2sf) =	vpush v0, $0xF;
	_ =	sdelay $0xe  }
0x5e3: {  	s7 =	spop (v2sf)  }
0x5e4: {  	s8 =	sshll.u32 s7, $0x8;
	s7 =	sshll.u32 s7, $0x7  }
0x5e5: {  	s8 =	sand.u32 $0xFFFFF800, s8;
	s7 =	sand.u32 $0x380, s7  }
0x5e6: {  	s7 =	sor.u32 s7, s8  }
0x5e7: {  	s7 =	sshrl.u32 s7, $0x3  }
0x5e8: {  	s7 =	sadd.s32 s1, s7  }
0x5e9: {  	s11 =	simm.s32 $0x80;
	s8 =	simm.s32 $0x40000;
	s9 =	sadd.s32 $0x0, s7  }
0x5ea: {  	[tilespmem:s11], [sflag:$0x1] =	stream.linear.gather [hbm4b:s9+s3], $0x80, $0x38;
	[tilespmem:$0x18C80] =	vst v63  }
0x5eb: {  	s10 =	sadd.s32 $0x80, s9;
	s11 =	simm.s32 $0x280;
	s9 =	simm.s32 $0x480  }
.LBB2_122:
0x5ec: {  	[tilespmem:s11], [sflag:$0x1] =	stream.linear.gather [hbm4b:s10+s3], $0x80, $0x38;
	[tilespmem:$0x18C80] =	vst v63  }
0x5ed: {  	s10 =	smov.u32 s8;
	p0 =	sne.s32 s8, $0x800000  }
.Ltmp60:
0x5ee: {  	s8 =	sadd.s32 $0x40000, s8;
	(pc) =	sbr.rel @p0 .LBB2_122-.Ltmp60, $4  }
0x5ef: {  	_ = 	snop  }
0x5f0: {  	s10 =	sadd.s32 s10, s7  }
0x5f1: {  	[tilespmem:s9], [sflag:$0x1] =	stream.linear.gather [hbm4b:s10+s3], $0x80, $0x38;
	[tilespmem:$0x18C80] =	vst v63  }
0x5f2: {  	s11 =	sadd.s32 $0x200, s9;
	s10 =	sadd.s32 $0x80, s10;
	s9 =	sadd.s32 $0x400, s9  }
0x5f3: {  	[tilespmem:s11], [sflag:$0x1] =	stream.linear.gather [hbm4b:s10+s3], $0x80, $0x38;
	[tilespmem:$0x18C80] =	vst v63  }
0x5f4: {  	v0 =	vld [tilespmem:$0x30];
	_ =	sdelay $0x4  }
0x5f5: {  	v0 =	vsel vm13, $0x0, v0  }
0x5f6: {  	v0 =	vxor.u32 $0x80000000, v0  }
0x5f7: {  	(xrf0) =	vmax.scan.msk.u32 $0xffff, v0;
	_ =	sdelay $0x5  }
0x5f8: {  	v0, _, _ =	vpop (xrf0)  }
0x5f9: {  	(v2sf) =	vpush v0, $0xF;
	_ =	sdelay $0xe  }
0x5fa: {  	s7 =	spop (v2sf)  }
0x5fb: {  	s8 =	sshll.u32 s7, $0x8;
	s7 =	sshll.u32 s7, $0x7  }
0x5fc: {  	s8 =	sand.u32 $0xFFFFF800, s8;
	s7 =	sand.u32 $0x380, s7  }
0x5fd: {  	s7 =	sor.u32 s7, s8  }
0x5fe: {  	s7 =	sshrl.u32 s7, $0x3  }
0x5ff: {  	s7 =	sadd.s32 s1, s7  }
0x600: {  	s11 =	simm.s32 $0x100;
	s9 =	sadd.s32 $0x0, s7  }
0x601: {  	[tilespmem:s11], [sflag:$0x1] =	stream.linear.gather [hbm4b:s9+s3], $0x80, $0x38;
	[tilespmem:$0x18C80] =	vst v63  }
0x602: {  	s8 =	simm.s32 $0x300;
	s9 =	sadd.s32 $0x80, s9  }
0x603: {  	[tilespmem:s8], [sflag:$0x1] =	stream.linear.gather [hbm4b:s9+s3], $0x80, $0x38;
	[tilespmem:$0x18C80] =	vst v63  }
0x604: {  	s9 =	simm.s32 $0x40000  }
.LBB2_124:
0x605: {  	p0 =	sne.s32 s9, $0x800000  }
.Ltmp61:
0x606: {  	s10 =	sadd.s32 s9, s7;
	s8 =	sadd.s32 $0x400, s8;
	(pc) =	sbr.rel @p0 .LBB2_124-.Ltmp61, $4  }
0x607: {  	s9 =	sadd.s32 $0x40000, s9;
	s11 =	sadd.s32 $0xFFFFFE00, s8  }
0x608: {  	[tilespmem:s11], [sflag:$0x1] =	stream.linear.gather [hbm4b:s10+s3], $0x80, $0x38;
	[tilespmem:$0x18C80] =	vst v63  }
0x609: {  	s10 =	sadd.s32 $0x80, s10  }
0x60a: {  	[tilespmem:s8], [sflag:$0x1] =	stream.linear.gather [hbm4b:s10+s3], $0x80, $0x38;
	[tilespmem:$0x18C80] =	vst v63  }
0x60b: {  	v0 =	vld [tilespmem:$0x30];
	_ =	sdelay $0x4  }
0x60c: {  	v0 =	vsel vm14, $0x0, v0  }
0x60d: {  	v0 =	vxor.u32 $0x80000000, v0  }
0x60e: {  	(xrf0) =	vmax.scan.msk.u32 $0xffff, v0;
	_ =	sdelay $0x5  }
0x60f: {  	v0, _, _ =	vpop (xrf0)  }
0x610: {  	(v2sf) =	vpush v0, $0xF;
	_ =	sdelay $0xe  }
0x611: {  	s7 =	spop (v2sf)  }
0x612: {  	s8 =	sshll.u32 s7, $0x8;
	s7 =	sshll.u32 s7, $0x7  }
0x613: {  	s8 =	sand.u32 $0xFFFFF800, s8;
	s7 =	sand.u32 $0x380, s7  }
0x614: {  	s7 =	sor.u32 s7, s8  }
0x615: {  	s7 =	sshrl.u32 s7, $0x3  }
0x616: {  	s7 =	sadd.s32 s1, s7  }
0x617: {  	s11 =	simm.s32 $0x180;
	s9 =	sadd.s32 $0x0, s7  }
0x618: {  	[tilespmem:s11], [sflag:$0x1] =	stream.linear.gather [hbm4b:s9+s3], $0x80, $0x38;
	[tilespmem:$0x18C80] =	vst v63  }
0x619: {  	s8 =	simm.s32 $0x380;
	s9 =	sadd.s32 $0x80, s9  }
0x61a: {  	[tilespmem:s8], [sflag:$0x1] =	stream.linear.gather [hbm4b:s9+s3], $0x80, $0x38;
	[tilespmem:$0x18C80] =	vst v63  }
0x61b: {  	s9 =	simm.s32 $0x40000  }
.LBB2_126:
0x61c: {  	p0 =	sne.s32 s9, $0x800000  }
.Ltmp62:
0x61d: {  	s10 =	sadd.s32 s9, s7;
	s8 =	sadd.s32 $0x400, s8;
	(pc) =	sbr.rel @p0 .LBB2_126-.Ltmp62, $4  }
0x61e: {  	s9 =	sadd.s32 $0x40000, s9;
	s11 =	sadd.s32 $0xFFFFFE00, s8  }
0x61f: {  	[tilespmem:s11], [sflag:$0x1] =	stream.linear.gather [hbm4b:s10+s3], $0x80, $0x38;
	[tilespmem:$0x18C80] =	vst v63  }
0x620: {  	s10 =	sadd.s32 $0x80, s10  }
0x621: {  	[tilespmem:s8], [sflag:$0x1] =	stream.linear.gather [hbm4b:s10+s3], $0x80, $0x38;
	[tilespmem:$0x18C80] =	vst v63  }
0x622: {  	v0 =	vld [tilespmem:$0x30];
	_ =	sdelay $0x4  }
0x623: {  	v0 =	vsel vm15, $0x0, v0  }
0x624: {  	v0 =	vxor.u32 $0x80000000, v0  }
0x625: {  	(xrf0) =	vmax.scan.msk.u32 $0xffff, v0;
	_ =	sdelay $0x5  }
0x626: {  	v0, _, _ =	vpop (xrf0)  }
0x627: {  	(v2sf) =	vpush v0, $0xF;
	_ =	sdelay $0xe  }
0x628: {  	s7 =	spop (v2sf)  }
0x629: {  	s8 =	sshll.u32 s7, $0x8;
	s7 =	sshll.u32 s7, $0x7  }
0x62a: {  	s8 =	sand.u32 $0xFFFFF800, s8;
	s7 =	sand.u32 $0x380, s7  }
0x62b: {  	s7 =	sor.u32 s7, s8  }
0x62c: {  	s7 =	sshrl.u32 s7, $0x3  }
0x62d: {  	s7 =	sadd.s32 s1, s7  }
0x62e: {  	s11 =	simm.s32 $0x200;
	s9 =	sadd.s32 $0x0, s7  }
0x62f: {  	[tilespmem:s11], [sflag:$0x1] =	stream.linear.gather [hbm4b:s9+s3], $0x80, $0x38;
	[tilespmem:$0x18C80] =	vst v63  }
0x630: {  	s8 =	simm.s32 $0x400;
	s9 =	sadd.s32 $0x80, s9  }
0x631: {  	[tilespmem:s8], [sflag:$0x1] =	stream.linear.gather [hbm4b:s9+s3], $0x80, $0x38;
	[tilespmem:$0x18C80] =	vst v63  }
0x632: {  	s9 =	simm.s32 $0x40000  }
.LBB2_128:
0x633: {  	p0 =	sne.s32 s9, $0x800000  }
.Ltmp63:
0x634: {  	s10 =	sadd.s32 s9, s7;
	s8 =	sadd.s32 $0x400, s8;
	(pc) =	sbr.rel @p0 .LBB2_128-.Ltmp63, $4  }
0x635: {  	s9 =	sadd.s32 $0x40000, s9;
	s11 =	sadd.s32 $0xFFFFFE00, s8  }
0x636: {  	[tilespmem:s11], [sflag:$0x1] =	stream.linear.gather [hbm4b:s10+s3], $0x80, $0x38;
	[tilespmem:$0x18C80] =	vst v63  }
0x637: {  	s10 =	sadd.s32 $0x80, s10  }
0x638: {  	[tilespmem:s8], [sflag:$0x1] =	stream.linear.gather [hbm4b:s10+s3], $0x80, $0x38;
	[tilespmem:$0x18C80] =	vst v63  }
0x639: {  	_ =	swait.ge [sflag:s31], $0x8400  }
0x63a: {  	[sflag:s31] =	ssyncset.done $0x0  }
0x63b: {  	[sflag:s31] =	ssyncadd.s32 $0xFFFF7C00  }
0x63c: {  	[hbm4b:s19+s24] =	stream.strided.scatter [tilespmem:s2], [sflag:$0x6], $0x8400, s25, s24, $0x38;
	[tilespmem:$0x18C80] =	vst v63  }
0x63d: {  	_ =	swait.ge [sflag:s23], $0x8400  }
0x63e: {  	[sflag:s23] =	ssyncset.done $0x0  }
0x63f: {  	s6 =	sadd.s32 $0x1, s6;
	[sflag:s23] =	ssyncadd.s32 $0xFFFF7C00  }
0x640: {  	[hbm4b:s20+s24] =	stream.strided.scatter [tilespmem:s26], [sflag:$0x4], $0x8400, s25, s24, $0x38;
	[tilespmem:$0x18C80] =	vst v63  }
0x641: {  	p0 =	sne.s32 s6, s21;
	_ =	swait.ge [sflag:s5], $0x8400  }
.Ltmp64:
0x642: {  	[sflag:s5] =	ssyncset.done $0x0;
	(pc) =	sbr.rel @p0 .LBB2_1-.Ltmp64, $4  }
0x643: {  	[sflag:s5] =	ssyncadd.s32 $0xFFFF7C00  }
0x644: {  	_ =	swait.ge [sflag:s30], $0x8400  }
0x645: {  	[sflag:s30] =	ssyncset.done $0x0  }
0x646: {  	[sflag:s30] =	ssyncadd.s32 $0xFFFF7C00  }
0x647: {  	_ =	sfence.sel $0x180000  }
0x648: {  	[bflag:$0x0] =	sbarrier.arrive $0xFFFF  }
0x649: {  	_ =	strace $0x90000047  }
0x64a: {  	s0 =	stileid.u32;
	[bflag:$0x2] =	sbarrier.arrive $0xFFFF  }
0x64b: {  	p0 =	sne.s32 s0, $0x0;
	s0 =	rddreg [dreg:$0x3]  }
0x64c: {  	s0 =	sadd.s32 @!p0 $0x100000, s0  }
0x64d: {  	[sflag:s0] =	ssyncadd.tile.s32 @!p0 $0x1;
	_ =	shalt  }
.Lfunc_end2:
_tile_overlayer_lowered:
.L_overlay_start_2:
0x64e: {  	(tag) =	ssettag $0x2  }
0x64f: {  	s0 =	rddreg [dreg:$0x0];
	s2 =	stileid.u32  }
0x650: {  	s1 =	rddreg [dreg:$0x1];
	p0 =	sne.s32 s2, $0x0  }
0x651: {  	s3 =	rddreg [dreg:$0x2];
	[bflag:$0x3] =	sbarrier.arrive $0xFFFF;
	s2 =	simm.s32 @!p0 $0x1C07  }
0x652: {  	[timem:s3], [sflag:s2] =	dma.local @!p0 [hbm:s0], s1  }
0x653: {  	s0 =	simm.s32 @!p0 $0x7  }
0x654: {  	_ =	swait.ge @!p0 [sflag:s0], s1  }
0x655: {  	s1 =	ssub.s32 @!p0 $0x0, s1;
	[sflag:s0] =	ssyncset.done @!p0 $0x0  }
0x656: {  	[sflag:s0] =	ssyncadd.s32 @!p0 s1  }
0x657: {  	[bflag:$0x3] =	sbarrier.arrive $0xFFFF  }
0x658: {  	_ =	shalt  }

</sc_bundles>
